<compile_context>
chip_gen: v7x
topology: tpu7x:2x2x1
jax: 0.10.2.dev20260603
libtpu: 0.0.44.dev20260713+nightly
codegen_flags: <defaults>
</compile_context>

<pallas_src>
import jax
import jax.numpy as jnp
from jax import lax
from jax.experimental import pallas as pl
from jax.experimental.pallas import tpu as pltpu
from jax.experimental.pallas import tpu_sc as plsc

_N = 512
_E = 16384
_B = 2
_T = 8
_C = 64
_H = 64

_NC = 2
_NS = 16
_NW = _NC * _NS
_EPW = _E // _NW
_CHUNK = 128
_NCHUNK = _EPW // _CHUNK
_SPW = _N * _N // _NS


def _densify_body(src_hbm, dst_hbm, w_hbm, zero_hbm, out_hbm,
                  src_v, dst_v, val_v, idx_v, shared):
    c = lax.axis_index("c")
    s = lax.axis_index("s")
    w = c * _NS + s

    ssl = pl.ds(s * _SPW, _SPW)
    pltpu.sync_copy(zero_hbm.at[ssl], shared.at[ssl])

    base = w * _EPW
    esl = pl.ds(base, _EPW)
    pltpu.sync_copy(src_hbm.at[esl], src_v)
    pltpu.sync_copy(dst_hbm.at[esl], dst_v)
    pltpu.sync_copy(w_hbm.at[esl], val_v)

    for j in range(_NCHUNK):
        for k in range(_CHUNK // 16):
            sl = pl.ds(j * _CHUNK + k * 16, 16)
            idx_v[j, pl.ds(k * 16, 16)] = dst_v[sl] * _N + src_v[sl]

    plsc.subcore_barrier()
    for j in range(_NCHUNK):
        pltpu.sync_copy(val_v.at[pl.ds(j * _CHUNK, _CHUNK)],
                        shared.at[idx_v.at[j]], add=True)
    plsc.subcore_barrier()

    off = c * (_N * _N) + s * _SPW
    pltpu.sync_copy(shared.at[ssl], out_hbm.at[pl.ds(off, _SPW)])


def _densify(src, dst, wgt):
    mesh = plsc.VectorSubcoreMesh(core_axis_name="c", subcore_axis_name="s")
    fn = pl.kernel(
        _densify_body,
        out_type=jax.ShapeDtypeStruct((_NC * _N * _N,), jnp.float32),
        mesh=mesh,
        scratch_types=[
            pltpu.VMEM((_EPW,), jnp.int32),
            pltpu.VMEM((_EPW,), jnp.int32),
            pltpu.VMEM((_EPW,), jnp.float32),
            pltpu.VMEM((_NCHUNK, _CHUNK), jnp.int32),
            pltpu.VMEM_SHARED((_N * _N,), jnp.float32),
        ],
    )
    return fn(src, dst, wgt, jnp.zeros((_N * _N,), jnp.float32))


def _fused_body(a_ref, x_ref, wx_ref, wzr_ref, whh_ref, bias_ref,
                w1t_ref, b1_ref, w2_ref, b2_ref, out_ref, h_s):
    f32 = jnp.float32
    bf16 = jnp.bfloat16
    bq = pl.program_id(0)
    iq = pl.program_id(1)

    @pl.when((bq == 0) & (iq == 0))
    def _recurrence():
        _recur_into(a_ref, x_ref, wx_ref, wzr_ref, whh_ref, bias_ref, h_s)

    it = 256
    hi = h_s[bq, pl.ds(iq * it, it), :]
    hj = h_s[bq]
    w1t = w1t_ref[...].astype(bf16)
    cdims = (((1,), (1,)), ((), ()))
    ai = lax.dot_general(w1t[:, 0:_H], hi.astype(bf16), cdims,
                         preferred_element_type=f32)
    bj = lax.dot_general(w1t[:, _H:2 * _H], hj.astype(bf16), cdims,
                         preferred_element_type=f32) + b1_ref[...]
    t = ai.astype(bf16)[:, :, None] + bj.astype(bf16)[:, None, :]
    t = jnp.maximum(t, jnp.zeros((), bf16))
    prod = t * w2_ref[...].astype(bf16)[:, :, None]
    out_ref[0] = jnp.sum(prod, axis=0, dtype=f32) + b2_ref[0, 0]


def _recur_into(a_ref, x_ref, wx_ref, wzr_ref, whh_ref, bias_ref, h_s):
    f32 = jnp.float32
    bf16 = jnp.bfloat16
    A = a_ref[0] + a_ref[1]
    deg = jnp.sum(A, axis=0)
    safe = jnp.where(deg > 0, deg, 1.0)
    dis = jnp.where(deg > 0, lax.rsqrt(safe), 0.0)
    Lm = -(dis[:, None] * A * dis[None, :])
    Lb = Lm.astype(bf16)

    L2 = jnp.dot(Lb, Lb, preferred_element_type=f32)
    rid = lax.broadcasted_iota(jnp.int32, (_N, _N), 0)
    cid = lax.broadcasted_iota(jnp.int32, (_N, _N), 1)
    eye = jnp.where(rid == cid, 1.0, 0.0)
    Mb = jnp.concatenate([Lb, (2.0 * L2 - eye).astype(bf16)], axis=0)

    xs = jnp.concatenate(
        [x_ref[b, t] for t in range(_T) for b in range(_B)], axis=1)
    x1 = jnp.dot(Lb, xs.astype(bf16), preferred_element_type=f32)
    x2 = 2.0 * jnp.dot(Lb, x1.astype(bf16), preferred_element_type=f32) - xs
    bias = bias_ref[...]

    def cat3(v0, v1, v2):
        blocks = []
        for b in range(_B):
            sl = slice(b * 64, b * 64 + 64)
            blocks.append(
                jnp.concatenate([v0[:, sl], v1[:, sl], v2[:, sl]], axis=1))
        return jnp.concatenate(blocks, axis=0).astype(bf16)

    xcat = jnp.concatenate(
        [cat3(xs[:, slice(t * 128, t * 128 + 128)],
              x1[:, slice(t * 128, t * 128 + 128)],
              x2[:, slice(t * 128, t * 128 + 128)]) for t in range(_T)],
        axis=0)
    gx_l = [jnp.dot(xcat, wx_ref[l], preferred_element_type=f32)
            for l in range(2)]

    h = jnp.zeros((_N, _B * _H), f32)
    for t in range(_T):
        for l in range(2):
            gx = gx_l[l][t * _B * _N:(t + 1) * _B * _N]
            mh = jnp.dot(Mb, h.astype(bf16), preferred_element_type=f32)
            gzr = jnp.dot(cat3(h, mh[:_N], mh[_N:]), wzr_ref[l],
                          preferred_element_type=f32)
            bz = bias[l, 0:64]
            br = bias[l, 64:128]
            bh = bias[l, 128:192]
            z = jax.nn.sigmoid(gx[:, 0:64] + gzr[:, 0:64] + bz)
            r = jax.nn.sigmoid(gx[:, 64:128] + gzr[:, 64:128] + br)
            u = jnp.concatenate(
                [r[b * _N:(b + 1) * _N] * h[:, b * _H:(b + 1) * _H]
                 for b in range(_B)], axis=1)
            mu = jnp.dot(Mb, u.astype(bf16), preferred_element_type=f32)
            ghh = jnp.dot(cat3(u, mu[:_N], mu[_N:]), whh_ref[l],
                          preferred_element_type=f32)
            ht = jnp.tanh(gx[:, 128:192] + ghh + bh)
            newh = []
            for b in range(_B):
                bsl = slice(b * _N, (b + 1) * _N)
                zb = z[bsl]
                newh.append(zb * h[:, b * _H:(b + 1) * _H]
                            + (1.0 - zb) * ht[bsl])
            h = jnp.concatenate(newh, axis=1)
    h_s[0] = h[:, 0:_H]
    h_s[1] = h[:, _H:2 * _H]


def _fused(a2, x, wxs, wzrs, whhs, bias, w1t, b1c, w2c, b2r):
    it = 256
    grid = (_B, _N // it)
    return pl.pallas_call(
        _fused_body,
        grid=grid,
        in_specs=[
            pl.BlockSpec(a2.shape, lambda b, i: (0, 0, 0)),
            pl.BlockSpec(x.shape, lambda b, i: (0, 0, 0, 0)),
            pl.BlockSpec(wxs.shape, lambda b, i: (0, 0, 0)),
            pl.BlockSpec(wzrs.shape, lambda b, i: (0, 0, 0)),
            pl.BlockSpec(whhs.shape, lambda b, i: (0, 0, 0)),
            pl.BlockSpec(bias.shape, lambda b, i: (0, 0)),
            pl.BlockSpec(w1t.shape, lambda b, i: (0, 0)),
            pl.BlockSpec(b1c.shape, lambda b, i: (0, 0)),
            pl.BlockSpec(w2c.shape, lambda b, i: (0, 0)),
            pl.BlockSpec(b2r.shape, lambda b, i: (0, 0)),
        ],
        out_specs=pl.BlockSpec((1, it, _N), lambda b, i: (b, i, 0)),
        out_shape=jax.ShapeDtypeStruct((_B, _N, _N), jnp.float32),
        scratch_shapes=[pltpu.VMEM((_B, _N, _H), jnp.float32)],
    )(a2, x, wxs, wzrs, whhs, bias, w1t, b1c, w2c, b2r)


def kernel(x, edge_index, edge_weight, params):
    src = edge_index[0].astype(jnp.int32)
    dst = edge_index[1].astype(jnp.int32)
    a2 = _densify(src, dst, edge_weight).reshape(_NC, _N, _N)

    layers = params['layers']
    wxs = jnp.stack([
        jnp.concatenate([p['W_xz'], p['W_xr'], p['W_xh']], axis=-1)
        .reshape(3 * _C, 3 * _H) for p in layers]).astype(jnp.bfloat16)
    wzrs = jnp.stack([
        jnp.concatenate([p['W_hz'], p['W_hr']], axis=-1)
        .reshape(3 * _H, 2 * _H) for p in layers]).astype(jnp.bfloat16)
    whhs = jnp.stack([p['W_hh'].reshape(3 * _H, _H)
                      for p in layers]).astype(jnp.bfloat16)
    bias = jnp.stack([
        jnp.concatenate([p['b_xz'] + p['b_hz'],
                         p['b_xr'] + p['b_hr'],
                         p['b_xh'] + p['b_hh']]) for p in layers])

    w1t = params['W1'].T
    b1c = params['b1'].reshape(_H, 1)
    w2c = params['W2'].reshape(_H, 1)
    b2r = params['b2'].reshape(1, 1)
    return _fused(a2, x, wxs, wzrs, whhs, bias, w1t, b1c, w2c, b2r)

# --- scband reference (transcript-rebuilt; emitter-appended) ---
"""Pipeline reference for scband-gconv-grulink-predictor-59296318488654 (READ-ONLY COPY).

The authoritative reference and input builder live on the scoring server;
editing this copy changes nothing except your own understanding.
"""

import jax, jax.numpy as jnp
import numpy as np

N_NODES = 512
E = 16384
B = 2
T = 8
C_IN = 64
H = 64
K = 3
L = 2


def _init_params(key):
    ks = jax.random.split(key, 32)
    i = 0
    layers = []
    for l in range(L):
        p = {}
        for name in ['xz', 'hz', 'xr', 'hr', 'xh', 'hh']:
            cin = C_IN if name[0] == 'x' else H
            std = 1.0 / np.sqrt(cin * K)
            p['W_' + name] = jax.random.normal(ks[i], (K, cin, H), jnp.float32) * std
            p['b_' + name] = jnp.zeros((H,), jnp.float32)
            i += 1
        layers.append(p)
    params = {'layers': layers}
    params['W1'] = jax.random.normal(ks[i], (2 * H, H), jnp.float32) * (1.0 / np.sqrt(2 * H)); i += 1
    params['b1'] = jnp.zeros((H,), jnp.float32)
    params['W2'] = jax.random.normal(ks[i], (H, 1), jnp.float32) * (1.0 / np.sqrt(H)); i += 1
    params['b2'] = jnp.zeros((1,), jnp.float32)
    return params


def setup_inputs(seed: int = 0):
    key = jax.random.key(seed)
    k1, k2, k3, k4 = jax.random.split(key, 4)
    x = jax.random.normal(k1, (B, T, N_NODES, C_IN), jnp.float32)
    edge_index = jax.random.randint(k2, (2, E), 0, N_NODES)
    edge_weight = jax.random.uniform(k3, (E,), jnp.float32)
    params = _init_params(k4)
    return {'x': x, 'edge_index': edge_index, 'edge_weight': edge_weight, 'params': params}


def _norm(edge_index, edge_weight):
    # get_laplacian(sym) with lambda_max=2 -> L_hat = L - I = -D^{-1/2} A D^{-1/2}
    src, dst = edge_index[0], edge_index[1]
    deg = jnp.zeros((N_NODES,), edge_weight.dtype).at[src].add(edge_weight)
    deg_safe = jnp.where(deg > 0, deg, 1.0)
    dis = jnp.where(deg > 0, jax.lax.rsqrt(deg_safe), 0.0)
    norm = -edge_weight * dis[src] * dis[dst]
    return norm, src, dst


def _lap(xv, norm, src, dst):
    msgs = norm[None, :, None] * xv[:, src, :]
    return jnp.zeros(xv.shape, xv.dtype).at[:, dst, :].add(msgs)


def _cheb(xv, W, b, norm, src, dst):
    Tx0 = xv
    out = jnp.einsum('bnc,co->bno', Tx0, W[0])
    Tx1 = _lap(Tx0, norm, src, dst)
    out = out + jnp.einsum('bnc,co->bno', Tx1, W[1])
    for k in range(2, K):
        Tx2 = 2.0 * _lap(Tx1, norm, src, dst) - Tx0
        out = out + jnp.einsum('bnc,co->bno', Tx2, W[k])
        Tx0, Tx1 = Tx1, Tx2
    return out + b


def _gru_cell(xt, h, p, norm, src, dst):
    z = jax.nn.sigmoid(_cheb(xt, p['W_xz'], p['b_xz'], norm, src, dst) + _cheb(h, p['W_hz'], p['b_hz'], norm, src, dst))
    r = jax.nn.sigmoid(_cheb(xt, p['W_xr'], p['b_xr'], norm, src, dst) + _cheb(h, p['W_hr'], p['b_hr'], norm, src, dst))
    h_tilde = jnp.tanh(_cheb(xt, p['W_xh'], p['b_xh'], norm, src, dst) + _cheb(r * h, p['W_hh'], p['b_hh'], norm, src, dst))
    return z * h + (1.0 - z) * h_tilde


def reference(x, edge_index, edge_weight, params):
    norm, src, dst = _norm(edge_index, edge_weight)
    Bsz, Tt, Nn, _ = x.shape
    h0 = jnp.zeros((Bsz, Nn, H), x.dtype)

    def step(h, xt):
        for p in params['layers']:
            h = _gru_cell(xt, h, p, norm, src, dst)
        return h, None

    h, _ = jax.lax.scan(step, h0, jnp.moveaxis(x, 1, 0))
    # dropout is identity in eval mode
    src_f = jnp.broadcast_to(h[:, :, None, :], (Bsz, Nn, Nn, H))
    tgt_f = jnp.broadcast_to(h[:, None, :, :], (Bsz, Nn, Nn, H))
    pair = jnp.concatenate([src_f, tgt_f], axis=-1)
    hmid = jax.nn.relu(jnp.einsum('bijc,co->bijo', pair, params['W1']) + params['b1'])
    logits = jnp.einsum('bijc,co->bijo', hmid, params['W2']) + params['b2']
    return logits[..., 0]

if __name__ == "__main__":
    import jax
    _d = setup_inputs()
    print(jax.jit(kernel)(*tuple(_d.values())))

</pallas_src>

<mosaic_0001>
#map = affine_map<(d0, d1) -> (0)>
module attributes {stable_mosaic.version = 14 : i64} {
  func.func @_densify_body(%arg0: i32, %arg1: i32, %arg2: memref<16384xi32, #tpu.memory_space<hbm>>, %arg3: memref<16384xi32, #tpu.memory_space<hbm>>, %arg4: memref<16384xf32, #tpu.memory_space<hbm>>, %arg5: memref<262144xf32, #tpu.memory_space<hbm>>, %arg6: memref<524288xf32, #tpu.memory_space<hbm>>, %arg7: memref<512xi32, #tpu.memory_space<vmem>>, %arg8: memref<512xi32, #tpu.memory_space<vmem>>, %arg9: memref<512xf32, #tpu.memory_space<vmem>>, %arg10: memref<4x128xi32, #tpu.memory_space<vmem>>, %arg11: memref<262144xf32, #tpu.memory_space<vmem_shared>>) attributes {dimension_semantics = [#tpu.dimension_semantics<core_parallel>, #tpu.dimension_semantics<subcore_parallel>], iteration_bounds = array<i64: 2, 16>, scalar_prefetch = 0 : i64, scratch_operands = 5 : i64, tpu.core_type = #tpu.core_type<sc_vector_subcore>, window_params = [{transform_indices = #map}, {transform_indices = #map}, {transform_indices = #map}, {transform_indices = #map}, {transform_indices = #map}]} {
    %mul3A = arith.constant 16 : i32
    %mul3A_0 = arith.muli %arg0, %mul3A : i32
    %add3A = arith.addi %mul3A_0, %arg1 : i32
    %mul3A_1 = arith.constant 16384 : i32
    %mul3A_2 = arith.muli %arg1, %mul3A_1 : i32
    "tpu.region"() ({
      %run_scoped3A_524 = tpu.sem_alloc : memref<!tpu.dma_semaphore, #tpu.memory_space<semaphore_mem>>
      %dma_start3A = tpu.memref_slice %arg11[%mul3A_2] : memref<262144xf32, #tpu.memory_space<vmem_shared>> -> memref<16384xf32, #tpu.memory_space<vmem_shared>>
      %dma_start3A_525 = tpu.memref_slice %arg5[%mul3A_2] : memref<262144xf32, #tpu.memory_space<hbm>> -> memref<16384xf32, #tpu.memory_space<hbm>>
      tpu.enqueue_dma source(%dma_start3A_525 : memref<16384xf32, #tpu.memory_space<hbm>>) target(%dma_start3A : memref<16384xf32, #tpu.memory_space<vmem_shared>>) target_semaphore(%run_scoped3A_524 : memref<!tpu.dma_semaphore, #tpu.memory_space<semaphore_mem>>)
      %dma_wait3A = tpu.memref_slice %arg11[%mul3A_2] : memref<262144xf32, #tpu.memory_space<vmem_shared>> -> memref<16384xf32, #tpu.memory_space<vmem_shared>>
      %dma_wait3A_526 = tpu.memref_slice %arg5[%mul3A_2] : memref<262144xf32, #tpu.memory_space<hbm>> -> memref<16384xf32, #tpu.memory_space<hbm>>
      tpu.wait_dma2 semaphore(%run_scoped3A_524 : memref<!tpu.dma_semaphore, #tpu.memory_space<semaphore_mem>>) src(%dma_wait3A_526 : memref<16384xf32, #tpu.memory_space<hbm>>) dst(%dma_wait3A : memref<16384xf32, #tpu.memory_space<vmem_shared>>)
      tpu.yield
    }) : () -> ()
    %mul3A_3 = arith.constant 512 : i32
    %mul3A_4 = arith.muli %add3A, %mul3A_3 : i32
    "tpu.region"() ({
      %run_scoped3A_524 = tpu.sem_alloc : memref<!tpu.dma_semaphore, #tpu.memory_space<semaphore_mem>>
      %dma_start3A = tpu.memref_slice %arg2[%mul3A_4] : memref<16384xi32, #tpu.memory_space<hbm>> -> memref<512xi32, #tpu.memory_space<hbm>>
      %dma_start3A_525 = tpu.memref_slice %arg2[%mul3A_4] : memref<16384xi32, #tpu.memory_space<hbm>> -> memref<512xi32, #tpu.memory_space<hbm>>
      tpu.enqueue_dma source(%dma_start3A_525 : memref<512xi32, #tpu.memory_space<hbm>>) target(%arg7 : memref<512xi32, #tpu.memory_space<vmem>>) target_semaphore(%run_scoped3A_524 : memref<!tpu.dma_semaphore, #tpu.memory_space<semaphore_mem>>)
      %dma_wait3A = tpu.memref_slice %arg2[%mul3A_4] : memref<16384xi32, #tpu.memory_space<hbm>> -> memref<512xi32, #tpu.memory_space<hbm>>
      %dma_wait3A_526 = tpu.memref_slice %arg2[%mul3A_4] : memref<16384xi32, #tpu.memory_space<hbm>> -> memref<512xi32, #tpu.memory_space<hbm>>
      tpu.wait_dma2 semaphore(%run_scoped3A_524 : memref<!tpu.dma_semaphore, #tpu.memory_space<semaphore_mem>>) src(%dma_wait3A_526 : memref<512xi32, #tpu.memory_space<hbm>>) dst(%arg7 : memref<512xi32, #tpu.memory_space<vmem>>)
      tpu.yield
    }) : () -> ()
    "tpu.region"() ({
      %run_scoped3A_524 = tpu.sem_alloc : memref<!tpu.dma_semaphore, #tpu.memory_space<semaphore_mem>>
      %dma_start3A = tpu.memref_slice %arg3[%mul3A_4] : memref<16384xi32, #tpu.memory_space<hbm>> -> memref<512xi32, #tpu.memory_space<hbm>>
      %dma_start3A_525 = tpu.memref_slice %arg3[%mul3A_4] : memref<16384xi32, #tpu.memory_space<hbm>> -> memref<512xi32, #tpu.memory_space<hbm>>
      tpu.enqueue_dma source(%dma_start3A_525 : memref<512xi32, #tpu.memory_space<hbm>>) target(%arg8 : memref<512xi32, #tpu.memory_space<vmem>>) target_semaphore(%run_scoped3A_524 : memref<!tpu.dma_semaphore, #tpu.memory_space<semaphore_mem>>)
      %dma_wait3A = tpu.memref_slice %arg3[%mul3A_4] : memref<16384xi32, #tpu.memory_space<hbm>> -> memref<512xi32, #tpu.memory_space<hbm>>
      %dma_wait3A_526 = tpu.memref_slice %arg3[%mul3A_4] : memref<16384xi32, #tpu.memory_space<hbm>> -> memref<512xi32, #tpu.memory_space<hbm>>
      tpu.wait_dma2 semaphore(%run_scoped3A_524 : memref<!tpu.dma_semaphore, #tpu.memory_space<semaphore_mem>>) src(%dma_wait3A_526 : memref<512xi32, #tpu.memory_space<hbm>>) dst(%arg8 : memref<512xi32, #tpu.memory_space<vmem>>)
      tpu.yield
    }) : () -> ()
    "tpu.region"() ({
      %run_scoped3A_524 = tpu.sem_alloc : memref<!tpu.dma_semaphore, #tpu.memory_space<semaphore_mem>>
      %dma_start3A = tpu.memref_slice %arg4[%mul3A_4] : memref<16384xf32, #tpu.memory_space<hbm>> -> memref<512xf32, #tpu.memory_space<hbm>>
      %dma_start3A_525 = tpu.memref_slice %arg4[%mul3A_4] : memref<16384xf32, #tpu.memory_space<hbm>> -> memref<512xf32, #tpu.memory_space<hbm>>
      tpu.enqueue_dma source(%dma_start3A_525 : memref<512xf32, #tpu.memory_space<hbm>>) target(%arg9 : memref<512xf32, #tpu.memory_space<vmem>>) target_semaphore(%run_scoped3A_524 : memref<!tpu.dma_semaphore, #tpu.memory_space<semaphore_mem>>)
      %dma_wait3A = tpu.memref_slice %arg4[%mul3A_4] : memref<16384xf32, #tpu.memory_space<hbm>> -> memref<512xf32, #tpu.memory_space<hbm>>
      %dma_wait3A_526 = tpu.memref_slice %arg4[%mul3A_4] : memref<16384xf32, #tpu.memory_space<hbm>> -> memref<512xf32, #tpu.memory_space<hbm>>
      tpu.wait_dma2 semaphore(%run_scoped3A_524 : memref<!tpu.dma_semaphore, #tpu.memory_space<semaphore_mem>>) src(%dma_wait3A_526 : memref<512xf32, #tpu.memory_space<hbm>>) dst(%arg9 : memref<512xf32, #tpu.memory_space<vmem>>)
      tpu.yield
    }) : () -> ()
    %get3A = arith.constant 0 : index
    %get3A_5 = tpu.vector_load %arg8[%get3A] {strides = array<i32>} : memref<512xi32, #tpu.memory_space<vmem>>, vector<16xi32>,
    %get3A_6 = vector.shape_cast %get3A_5 : vector<16xi32> to vector<16xi32>
    %mul3A_7 = arith.constant 512 : i32
    %mul3A_8 = vector.broadcast %mul3A_7 : i32 to vector<16xi32>
    %mul3A_9 = arith.muli %get3A_6, %mul3A_8 : vector<16xi32>
    %get3A_10 = arith.constant 0 : index
    %get3A_11 = tpu.vector_load %arg7[%get3A_10] {strides = array<i32>} : memref<512xi32, #tpu.memory_space<vmem>>, vector<16xi32>,
    %get3A_12 = vector.shape_cast %get3A_11 : vector<16xi32> to vector<16xi32>
    %add3A_13 = arith.addi %mul3A_9, %get3A_12 : vector<16xi32>
    %swap3A = arith.constant 0 : i32
    %swap3A_14 = arith.index_cast %swap3A : i32 to index
    %swap3A_15 = arith.constant 0 : index
    %swap3A_16 = tpu.vector_load %arg10[%swap3A_14, %swap3A_15] {strides = array<i32>} : memref<4x128xi32, #tpu.memory_space<vmem>>, vector<1x16xi32>,
    %swap3A_17 = vector.shape_cast %swap3A_16 : vector<1x16xi32> to vector<16xi32>
    %swap3A_18 = vector.shape_cast %add3A_13 : vector<16xi32> to vector<1x16xi32>
    tpu.vector_store %arg10[%swap3A_14, %swap3A_15], %swap3A_18 {strides = array<i32>} : memref<4x128xi32, #tpu.memory_space<vmem>>, vector<1x16xi32>,
    %get3A_19 = arith.constant 16 : index
    %get3A_20 = tpu.vector_load %arg8[%get3A_19] {strides = array<i32>} : memref<512xi32, #tpu.memory_space<vmem>>, vector<16xi32>,
    %get3A_21 = vector.shape_cast %get3A_20 : vector<16xi32> to vector<16xi32>
    %mul3A_22 = arith.constant 512 : i32
    %mul3A_23 = vector.broadcast %mul3A_22 : i32 to vector<16xi32>
    %mul3A_24 = arith.muli %get3A_21, %mul3A_23 : vector<16xi32>
    %get3A_25 = arith.constant 16 : index
    %get3A_26 = tpu.vector_load %arg7[%get3A_25] {strides = array<i32>} : memref<512xi32, #tpu.memory_space<vmem>>, vector<16xi32>,
    %get3A_27 = vector.shape_cast %get3A_26 : vector<16xi32> to vector<16xi32>
    %add3A_28 = arith.addi %mul3A_24, %get3A_27 : vector<16xi32>
    %swap3A_29 = arith.constant 0 : i32
    %swap3A_30 = arith.index_cast %swap3A_29 : i32 to index
    %swap3A_31 = arith.constant 16 : index
    %swap3A_32 = tpu.vector_load %arg10[%swap3A_30, %swap3A_31] {strides = array<i32>} : memref<4x128xi32, #tpu.memory_space<vmem>>, vector<1x16xi32>,
    %swap3A_33 = vector.shape_cast %swap3A_32 : vector<1x16xi32> to vector<16xi32>
    %swap3A_34 = vector.shape_cast %add3A_28 : vector<16xi32> to vector<1x16xi32>
    tpu.vector_store %arg10[%swap3A_30, %swap3A_31], %swap3A_34 {strides = array<i32>} : memref<4x128xi32, #tpu.memory_space<vmem>>, vector<1x16xi32>,
    %get3A_35 = arith.constant 32 : index
    %get3A_36 = tpu.vector_load %arg8[%get3A_35] {strides = array<i32>} : memref<512xi32, #tpu.memory_space<vmem>>, vector<16xi32>,
    %get3A_37 = vector.shape_cast %get3A_36 : vector<16xi32> to vector<16xi32>
    %mul3A_38 = arith.constant 512 : i32
    %mul3A_39 = vector.broadcast %mul3A_38 : i32 to vector<16xi32>
    %mul3A_40 = arith.muli %get3A_37, %mul3A_39 : vector<16xi32>
    %get3A_41 = arith.constant 32 : index
    %get3A_42 = tpu.vector_load %arg7[%get3A_41] {strides = array<i32>} : memref<512xi32, #tpu.memory_space<vmem>>, vector<16xi32>,
    %get3A_43 = vector.shape_cast %get3A_42 : vector<16xi32> to vector<16xi32>
    %add3A_44 = arith.addi %mul3A_40, %get3A_43 : vector<16xi32>
    %swap3A_45 = arith.constant 0 : i32
    %swap3A_46 = arith.index_cast %swap3A_45 : i32 to index
    %swap3A_47 = arith.constant 32 : index
    %swap3A_48 = tpu.vector_load %arg10[%swap3A_46, %swap3A_47] {strides = array<i32>} : memref<4x128xi32, #tpu.memory_space<vmem>>, vector<1x16xi32>,
    %swap3A_49 = vector.shape_cast %swap3A_48 : vector<1x16xi32> to vector<16xi32>
    %swap3A_50 = vector.shape_cast %add3A_44 : vector<16xi32> to vector<1x16xi32>
    tpu.vector_store %arg10[%swap3A_46, %swap3A_47], %swap3A_50 {strides = array<i32>} : memref<4x128xi32, #tpu.memory_space<vmem>>, vector<1x16xi32>,
    %get3A_51 = arith.constant 48 : index
    %get3A_52 = tpu.vector_load %arg8[%get3A_51] {strides = array<i32>} : memref<512xi32, #tpu.memory_space<vmem>>, vector<16xi32>,
    %get3A_53 = vector.shape_cast %get3A_52 : vector<16xi32> to vector<16xi32>
    %mul3A_54 = arith.constant 512 : i32
    %mul3A_55 = vector.broadcast %mul3A_54 : i32 to vector<16xi32>
    %mul3A_56 = arith.muli %get3A_53, %mul3A_55 : vector<16xi32>
    %get3A_57 = arith.constant 48 : index
    %get3A_58 = tpu.vector_load %arg7[%get3A_57] {strides = array<i32>} : memref<512xi32, #tpu.memory_space<vmem>>, vector<16xi32>,
    %get3A_59 = vector.shape_cast %get3A_58 : vector<16xi32> to vector<16xi32>
    %add3A_60 = arith.addi %mul3A_56, %get3A_59 : vector<16xi32>
    %swap3A_61 = arith.constant 0 : i32
    %swap3A_62 = arith.index_cast %swap3A_61 : i32 to index
    %swap3A_63 = arith.constant 48 : index
    %swap3A_64 = tpu.vector_load %arg10[%swap3A_62, %swap3A_63] {strides = array<i32>} : memref<4x128xi32, #tpu.memory_space<vmem>>, vector<1x16xi32>,
    %swap3A_65 = vector.shape_cast %swap3A_64 : vector<1x16xi32> to vector<16xi32>
    %swap3A_66 = vector.shape_cast %add3A_60 : vector<16xi32> to vector<1x16xi32>
    tpu.vector_store %arg10[%swap3A_62, %swap3A_63], %swap3A_66 {strides = array<i32>} : memref<4x128xi32, #tpu.memory_space<vmem>>, vector<1x16xi32>,
    %get3A_67 = arith.constant 64 : index
    %get3A_68 = tpu.vector_load %arg8[%get3A_67] {strides = array<i32>} : memref<512xi32, #tpu.memory_space<vmem>>, vector<16xi32>,
    %get3A_69 = vector.shape_cast %get3A_68 : vector<16xi32> to vector<16xi32>
    %mul3A_70 = arith.constant 512 : i32
    %mul3A_71 = vector.broadcast %mul3A_70 : i32 to vector<16xi32>
    %mul3A_72 = arith.muli %get3A_69, %mul3A_71 : vector<16xi32>
    %get3A_73 = arith.constant 64 : index
    %get3A_74 = tpu.vector_load %arg7[%get3A_73] {strides = array<i32>} : memref<512xi32, #tpu.memory_space<vmem>>, vector<16xi32>,
    %get3A_75 = vector.shape_cast %get3A_74 : vector<16xi32> to vector<16xi32>
    %add3A_76 = arith.addi %mul3A_72, %get3A_75 : vector<16xi32>
    %swap3A_77 = arith.constant 0 : i32
    %swap3A_78 = arith.index_cast %swap3A_77 : i32 to index
    %swap3A_79 = arith.constant 64 : index
    %swap3A_80 = tpu.vector_load %arg10[%swap3A_78, %swap3A_79] {strides = array<i32>} : memref<4x128xi32, #tpu.memory_space<vmem>>, vector<1x16xi32>,
    %swap3A_81 = vector.shape_cast %swap3A_80 : vector<1x16xi32> to vector<16xi32>
    %swap3A_82 = vector.shape_cast %add3A_76 : vector<16xi32> to vector<1x16xi32>
    tpu.vector_store %arg10[%swap3A_78, %swap3A_79], %swap3A_82 {strides = array<i32>} : memref<4x128xi32, #tpu.memory_space<vmem>>, vector<1x16xi32>,
    %get3A_83 = arith.constant 80 : index
    %get3A_84 = tpu.vector_load %arg8[%get3A_83] {strides = array<i32>} : memref<512xi32, #tpu.memory_space<vmem>>, vector<16xi32>,
    %get3A_85 = vector.shape_cast %get3A_84 : vector<16xi32> to vector<16xi32>
    %mul3A_86 = arith.constant 512 : i32
    %mul3A_87 = vector.broadcast %mul3A_86 : i32 to vector<16xi32>
    %mul3A_88 = arith.muli %get3A_85, %mul3A_87 : vector<16xi32>
    %get3A_89 = arith.constant 80 : index
    %get3A_90 = tpu.vector_load %arg7[%get3A_89] {strides = array<i32>} : memref<512xi32, #tpu.memory_space<vmem>>, vector<16xi32>,
    %get3A_91 = vector.shape_cast %get3A_90 : vector<16xi32> to vector<16xi32>
    %add3A_92 = arith.addi %mul3A_88, %get3A_91 : vector<16xi32>
    %swap3A_93 = arith.constant 0 : i32
    %swap3A_94 = arith.index_cast %swap3A_93 : i32 to index
    %swap3A_95 = arith.constant 80 : index
    %swap3A_96 = tpu.vector_load %arg10[%swap3A_94, %swap3A_95] {strides = array<i32>} : memref<4x128xi32, #tpu.memory_space<vmem>>, vector<1x16xi32>,
    %swap3A_97 = vector.shape_cast %swap3A_96 : vector<1x16xi32> to vector<16xi32>
    %swap3A_98 = vector.shape_cast %add3A_92 : vector<16xi32> to vector<1x16xi32>
    tpu.vector_store %arg10[%swap3A_94, %swap3A_95], %swap3A_98 {strides = array<i32>} : memref<4x128xi32, #tpu.memory_space<vmem>>, vector<1x16xi32>,
    %get3A_99 = arith.constant 96 : index
    %get3A_100 = tpu.vector_load %arg8[%get3A_99] {strides = array<i32>} : memref<512xi32, #tpu.memory_space<vmem>>, vector<16xi32>,
    %get3A_101 = vector.shape_cast %get3A_100 : vector<16xi32> to vector<16xi32>
    %mul3A_102 = arith.constant 512 : i32
    %mul3A_103 = vector.broadcast %mul3A_102 : i32 to vector<16xi32>
    %mul3A_104 = arith.muli %get3A_101, %mul3A_103 : vector<16xi32>
    %get3A_105 = arith.constant 96 : index
    %get3A_106 = tpu.vector_load %arg7[%get3A_105] {strides = array<i32>} : memref<512xi32, #tpu.memory_space<vmem>>, vector<16xi32>,
    %get3A_107 = vector.shape_cast %get3A_106 : vector<16xi32> to vector<16xi32>
    %add3A_108 = arith.addi %mul3A_104, %get3A_107 : vector<16xi32>
    %swap3A_109 = arith.constant 0 : i32
    %swap3A_110 = arith.index_cast %swap3A_109 : i32 to index
    %swap3A_111 = arith.constant 96 : index
    %swap3A_112 = tpu.vector_load %arg10[%swap3A_110, %swap3A_111] {strides = array<i32>} : memref<4x128xi32, #tpu.memory_space<vmem>>, vector<1x16xi32>,
    %swap3A_113 = vector.shape_cast %swap3A_112 : vector<1x16xi32> to vector<16xi32>
    %swap3A_114 = vector.shape_cast %add3A_108 : vector<16xi32> to vector<1x16xi32>
    tpu.vector_store %arg10[%swap3A_110, %swap3A_111], %swap3A_114 {strides = array<i32>} : memref<4x128xi32, #tpu.memory_space<vmem>>, vector<1x16xi32>,
    %get3A_115 = arith.constant 112 : index
    %get3A_116 = tpu.vector_load %arg8[%get3A_115] {strides = array<i32>} : memref<512xi32, #tpu.memory_space<vmem>>, vector<16xi32>,
    %get3A_117 = vector.shape_cast %get3A_116 : vector<16xi32> to vector<16xi32>
    %mul3A_118 = arith.constant 512 : i32
    %mul3A_119 = vector.broadcast %mul3A_118 : i32 to vector<16xi32>
    %mul3A_120 = arith.muli %get3A_117, %mul3A_119 : vector<16xi32>
    %get3A_121 = arith.constant 112 : index
    %get3A_122 = tpu.vector_load %arg7[%get3A_121] {strides = array<i32>} : memref<512xi32, #tpu.memory_space<vmem>>, vector<16xi32>,
    %get3A_123 = vector.shape_cast %get3A_122 : vector<16xi32> to vector<16xi32>
    %add3A_124 = arith.addi %mul3A_120, %get3A_123 : vector<16xi32>
    %swap3A_125 = arith.constant 0 : i32
    %swap3A_126 = arith.index_cast %swap3A_125 : i32 to index
    %swap3A_127 = arith.constant 112 : index
    %swap3A_128 = tpu.vector_load %arg10[%swap3A_126, %swap3A_127] {strides = array<i32>} : memref<4x128xi32, #tpu.memory_space<vmem>>, vector<1x16xi32>,
    %swap3A_129 = vector.shape_cast %swap3A_128 : vector<1x16xi32> to vector<16xi32>
    %swap3A_130 = vector.shape_cast %add3A_124 : vector<16xi32> to vector<1x16xi32>
    tpu.vector_store %arg10[%swap3A_126, %swap3A_127], %swap3A_130 {strides = array<i32>} : memref<4x128xi32, #tpu.memory_space<vmem>>, vector<1x16xi32>,
    %get3A_131 = arith.constant 128 : index
    %get3A_132 = tpu.vector_load %arg8[%get3A_131] {strides = array<i32>} : memref<512xi32, #tpu.memory_space<vmem>>, vector<16xi32>,
    %get3A_133 = vector.shape_cast %get3A_132 : vector<16xi32> to vector<16xi32>
    %mul3A_134 = arith.constant 512 : i32
    %mul3A_135 = vector.broadcast %mul3A_134 : i32 to vector<16xi32>
    %mul3A_136 = arith.muli %get3A_133, %mul3A_135 : vector<16xi32>
    %get3A_137 = arith.constant 128 : index
    %get3A_138 = tpu.vector_load %arg7[%get3A_137] {strides = array<i32>} : memref<512xi32, #tpu.memory_space<vmem>>, vector<16xi32>,
    %get3A_139 = vector.shape_cast %get3A_138 : vector<16xi32> to vector<16xi32>
    %add3A_140 = arith.addi %mul3A_136, %get3A_139 : vector<16xi32>
    %swap3A_141 = arith.constant 1 : i32
    %swap3A_142 = arith.index_cast %swap3A_141 : i32 to index
    %swap3A_143 = arith.constant 0 : index
    %swap3A_144 = tpu.vector_load %arg10[%swap3A_142, %swap3A_143] {strides = array<i32>} : memref<4x128xi32, #tpu.memory_space<vmem>>, vector<1x16xi32>,
    %swap3A_145 = vector.shape_cast %swap3A_144 : vector<1x16xi32> to vector<16xi32>
    %swap3A_146 = vector.shape_cast %add3A_140 : vector<16xi32> to vector<1x16xi32>
    tpu.vector_store %arg10[%swap3A_142, %swap3A_143], %swap3A_146 {strides = array<i32>} : memref<4x128xi32, #tpu.memory_space<vmem>>, vector<1x16xi32>,
    %get3A_147 = arith.constant 144 : index
    %get3A_148 = tpu.vector_load %arg8[%get3A_147] {strides = array<i32>} : memref<512xi32, #tpu.memory_space<vmem>>, vector<16xi32>,
    %get3A_149 = vector.shape_cast %get3A_148 : vector<16xi32> to vector<16xi32>
    %mul3A_150 = arith.constant 512 : i32
    %mul3A_151 = vector.broadcast %mul3A_150 : i32 to vector<16xi32>
    %mul3A_152 = arith.muli %get3A_149, %mul3A_151 : vector<16xi32>
    %get3A_153 = arith.constant 144 : index
    %get3A_154 = tpu.vector_load %arg7[%get3A_153] {strides = array<i32>} : memref<512xi32, #tpu.memory_space<vmem>>, vector<16xi32>,
    %get3A_155 = vector.shape_cast %get3A_154 : vector<16xi32> to vector<16xi32>
    %add3A_156 = arith.addi %mul3A_152, %get3A_155 : vector<16xi32>
    %swap3A_157 = arith.constant 1 : i32
    %swap3A_158 = arith.index_cast %swap3A_157 : i32 to index
    %swap3A_159 = arith.constant 16 : index
    %swap3A_160 = tpu.vector_load %arg10[%swap3A_158, %swap3A_159] {strides = array<i32>} : memref<4x128xi32, #tpu.memory_space<vmem>>, vector<1x16xi32>,
    %swap3A_161 = vector.shape_cast %swap3A_160 : vector<1x16xi32> to vector<16xi32>
    %swap3A_162 = vector.shape_cast %add3A_156 : vector<16xi32> to vector<1x16xi32>
    tpu.vector_store %arg10[%swap3A_158, %swap3A_159], %swap3A_162 {strides = array<i32>} : memref<4x128xi32, #tpu.memory_space<vmem>>, vector<1x16xi32>,
    %get3A_163 = arith.constant 160 : index
    %get3A_164 = tpu.vector_load %arg8[%get3A_163] {strides = array<i32>} : memref<512xi32, #tpu.memory_space<vmem>>, vector<16xi32>,
    %get3A_165 = vector.shape_cast %get3A_164 : vector<16xi32> to vector<16xi32>
    %mul3A_166 = arith.constant 512 : i32
    %mul3A_167 = vector.broadcast %mul3A_166 : i32 to vector<16xi32>
    %mul3A_168 = arith.muli %get3A_165, %mul3A_167 : vector<16xi32>
    %get3A_169 = arith.constant 160 : index
    %get3A_170 = tpu.vector_load %arg7[%get3A_169] {strides = array<i32>} : memref<512xi32, #tpu.memory_space<vmem>>, vector<16xi32>,
    %get3A_171 = vector.shape_cast %get3A_170 : vector<16xi32> to vector<16xi32>
    %add3A_172 = arith.addi %mul3A_168, %get3A_171 : vector<16xi32>
    %swap3A_173 = arith.constant 1 : i32
    %swap3A_174 = arith.index_cast %swap3A_173 : i32 to index
    %swap3A_175 = arith.constant 32 : index
    %swap3A_176 = tpu.vector_load %arg10[%swap3A_174, %swap3A_175] {strides = array<i32>} : memref<4x128xi32, #tpu.memory_space<vmem>>, vector<1x16xi32>,
    %swap3A_177 = vector.shape_cast %swap3A_176 : vector<1x16xi32> to vector<16xi32>
    %swap3A_178 = vector.shape_cast %add3A_172 : vector<16xi32> to vector<1x16xi32>
    tpu.vector_store %arg10[%swap3A_174, %swap3A_175], %swap3A_178 {strides = array<i32>} : memref<4x128xi32, #tpu.memory_space<vmem>>, vector<1x16xi32>,
    %get3A_179 = arith.constant 176 : index
    %get3A_180 = tpu.vector_load %arg8[%get3A_179] {strides = array<i32>} : memref<512xi32, #tpu.memory_space<vmem>>, vector<16xi32>,
    %get3A_181 = vector.shape_cast %get3A_180 : vector<16xi32> to vector<16xi32>
    %mul3A_182 = arith.constant 512 : i32
    %mul3A_183 = vector.broadcast %mul3A_182 : i32 to vector<16xi32>
    %mul3A_184 = arith.muli %get3A_181, %mul3A_183 : vector<16xi32>
    %get3A_185 = arith.constant 176 : index
    %get3A_186 = tpu.vector_load %arg7[%get3A_185] {strides = array<i32>} : memref<512xi32, #tpu.memory_space<vmem>>, vector<16xi32>,
    %get3A_187 = vector.shape_cast %get3A_186 : vector<16xi32> to vector<16xi32>
    %add3A_188 = arith.addi %mul3A_184, %get3A_187 : vector<16xi32>
    %swap3A_189 = arith.constant 1 : i32
    %swap3A_190 = arith.index_cast %swap3A_189 : i32 to index
    %swap3A_191 = arith.constant 48 : index
    %swap3A_192 = tpu.vector_load %arg10[%swap3A_190, %swap3A_191] {strides = array<i32>} : memref<4x128xi32, #tpu.memory_space<vmem>>, vector<1x16xi32>,
    %swap3A_193 = vector.shape_cast %swap3A_192 : vector<1x16xi32> to vector<16xi32>
    %swap3A_194 = vector.shape_cast %add3A_188 : vector<16xi32> to vector<1x16xi32>
    tpu.vector_store %arg10[%swap3A_190, %swap3A_191], %swap3A_194 {strides = array<i32>} : memref<4x128xi32, #tpu.memory_space<vmem>>, vector<1x16xi32>,
    %get3A_195 = arith.constant 192 : index
    %get3A_196 = tpu.vector_load %arg8[%get3A_195] {strides = array<i32>} : memref<512xi32, #tpu.memory_space<vmem>>, vector<16xi32>,
    %get3A_197 = vector.shape_cast %get3A_196 : vector<16xi32> to vector<16xi32>
    %mul3A_198 = arith.constant 512 : i32
    %mul3A_199 = vector.broadcast %mul3A_198 : i32 to vector<16xi32>
    %mul3A_200 = arith.muli %get3A_197, %mul3A_199 : vector<16xi32>
    %get3A_201 = arith.constant 192 : index
    %get3A_202 = tpu.vector_load %arg7[%get3A_201] {strides = array<i32>} : memref<512xi32, #tpu.memory_space<vmem>>, vector<16xi32>,
    %get3A_203 = vector.shape_cast %get3A_202 : vector<16xi32> to vector<16xi32>
    %add3A_204 = arith.addi %mul3A_200, %get3A_203 : vector<16xi32>
    %swap3A_205 = arith.constant 1 : i32
    %swap3A_206 = arith.index_cast %swap3A_205 : i32 to index
    %swap3A_207 = arith.constant 64 : index
    %swap3A_208 = tpu.vector_load %arg10[%swap3A_206, %swap3A_207] {strides = array<i32>} : memref<4x128xi32, #tpu.memory_space<vmem>>, vector<1x16xi32>,
    %swap3A_209 = vector.shape_cast %swap3A_208 : vector<1x16xi32> to vector<16xi32>
    %swap3A_210 = vector.shape_cast %add3A_204 : vector<16xi32> to vector<1x16xi32>
    tpu.vector_store %arg10[%swap3A_206, %swap3A_207], %swap3A_210 {strides = array<i32>} : memref<4x128xi32, #tpu.memory_space<vmem>>, vector<1x16xi32>,
    %get3A_211 = arith.constant 208 : index
    %get3A_212 = tpu.vector_load %arg8[%get3A_211] {strides = array<i32>} : memref<512xi32, #tpu.memory_space<vmem>>, vector<16xi32>,
    %get3A_213 = vector.shape_cast %get3A_212 : vector<16xi32> to vector<16xi32>
    %mul3A_214 = arith.constant 512 : i32
    %mul3A_215 = vector.broadcast %mul3A_214 : i32 to vector<16xi32>
    %mul3A_216 = arith.muli %get3A_213, %mul3A_215 : vector<16xi32>
    %get3A_217 = arith.constant 208 : index
    %get3A_218 = tpu.vector_load %arg7[%get3A_217] {strides = array<i32>} : memref<512xi32, #tpu.memory_space<vmem>>, vector<16xi32>,
    %get3A_219 = vector.shape_cast %get3A_218 : vector<16xi32> to vector<16xi32>
    %add3A_220 = arith.addi %mul3A_216, %get3A_219 : vector<16xi32>
    %swap3A_221 = arith.constant 1 : i32
    %swap3A_222 = arith.index_cast %swap3A_221 : i32 to index
    %swap3A_223 = arith.constant 80 : index
    %swap3A_224 = tpu.vector_load %arg10[%swap3A_222, %swap3A_223] {strides = array<i32>} : memref<4x128xi32, #tpu.memory_space<vmem>>, vector<1x16xi32>,
    %swap3A_225 = vector.shape_cast %swap3A_224 : vector<1x16xi32> to vector<16xi32>
    %swap3A_226 = vector.shape_cast %add3A_220 : vector<16xi32> to vector<1x16xi32>
    tpu.vector_store %arg10[%swap3A_222, %swap3A_223], %swap3A_226 {strides = array<i32>} : memref<4x128xi32, #tpu.memory_space<vmem>>, vector<1x16xi32>,
    %get3A_227 = arith.constant 224 : index
    %get3A_228 = tpu.vector_load %arg8[%get3A_227] {strides = array<i32>} : memref<512xi32, #tpu.memory_space<vmem>>, vector<16xi32>,
    %get3A_229 = vector.shape_cast %get3A_228 : vector<16xi32> to vector<16xi32>
    %mul3A_230 = arith.constant 512 : i32
    %mul3A_231 = vector.broadcast %mul3A_230 : i32 to vector<16xi32>
    %mul3A_232 = arith.muli %get3A_229, %mul3A_231 : vector<16xi32>
    %get3A_233 = arith.constant 224 : index
    %get3A_234 = tpu.vector_load %arg7[%get3A_233] {strides = array<i32>} : memref<512xi32, #tpu.memory_space<vmem>>, vector<16xi32>,
    %get3A_235 = vector.shape_cast %get3A_234 : vector<16xi32> to vector<16xi32>
    %add3A_236 = arith.addi %mul3A_232, %get3A_235 : vector<16xi32>
    %swap3A_237 = arith.constant 1 : i32
    %swap3A_238 = arith.index_cast %swap3A_237 : i32 to index
    %swap3A_239 = arith.constant 96 : index
    %swap3A_240 = tpu.vector_load %arg10[%swap3A_238, %swap3A_239] {strides = array<i32>} : memref<4x128xi32, #tpu.memory_space<vmem>>, vector<1x16xi32>,
    %swap3A_241 = vector.shape_cast %swap3A_240 : vector<1x16xi32> to vector<16xi32>
    %swap3A_242 = vector.shape_cast %add3A_236 : vector<16xi32> to vector<1x16xi32>
    tpu.vector_store %arg10[%swap3A_238, %swap3A_239], %swap3A_242 {strides = array<i32>} : memref<4x128xi32, #tpu.memory_space<vmem>>, vector<1x16xi32>,
    %get3A_243 = arith.constant 240 : index
    %get3A_244 = tpu.vector_load %arg8[%get3A_243] {strides = array<i32>} : memref<512xi32, #tpu.memory_space<vmem>>, vector<16xi32>,
    %get3A_245 = vector.shape_cast %get3A_244 : vector<16xi32> to vector<16xi32>
    %mul3A_246 = arith.constant 512 : i32
    %mul3A_247 = vector.broadcast %mul3A_246 : i32 to vector<16xi32>
    %mul3A_248 = arith.muli %get3A_245, %mul3A_247 : vector<16xi32>
    %get3A_249 = arith.constant 240 : index
    %get3A_250 = tpu.vector_load %arg7[%get3A_249] {strides = array<i32>} : memref<512xi32, #tpu.memory_space<vmem>>, vector<16xi32>,
    %get3A_251 = vector.shape_cast %get3A_250 : vector<16xi32> to vector<16xi32>
    %add3A_252 = arith.addi %mul3A_248, %get3A_251 : vector<16xi32>
    %swap3A_253 = arith.constant 1 : i32
    %swap3A_254 = arith.index_cast %swap3A_253 : i32 to index
    %swap3A_255 = arith.constant 112 : index
    %swap3A_256 = tpu.vector_load %arg10[%swap3A_254, %swap3A_255] {strides = array<i32>} : memref<4x128xi32, #tpu.memory_space<vmem>>, vector<1x16xi32>,
    %swap3A_257 = vector.shape_cast %swap3A_256 : vector<1x16xi32> to vector<16xi32>
    %swap3A_258 = vector.shape_cast %add3A_252 : vector<16xi32> to vector<1x16xi32>
    tpu.vector_store %arg10[%swap3A_254, %swap3A_255], %swap3A_258 {strides = array<i32>} : memref<4x128xi32, #tpu.memory_space<vmem>>, vector<1x16xi32>,
    %get3A_259 = arith.constant 256 : index
    %get3A_260 = tpu.vector_load %arg8[%get3A_259] {strides = array<i32>} : memref<512xi32, #tpu.memory_space<vmem>>, vector<16xi32>,
    %get3A_261 = vector.shape_cast %get3A_260 : vector<16xi32> to vector<16xi32>
    %mul3A_262 = arith.constant 512 : i32
    %mul3A_263 = vector.broadcast %mul3A_262 : i32 to vector<16xi32>
    %mul3A_264 = arith.muli %get3A_261, %mul3A_263 : vector<16xi32>
    %get3A_265 = arith.constant 256 : index
    %get3A_266 = tpu.vector_load %arg7[%get3A_265] {strides = array<i32>} : memref<512xi32, #tpu.memory_space<vmem>>, vector<16xi32>,
    %get3A_267 = vector.shape_cast %get3A_266 : vector<16xi32> to vector<16xi32>
    %add3A_268 = arith.addi %mul3A_264, %get3A_267 : vector<16xi32>
    %swap3A_269 = arith.constant 2 : i32
    %swap3A_270 = arith.index_cast %swap3A_269 : i32 to index
    %swap3A_271 = arith.constant 0 : index
    %swap3A_272 = tpu.vector_load %arg10[%swap3A_270, %swap3A_271] {strides = array<i32>} : memref<4x128xi32, #tpu.memory_space<vmem>>, vector<1x16xi32>,
    %swap3A_273 = vector.shape_cast %swap3A_272 : vector<1x16xi32> to vector<16xi32>
    %swap3A_274 = vector.shape_cast %add3A_268 : vector<16xi32> to vector<1x16xi32>
    tpu.vector_store %arg10[%swap3A_270, %swap3A_271], %swap3A_274 {strides = array<i32>} : memref<4x128xi32, #tpu.memory_space<vmem>>, vector<1x16xi32>,
    %get3A_275 = arith.constant 272 : index
    %get3A_276 = tpu.vector_load %arg8[%get3A_275] {strides = array<i32>} : memref<512xi32, #tpu.memory_space<vmem>>, vector<16xi32>,
    %get3A_277 = vector.shape_cast %get3A_276 : vector<16xi32> to vector<16xi32>
    %mul3A_278 = arith.constant 512 : i32
    %mul3A_279 = vector.broadcast %mul3A_278 : i32 to vector<16xi32>
    %mul3A_280 = arith.muli %get3A_277, %mul3A_279 : vector<16xi32>
    %get3A_281 = arith.constant 272 : index
    %get3A_282 = tpu.vector_load %arg7[%get3A_281] {strides = array<i32>} : memref<512xi32, #tpu.memory_space<vmem>>, vector<16xi32>,
    %get3A_283 = vector.shape_cast %get3A_282 : vector<16xi32> to vector<16xi32>
    %add3A_284 = arith.addi %mul3A_280, %get3A_283 : vector<16xi32>
    %swap3A_285 = arith.constant 2 : i32
    %swap3A_286 = arith.index_cast %swap3A_285 : i32 to index
    %swap3A_287 = arith.constant 16 : index
    %swap3A_288 = tpu.vector_load %arg10[%swap3A_286, %swap3A_287] {strides = array<i32>} : memref<4x128xi32, #tpu.memory_space<vmem>>, vector<1x16xi32>,
    %swap3A_289 = vector.shape_cast %swap3A_288 : vector<1x16xi32> to vector<16xi32>
    %swap3A_290 = vector.shape_cast %add3A_284 : vector<16xi32> to vector<1x16xi32>
    tpu.vector_store %arg10[%swap3A_286, %swap3A_287], %swap3A_290 {strides = array<i32>} : memref<4x128xi32, #tpu.memory_space<vmem>>, vector<1x16xi32>,
    %get3A_291 = arith.constant 288 : index
    %get3A_292 = tpu.vector_load %arg8[%get3A_291] {strides = array<i32>} : memref<512xi32, #tpu.memory_space<vmem>>, vector<16xi32>,
    %get3A_293 = vector.shape_cast %get3A_292 : vector<16xi32> to vector<16xi32>
    %mul3A_294 = arith.constant 512 : i32
    %mul3A_295 = vector.broadcast %mul3A_294 : i32 to vector<16xi32>
    %mul3A_296 = arith.muli %get3A_293, %mul3A_295 : vector<16xi32>
    %get3A_297 = arith.constant 288 : index
    %get3A_298 = tpu.vector_load %arg7[%get3A_297] {strides = array<i32>} : memref<512xi32, #tpu.memory_space<vmem>>, vector<16xi32>,
    %get3A_299 = vector.shape_cast %get3A_298 : vector<16xi32> to vector<16xi32>
    %add3A_300 = arith.addi %mul3A_296, %get3A_299 : vector<16xi32>
    %swap3A_301 = arith.constant 2 : i32
    %swap3A_302 = arith.index_cast %swap3A_301 : i32 to index
    %swap3A_303 = arith.constant 32 : index
    %swap3A_304 = tpu.vector_load %arg10[%swap3A_302, %swap3A_303] {strides = array<i32>} : memref<4x128xi32, #tpu.memory_space<vmem>>, vector<1x16xi32>,
    %swap3A_305 = vector.shape_cast %swap3A_304 : vector<1x16xi32> to vector<16xi32>
    %swap3A_306 = vector.shape_cast %add3A_300 : vector<16xi32> to vector<1x16xi32>
    tpu.vector_store %arg10[%swap3A_302, %swap3A_303], %swap3A_306 {strides = array<i32>} : memref<4x128xi32, #tpu.memory_space<vmem>>, vector<1x16xi32>,
    %get3A_307 = arith.constant 304 : index
    %get3A_308 = tpu.vector_load %arg8[%get3A_307] {strides = array<i32>} : memref<512xi32, #tpu.memory_space<vmem>>, vector<16xi32>,
    %get3A_309 = vector.shape_cast %get3A_308 : vector<16xi32> to vector<16xi32>
    %mul3A_310 = arith.constant 512 : i32
    %mul3A_311 = vector.broadcast %mul3A_310 : i32 to vector<16xi32>
    %mul3A_312 = arith.muli %get3A_309, %mul3A_311 : vector<16xi32>
    %get3A_313 = arith.constant 304 : index
    %get3A_314 = tpu.vector_load %arg7[%get3A_313] {strides = array<i32>} : memref<512xi32, #tpu.memory_space<vmem>>, vector<16xi32>,
    %get3A_315 = vector.shape_cast %get3A_314 : vector<16xi32> to vector<16xi32>
    %add3A_316 = arith.addi %mul3A_312, %get3A_315 : vector<16xi32>
    %swap3A_317 = arith.constant 2 : i32
    %swap3A_318 = arith.index_cast %swap3A_317 : i32 to index
    %swap3A_319 = arith.constant 48 : index
    %swap3A_320 = tpu.vector_load %arg10[%swap3A_318, %swap3A_319] {strides = array<i32>} : memref<4x128xi32, #tpu.memory_space<vmem>>, vector<1x16xi32>,
    %swap3A_321 = vector.shape_cast %swap3A_320 : vector<1x16xi32> to vector<16xi32>
    %swap3A_322 = vector.shape_cast %add3A_316 : vector<16xi32> to vector<1x16xi32>
    tpu.vector_store %arg10[%swap3A_318, %swap3A_319], %swap3A_322 {strides = array<i32>} : memref<4x128xi32, #tpu.memory_space<vmem>>, vector<1x16xi32>,
    %get3A_323 = arith.constant 320 : index
    %get3A_324 = tpu.vector_load %arg8[%get3A_323] {strides = array<i32>} : memref<512xi32, #tpu.memory_space<vmem>>, vector<16xi32>,
    %get3A_325 = vector.shape_cast %get3A_324 : vector<16xi32> to vector<16xi32>
    %mul3A_326 = arith.constant 512 : i32
    %mul3A_327 = vector.broadcast %mul3A_326 : i32 to vector<16xi32>
    %mul3A_328 = arith.muli %get3A_325, %mul3A_327 : vector<16xi32>
    %get3A_329 = arith.constant 320 : index
    %get3A_330 = tpu.vector_load %arg7[%get3A_329] {strides = array<i32>} : memref<512xi32, #tpu.memory_space<vmem>>, vector<16xi32>,
    %get3A_331 = vector.shape_cast %get3A_330 : vector<16xi32> to vector<16xi32>
    %add3A_332 = arith.addi %mul3A_328, %get3A_331 : vector<16xi32>
    %swap3A_333 = arith.constant 2 : i32
    %swap3A_334 = arith.index_cast %swap3A_333 : i32 to index
    %swap3A_335 = arith.constant 64 : index
    %swap3A_336 = tpu.vector_load %arg10[%swap3A_334, %swap3A_335] {strides = array<i32>} : memref<4x128xi32, #tpu.memory_space<vmem>>, vector<1x16xi32>,
    %swap3A_337 = vector.shape_cast %swap3A_336 : vector<1x16xi32> to vector<16xi32>
    %swap3A_338 = vector.shape_cast %add3A_332 : vector<16xi32> to vector<1x16xi32>
    tpu.vector_store %arg10[%swap3A_334, %swap3A_335], %swap3A_338 {strides = array<i32>} : memref<4x128xi32, #tpu.memory_space<vmem>>, vector<1x16xi32>,
    %get3A_339 = arith.constant 336 : index
    %get3A_340 = tpu.vector_load %arg8[%get3A_339] {strides = array<i32>} : memref<512xi32, #tpu.memory_space<vmem>>, vector<16xi32>,
    %get3A_341 = vector.shape_cast %get3A_340 : vector<16xi32> to vector<16xi32>
    %mul3A_342 = arith.constant 512 : i32
    %mul3A_343 = vector.broadcast %mul3A_342 : i32 to vector<16xi32>
    %mul3A_344 = arith.muli %get3A_341, %mul3A_343 : vector<16xi32>
    %get3A_345 = arith.constant 336 : index
    %get3A_346 = tpu.vector_load %arg7[%get3A_345] {strides = array<i32>} : memref<512xi32, #tpu.memory_space<vmem>>, vector<16xi32>,
    %get3A_347 = vector.shape_cast %get3A_346 : vector<16xi32> to vector<16xi32>
    %add3A_348 = arith.addi %mul3A_344, %get3A_347 : vector<16xi32>
    %swap3A_349 = arith.constant 2 : i32
    %swap3A_350 = arith.index_cast %swap3A_349 : i32 to index
    %swap3A_351 = arith.constant 80 : index
    %swap3A_352 = tpu.vector_load %arg10[%swap3A_350, %swap3A_351] {strides = array<i32>} : memref<4x128xi32, #tpu.memory_space<vmem>>, vector<1x16xi32>,
    %swap3A_353 = vector.shape_cast %swap3A_352 : vector<1x16xi32> to vector<16xi32>
    %swap3A_354 = vector.shape_cast %add3A_348 : vector<16xi32> to vector<1x16xi32>
    tpu.vector_store %arg10[%swap3A_350, %swap3A_351], %swap3A_354 {strides = array<i32>} : memref<4x128xi32, #tpu.memory_space<vmem>>, vector<1x16xi32>,
    %get3A_355 = arith.constant 352 : index
    %get3A_356 = tpu.vector_load %arg8[%get3A_355] {strides = array<i32>} : memref<512xi32, #tpu.memory_space<vmem>>, vector<16xi32>,
    %get3A_357 = vector.shape_cast %get3A_356 : vector<16xi32> to vector<16xi32>
    %mul3A_358 = arith.constant 512 : i32
    %mul3A_359 = vector.broadcast %mul3A_358 : i32 to vector<16xi32>
    %mul3A_360 = arith.muli %get3A_357, %mul3A_359 : vector<16xi32>
    %get3A_361 = arith.constant 352 : index
    %get3A_362 = tpu.vector_load %arg7[%get3A_361] {strides = array<i32>} : memref<512xi32, #tpu.memory_space<vmem>>, vector<16xi32>,
    %get3A_363 = vector.shape_cast %get3A_362 : vector<16xi32> to vector<16xi32>
    %add3A_364 = arith.addi %mul3A_360, %get3A_363 : vector<16xi32>
    %swap3A_365 = arith.constant 2 : i32
    %swap3A_366 = arith.index_cast %swap3A_365 : i32 to index
    %swap3A_367 = arith.constant 96 : index
    %swap3A_368 = tpu.vector_load %arg10[%swap3A_366, %swap3A_367] {strides = array<i32>} : memref<4x128xi32, #tpu.memory_space<vmem>>, vector<1x16xi32>,
    %swap3A_369 = vector.shape_cast %swap3A_368 : vector<1x16xi32> to vector<16xi32>
    %swap3A_370 = vector.shape_cast %add3A_364 : vector<16xi32> to vector<1x16xi32>
    tpu.vector_store %arg10[%swap3A_366, %swap3A_367], %swap3A_370 {strides = array<i32>} : memref<4x128xi32, #tpu.memory_space<vmem>>, vector<1x16xi32>,
    %get3A_371 = arith.constant 368 : index
    %get3A_372 = tpu.vector_load %arg8[%get3A_371] {strides = array<i32>} : memref<512xi32, #tpu.memory_space<vmem>>, vector<16xi32>,
    %get3A_373 = vector.shape_cast %get3A_372 : vector<16xi32> to vector<16xi32>
    %mul3A_374 = arith.constant 512 : i32
    %mul3A_375 = vector.broadcast %mul3A_374 : i32 to vector<16xi32>
    %mul3A_376 = arith.muli %get3A_373, %mul3A_375 : vector<16xi32>
    %get3A_377 = arith.constant 368 : index
    %get3A_378 = tpu.vector_load %arg7[%get3A_377] {strides = array<i32>} : memref<512xi32, #tpu.memory_space<vmem>>, vector<16xi32>,
    %get3A_379 = vector.shape_cast %get3A_378 : vector<16xi32> to vector<16xi32>
    %add3A_380 = arith.addi %mul3A_376, %get3A_379 : vector<16xi32>
    %swap3A_381 = arith.constant 2 : i32
    %swap3A_382 = arith.index_cast %swap3A_381 : i32 to index
    %swap3A_383 = arith.constant 112 : index
    %swap3A_384 = tpu.vector_load %arg10[%swap3A_382, %swap3A_383] {strides = array<i32>} : memref<4x128xi32, #tpu.memory_space<vmem>>, vector<1x16xi32>,
    %swap3A_385 = vector.shape_cast %swap3A_384 : vector<1x16xi32> to vector<16xi32>
    %swap3A_386 = vector.shape_cast %add3A_380 : vector<16xi32> to vector<1x16xi32>
    tpu.vector_store %arg10[%swap3A_382, %swap3A_383], %swap3A_386 {strides = array<i32>} : memref<4x128xi32, #tpu.memory_space<vmem>>, vector<1x16xi32>,
    %get3A_387 = arith.constant 384 : index
    %get3A_388 = tpu.vector_load %arg8[%get3A_387] {strides = array<i32>} : memref<512xi32, #tpu.memory_space<vmem>>, vector<16xi32>,
    %get3A_389 = vector.shape_cast %get3A_388 : vector<16xi32> to vector<16xi32>
    %mul3A_390 = arith.constant 512 : i32
    %mul3A_391 = vector.broadcast %mul3A_390 : i32 to vector<16xi32>
    %mul3A_392 = arith.muli %get3A_389, %mul3A_391 : vector<16xi32>
    %get3A_393 = arith.constant 384 : index
    %get3A_394 = tpu.vector_load %arg7[%get3A_393] {strides = array<i32>} : memref<512xi32, #tpu.memory_space<vmem>>, vector<16xi32>,
    %get3A_395 = vector.shape_cast %get3A_394 : vector<16xi32> to vector<16xi32>
    %add3A_396 = arith.addi %mul3A_392, %get3A_395 : vector<16xi32>
    %swap3A_397 = arith.constant 3 : i32
    %swap3A_398 = arith.index_cast %swap3A_397 : i32 to index
    %swap3A_399 = arith.constant 0 : index
    %swap3A_400 = tpu.vector_load %arg10[%swap3A_398, %swap3A_399] {strides = array<i32>} : memref<4x128xi32, #tpu.memory_space<vmem>>, vector<1x16xi32>,
    %swap3A_401 = vector.shape_cast %swap3A_400 : vector<1x16xi32> to vector<16xi32>
    %swap3A_402 = vector.shape_cast %add3A_396 : vector<16xi32> to vector<1x16xi32>
    tpu.vector_store %arg10[%swap3A_398, %swap3A_399], %swap3A_402 {strides = array<i32>} : memref<4x128xi32, #tpu.memory_space<vmem>>, vector<1x16xi32>,
    %get3A_403 = arith.constant 400 : index
    %get3A_404 = tpu.vector_load %arg8[%get3A_403] {strides = array<i32>} : memref<512xi32, #tpu.memory_space<vmem>>, vector<16xi32>,
    %get3A_405 = vector.shape_cast %get3A_404 : vector<16xi32> to vector<16xi32>
    %mul3A_406 = arith.constant 512 : i32
    %mul3A_407 = vector.broadcast %mul3A_406 : i32 to vector<16xi32>
    %mul3A_408 = arith.muli %get3A_405, %mul3A_407 : vector<16xi32>
    %get3A_409 = arith.constant 400 : index
    %get3A_410 = tpu.vector_load %arg7[%get3A_409] {strides = array<i32>} : memref<512xi32, #tpu.memory_space<vmem>>, vector<16xi32>,
    %get3A_411 = vector.shape_cast %get3A_410 : vector<16xi32> to vector<16xi32>
    %add3A_412 = arith.addi %mul3A_408, %get3A_411 : vector<16xi32>
    %swap3A_413 = arith.constant 3 : i32
    %swap3A_414 = arith.index_cast %swap3A_413 : i32 to index
    %swap3A_415 = arith.constant 16 : index
    %swap3A_416 = tpu.vector_load %arg10[%swap3A_414, %swap3A_415] {strides = array<i32>} : memref<4x128xi32, #tpu.memory_space<vmem>>, vector<1x16xi32>,
    %swap3A_417 = vector.shape_cast %swap3A_416 : vector<1x16xi32> to vector<16xi32>
    %swap3A_418 = vector.shape_cast %add3A_412 : vector<16xi32> to vector<1x16xi32>
    tpu.vector_store %arg10[%swap3A_414, %swap3A_415], %swap3A_418 {strides = array<i32>} : memref<4x128xi32, #tpu.memory_space<vmem>>, vector<1x16xi32>,
    %get3A_419 = arith.constant 416 : index
    %get3A_420 = tpu.vector_load %arg8[%get3A_419] {strides = array<i32>} : memref<512xi32, #tpu.memory_space<vmem>>, vector<16xi32>,
    %get3A_421 = vector.shape_cast %get3A_420 : vector<16xi32> to vector<16xi32>
    %mul3A_422 = arith.constant 512 : i32
    %mul3A_423 = vector.broadcast %mul3A_422 : i32 to vector<16xi32>
    %mul3A_424 = arith.muli %get3A_421, %mul3A_423 : vector<16xi32>
    %get3A_425 = arith.constant 416 : index
    %get3A_426 = tpu.vector_load %arg7[%get3A_425] {strides = array<i32>} : memref<512xi32, #tpu.memory_space<vmem>>, vector<16xi32>,
    %get3A_427 = vector.shape_cast %get3A_426 : vector<16xi32> to vector<16xi32>
    %add3A_428 = arith.addi %mul3A_424, %get3A_427 : vector<16xi32>
    %swap3A_429 = arith.constant 3 : i32
    %swap3A_430 = arith.index_cast %swap3A_429 : i32 to index
    %swap3A_431 = arith.constant 32 : index
    %swap3A_432 = tpu.vector_load %arg10[%swap3A_430, %swap3A_431] {strides = array<i32>} : memref<4x128xi32, #tpu.memory_space<vmem>>, vector<1x16xi32>,
    %swap3A_433 = vector.shape_cast %swap3A_432 : vector<1x16xi32> to vector<16xi32>
    %swap3A_434 = vector.shape_cast %add3A_428 : vector<16xi32> to vector<1x16xi32>
    tpu.vector_store %arg10[%swap3A_430, %swap3A_431], %swap3A_434 {strides = array<i32>} : memref<4x128xi32, #tpu.memory_space<vmem>>, vector<1x16xi32>,
    %get3A_435 = arith.constant 432 : index
    %get3A_436 = tpu.vector_load %arg8[%get3A_435] {strides = array<i32>} : memref<512xi32, #tpu.memory_space<vmem>>, vector<16xi32>,
    %get3A_437 = vector.shape_cast %get3A_436 : vector<16xi32> to vector<16xi32>
    %mul3A_438 = arith.constant 512 : i32
    %mul3A_439 = vector.broadcast %mul3A_438 : i32 to vector<16xi32>
    %mul3A_440 = arith.muli %get3A_437, %mul3A_439 : vector<16xi32>
    %get3A_441 = arith.constant 432 : index
    %get3A_442 = tpu.vector_load %arg7[%get3A_441] {strides = array<i32>} : memref<512xi32, #tpu.memory_space<vmem>>, vector<16xi32>,
    %get3A_443 = vector.shape_cast %get3A_442 : vector<16xi32> to vector<16xi32>
    %add3A_444 = arith.addi %mul3A_440, %get3A_443 : vector<16xi32>
    %swap3A_445 = arith.constant 3 : i32
    %swap3A_446 = arith.index_cast %swap3A_445 : i32 to index
    %swap3A_447 = arith.constant 48 : index
    %swap3A_448 = tpu.vector_load %arg10[%swap3A_446, %swap3A_447] {strides = array<i32>} : memref<4x128xi32, #tpu.memory_space<vmem>>, vector<1x16xi32>,
    %swap3A_449 = vector.shape_cast %swap3A_448 : vector<1x16xi32> to vector<16xi32>
    %swap3A_450 = vector.shape_cast %add3A_444 : vector<16xi32> to vector<1x16xi32>
    tpu.vector_store %arg10[%swap3A_446, %swap3A_447], %swap3A_450 {strides = array<i32>} : memref<4x128xi32, #tpu.memory_space<vmem>>, vector<1x16xi32>,
    %get3A_451 = arith.constant 448 : index
    %get3A_452 = tpu.vector_load %arg8[%get3A_451] {strides = array<i32>} : memref<512xi32, #tpu.memory_space<vmem>>, vector<16xi32>,
    %get3A_453 = vector.shape_cast %get3A_452 : vector<16xi32> to vector<16xi32>
    %mul3A_454 = arith.constant 512 : i32
    %mul3A_455 = vector.broadcast %mul3A_454 : i32 to vector<16xi32>
    %mul3A_456 = arith.muli %get3A_453, %mul3A_455 : vector<16xi32>
    %get3A_457 = arith.constant 448 : index
    %get3A_458 = tpu.vector_load %arg7[%get3A_457] {strides = array<i32>} : memref<512xi32, #tpu.memory_space<vmem>>, vector<16xi32>,
    %get3A_459 = vector.shape_cast %get3A_458 : vector<16xi32> to vector<16xi32>
    %add3A_460 = arith.addi %mul3A_456, %get3A_459 : vector<16xi32>
    %swap3A_461 = arith.constant 3 : i32
    %swap3A_462 = arith.index_cast %swap3A_461 : i32 to index
    %swap3A_463 = arith.constant 64 : index
    %swap3A_464 = tpu.vector_load %arg10[%swap3A_462, %swap3A_463] {strides = array<i32>} : memref<4x128xi32, #tpu.memory_space<vmem>>, vector<1x16xi32>,
    %swap3A_465 = vector.shape_cast %swap3A_464 : vector<1x16xi32> to vector<16xi32>
    %swap3A_466 = vector.shape_cast %add3A_460 : vector<16xi32> to vector<1x16xi32>
    tpu.vector_store %arg10[%swap3A_462, %swap3A_463], %swap3A_466 {strides = array<i32>} : memref<4x128xi32, #tpu.memory_space<vmem>>, vector<1x16xi32>,
    %get3A_467 = arith.constant 464 : index
    %get3A_468 = tpu.vector_load %arg8[%get3A_467] {strides = array<i32>} : memref<512xi32, #tpu.memory_space<vmem>>, vector<16xi32>,
    %get3A_469 = vector.shape_cast %get3A_468 : vector<16xi32> to vector<16xi32>
    %mul3A_470 = arith.constant 512 : i32
    %mul3A_471 = vector.broadcast %mul3A_470 : i32 to vector<16xi32>
    %mul3A_472 = arith.muli %get3A_469, %mul3A_471 : vector<16xi32>
    %get3A_473 = arith.constant 464 : index
    %get3A_474 = tpu.vector_load %arg7[%get3A_473] {strides = array<i32>} : memref<512xi32, #tpu.memory_space<vmem>>, vector<16xi32>,
    %get3A_475 = vector.shape_cast %get3A_474 : vector<16xi32> to vector<16xi32>
    %add3A_476 = arith.addi %mul3A_472, %get3A_475 : vector<16xi32>
    %swap3A_477 = arith.constant 3 : i32
    %swap3A_478 = arith.index_cast %swap3A_477 : i32 to index
    %swap3A_479 = arith.constant 80 : index
    %swap3A_480 = tpu.vector_load %arg10[%swap3A_478, %swap3A_479] {strides = array<i32>} : memref<4x128xi32, #tpu.memory_space<vmem>>, vector<1x16xi32>,
    %swap3A_481 = vector.shape_cast %swap3A_480 : vector<1x16xi32> to vector<16xi32>
    %swap3A_482 = vector.shape_cast %add3A_476 : vector<16xi32> to vector<1x16xi32>
    tpu.vector_store %arg10[%swap3A_478, %swap3A_479], %swap3A_482 {strides = array<i32>} : memref<4x128xi32, #tpu.memory_space<vmem>>, vector<1x16xi32>,
    %get3A_483 = arith.constant 480 : index
    %get3A_484 = tpu.vector_load %arg8[%get3A_483] {strides = array<i32>} : memref<512xi32, #tpu.memory_space<vmem>>, vector<16xi32>,
    %get3A_485 = vector.shape_cast %get3A_484 : vector<16xi32> to vector<16xi32>
    %mul3A_486 = arith.constant 512 : i32
    %mul3A_487 = vector.broadcast %mul3A_486 : i32 to vector<16xi32>
    %mul3A_488 = arith.muli %get3A_485, %mul3A_487 : vector<16xi32>
    %get3A_489 = arith.constant 480 : index
    %get3A_490 = tpu.vector_load %arg7[%get3A_489] {strides = array<i32>} : memref<512xi32, #tpu.memory_space<vmem>>, vector<16xi32>,
    %get3A_491 = vector.shape_cast %get3A_490 : vector<16xi32> to vector<16xi32>
    %add3A_492 = arith.addi %mul3A_488, %get3A_491 : vector<16xi32>
    %swap3A_493 = arith.constant 3 : i32
    %swap3A_494 = arith.index_cast %swap3A_493 : i32 to index
    %swap3A_495 = arith.constant 96 : index
    %swap3A_496 = tpu.vector_load %arg10[%swap3A_494, %swap3A_495] {strides = array<i32>} : memref<4x128xi32, #tpu.memory_space<vmem>>, vector<1x16xi32>,
    %swap3A_497 = vector.shape_cast %swap3A_496 : vector<1x16xi32> to vector<16xi32>
    %swap3A_498 = vector.shape_cast %add3A_492 : vector<16xi32> to vector<1x16xi32>
    tpu.vector_store %arg10[%swap3A_494, %swap3A_495], %swap3A_498 {strides = array<i32>} : memref<4x128xi32, #tpu.memory_space<vmem>>, vector<1x16xi32>,
    %get3A_499 = arith.constant 496 : index
    %get3A_500 = tpu.vector_load %arg8[%get3A_499] {strides = array<i32>} : memref<512xi32, #tpu.memory_space<vmem>>, vector<16xi32>,
    %get3A_501 = vector.shape_cast %get3A_500 : vector<16xi32> to vector<16xi32>
    %mul3A_502 = arith.constant 512 : i32
    %mul3A_503 = vector.broadcast %mul3A_502 : i32 to vector<16xi32>
    %mul3A_504 = arith.muli %get3A_501, %mul3A_503 : vector<16xi32>
    %get3A_505 = arith.constant 496 : index
    %get3A_506 = tpu.vector_load %arg7[%get3A_505] {strides = array<i32>} : memref<512xi32, #tpu.memory_space<vmem>>, vector<16xi32>,
    %get3A_507 = vector.shape_cast %get3A_506 : vector<16xi32> to vector<16xi32>
    %add3A_508 = arith.addi %mul3A_504, %get3A_507 : vector<16xi32>
    %swap3A_509 = arith.constant 3 : i32
    %swap3A_510 = arith.index_cast %swap3A_509 : i32 to index
    %swap3A_511 = arith.constant 112 : index
    %swap3A_512 = tpu.vector_load %arg10[%swap3A_510, %swap3A_511] {strides = array<i32>} : memref<4x128xi32, #tpu.memory_space<vmem>>, vector<1x16xi32>,
    %swap3A_513 = vector.shape_cast %swap3A_512 : vector<1x16xi32> to vector<16xi32>
    %swap3A_514 = vector.shape_cast %add3A_508 : vector<16xi32> to vector<1x16xi32>
    tpu.vector_store %arg10[%swap3A_510, %swap3A_511], %swap3A_514 {strides = array<i32>} : memref<4x128xi32, #tpu.memory_space<vmem>>, vector<1x16xi32>,
    %barrier3A = arith.constant 0 : index
    tpu.barrier barrier_id(%barrier3A)
    %run_scoped3A = arith.constant 0 : i32
    "tpu.region"() ({
      %run_scoped3A_524 = tpu.sem_alloc : memref<!tpu.dma_semaphore, #tpu.memory_space<semaphore_mem>>
      %dma_start3A = arith.constant 0 : i32
      %dma_start3A_525 = tpu.memref_slice %arg9[%dma_start3A] : memref<512xf32, #tpu.memory_space<vmem>> -> memref<128xf32, #tpu.memory_space<vmem>>
      %dma_start3A_526 = arith.constant 0 : i32
      %dma_start3A_527 = tpu.memref_slice %arg10[%run_scoped3A, %dma_start3A_526] : memref<4x128xi32, #tpu.memory_space<vmem>> -> memref<1x128xi32, #tpu.memory_space<vmem>>
      %dma_start3A_528 = tpu.memref_squeeze %dma_start3A_527 : memref<1x128xi32, #tpu.memory_space<vmem>> -> memref<128xi32, #tpu.memory_space<vmem>>
      %dma_start3A_529 = arith.constant 0 : i32
      %dma_start3A_530 = tpu.memref_slice %arg11[%dma_start3A_529] : memref<262144xf32, #tpu.memory_space<vmem_shared>> -> memref<262144xf32, #tpu.memory_space<vmem_shared>>
      tpu.enqueue_indirect_dma source(%dma_start3A_525 : memref<128xf32, #tpu.memory_space<vmem>>) target(%dma_start3A_530 : memref<262144xf32, #tpu.memory_space<vmem_shared>>) offsets(%dma_start3A_528 : memref<128xi32, #tpu.memory_space<vmem>>) semaphore(%run_scoped3A_524 : memref<!tpu.dma_semaphore, #tpu.memory_space<semaphore_mem>>) {add = true}
      %dma_wait3A = arith.constant 0 : i32
      %dma_wait3A_531 = tpu.memref_slice %arg9[%dma_wait3A] : memref<512xf32, #tpu.memory_space<vmem>> -> memref<128xf32, #tpu.memory_space<vmem>>
      %dma_wait3A_532 = arith.constant 0 : i32
      %dma_wait3A_533 = tpu.memref_slice %arg10[%run_scoped3A, %dma_wait3A_532] : memref<4x128xi32, #tpu.memory_space<vmem>> -> memref<1x128xi32, #tpu.memory_space<vmem>>
      %dma_wait3A_534 = tpu.memref_squeeze %dma_wait3A_533 : memref<1x128xi32, #tpu.memory_space<vmem>> -> memref<128xi32, #tpu.memory_space<vmem>>
      %dma_wait3A_535 = arith.constant 0 : i32
      %dma_wait3A_536 = tpu.memref_slice %arg11[%dma_wait3A_535] : memref<262144xf32, #tpu.memory_space<vmem_shared>> -> memref<262144xf32, #tpu.memory_space<vmem_shared>>
      tpu.wait_indirect_dma semaphore(%run_scoped3A_524 : memref<!tpu.dma_semaphore, #tpu.memory_space<semaphore_mem>>) src(%dma_wait3A_531 : memref<128xf32, #tpu.memory_space<vmem>>) dst(%dma_wait3A_536 : memref<262144xf32, #tpu.memory_space<vmem_shared>>)
      tpu.yield
    }) : () -> ()
    %run_scoped3A_515 = arith.constant 1 : i32
    "tpu.region"() ({
      %run_scoped3A_524 = tpu.sem_alloc : memref<!tpu.dma_semaphore, #tpu.memory_space<semaphore_mem>>
      %dma_start3A = arith.constant 128 : i32
      %dma_start3A_525 = tpu.memref_slice %arg9[%dma_start3A] : memref<512xf32, #tpu.memory_space<vmem>> -> memref<128xf32, #tpu.memory_space<vmem>>
      %dma_start3A_526 = arith.constant 0 : i32
      %dma_start3A_527 = tpu.memref_slice %arg10[%run_scoped3A_515, %dma_start3A_526] : memref<4x128xi32, #tpu.memory_space<vmem>> -> memref<1x128xi32, #tpu.memory_space<vmem>>
      %dma_start3A_528 = tpu.memref_squeeze %dma_start3A_527 : memref<1x128xi32, #tpu.memory_space<vmem>> -> memref<128xi32, #tpu.memory_space<vmem>>
      %dma_start3A_529 = arith.constant 0 : i32
      %dma_start3A_530 = tpu.memref_slice %arg11[%dma_start3A_529] : memref<262144xf32, #tpu.memory_space<vmem_shared>> -> memref<262144xf32, #tpu.memory_space<vmem_shared>>
      tpu.enqueue_indirect_dma source(%dma_start3A_525 : memref<128xf32, #tpu.memory_space<vmem>>) target(%dma_start3A_530 : memref<262144xf32, #tpu.memory_space<vmem_shared>>) offsets(%dma_start3A_528 : memref<128xi32, #tpu.memory_space<vmem>>) semaphore(%run_scoped3A_524 : memref<!tpu.dma_semaphore, #tpu.memory_space<semaphore_mem>>) {add = true}
      %dma_wait3A = arith.constant 128 : i32
      %dma_wait3A_531 = tpu.memref_slice %arg9[%dma_wait3A] : memref<512xf32, #tpu.memory_space<vmem>> -> memref<128xf32, #tpu.memory_space<vmem>>
      %dma_wait3A_532 = arith.constant 0 : i32
      %dma_wait3A_533 = tpu.memref_slice %arg10[%run_scoped3A_515, %dma_wait3A_532] : memref<4x128xi32, #tpu.memory_space<vmem>> -> memref<1x128xi32, #tpu.memory_space<vmem>>
      %dma_wait3A_534 = tpu.memref_squeeze %dma_wait3A_533 : memref<1x128xi32, #tpu.memory_space<vmem>> -> memref<128xi32, #tpu.memory_space<vmem>>
      %dma_wait3A_535 = arith.constant 0 : i32
      %dma_wait3A_536 = tpu.memref_slice %arg11[%dma_wait3A_535] : memref<262144xf32, #tpu.memory_space<vmem_shared>> -> memref<262144xf32, #tpu.memory_space<vmem_shared>>
      tpu.wait_indirect_dma semaphore(%run_scoped3A_524 : memref<!tpu.dma_semaphore, #tpu.memory_space<semaphore_mem>>) src(%dma_wait3A_531 : memref<128xf32, #tpu.memory_space<vmem>>) dst(%dma_wait3A_536 : memref<262144xf32, #tpu.memory_space<vmem_shared>>)
      tpu.yield
    }) : () -> ()
    %run_scoped3A_516 = arith.constant 2 : i32
    "tpu.region"() ({
      %run_scoped3A_524 = tpu.sem_alloc : memref<!tpu.dma_semaphore, #tpu.memory_space<semaphore_mem>>
      %dma_start3A = arith.constant 256 : i32
      %dma_start3A_525 = tpu.memref_slice %arg9[%dma_start3A] : memref<512xf32, #tpu.memory_space<vmem>> -> memref<128xf32, #tpu.memory_space<vmem>>
      %dma_start3A_526 = arith.constant 0 : i32
      %dma_start3A_527 = tpu.memref_slice %arg10[%run_scoped3A_516, %dma_start3A_526] : memref<4x128xi32, #tpu.memory_space<vmem>> -> memref<1x128xi32, #tpu.memory_space<vmem>>
      %dma_start3A_528 = tpu.memref_squeeze %dma_start3A_527 : memref<1x128xi32, #tpu.memory_space<vmem>> -> memref<128xi32, #tpu.memory_space<vmem>>
      %dma_start3A_529 = arith.constant 0 : i32
      %dma_start3A_530 = tpu.memref_slice %arg11[%dma_start3A_529] : memref<262144xf32, #tpu.memory_space<vmem_shared>> -> memref<262144xf32, #tpu.memory_space<vmem_shared>>
      tpu.enqueue_indirect_dma source(%dma_start3A_525 : memref<128xf32, #tpu.memory_space<vmem>>) target(%dma_start3A_530 : memref<262144xf32, #tpu.memory_space<vmem_shared>>) offsets(%dma_start3A_528 : memref<128xi32, #tpu.memory_space<vmem>>) semaphore(%run_scoped3A_524 : memref<!tpu.dma_semaphore, #tpu.memory_space<semaphore_mem>>) {add = true}
      %dma_wait3A = arith.constant 256 : i32
      %dma_wait3A_531 = tpu.memref_slice %arg9[%dma_wait3A] : memref<512xf32, #tpu.memory_space<vmem>> -> memref<128xf32, #tpu.memory_space<vmem>>
      %dma_wait3A_532 = arith.constant 0 : i32
      %dma_wait3A_533 = tpu.memref_slice %arg10[%run_scoped3A_516, %dma_wait3A_532] : memref<4x128xi32, #tpu.memory_space<vmem>> -> memref<1x128xi32, #tpu.memory_space<vmem>>
      %dma_wait3A_534 = tpu.memref_squeeze %dma_wait3A_533 : memref<1x128xi32, #tpu.memory_space<vmem>> -> memref<128xi32, #tpu.memory_space<vmem>>
      %dma_wait3A_535 = arith.constant 0 : i32
      %dma_wait3A_536 = tpu.memref_slice %arg11[%dma_wait3A_535] : memref<262144xf32, #tpu.memory_space<vmem_shared>> -> memref<262144xf32, #tpu.memory_space<vmem_shared>>
      tpu.wait_indirect_dma semaphore(%run_scoped3A_524 : memref<!tpu.dma_semaphore, #tpu.memory_space<semaphore_mem>>) src(%dma_wait3A_531 : memref<128xf32, #tpu.memory_space<vmem>>) dst(%dma_wait3A_536 : memref<262144xf32, #tpu.memory_space<vmem_shared>>)
      tpu.yield
    }) : () -> ()
    %run_scoped3A_517 = arith.constant 3 : i32
    "tpu.region"() ({
      %run_scoped3A_524 = tpu.sem_alloc : memref<!tpu.dma_semaphore, #tpu.memory_space<semaphore_mem>>
      %dma_start3A = arith.constant 384 : i32
      %dma_start3A_525 = tpu.memref_slice %arg9[%dma_start3A] : memref<512xf32, #tpu.memory_space<vmem>> -> memref<128xf32, #tpu.memory_space<vmem>>
      %dma_start3A_526 = arith.constant 0 : i32
      %dma_start3A_527 = tpu.memref_slice %arg10[%run_scoped3A_517, %dma_start3A_526] : memref<4x128xi32, #tpu.memory_space<vmem>> -> memref<1x128xi32, #tpu.memory_space<vmem>>
      %dma_start3A_528 = tpu.memref_squeeze %dma_start3A_527 : memref<1x128xi32, #tpu.memory_space<vmem>> -> memref<128xi32, #tpu.memory_space<vmem>>
      %dma_start3A_529 = arith.constant 0 : i32
      %dma_start3A_530 = tpu.memref_slice %arg11[%dma_start3A_529] : memref<262144xf32, #tpu.memory_space<vmem_shared>> -> memref<262144xf32, #tpu.memory_space<vmem_shared>>
      tpu.enqueue_indirect_dma source(%dma_start3A_525 : memref<128xf32, #tpu.memory_space<vmem>>) target(%dma_start3A_530 : memref<262144xf32, #tpu.memory_space<vmem_shared>>) offsets(%dma_start3A_528 : memref<128xi32, #tpu.memory_space<vmem>>) semaphore(%run_scoped3A_524 : memref<!tpu.dma_semaphore, #tpu.memory_space<semaphore_mem>>) {add = true}
      %dma_wait3A = arith.constant 384 : i32
      %dma_wait3A_531 = tpu.memref_slice %arg9[%dma_wait3A] : memref<512xf32, #tpu.memory_space<vmem>> -> memref<128xf32, #tpu.memory_space<vmem>>
      %dma_wait3A_532 = arith.constant 0 : i32
      %dma_wait3A_533 = tpu.memref_slice %arg10[%run_scoped3A_517, %dma_wait3A_532] : memref<4x128xi32, #tpu.memory_space<vmem>> -> memref<1x128xi32, #tpu.memory_space<vmem>>
      %dma_wait3A_534 = tpu.memref_squeeze %dma_wait3A_533 : memref<1x128xi32, #tpu.memory_space<vmem>> -> memref<128xi32, #tpu.memory_space<vmem>>
      %dma_wait3A_535 = arith.constant 0 : i32
      %dma_wait3A_536 = tpu.memref_slice %arg11[%dma_wait3A_535] : memref<262144xf32, #tpu.memory_space<vmem_shared>> -> memref<262144xf32, #tpu.memory_space<vmem_shared>>
      tpu.wait_indirect_dma semaphore(%run_scoped3A_524 : memref<!tpu.dma_semaphore, #tpu.memory_space<semaphore_mem>>) src(%dma_wait3A_531 : memref<128xf32, #tpu.memory_space<vmem>>) dst(%dma_wait3A_536 : memref<262144xf32, #tpu.memory_space<vmem_shared>>)
      tpu.yield
    }) : () -> ()
    %barrier3A_518 = arith.constant 0 : index
    tpu.barrier barrier_id(%barrier3A_518)
    %mul3A_519 = arith.constant 262144 : i32
    %mul3A_520 = arith.muli %arg0, %mul3A_519 : i32
    %mul3A_521 = arith.constant 16384 : i32
    %mul3A_522 = arith.muli %arg1, %mul3A_521 : i32
    %add3A_523 = arith.addi %mul3A_520, %mul3A_522 : i32
    "tpu.region"() ({
      %run_scoped3A_524 = tpu.sem_alloc : memref<!tpu.dma_semaphore, #tpu.memory_space<semaphore_mem>>
      %dma_start3A = tpu.memref_slice %arg6[%add3A_523] : memref<524288xf32, #tpu.memory_space<hbm>> -> memref<16384xf32, #tpu.memory_space<hbm>>
      %dma_start3A_525 = tpu.memref_slice %arg11[%mul3A_2] : memref<262144xf32, #tpu.memory_space<vmem_shared>> -> memref<16384xf32, #tpu.memory_space<vmem_shared>>
      tpu.enqueue_dma source(%dma_start3A_525 : memref<16384xf32, #tpu.memory_space<vmem_shared>>) target(%dma_start3A : memref<16384xf32, #tpu.memory_space<hbm>>) target_semaphore(%run_scoped3A_524 : memref<!tpu.dma_semaphore, #tpu.memory_space<semaphore_mem>>)
      %dma_wait3A = tpu.memref_slice %arg6[%add3A_523] : memref<524288xf32, #tpu.memory_space<hbm>> -> memref<16384xf32, #tpu.memory_space<hbm>>
      %dma_wait3A_526 = tpu.memref_slice %arg11[%mul3A_2] : memref<262144xf32, #tpu.memory_space<vmem_shared>> -> memref<16384xf32, #tpu.memory_space<vmem_shared>>
      tpu.wait_dma2 semaphore(%run_scoped3A_524 : memref<!tpu.dma_semaphore, #tpu.memory_space<semaphore_mem>>) src(%dma_wait3A_526 : memref<16384xf32, #tpu.memory_space<vmem_shared>>) dst(%dma_wait3A : memref<16384xf32, #tpu.memory_space<hbm>>)
      tpu.yield
    }) : () -> ()
    return
  }
}

module attributes {stable_mosaic.version = 14 : i64} {
  func.func @_fused_body(%arg0: i32, %arg1: i32, %arg2: memref<2x512x512xf32, #tpu.memory_space<vmem>>, %arg3: memref<2x8x512x64xf32, #tpu.memory_space<vmem>>, %arg4: memref<2x192x192xbf16, #tpu.memory_space<vmem>>, %arg5: memref<2x192x128xbf16, #tpu.memory_space<vmem>>, %arg6: memref<2x192x64xbf16, #tpu.memory_space<vmem>>, %arg7: memref<2x192xf32, #tpu.memory_space<vmem>>, %arg8: memref<64x128xf32, #tpu.memory_space<vmem>>, %arg9: memref<64x1xf32, #tpu.memory_space<vmem>>, %arg10: memref<64x1xf32, #tpu.memory_space<vmem>>, %arg11: memref<1x1xf32, #tpu.memory_space<vmem>>, %arg12: memref<1x256x512xf32, #tpu.memory_space<vmem>>, %arg13: memref<2x512x64xf32, #tpu.memory_space<vmem>>) attributes {dimension_semantics = [#tpu.dimension_semantics<arbitrary>, #tpu.dimension_semantics<arbitrary>], iteration_bounds = array<i64: 2, 2>, scalar_prefetch = 0 : i64, scratch_operands = 1 : i64, tpu.core_type = #tpu.core_type<tc>, window_params = [{pipeline_mode = #tpu.pipeline_mode<synchronous>, transform_indices = @transform_0, window_bounds = array<i64: 2, 512, 512>}, {pipeline_mode = #tpu.pipeline_mode<synchronous>, transform_indices = @transform_1, window_bounds = array<i64: 2, 8, 512, 64>}, {pipeline_mode = #tpu.pipeline_mode<synchronous>, transform_indices = @transform_2, window_bounds = array<i64: 2, 192, 192>}, {pipeline_mode = #tpu.pipeline_mode<synchronous>, transform_indices = @transform_3, window_bounds = array<i64: 2, 192, 128>}, {pipeline_mode = #tpu.pipeline_mode<synchronous>, transform_indices = @transform_4, window_bounds = array<i64: 2, 192, 64>}, {pipeline_mode = #tpu.pipeline_mode<synchronous>, transform_indices = @transform_5, window_bounds = array<i64: 2, 192>}, {pipeline_mode = #tpu.pipeline_mode<synchronous>, transform_indices = @transform_6, window_bounds = array<i64: 64, 128>}, {pipeline_mode = #tpu.pipeline_mode<synchronous>, transform_indices = @transform_7, window_bounds = array<i64: 64, 1>}, {pipeline_mode = #tpu.pipeline_mode<synchronous>, transform_indices = @transform_8, window_bounds = array<i64: 64, 1>}, {pipeline_mode = #tpu.pipeline_mode<synchronous>, transform_indices = @transform_9, window_bounds = array<i64: 1, 1>}, {transform_indices = @transform_10, window_bounds = array<i64: 1, 256, 512>}]} {
    %eq3A = arith.constant 0 : i32
    %eq3A_0 = arith.cmpi eq, %arg0, %eq3A : i32
    %eq3A_1 = arith.constant 0 : i32
    %eq3A_2 = arith.cmpi eq, %arg1, %eq3A_1 : i32
    %and3A = arith.andi %eq3A_0, %eq3A_2 : i1
    %convert_element_type3A = arith.extui %and3A : i1 to i32
    %cond3A = arith.constant 0 : i32
    %cond3A_3 = arith.cmpi ne, %convert_element_type3A, %cond3A : i32
    scf.if %cond3A_3 {
      %get3A_56 = arith.constant 0 : index
      %get3A_57 = arith.constant 0 : index
      %get3A_58 = arith.constant 0 : index
      %get3A_59 = vector.load %arg2[%get3A_56, %get3A_57, %get3A_58] : memref<2x512x512xf32, #tpu.memory_space<vmem>>, vector<1x512x512xf32>
      %get3A_60 = vector.shape_cast %get3A_59 : vector<1x512x512xf32> to vector<512x512xf32>
      %get3A_61 = arith.constant 1 : index
      %get3A_62 = arith.constant 0 : index
      %get3A_63 = arith.constant 0 : index
      %get3A_64 = vector.load %arg2[%get3A_61, %get3A_62, %get3A_63] : memref<2x512x512xf32, #tpu.memory_space<vmem>>, vector<1x512x512xf32>
      %get3A_65 = vector.shape_cast %get3A_64 : vector<1x512x512xf32> to vector<512x512xf32>
      %add3A_66 = arith.addf %get3A_60, %get3A_65 : vector<512x512xf32>
      %reduce_sum3A_67 = arith.constant dense<0.000000e+00> : vector<512xf32>
      %reduce_sum3A_68 = vector.multi_reduction <add>, %add3A_66, %reduce_sum3A_67 [0] : vector<512x512xf32> to vector<512xf32>
      %gt3A = arith.constant 0.000000e+00 : f32
      %gt3A_69 = vector.broadcast %gt3A : f32 to vector<512xf32>
      %gt3A_70 = arith.cmpf ogt, %reduce_sum3A_68, %gt3A_69 : vector<512xf32>
      %jit3A = arith.constant 1.000000e+00 : f32
      %broadcast_in_dim3A_71 = vector.broadcast %jit3A : f32 to vector<512xf32>
      %select_n3A = arith.select %gt3A_70, %reduce_sum3A_68, %broadcast_in_dim3A_71 : vector<512xi1>, vector<512xf32>
      %gt3A_72 = arith.constant 0.000000e+00 : f32
      %gt3A_73 = vector.broadcast %gt3A_72 : f32 to vector<512xf32>
      %gt3A_74 = arith.cmpf ogt, %reduce_sum3A_68, %gt3A_73 : vector<512xf32>
      %rsqrt3A = math.rsqrt %select_n3A : vector<512xf32>
      %jit3A_75 = arith.constant 0.000000e+00 : f32
      %broadcast_in_dim3A_76 = vector.broadcast %jit3A_75 : f32 to vector<512xf32>
      %select_n3A_77 = arith.select %gt3A_74, %rsqrt3A, %broadcast_in_dim3A_76 : vector<512xi1>, vector<512xf32>
      %broadcast_in_dim3A_78 = vector.shape_cast %select_n3A_77 : vector<512xf32> to vector<512x1xf32>
      %mul3A_79 = vector.broadcast %broadcast_in_dim3A_78 : vector<512x1xf32> to vector<512x512xf32>
      %mul3A_80 = arith.mulf %mul3A_79, %add3A_66 : vector<512x512xf32>
      %broadcast_in_dim3A_81 = vector.shape_cast %select_n3A_77 : vector<512xf32> to vector<1x512xf32>
      %mul3A_82 = vector.broadcast %broadcast_in_dim3A_81 : vector<1x512xf32> to vector<512x512xf32>
      %mul3A_83 = arith.mulf %mul3A_80, %mul3A_82 : vector<512x512xf32>
      %neg3A = arith.constant 0.000000e+00 : f32
      %neg3A_84 = vector.broadcast %neg3A : f32 to vector<512x512xf32>
      %neg3A_85 = arith.subf %neg3A_84, %mul3A_83 : vector<512x512xf32>
      %convert_element_type3A_86 = arith.truncf %neg3A_85 : vector<512x512xf32> to vector<512x512xbf16>
      %dot_general3A_87 = arith.constant dense<0.000000e+00> : vector<512x512xf32>
      %dot_general3A_88 = tpu.matmul %convert_element_type3A_86, %convert_element_type3A_86, %dot_general3A_87 {dimension_numbers = #tpu.dot_dimension_numbers<[1], [0], [0], [1], [0, 0, 1, 1], [], []>, transpose_lhs_hint = false} : vector<512x512xbf16>, vector<512x512xbf16>, vector<512x512xf32> -> vector<512x512xf32>
      %iota3A = tpu.iota {dimensions = array<i32: 0>} : vector<512x512xi32>
      %iota3A_89 = tpu.iota {dimensions = array<i32: 1>} : vector<512x512xi32>
      %eq3A_90 = arith.cmpi eq, %iota3A, %iota3A_89 : vector<512x512xi32>
      %jit3A_91 = arith.constant 1.000000e+00 : f32
      %jit3A_92 = arith.constant 0.000000e+00 : f32
      %broadcast_in_dim3A_93 = vector.broadcast %jit3A_91 : f32 to vector<512x512xf32>
      %broadcast_in_dim3A_94 = vector.broadcast %jit3A_92 : f32 to vector<512x512xf32>
      %select_n3A_95 = arith.select %eq3A_90, %broadcast_in_dim3A_93, %broadcast_in_dim3A_94 : vector<512x512xi1>, vector<512x512xf32>
      %mul3A_96 = arith.constant 2.000000e+00 : f32
      %mul3A_97 = vector.broadcast %mul3A_96 : f32 to vector<512x512xf32>
      %mul3A_98 = arith.mulf %mul3A_97, %dot_general3A_88 : vector<512x512xf32>
      %sub3A = arith.subf %mul3A_98, %select_n3A_95 : vector<512x512xf32>
      %convert_element_type3A_99 = arith.truncf %sub3A : vector<512x512xf32> to vector<512x512xbf16>
      %concatenate3A = tpu.concatenate %convert_element_type3A_86, %convert_element_type3A_99 in 0 : vector<512x512xbf16>, vector<512x512xbf16> -> vector<1024x512xbf16>
      %get3A_100 = arith.constant 0 : index
      %get3A_101 = arith.constant 0 : index
      %get3A_102 = arith.constant 0 : index
      %get3A_103 = arith.constant 0 : index
      %get3A_104 = vector.load %arg3[%get3A_100, %get3A_101, %get3A_102, %get3A_103] : memref<2x8x512x64xf32, #tpu.memory_space<vmem>>, vector<1x1x512x64xf32>
      %get3A_105 = vector.shape_cast %get3A_104 : vector<1x1x512x64xf32> to vector<512x64xf32>
      %get3A_106 = arith.constant 1 : index
      %get3A_107 = arith.constant 0 : index
      %get3A_108 = arith.constant 0 : index
      %get3A_109 = arith.constant 0 : index
      %get3A_110 = vector.load %arg3[%get3A_106, %get3A_107, %get3A_108, %get3A_109] : memref<2x8x512x64xf32, #tpu.memory_space<vmem>>, vector<1x1x512x64xf32>
      %get3A_111 = vector.shape_cast %get3A_110 : vector<1x1x512x64xf32> to vector<512x64xf32>
      %get3A_112 = arith.constant 0 : index
      %get3A_113 = arith.constant 1 : index
      %get3A_114 = arith.constant 0 : index
      %get3A_115 = arith.constant 0 : index
      %get3A_116 = vector.load %arg3[%get3A_112, %get3A_113, %get3A_114, %get3A_115] : memref<2x8x512x64xf32, #tpu.memory_space<vmem>>, vector<1x1x512x64xf32>
      %get3A_117 = vector.shape_cast %get3A_116 : vector<1x1x512x64xf32> to vector<512x64xf32>
      %get3A_118 = arith.constant 1 : index
      %get3A_119 = arith.constant 1 : index
      %get3A_120 = arith.constant 0 : index
      %get3A_121 = arith.constant 0 : index
      %get3A_122 = vector.load %arg3[%get3A_118, %get3A_119, %get3A_120, %get3A_121] : memref<2x8x512x64xf32, #tpu.memory_space<vmem>>, vector<1x1x512x64xf32>
      %get3A_123 = vector.shape_cast %get3A_122 : vector<1x1x512x64xf32> to vector<512x64xf32>
      %get3A_124 = arith.constant 0 : index
      %get3A_125 = arith.constant 2 : index
      %get3A_126 = arith.constant 0 : index
      %get3A_127 = arith.constant 0 : index
      %get3A_128 = vector.load %arg3[%get3A_124, %get3A_125, %get3A_126, %get3A_127] : memref<2x8x512x64xf32, #tpu.memory_space<vmem>>, vector<1x1x512x64xf32>
      %get3A_129 = vector.shape_cast %get3A_128 : vector<1x1x512x64xf32> to vector<512x64xf32>
      %get3A_130 = arith.constant 1 : index
      %get3A_131 = arith.constant 2 : index
      %get3A_132 = arith.constant 0 : index
      %get3A_133 = arith.constant 0 : index
      %get3A_134 = vector.load %arg3[%get3A_130, %get3A_131, %get3A_132, %get3A_133] : memref<2x8x512x64xf32, #tpu.memory_space<vmem>>, vector<1x1x512x64xf32>
      %get3A_135 = vector.shape_cast %get3A_134 : vector<1x1x512x64xf32> to vector<512x64xf32>
      %get3A_136 = arith.constant 0 : index
      %get3A_137 = arith.constant 3 : index
      %get3A_138 = arith.constant 0 : index
      %get3A_139 = arith.constant 0 : index
      %get3A_140 = vector.load %arg3[%get3A_136, %get3A_137, %get3A_138, %get3A_139] : memref<2x8x512x64xf32, #tpu.memory_space<vmem>>, vector<1x1x512x64xf32>
      %get3A_141 = vector.shape_cast %get3A_140 : vector<1x1x512x64xf32> to vector<512x64xf32>
      %get3A_142 = arith.constant 1 : index
      %get3A_143 = arith.constant 3 : index
      %get3A_144 = arith.constant 0 : index
      %get3A_145 = arith.constant 0 : index
      %get3A_146 = vector.load %arg3[%get3A_142, %get3A_143, %get3A_144, %get3A_145] : memref<2x8x512x64xf32, #tpu.memory_space<vmem>>, vector<1x1x512x64xf32>
      %get3A_147 = vector.shape_cast %get3A_146 : vector<1x1x512x64xf32> to vector<512x64xf32>
      %get3A_148 = arith.constant 0 : index
      %get3A_149 = arith.constant 4 : index
      %get3A_150 = arith.constant 0 : index
      %get3A_151 = arith.constant 0 : index
      %get3A_152 = vector.load %arg3[%get3A_148, %get3A_149, %get3A_150, %get3A_151] : memref<2x8x512x64xf32, #tpu.memory_space<vmem>>, vector<1x1x512x64xf32>
      %get3A_153 = vector.shape_cast %get3A_152 : vector<1x1x512x64xf32> to vector<512x64xf32>
      %get3A_154 = arith.constant 1 : index
      %get3A_155 = arith.constant 4 : index
      %get3A_156 = arith.constant 0 : index
      %get3A_157 = arith.constant 0 : index
      %get3A_158 = vector.load %arg3[%get3A_154, %get3A_155, %get3A_156, %get3A_157] : memref<2x8x512x64xf32, #tpu.memory_space<vmem>>, vector<1x1x512x64xf32>
      %get3A_159 = vector.shape_cast %get3A_158 : vector<1x1x512x64xf32> to vector<512x64xf32>
      %get3A_160 = arith.constant 0 : index
      %get3A_161 = arith.constant 5 : index
      %get3A_162 = arith.constant 0 : index
      %get3A_163 = arith.constant 0 : index
      %get3A_164 = vector.load %arg3[%get3A_160, %get3A_161, %get3A_162, %get3A_163] : memref<2x8x512x64xf32, #tpu.memory_space<vmem>>, vector<1x1x512x64xf32>
      %get3A_165 = vector.shape_cast %get3A_164 : vector<1x1x512x64xf32> to vector<512x64xf32>
      %get3A_166 = arith.constant 1 : index
      %get3A_167 = arith.constant 5 : index
      %get3A_168 = arith.constant 0 : index
      %get3A_169 = arith.constant 0 : index
      %get3A_170 = vector.load %arg3[%get3A_166, %get3A_167, %get3A_168, %get3A_169] : memref<2x8x512x64xf32, #tpu.memory_space<vmem>>, vector<1x1x512x64xf32>
      %get3A_171 = vector.shape_cast %get3A_170 : vector<1x1x512x64xf32> to vector<512x64xf32>
      %get3A_172 = arith.constant 0 : index
      %get3A_173 = arith.constant 6 : index
      %get3A_174 = arith.constant 0 : index
      %get3A_175 = arith.constant 0 : index
      %get3A_176 = vector.load %arg3[%get3A_172, %get3A_173, %get3A_174, %get3A_175] : memref<2x8x512x64xf32, #tpu.memory_space<vmem>>, vector<1x1x512x64xf32>
      %get3A_177 = vector.shape_cast %get3A_176 : vector<1x1x512x64xf32> to vector<512x64xf32>
      %get3A_178 = arith.constant 1 : index
      %get3A_179 = arith.constant 6 : index
      %get3A_180 = arith.constant 0 : index
      %get3A_181 = arith.constant 0 : index
      %get3A_182 = vector.load %arg3[%get3A_178, %get3A_179, %get3A_180, %get3A_181] : memref<2x8x512x64xf32, #tpu.memory_space<vmem>>, vector<1x1x512x64xf32>
      %get3A_183 = vector.shape_cast %get3A_182 : vector<1x1x512x64xf32> to vector<512x64xf32>
      %get3A_184 = arith.constant 0 : index
      %get3A_185 = arith.constant 7 : index
      %get3A_186 = arith.constant 0 : index
      %get3A_187 = arith.constant 0 : index
      %get3A_188 = vector.load %arg3[%get3A_184, %get3A_185, %get3A_186, %get3A_187] : memref<2x8x512x64xf32, #tpu.memory_space<vmem>>, vector<1x1x512x64xf32>
      %get3A_189 = vector.shape_cast %get3A_188 : vector<1x1x512x64xf32> to vector<512x64xf32>
      %get3A_190 = arith.constant 1 : index
      %get3A_191 = arith.constant 7 : index
      %get3A_192 = arith.constant 0 : index
      %get3A_193 = arith.constant 0 : index
      %get3A_194 = vector.load %arg3[%get3A_190, %get3A_191, %get3A_192, %get3A_193] : memref<2x8x512x64xf32, #tpu.memory_space<vmem>>, vector<1x1x512x64xf32>
      %get3A_195 = vector.shape_cast %get3A_194 : vector<1x1x512x64xf32> to vector<512x64xf32>
      %concatenate3A_196 = tpu.concatenate %get3A_105, %get3A_111, %get3A_117, %get3A_123, %get3A_129, %get3A_135, %get3A_141, %get3A_147, %get3A_153, %get3A_159, %get3A_165, %get3A_171, %get3A_177, %get3A_183, %get3A_189, %get3A_195 in 1 : vector<512x64xf32>, vector<512x64xf32>, vector<512x64xf32>, vector<512x64xf32>, vector<512x64xf32>, vector<512x64xf32>, vector<512x64xf32>, vector<512x64xf32>, vector<512x64xf32>, vector<512x64xf32>, vector<512x64xf32>, vector<512x64xf32>, vector<512x64xf32>, vector<512x64xf32>, vector<512x64xf32>, vector<512x64xf32> -> vector<512x1024xf32>
      %convert_element_type3A_197 = arith.truncf %concatenate3A_196 : vector<512x1024xf32> to vector<512x1024xbf16>
      %dot_general3A_198 = arith.constant dense<0.000000e+00> : vector<512x1024xf32>
      %dot_general3A_199 = tpu.matmul %convert_element_type3A_86, %convert_element_type3A_197, %dot_general3A_198 {dimension_numbers = #tpu.dot_dimension_numbers<[1], [0], [0], [1], [0, 0, 1, 1], [], []>, transpose_lhs_hint = false} : vector<512x512xbf16>, vector<512x1024xbf16>, vector<512x1024xf32> -> vector<512x1024xf32>
      %convert_element_type3A_200 = arith.truncf %dot_general3A_199 : vector<512x1024xf32> to vector<512x1024xbf16>
      %dot_general3A_201 = arith.constant dense<0.000000e+00> : vector<512x1024xf32>
      %dot_general3A_202 = tpu.matmul %convert_element_type3A_86, %convert_element_type3A_200, %dot_general3A_201 {dimension_numbers = #tpu.dot_dimension_numbers<[1], [0], [0], [1], [0, 0, 1, 1], [], []>, transpose_lhs_hint = false} : vector<512x512xbf16>, vector<512x1024xbf16>, vector<512x1024xf32> -> vector<512x1024xf32>
      %mul3A_203 = arith.constant 2.000000e+00 : f32
      %mul3A_204 = vector.broadcast %mul3A_203 : f32 to vector<512x1024xf32>
      %mul3A_205 = arith.mulf %mul3A_204, %dot_general3A_202 : vector<512x1024xf32>
      %sub3A_206 = arith.subf %mul3A_205, %concatenate3A_196 : vector<512x1024xf32>
      %get3A_207 = arith.constant 0 : index
      %get3A_208 = arith.constant 0 : index
      %get3A_209 = vector.load %arg7[%get3A_207, %get3A_208] : memref<2x192xf32, #tpu.memory_space<vmem>>, vector<2x192xf32>
      %slice3A_210 = vector.extract_strided_slice %concatenate3A_196 {offsets = [0, 0], sizes = [512, 128], strides = [1, 1]} : vector<512x1024xf32> to vector<512x128xf32>
      %slice3A_211 = vector.extract_strided_slice %dot_general3A_199 {offsets = [0, 0], sizes = [512, 128], strides = [1, 1]} : vector<512x1024xf32> to vector<512x128xf32>
      %slice3A_212 = vector.extract_strided_slice %sub3A_206 {offsets = [0, 0], sizes = [512, 128], strides = [1, 1]} : vector<512x1024xf32> to vector<512x128xf32>
      %slice3A_213 = vector.extract_strided_slice %slice3A_210 {offsets = [0, 0], sizes = [512, 64], strides = [1, 1]} : vector<512x128xf32> to vector<512x64xf32>
      %slice3A_214 = vector.extract_strided_slice %slice3A_211 {offsets = [0, 0], sizes = [512, 64], strides = [1, 1]} : vector<512x128xf32> to vector<512x64xf32>
      %slice3A_215 = vector.extract_strided_slice %slice3A_212 {offsets = [0, 0], sizes = [512, 64], strides = [1, 1]} : vector<512x128xf32> to vector<512x64xf32>
      %concatenate3A_216 = tpu.concatenate %slice3A_213, %slice3A_214, %slice3A_215 in 1 : vector<512x64xf32>, vector<512x64xf32>, vector<512x64xf32> -> vector<512x192xf32>
      %slice3A_217 = vector.extract_strided_slice %slice3A_210 {offsets = [0, 64], sizes = [512, 64], strides = [1, 1]} : vector<512x128xf32> to vector<512x64xf32>
      %slice3A_218 = vector.extract_strided_slice %slice3A_211 {offsets = [0, 64], sizes = [512, 64], strides = [1, 1]} : vector<512x128xf32> to vector<512x64xf32>
      %slice3A_219 = vector.extract_strided_slice %slice3A_212 {offsets = [0, 64], sizes = [512, 64], strides = [1, 1]} : vector<512x128xf32> to vector<512x64xf32>
      %concatenate3A_220 = tpu.concatenate %slice3A_217, %slice3A_218, %slice3A_219 in 1 : vector<512x64xf32>, vector<512x64xf32>, vector<512x64xf32> -> vector<512x192xf32>
      %concatenate3A_221 = tpu.concatenate %concatenate3A_216, %concatenate3A_220 in 0 : vector<512x192xf32>, vector<512x192xf32> -> vector<1024x192xf32>
      %convert_element_type3A_222 = arith.truncf %concatenate3A_221 : vector<1024x192xf32> to vector<1024x192xbf16>
      %slice3A_223 = vector.extract_strided_slice %concatenate3A_196 {offsets = [0, 128], sizes = [512, 128], strides = [1, 1]} : vector<512x1024xf32> to vector<512x128xf32>
      %slice3A_224 = vector.extract_strided_slice %dot_general3A_199 {offsets = [0, 128], sizes = [512, 128], strides = [1, 1]} : vector<512x1024xf32> to vector<512x128xf32>
      %slice3A_225 = vector.extract_strided_slice %sub3A_206 {offsets = [0, 128], sizes = [512, 128], strides = [1, 1]} : vector<512x1024xf32> to vector<512x128xf32>
      %slice3A_226 = vector.extract_strided_slice %slice3A_223 {offsets = [0, 0], sizes = [512, 64], strides = [1, 1]} : vector<512x128xf32> to vector<512x64xf32>
      %slice3A_227 = vector.extract_strided_slice %slice3A_224 {offsets = [0, 0], sizes = [512, 64], strides = [1, 1]} : vector<512x128xf32> to vector<512x64xf32>
      %slice3A_228 = vector.extract_strided_slice %slice3A_225 {offsets = [0, 0], sizes = [512, 64], strides = [1, 1]} : vector<512x128xf32> to vector<512x64xf32>
      %concatenate3A_229 = tpu.concatenate %slice3A_226, %slice3A_227, %slice3A_228 in 1 : vector<512x64xf32>, vector<512x64xf32>, vector<512x64xf32> -> vector<512x192xf32>
      %slice3A_230 = vector.extract_strided_slice %slice3A_223 {offsets = [0, 64], sizes = [512, 64], strides = [1, 1]} : vector<512x128xf32> to vector<512x64xf32>
      %slice3A_231 = vector.extract_strided_slice %slice3A_224 {offsets = [0, 64], sizes = [512, 64], strides = [1, 1]} : vector<512x128xf32> to vector<512x64xf32>
      %slice3A_232 = vector.extract_strided_slice %slice3A_225 {offsets = [0, 64], sizes = [512, 64], strides = [1, 1]} : vector<512x128xf32> to vector<512x64xf32>
      %concatenate3A_233 = tpu.concatenate %slice3A_230, %slice3A_231, %slice3A_232 in 1 : vector<512x64xf32>, vector<512x64xf32>, vector<512x64xf32> -> vector<512x192xf32>
      %concatenate3A_234 = tpu.concatenate %concatenate3A_229, %concatenate3A_233 in 0 : vector<512x192xf32>, vector<512x192xf32> -> vector<1024x192xf32>
      %convert_element_type3A_235 = arith.truncf %concatenate3A_234 : vector<1024x192xf32> to vector<1024x192xbf16>
      %slice3A_236 = vector.extract_strided_slice %concatenate3A_196 {offsets = [0, 256], sizes = [512, 128], strides = [1, 1]} : vector<512x1024xf32> to vector<512x128xf32>
      %slice3A_237 = vector.extract_strided_slice %dot_general3A_199 {offsets = [0, 256], sizes = [512, 128], strides = [1, 1]} : vector<512x1024xf32> to vector<512x128xf32>
      %slice3A_238 = vector.extract_strided_slice %sub3A_206 {offsets = [0, 256], sizes = [512, 128], strides = [1, 1]} : vector<512x1024xf32> to vector<512x128xf32>
      %slice3A_239 = vector.extract_strided_slice %slice3A_236 {offsets = [0, 0], sizes = [512, 64], strides = [1, 1]} : vector<512x128xf32> to vector<512x64xf32>
      %slice3A_240 = vector.extract_strided_slice %slice3A_237 {offsets = [0, 0], sizes = [512, 64], strides = [1, 1]} : vector<512x128xf32> to vector<512x64xf32>
      %slice3A_241 = vector.extract_strided_slice %slice3A_238 {offsets = [0, 0], sizes = [512, 64], strides = [1, 1]} : vector<512x128xf32> to vector<512x64xf32>
      %concatenate3A_242 = tpu.concatenate %slice3A_239, %slice3A_240, %slice3A_241 in 1 : vector<512x64xf32>, vector<512x64xf32>, vector<512x64xf32> -> vector<512x192xf32>
      %slice3A_243 = vector.extract_strided_slice %slice3A_236 {offsets = [0, 64], sizes = [512, 64], strides = [1, 1]} : vector<512x128xf32> to vector<512x64xf32>
      %slice3A_244 = vector.extract_strided_slice %slice3A_237 {offsets = [0, 64], sizes = [512, 64], strides = [1, 1]} : vector<512x128xf32> to vector<512x64xf32>
      %slice3A_245 = vector.extract_strided_slice %slice3A_238 {offsets = [0, 64], sizes = [512, 64], strides = [1, 1]} : vector<512x128xf32> to vector<512x64xf32>
      %concatenate3A_246 = tpu.concatenate %slice3A_243, %slice3A_244, %slice3A_245 in 1 : vector<512x64xf32>, vector<512x64xf32>, vector<512x64xf32> -> vector<512x192xf32>
      %concatenate3A_247 = tpu.concatenate %concatenate3A_242, %concatenate3A_246 in 0 : vector<512x192xf32>, vector<512x192xf32> -> vector<1024x192xf32>
      %convert_element_type3A_248 = arith.truncf %concatenate3A_247 : vector<1024x192xf32> to vector<1024x192xbf16>
      %slice3A_249 = vector.extract_strided_slice %concatenate3A_196 {offsets = [0, 384], sizes = [512, 128], strides = [1, 1]} : vector<512x1024xf32> to vector<512x128xf32>
      %slice3A_250 = vector.extract_strided_slice %dot_general3A_199 {offsets = [0, 384], sizes = [512, 128], strides = [1, 1]} : vector<512x1024xf32> to vector<512x128xf32>
      %slice3A_251 = vector.extract_strided_slice %sub3A_206 {offsets = [0, 384], sizes = [512, 128], strides = [1, 1]} : vector<512x1024xf32> to vector<512x128xf32>
      %slice3A_252 = vector.extract_strided_slice %slice3A_249 {offsets = [0, 0], sizes = [512, 64], strides = [1, 1]} : vector<512x128xf32> to vector<512x64xf32>
      %slice3A_253 = vector.extract_strided_slice %slice3A_250 {offsets = [0, 0], sizes = [512, 64], strides = [1, 1]} : vector<512x128xf32> to vector<512x64xf32>
      %slice3A_254 = vector.extract_strided_slice %slice3A_251 {offsets = [0, 0], sizes = [512, 64], strides = [1, 1]} : vector<512x128xf32> to vector<512x64xf32>
      %concatenate3A_255 = tpu.concatenate %slice3A_252, %slice3A_253, %slice3A_254 in 1 : vector<512x64xf32>, vector<512x64xf32>, vector<512x64xf32> -> vector<512x192xf32>
      %slice3A_256 = vector.extract_strided_slice %slice3A_249 {offsets = [0, 64], sizes = [512, 64], strides = [1, 1]} : vector<512x128xf32> to vector<512x64xf32>
      %slice3A_257 = vector.extract_strided_slice %slice3A_250 {offsets = [0, 64], sizes = [512, 64], strides = [1, 1]} : vector<512x128xf32> to vector<512x64xf32>
      %slice3A_258 = vector.extract_strided_slice %slice3A_251 {offsets = [0, 64], sizes = [512, 64], strides = [1, 1]} : vector<512x128xf32> to vector<512x64xf32>
      %concatenate3A_259 = tpu.concatenate %slice3A_256, %slice3A_257, %slice3A_258 in 1 : vector<512x64xf32>, vector<512x64xf32>, vector<512x64xf32> -> vector<512x192xf32>
      %concatenate3A_260 = tpu.concatenate %concatenate3A_255, %concatenate3A_259 in 0 : vector<512x192xf32>, vector<512x192xf32> -> vector<1024x192xf32>
      %convert_element_type3A_261 = arith.truncf %concatenate3A_260 : vector<1024x192xf32> to vector<1024x192xbf16>
      %slice3A_262 = vector.extract_strided_slice %concatenate3A_196 {offsets = [0, 512], sizes = [512, 128], strides = [1, 1]} : vector<512x1024xf32> to vector<512x128xf32>
      %slice3A_263 = vector.extract_strided_slice %dot_general3A_199 {offsets = [0, 512], sizes = [512, 128], strides = [1, 1]} : vector<512x1024xf32> to vector<512x128xf32>
      %slice3A_264 = vector.extract_strided_slice %sub3A_206 {offsets = [0, 512], sizes = [512, 128], strides = [1, 1]} : vector<512x1024xf32> to vector<512x128xf32>
      %slice3A_265 = vector.extract_strided_slice %slice3A_262 {offsets = [0, 0], sizes = [512, 64], strides = [1, 1]} : vector<512x128xf32> to vector<512x64xf32>
      %slice3A_266 = vector.extract_strided_slice %slice3A_263 {offsets = [0, 0], sizes = [512, 64], strides = [1, 1]} : vector<512x128xf32> to vector<512x64xf32>
      %slice3A_267 = vector.extract_strided_slice %slice3A_264 {offsets = [0, 0], sizes = [512, 64], strides = [1, 1]} : vector<512x128xf32> to vector<512x64xf32>
      %concatenate3A_268 = tpu.concatenate %slice3A_265, %slice3A_266, %slice3A_267 in 1 : vector<512x64xf32>, vector<512x64xf32>, vector<512x64xf32> -> vector<512x192xf32>
      %slice3A_269 = vector.extract_strided_slice %slice3A_262 {offsets = [0, 64], sizes = [512, 64], strides = [1, 1]} : vector<512x128xf32> to vector<512x64xf32>
      %slice3A_270 = vector.extract_strided_slice %slice3A_263 {offsets = [0, 64], sizes = [512, 64], strides = [1, 1]} : vector<512x128xf32> to vector<512x64xf32>
      %slice3A_271 = vector.extract_strided_slice %slice3A_264 {offsets = [0, 64], sizes = [512, 64], strides = [1, 1]} : vector<512x128xf32> to vector<512x64xf32>
      %concatenate3A_272 = tpu.concatenate %slice3A_269, %slice3A_270, %slice3A_271 in 1 : vector<512x64xf32>, vector<512x64xf32>, vector<512x64xf32> -> vector<512x192xf32>
      %concatenate3A_273 = tpu.concatenate %concatenate3A_268, %concatenate3A_272 in 0 : vector<512x192xf32>, vector<512x192xf32> -> vector<1024x192xf32>
      %convert_element_type3A_274 = arith.truncf %concatenate3A_273 : vector<1024x192xf32> to vector<1024x192xbf16>
      %slice3A_275 = vector.extract_strided_slice %concatenate3A_196 {offsets = [0, 640], sizes = [512, 128], strides = [1, 1]} : vector<512x1024xf32> to vector<512x128xf32>
      %slice3A_276 = vector.extract_strided_slice %dot_general3A_199 {offsets = [0, 640], sizes = [512, 128], strides = [1, 1]} : vector<512x1024xf32> to vector<512x128xf32>
      %slice3A_277 = vector.extract_strided_slice %sub3A_206 {offsets = [0, 640], sizes = [512, 128], strides = [1, 1]} : vector<512x1024xf32> to vector<512x128xf32>
      %slice3A_278 = vector.extract_strided_slice %slice3A_275 {offsets = [0, 0], sizes = [512, 64], strides = [1, 1]} : vector<512x128xf32> to vector<512x64xf32>
      %slice3A_279 = vector.extract_strided_slice %slice3A_276 {offsets = [0, 0], sizes = [512, 64], strides = [1, 1]} : vector<512x128xf32> to vector<512x64xf32>
      %slice3A_280 = vector.extract_strided_slice %slice3A_277 {offsets = [0, 0], sizes = [512, 64], strides = [1, 1]} : vector<512x128xf32> to vector<512x64xf32>
      %concatenate3A_281 = tpu.concatenate %slice3A_278, %slice3A_279, %slice3A_280 in 1 : vector<512x64xf32>, vector<512x64xf32>, vector<512x64xf32> -> vector<512x192xf32>
      %slice3A_282 = vector.extract_strided_slice %slice3A_275 {offsets = [0, 64], sizes = [512, 64], strides = [1, 1]} : vector<512x128xf32> to vector<512x64xf32>
      %slice3A_283 = vector.extract_strided_slice %slice3A_276 {offsets = [0, 64], sizes = [512, 64], strides = [1, 1]} : vector<512x128xf32> to vector<512x64xf32>
      %slice3A_284 = vector.extract_strided_slice %slice3A_277 {offsets = [0, 64], sizes = [512, 64], strides = [1, 1]} : vector<512x128xf32> to vector<512x64xf32>
      %concatenate3A_285 = tpu.concatenate %slice3A_282, %slice3A_283, %slice3A_284 in 1 : vector<512x64xf32>, vector<512x64xf32>, vector<512x64xf32> -> vector<512x192xf32>
      %concatenate3A_286 = tpu.concatenate %concatenate3A_281, %concatenate3A_285 in 0 : vector<512x192xf32>, vector<512x192xf32> -> vector<1024x192xf32>
      %convert_element_type3A_287 = arith.truncf %concatenate3A_286 : vector<1024x192xf32> to vector<1024x192xbf16>
      %slice3A_288 = vector.extract_strided_slice %concatenate3A_196 {offsets = [0, 768], sizes = [512, 128], strides = [1, 1]} : vector<512x1024xf32> to vector<512x128xf32>
      %slice3A_289 = vector.extract_strided_slice %dot_general3A_199 {offsets = [0, 768], sizes = [512, 128], strides = [1, 1]} : vector<512x1024xf32> to vector<512x128xf32>
      %slice3A_290 = vector.extract_strided_slice %sub3A_206 {offsets = [0, 768], sizes = [512, 128], strides = [1, 1]} : vector<512x1024xf32> to vector<512x128xf32>
      %slice3A_291 = vector.extract_strided_slice %slice3A_288 {offsets = [0, 0], sizes = [512, 64], strides = [1, 1]} : vector<512x128xf32> to vector<512x64xf32>
      %slice3A_292 = vector.extract_strided_slice %slice3A_289 {offsets = [0, 0], sizes = [512, 64], strides = [1, 1]} : vector<512x128xf32> to vector<512x64xf32>
      %slice3A_293 = vector.extract_strided_slice %slice3A_290 {offsets = [0, 0], sizes = [512, 64], strides = [1, 1]} : vector<512x128xf32> to vector<512x64xf32>
      %concatenate3A_294 = tpu.concatenate %slice3A_291, %slice3A_292, %slice3A_293 in 1 : vector<512x64xf32>, vector<512x64xf32>, vector<512x64xf32> -> vector<512x192xf32>
      %slice3A_295 = vector.extract_strided_slice %slice3A_288 {offsets = [0, 64], sizes = [512, 64], strides = [1, 1]} : vector<512x128xf32> to vector<512x64xf32>
      %slice3A_296 = vector.extract_strided_slice %slice3A_289 {offsets = [0, 64], sizes = [512, 64], strides = [1, 1]} : vector<512x128xf32> to vector<512x64xf32>
      %slice3A_297 = vector.extract_strided_slice %slice3A_290 {offsets = [0, 64], sizes = [512, 64], strides = [1, 1]} : vector<512x128xf32> to vector<512x64xf32>
      %concatenate3A_298 = tpu.concatenate %slice3A_295, %slice3A_296, %slice3A_297 in 1 : vector<512x64xf32>, vector<512x64xf32>, vector<512x64xf32> -> vector<512x192xf32>
      %concatenate3A_299 = tpu.concatenate %concatenate3A_294, %concatenate3A_298 in 0 : vector<512x192xf32>, vector<512x192xf32> -> vector<1024x192xf32>
      %convert_element_type3A_300 = arith.truncf %concatenate3A_299 : vector<1024x192xf32> to vector<1024x192xbf16>
      %slice3A_301 = vector.extract_strided_slice %concatenate3A_196 {offsets = [0, 896], sizes = [512, 128], strides = [1, 1]} : vector<512x1024xf32> to vector<512x128xf32>
      %slice3A_302 = vector.extract_strided_slice %dot_general3A_199 {offsets = [0, 896], sizes = [512, 128], strides = [1, 1]} : vector<512x1024xf32> to vector<512x128xf32>
      %slice3A_303 = vector.extract_strided_slice %sub3A_206 {offsets = [0, 896], sizes = [512, 128], strides = [1, 1]} : vector<512x1024xf32> to vector<512x128xf32>
      %slice3A_304 = vector.extract_strided_slice %slice3A_301 {offsets = [0, 0], sizes = [512, 64], strides = [1, 1]} : vector<512x128xf32> to vector<512x64xf32>
      %slice3A_305 = vector.extract_strided_slice %slice3A_302 {offsets = [0, 0], sizes = [512, 64], strides = [1, 1]} : vector<512x128xf32> to vector<512x64xf32>
      %slice3A_306 = vector.extract_strided_slice %slice3A_303 {offsets = [0, 0], sizes = [512, 64], strides = [1, 1]} : vector<512x128xf32> to vector<512x64xf32>
      %concatenate3A_307 = tpu.concatenate %slice3A_304, %slice3A_305, %slice3A_306 in 1 : vector<512x64xf32>, vector<512x64xf32>, vector<512x64xf32> -> vector<512x192xf32>
      %slice3A_308 = vector.extract_strided_slice %slice3A_301 {offsets = [0, 64], sizes = [512, 64], strides = [1, 1]} : vector<512x128xf32> to vector<512x64xf32>
      %slice3A_309 = vector.extract_strided_slice %slice3A_302 {offsets = [0, 64], sizes = [512, 64], strides = [1, 1]} : vector<512x128xf32> to vector<512x64xf32>
      %slice3A_310 = vector.extract_strided_slice %slice3A_303 {offsets = [0, 64], sizes = [512, 64], strides = [1, 1]} : vector<512x128xf32> to vector<512x64xf32>
      %concatenate3A_311 = tpu.concatenate %slice3A_308, %slice3A_309, %slice3A_310 in 1 : vector<512x64xf32>, vector<512x64xf32>, vector<512x64xf32> -> vector<512x192xf32>
      %concatenate3A_312 = tpu.concatenate %concatenate3A_307, %concatenate3A_311 in 0 : vector<512x192xf32>, vector<512x192xf32> -> vector<1024x192xf32>
      %convert_element_type3A_313 = arith.truncf %concatenate3A_312 : vector<1024x192xf32> to vector<1024x192xbf16>
      %concatenate3A_314 = tpu.concatenate %convert_element_type3A_222, %convert_element_type3A_235, %convert_element_type3A_248, %convert_element_type3A_261, %convert_element_type3A_274, %convert_element_type3A_287, %convert_element_type3A_300, %convert_element_type3A_313 in 0 : vector<1024x192xbf16>, vector<1024x192xbf16>, vector<1024x192xbf16>, vector<1024x192xbf16>, vector<1024x192xbf16>, vector<1024x192xbf16>, vector<1024x192xbf16>, vector<1024x192xbf16> -> vector<8192x192xbf16>
      %get3A_315 = arith.constant 0 : index
      %get3A_316 = arith.constant 0 : index
      %get3A_317 = arith.constant 0 : index
      %get3A_318 = vector.load %arg4[%get3A_315, %get3A_316, %get3A_317] : memref<2x192x192xbf16, #tpu.memory_space<vmem>>, vector<1x192x192xbf16>
      %get3A_319 = vector.shape_cast %get3A_318 : vector<1x192x192xbf16> to vector<192x192xbf16>
      %dot_general3A_320 = arith.constant dense<0.000000e+00> : vector<8192x192xf32>
      %dot_general3A_321 = tpu.matmul %concatenate3A_314, %get3A_319, %dot_general3A_320 {dimension_numbers = #tpu.dot_dimension_numbers<[1], [0], [0], [1], [0, 0, 1, 1], [], []>, transpose_lhs_hint = false} : vector<8192x192xbf16>, vector<192x192xbf16>, vector<8192x192xf32> -> vector<8192x192xf32>
      %get3A_322 = arith.constant 1 : index
      %get3A_323 = arith.constant 0 : index
      %get3A_324 = arith.constant 0 : index
      %get3A_325 = vector.load %arg4[%get3A_322, %get3A_323, %get3A_324] : memref<2x192x192xbf16, #tpu.memory_space<vmem>>, vector<1x192x192xbf16>
      %get3A_326 = vector.shape_cast %get3A_325 : vector<1x192x192xbf16> to vector<192x192xbf16>
      %dot_general3A_327 = arith.constant dense<0.000000e+00> : vector<8192x192xf32>
      %dot_general3A_328 = tpu.matmul %concatenate3A_314, %get3A_326, %dot_general3A_327 {dimension_numbers = #tpu.dot_dimension_numbers<[1], [0], [0], [1], [0, 0, 1, 1], [], []>, transpose_lhs_hint = false} : vector<8192x192xbf16>, vector<192x192xbf16>, vector<8192x192xf32> -> vector<8192x192xf32>
      %broadcast_in_dim3A_329 = arith.constant 0.000000e+00 : f32
      %broadcast_in_dim3A_330 = vector.broadcast %broadcast_in_dim3A_329 : f32 to vector<512x128xf32>
      %slice3A_331 = vector.extract_strided_slice %dot_general3A_321 {offsets = [0, 0], sizes = [1024, 192], strides = [1, 1]} : vector<8192x192xf32> to vector<1024x192xf32>
      %convert_element_type3A_332 = arith.truncf %broadcast_in_dim3A_330 : vector<512x128xf32> to vector<512x128xbf16>
      %dot_general3A_333 = arith.constant dense<0.000000e+00> : vector<1024x128xf32>
      %dot_general3A_334 = tpu.matmul %concatenate3A, %convert_element_type3A_332, %dot_general3A_333 {dimension_numbers = #tpu.dot_dimension_numbers<[1], [0], [0], [1], [0, 0, 1, 1], [], []>, transpose_lhs_hint = false} : vector<1024x512xbf16>, vector<512x128xbf16>, vector<1024x128xf32> -> vector<1024x128xf32>
      %slice3A_335 = vector.extract_strided_slice %dot_general3A_334 {offsets = [0, 0], sizes = [512, 128], strides = [1, 1]} : vector<1024x128xf32> to vector<512x128xf32>
      %slice3A_336 = vector.extract_strided_slice %dot_general3A_334 {offsets = [512, 0], sizes = [512, 128], strides = [1, 1]} : vector<1024x128xf32> to vector<512x128xf32>
      %slice3A_337 = vector.extract_strided_slice %broadcast_in_dim3A_330 {offsets = [0, 0], sizes = [512, 64], strides = [1, 1]} : vector<512x128xf32> to vector<512x64xf32>
      %slice3A_338 = vector.extract_strided_slice %slice3A_335 {offsets = [0, 0], sizes = [512, 64], strides = [1, 1]} : vector<512x128xf32> to vector<512x64xf32>
      %slice3A_339 = vector.extract_strided_slice %slice3A_336 {offsets = [0, 0], sizes = [512, 64], strides = [1, 1]} : vector<512x128xf32> to vector<512x64xf32>
      %concatenate3A_340 = tpu.concatenate %slice3A_337, %slice3A_338, %slice3A_339 in 1 : vector<512x64xf32>, vector<512x64xf32>, vector<512x64xf32> -> vector<512x192xf32>
      %slice3A_341 = vector.extract_strided_slice %broadcast_in_dim3A_330 {offsets = [0, 64], sizes = [512, 64], strides = [1, 1]} : vector<512x128xf32> to vector<512x64xf32>
      %slice3A_342 = vector.extract_strided_slice %slice3A_335 {offsets = [0, 64], sizes = [512, 64], strides = [1, 1]} : vector<512x128xf32> to vector<512x64xf32>
      %slice3A_343 = vector.extract_strided_slice %slice3A_336 {offsets = [0, 64], sizes = [512, 64], strides = [1, 1]} : vector<512x128xf32> to vector<512x64xf32>
      %concatenate3A_344 = tpu.concatenate %slice3A_341, %slice3A_342, %slice3A_343 in 1 : vector<512x64xf32>, vector<512x64xf32>, vector<512x64xf32> -> vector<512x192xf32>
      %concatenate3A_345 = tpu.concatenate %concatenate3A_340, %concatenate3A_344 in 0 : vector<512x192xf32>, vector<512x192xf32> -> vector<1024x192xf32>
      %convert_element_type3A_346 = arith.truncf %concatenate3A_345 : vector<1024x192xf32> to vector<1024x192xbf16>
      %get3A_347 = arith.constant 0 : index
      %get3A_348 = arith.constant 0 : index
      %get3A_349 = arith.constant 0 : index
      %get3A_350 = vector.load %arg5[%get3A_347, %get3A_348, %get3A_349] : memref<2x192x128xbf16, #tpu.memory_space<vmem>>, vector<1x192x128xbf16>
      %get3A_351 = vector.shape_cast %get3A_350 : vector<1x192x128xbf16> to vector<192x128xbf16>
      %dot_general3A_352 = arith.constant dense<0.000000e+00> : vector<1024x128xf32>
      %dot_general3A_353 = tpu.matmul %convert_element_type3A_346, %get3A_351, %dot_general3A_352 {dimension_numbers = #tpu.dot_dimension_numbers<[1], [0], [0], [1], [0, 0, 1, 1], [], []>, transpose_lhs_hint = false} : vector<1024x192xbf16>, vector<192x128xbf16>, vector<1024x128xf32> -> vector<1024x128xf32>
      %slice3A_354 = vector.extract_strided_slice %get3A_209 {offsets = [0, 0], sizes = [1, 64], strides = [1, 1]} : vector<2x192xf32> to vector<1x64xf32>
      %squeeze3A = vector.shape_cast %slice3A_354 : vector<1x64xf32> to vector<64xf32>
      %slice3A_355 = vector.extract_strided_slice %get3A_209 {offsets = [0, 64], sizes = [1, 64], strides = [1, 1]} : vector<2x192xf32> to vector<1x64xf32>
      %squeeze3A_356 = vector.shape_cast %slice3A_355 : vector<1x64xf32> to vector<64xf32>
      %slice3A_357 = vector.extract_strided_slice %get3A_209 {offsets = [0, 128], sizes = [1, 64], strides = [1, 1]} : vector<2x192xf32> to vector<1x64xf32>
      %squeeze3A_358 = vector.shape_cast %slice3A_357 : vector<1x64xf32> to vector<64xf32>
      %slice3A_359 = vector.extract_strided_slice %slice3A_331 {offsets = [0, 0], sizes = [1024, 64], strides = [1, 1]} : vector<1024x192xf32> to vector<1024x64xf32>
      %slice3A_360 = vector.extract_strided_slice %dot_general3A_353 {offsets = [0, 0], sizes = [1024, 64], strides = [1, 1]} : vector<1024x128xf32> to vector<1024x64xf32>
      %add3A_361 = arith.addf %slice3A_359, %slice3A_360 : vector<1024x64xf32>
      %broadcast_in_dim3A_362 = vector.shape_cast %squeeze3A : vector<64xf32> to vector<1x64xf32>
      %add3A_363 = vector.broadcast %broadcast_in_dim3A_362 : vector<1x64xf32> to vector<1024x64xf32>
      %add3A_364 = arith.addf %add3A_361, %add3A_363 : vector<1024x64xf32>
      %logistic3A = arith.negf %add3A_364 : vector<1024x64xf32>
      %logistic3A_365 = math.exp %logistic3A : vector<1024x64xf32>
      %logistic3A_366 = arith.constant 1.000000e+00 : f32
      %logistic3A_367 = vector.broadcast %logistic3A_366 : f32 to vector<1024x64xf32>
      %logistic3A_368 = arith.addf %logistic3A_367, %logistic3A_365 : vector<1024x64xf32>
      %logistic3A_369 = arith.divf %logistic3A_367, %logistic3A_368 : vector<1024x64xf32>
      %slice3A_370 = vector.extract_strided_slice %slice3A_331 {offsets = [0, 64], sizes = [1024, 64], strides = [1, 1]} : vector<1024x192xf32> to vector<1024x64xf32>
      %slice3A_371 = vector.extract_strided_slice %dot_general3A_353 {offsets = [0, 64], sizes = [1024, 64], strides = [1, 1]} : vector<1024x128xf32> to vector<1024x64xf32>
      %add3A_372 = arith.addf %slice3A_370, %slice3A_371 : vector<1024x64xf32>
      %broadcast_in_dim3A_373 = vector.shape_cast %squeeze3A_356 : vector<64xf32> to vector<1x64xf32>
      %add3A_374 = vector.broadcast %broadcast_in_dim3A_373 : vector<1x64xf32> to vector<1024x64xf32>
      %add3A_375 = arith.addf %add3A_372, %add3A_374 : vector<1024x64xf32>
      %logistic3A_376 = arith.negf %add3A_375 : vector<1024x64xf32>
      %logistic3A_377 = math.exp %logistic3A_376 : vector<1024x64xf32>
      %logistic3A_378 = arith.constant 1.000000e+00 : f32
      %logistic3A_379 = vector.broadcast %logistic3A_378 : f32 to vector<1024x64xf32>
      %logistic3A_380 = arith.addf %logistic3A_379, %logistic3A_377 : vector<1024x64xf32>
      %logistic3A_381 = arith.divf %logistic3A_379, %logistic3A_380 : vector<1024x64xf32>
      %slice3A_382 = vector.extract_strided_slice %logistic3A_381 {offsets = [0, 0], sizes = [512, 64], strides = [1, 1]} : vector<1024x64xf32> to vector<512x64xf32>
      %slice3A_383 = vector.extract_strided_slice %broadcast_in_dim3A_330 {offsets = [0, 0], sizes = [512, 64], strides = [1, 1]} : vector<512x128xf32> to vector<512x64xf32>
      %mul3A_384 = arith.mulf %slice3A_382, %slice3A_383 : vector<512x64xf32>
      %slice3A_385 = vector.extract_strided_slice %logistic3A_381 {offsets = [512, 0], sizes = [512, 64], strides = [1, 1]} : vector<1024x64xf32> to vector<512x64xf32>
      %slice3A_386 = vector.extract_strided_slice %broadcast_in_dim3A_330 {offsets = [0, 64], sizes = [512, 64], strides = [1, 1]} : vector<512x128xf32> to vector<512x64xf32>
      %mul3A_387 = arith.mulf %slice3A_385, %slice3A_386 : vector<512x64xf32>
      %concatenate3A_388 = tpu.concatenate %mul3A_384, %mul3A_387 in 1 : vector<512x64xf32>, vector<512x64xf32> -> vector<512x128xf32>
      %convert_element_type3A_389 = arith.truncf %concatenate3A_388 : vector<512x128xf32> to vector<512x128xbf16>
      %dot_general3A_390 = arith.constant dense<0.000000e+00> : vector<1024x128xf32>
      %dot_general3A_391 = tpu.matmul %concatenate3A, %convert_element_type3A_389, %dot_general3A_390 {dimension_numbers = #tpu.dot_dimension_numbers<[1], [0], [0], [1], [0, 0, 1, 1], [], []>, transpose_lhs_hint = false} : vector<1024x512xbf16>, vector<512x128xbf16>, vector<1024x128xf32> -> vector<1024x128xf32>
      %slice3A_392 = vector.extract_strided_slice %dot_general3A_391 {offsets = [0, 0], sizes = [512, 128], strides = [1, 1]} : vector<1024x128xf32> to vector<512x128xf32>
      %slice3A_393 = vector.extract_strided_slice %dot_general3A_391 {offsets = [512, 0], sizes = [512, 128], strides = [1, 1]} : vector<1024x128xf32> to vector<512x128xf32>
      %slice3A_394 = vector.extract_strided_slice %concatenate3A_388 {offsets = [0, 0], sizes = [512, 64], strides = [1, 1]} : vector<512x128xf32> to vector<512x64xf32>
      %slice3A_395 = vector.extract_strided_slice %slice3A_392 {offsets = [0, 0], sizes = [512, 64], strides = [1, 1]} : vector<512x128xf32> to vector<512x64xf32>
      %slice3A_396 = vector.extract_strided_slice %slice3A_393 {offsets = [0, 0], sizes = [512, 64], strides = [1, 1]} : vector<512x128xf32> to vector<512x64xf32>
      %concatenate3A_397 = tpu.concatenate %slice3A_394, %slice3A_395, %slice3A_396 in 1 : vector<512x64xf32>, vector<512x64xf32>, vector<512x64xf32> -> vector<512x192xf32>
      %slice3A_398 = vector.extract_strided_slice %concatenate3A_388 {offsets = [0, 64], sizes = [512, 64], strides = [1, 1]} : vector<512x128xf32> to vector<512x64xf32>
      %slice3A_399 = vector.extract_strided_slice %slice3A_392 {offsets = [0, 64], sizes = [512, 64], strides = [1, 1]} : vector<512x128xf32> to vector<512x64xf32>
      %slice3A_400 = vector.extract_strided_slice %slice3A_393 {offsets = [0, 64], sizes = [512, 64], strides = [1, 1]} : vector<512x128xf32> to vector<512x64xf32>
      %concatenate3A_401 = tpu.concatenate %slice3A_398, %slice3A_399, %slice3A_400 in 1 : vector<512x64xf32>, vector<512x64xf32>, vector<512x64xf32> -> vector<512x192xf32>
      %concatenate3A_402 = tpu.concatenate %concatenate3A_397, %concatenate3A_401 in 0 : vector<512x192xf32>, vector<512x192xf32> -> vector<1024x192xf32>
      %convert_element_type3A_403 = arith.truncf %concatenate3A_402 : vector<1024x192xf32> to vector<1024x192xbf16>
      %get3A_404 = arith.constant 0 : index
      %get3A_405 = arith.constant 0 : index
      %get3A_406 = arith.constant 0 : index
      %get3A_407 = vector.load %arg6[%get3A_404, %get3A_405, %get3A_406] : memref<2x192x64xbf16, #tpu.memory_space<vmem>>, vector<1x192x64xbf16>
      %get3A_408 = vector.shape_cast %get3A_407 : vector<1x192x64xbf16> to vector<192x64xbf16>
      %dot_general3A_409 = arith.constant dense<0.000000e+00> : vector<1024x64xf32>
      %dot_general3A_410 = tpu.matmul %convert_element_type3A_403, %get3A_408, %dot_general3A_409 {dimension_numbers = #tpu.dot_dimension_numbers<[1], [0], [0], [1], [0, 0, 1, 1], [], []>, transpose_lhs_hint = false} : vector<1024x192xbf16>, vector<192x64xbf16>, vector<1024x64xf32> -> vector<1024x64xf32>
      %slice3A_411 = vector.extract_strided_slice %slice3A_331 {offsets = [0, 128], sizes = [1024, 64], strides = [1, 1]} : vector<1024x192xf32> to vector<1024x64xf32>
      %add3A_412 = arith.addf %slice3A_411, %dot_general3A_410 : vector<1024x64xf32>
      %broadcast_in_dim3A_413 = vector.shape_cast %squeeze3A_358 : vector<64xf32> to vector<1x64xf32>
      %add3A_414 = vector.broadcast %broadcast_in_dim3A_413 : vector<1x64xf32> to vector<1024x64xf32>
      %add3A_415 = arith.addf %add3A_412, %add3A_414 : vector<1024x64xf32>
      %tanh3A = math.tanh %add3A_415 : vector<1024x64xf32>
      %slice3A_416 = vector.extract_strided_slice %logistic3A_369 {offsets = [0, 0], sizes = [512, 64], strides = [1, 1]} : vector<1024x64xf32> to vector<512x64xf32>
      %slice3A_417 = vector.extract_strided_slice %broadcast_in_dim3A_330 {offsets = [0, 0], sizes = [512, 64], strides = [1, 1]} : vector<512x128xf32> to vector<512x64xf32>
      %mul3A_418 = arith.mulf %slice3A_416, %slice3A_417 : vector<512x64xf32>
      %sub3A_419 = arith.constant 1.000000e+00 : f32
      %sub3A_420 = vector.broadcast %sub3A_419 : f32 to vector<512x64xf32>
      %sub3A_421 = arith.subf %sub3A_420, %slice3A_416 : vector<512x64xf32>
      %slice3A_422 = vector.extract_strided_slice %tanh3A {offsets = [0, 0], sizes = [512, 64], strides = [1, 1]} : vector<1024x64xf32> to vector<512x64xf32>
      %mul3A_423 = arith.mulf %sub3A_421, %slice3A_422 : vector<512x64xf32>
      %add3A_424 = arith.addf %mul3A_418, %mul3A_423 : vector<512x64xf32>
      %slice3A_425 = vector.extract_strided_slice %logistic3A_369 {offsets = [512, 0], sizes = [512, 64], strides = [1, 1]} : vector<1024x64xf32> to vector<512x64xf32>
      %slice3A_426 = vector.extract_strided_slice %broadcast_in_dim3A_330 {offsets = [0, 64], sizes = [512, 64], strides = [1, 1]} : vector<512x128xf32> to vector<512x64xf32>
      %mul3A_427 = arith.mulf %slice3A_425, %slice3A_426 : vector<512x64xf32>
      %sub3A_428 = arith.constant 1.000000e+00 : f32
      %sub3A_429 = vector.broadcast %sub3A_428 : f32 to vector<512x64xf32>
      %sub3A_430 = arith.subf %sub3A_429, %slice3A_425 : vector<512x64xf32>
      %slice3A_431 = vector.extract_strided_slice %tanh3A {offsets = [512, 0], sizes = [512, 64], strides = [1, 1]} : vector<1024x64xf32> to vector<512x64xf32>
      %mul3A_432 = arith.mulf %sub3A_430, %slice3A_431 : vector<512x64xf32>
      %add3A_433 = arith.addf %mul3A_427, %mul3A_432 : vector<512x64xf32>
      %concatenate3A_434 = tpu.concatenate %add3A_424, %add3A_433 in 1 : vector<512x64xf32>, vector<512x64xf32> -> vector<512x128xf32>
      %slice3A_435 = vector.extract_strided_slice %dot_general3A_328 {offsets = [0, 0], sizes = [1024, 192], strides = [1, 1]} : vector<8192x192xf32> to vector<1024x192xf32>
      %convert_element_type3A_436 = arith.truncf %concatenate3A_434 : vector<512x128xf32> to vector<512x128xbf16>
      %dot_general3A_437 = arith.constant dense<0.000000e+00> : vector<1024x128xf32>
      %dot_general3A_438 = tpu.matmul %concatenate3A, %convert_element_type3A_436, %dot_general3A_437 {dimension_numbers = #tpu.dot_dimension_numbers<[1], [0], [0], [1], [0, 0, 1, 1], [], []>, transpose_lhs_hint = false} : vector<1024x512xbf16>, vector<512x128xbf16>, vector<1024x128xf32> -> vector<1024x128xf32>
      %slice3A_439 = vector.extract_strided_slice %dot_general3A_438 {offsets = [0, 0], sizes = [512, 128], strides = [1, 1]} : vector<1024x128xf32> to vector<512x128xf32>
      %slice3A_440 = vector.extract_strided_slice %dot_general3A_438 {offsets = [512, 0], sizes = [512, 128], strides = [1, 1]} : vector<1024x128xf32> to vector<512x128xf32>
      %slice3A_441 = vector.extract_strided_slice %concatenate3A_434 {offsets = [0, 0], sizes = [512, 64], strides = [1, 1]} : vector<512x128xf32> to vector<512x64xf32>
      %slice3A_442 = vector.extract_strided_slice %slice3A_439 {offsets = [0, 0], sizes = [512, 64], strides = [1, 1]} : vector<512x128xf32> to vector<512x64xf32>
      %slice3A_443 = vector.extract_strided_slice %slice3A_440 {offsets = [0, 0], sizes = [512, 64], strides = [1, 1]} : vector<512x128xf32> to vector<512x64xf32>
      %concatenate3A_444 = tpu.concatenate %slice3A_441, %slice3A_442, %slice3A_443 in 1 : vector<512x64xf32>, vector<512x64xf32>, vector<512x64xf32> -> vector<512x192xf32>
      %slice3A_445 = vector.extract_strided_slice %concatenate3A_434 {offsets = [0, 64], sizes = [512, 64], strides = [1, 1]} : vector<512x128xf32> to vector<512x64xf32>
      %slice3A_446 = vector.extract_strided_slice %slice3A_439 {offsets = [0, 64], sizes = [512, 64], strides = [1, 1]} : vector<512x128xf32> to vector<512x64xf32>
      %slice3A_447 = vector.extract_strided_slice %slice3A_440 {offsets = [0, 64], sizes = [512, 64], strides = [1, 1]} : vector<512x128xf32> to vector<512x64xf32>
      %concatenate3A_448 = tpu.concatenate %slice3A_445, %slice3A_446, %slice3A_447 in 1 : vector<512x64xf32>, vector<512x64xf32>, vector<512x64xf32> -> vector<512x192xf32>
      %concatenate3A_449 = tpu.concatenate %concatenate3A_444, %concatenate3A_448 in 0 : vector<512x192xf32>, vector<512x192xf32> -> vector<1024x192xf32>
      %convert_element_type3A_450 = arith.truncf %concatenate3A_449 : vector<1024x192xf32> to vector<1024x192xbf16>
      %get3A_451 = arith.constant 1 : index
      %get3A_452 = arith.constant 0 : index
      %get3A_453 = arith.constant 0 : index
      %get3A_454 = vector.load %arg5[%get3A_451, %get3A_452, %get3A_453] : memref<2x192x128xbf16, #tpu.memory_space<vmem>>, vector<1x192x128xbf16>
      %get3A_455 = vector.shape_cast %get3A_454 : vector<1x192x128xbf16> to vector<192x128xbf16>
      %dot_general3A_456 = arith.constant dense<0.000000e+00> : vector<1024x128xf32>
      %dot_general3A_457 = tpu.matmul %convert_element_type3A_450, %get3A_455, %dot_general3A_456 {dimension_numbers = #tpu.dot_dimension_numbers<[1], [0], [0], [1], [0, 0, 1, 1], [], []>, transpose_lhs_hint = false} : vector<1024x192xbf16>, vector<192x128xbf16>, vector<1024x128xf32> -> vector<1024x128xf32>
      %slice3A_458 = vector.extract_strided_slice %get3A_209 {offsets = [1, 0], sizes = [1, 64], strides = [1, 1]} : vector<2x192xf32> to vector<1x64xf32>
      %squeeze3A_459 = vector.shape_cast %slice3A_458 : vector<1x64xf32> to vector<64xf32>
      %slice3A_460 = vector.extract_strided_slice %get3A_209 {offsets = [1, 64], sizes = [1, 64], strides = [1, 1]} : vector<2x192xf32> to vector<1x64xf32>
      %squeeze3A_461 = vector.shape_cast %slice3A_460 : vector<1x64xf32> to vector<64xf32>
      %slice3A_462 = vector.extract_strided_slice %get3A_209 {offsets = [1, 128], sizes = [1, 64], strides = [1, 1]} : vector<2x192xf32> to vector<1x64xf32>
      %squeeze3A_463 = vector.shape_cast %slice3A_462 : vector<1x64xf32> to vector<64xf32>
      %slice3A_464 = vector.extract_strided_slice %slice3A_435 {offsets = [0, 0], sizes = [1024, 64], strides = [1, 1]} : vector<1024x192xf32> to vector<1024x64xf32>
      %slice3A_465 = vector.extract_strided_slice %dot_general3A_457 {offsets = [0, 0], sizes = [1024, 64], strides = [1, 1]} : vector<1024x128xf32> to vector<1024x64xf32>
      %add3A_466 = arith.addf %slice3A_464, %slice3A_465 : vector<1024x64xf32>
      %broadcast_in_dim3A_467 = vector.shape_cast %squeeze3A_459 : vector<64xf32> to vector<1x64xf32>
      %add3A_468 = vector.broadcast %broadcast_in_dim3A_467 : vector<1x64xf32> to vector<1024x64xf32>
      %add3A_469 = arith.addf %add3A_466, %add3A_468 : vector<1024x64xf32>
      %logistic3A_470 = arith.negf %add3A_469 : vector<1024x64xf32>
      %logistic3A_471 = math.exp %logistic3A_470 : vector<1024x64xf32>
      %logistic3A_472 = arith.constant 1.000000e+00 : f32
      %logistic3A_473 = vector.broadcast %logistic3A_472 : f32 to vector<1024x64xf32>
      %logistic3A_474 = arith.addf %logistic3A_473, %logistic3A_471 : vector<1024x64xf32>
      %logistic3A_475 = arith.divf %logistic3A_473, %logistic3A_474 : vector<1024x64xf32>
      %slice3A_476 = vector.extract_strided_slice %slice3A_435 {offsets = [0, 64], sizes = [1024, 64], strides = [1, 1]} : vector<1024x192xf32> to vector<1024x64xf32>
      %slice3A_477 = vector.extract_strided_slice %dot_general3A_457 {offsets = [0, 64], sizes = [1024, 64], strides = [1, 1]} : vector<1024x128xf32> to vector<1024x64xf32>
      %add3A_478 = arith.addf %slice3A_476, %slice3A_477 : vector<1024x64xf32>
      %broadcast_in_dim3A_479 = vector.shape_cast %squeeze3A_461 : vector<64xf32> to vector<1x64xf32>
      %add3A_480 = vector.broadcast %broadcast_in_dim3A_479 : vector<1x64xf32> to vector<1024x64xf32>
      %add3A_481 = arith.addf %add3A_478, %add3A_480 : vector<1024x64xf32>
      %logistic3A_482 = arith.negf %add3A_481 : vector<1024x64xf32>
      %logistic3A_483 = math.exp %logistic3A_482 : vector<1024x64xf32>
      %logistic3A_484 = arith.constant 1.000000e+00 : f32
      %logistic3A_485 = vector.broadcast %logistic3A_484 : f32 to vector<1024x64xf32>
      %logistic3A_486 = arith.addf %logistic3A_485, %logistic3A_483 : vector<1024x64xf32>
      %logistic3A_487 = arith.divf %logistic3A_485, %logistic3A_486 : vector<1024x64xf32>
      %slice3A_488 = vector.extract_strided_slice %logistic3A_487 {offsets = [0, 0], sizes = [512, 64], strides = [1, 1]} : vector<1024x64xf32> to vector<512x64xf32>
      %slice3A_489 = vector.extract_strided_slice %concatenate3A_434 {offsets = [0, 0], sizes = [512, 64], strides = [1, 1]} : vector<512x128xf32> to vector<512x64xf32>
      %mul3A_490 = arith.mulf %slice3A_488, %slice3A_489 : vector<512x64xf32>
      %slice3A_491 = vector.extract_strided_slice %logistic3A_487 {offsets = [512, 0], sizes = [512, 64], strides = [1, 1]} : vector<1024x64xf32> to vector<512x64xf32>
      %slice3A_492 = vector.extract_strided_slice %concatenate3A_434 {offsets = [0, 64], sizes = [512, 64], strides = [1, 1]} : vector<512x128xf32> to vector<512x64xf32>
      %mul3A_493 = arith.mulf %slice3A_491, %slice3A_492 : vector<512x64xf32>
      %concatenate3A_494 = tpu.concatenate %mul3A_490, %mul3A_493 in 1 : vector<512x64xf32>, vector<512x64xf32> -> vector<512x128xf32>
      %convert_element_type3A_495 = arith.truncf %concatenate3A_494 : vector<512x128xf32> to vector<512x128xbf16>
      %dot_general3A_496 = arith.constant dense<0.000000e+00> : vector<1024x128xf32>
      %dot_general3A_497 = tpu.matmul %concatenate3A, %convert_element_type3A_495, %dot_general3A_496 {dimension_numbers = #tpu.dot_dimension_numbers<[1], [0], [0], [1], [0, 0, 1, 1], [], []>, transpose_lhs_hint = false} : vector<1024x512xbf16>, vector<512x128xbf16>, vector<1024x128xf32> -> vector<1024x128xf32>
      %slice3A_498 = vector.extract_strided_slice %dot_general3A_497 {offsets = [0, 0], sizes = [512, 128], strides = [1, 1]} : vector<1024x128xf32> to vector<512x128xf32>
      %slice3A_499 = vector.extract_strided_slice %dot_general3A_497 {offsets = [512, 0], sizes = [512, 128], strides = [1, 1]} : vector<1024x128xf32> to vector<512x128xf32>
      %slice3A_500 = vector.extract_strided_slice %concatenate3A_494 {offsets = [0, 0], sizes = [512, 64], strides = [1, 1]} : vector<512x128xf32> to vector<512x64xf32>
      %slice3A_501 = vector.extract_strided_slice %slice3A_498 {offsets = [0, 0], sizes = [512, 64], strides = [1, 1]} : vector<512x128xf32> to vector<512x64xf32>
      %slice3A_502 = vector.extract_strided_slice %slice3A_499 {offsets = [0, 0], sizes = [512, 64], strides = [1, 1]} : vector<512x128xf32> to vector<512x64xf32>
      %concatenate3A_503 = tpu.concatenate %slice3A_500, %slice3A_501, %slice3A_502 in 1 : vector<512x64xf32>, vector<512x64xf32>, vector<512x64xf32> -> vector<512x192xf32>
      %slice3A_504 = vector.extract_strided_slice %concatenate3A_494 {offsets = [0, 64], sizes = [512, 64], strides = [1, 1]} : vector<512x128xf32> to vector<512x64xf32>
      %slice3A_505 = vector.extract_strided_slice %slice3A_498 {offsets = [0, 64], sizes = [512, 64], strides = [1, 1]} : vector<512x128xf32> to vector<512x64xf32>
      %slice3A_506 = vector.extract_strided_slice %slice3A_499 {offsets = [0, 64], sizes = [512, 64], strides = [1, 1]} : vector<512x128xf32> to vector<512x64xf32>
      %concatenate3A_507 = tpu.concatenate %slice3A_504, %slice3A_505, %slice3A_506 in 1 : vector<512x64xf32>, vector<512x64xf32>, vector<512x64xf32> -> vector<512x192xf32>
      %concatenate3A_508 = tpu.concatenate %concatenate3A_503, %concatenate3A_507 in 0 : vector<512x192xf32>, vector<512x192xf32> -> vector<1024x192xf32>
      %convert_element_type3A_509 = arith.truncf %concatenate3A_508 : vector<1024x192xf32> to vector<1024x192xbf16>
      %get3A_510 = arith.constant 1 : index
      %get3A_511 = arith.constant 0 : index
      %get3A_512 = arith.constant 0 : index
      %get3A_513 = vector.load %arg6[%get3A_510, %get3A_511, %get3A_512] : memref<2x192x64xbf16, #tpu.memory_space<vmem>>, vector<1x192x64xbf16>
      %get3A_514 = vector.shape_cast %get3A_513 : vector<1x192x64xbf16> to vector<192x64xbf16>
      %dot_general3A_515 = arith.constant dense<0.000000e+00> : vector<1024x64xf32>
      %dot_general3A_516 = tpu.matmul %convert_element_type3A_509, %get3A_514, %dot_general3A_515 {dimension_numbers = #tpu.dot_dimension_numbers<[1], [0], [0], [1], [0, 0, 1, 1], [], []>, transpose_lhs_hint = false} : vector<1024x192xbf16>, vector<192x64xbf16>, vector<1024x64xf32> -> vector<1024x64xf32>
      %slice3A_517 = vector.extract_strided_slice %slice3A_435 {offsets = [0, 128], sizes = [1024, 64], strides = [1, 1]} : vector<1024x192xf32> to vector<1024x64xf32>
      %add3A_518 = arith.addf %slice3A_517, %dot_general3A_516 : vector<1024x64xf32>
      %broadcast_in_dim3A_519 = vector.shape_cast %squeeze3A_463 : vector<64xf32> to vector<1x64xf32>
      %add3A_520 = vector.broadcast %broadcast_in_dim3A_519 : vector<1x64xf32> to vector<1024x64xf32>
      %add3A_521 = arith.addf %add3A_518, %add3A_520 : vector<1024x64xf32>
      %tanh3A_522 = math.tanh %add3A_521 : vector<1024x64xf32>
      %slice3A_523 = vector.extract_strided_slice %logistic3A_475 {offsets = [0, 0], sizes = [512, 64], strides = [1, 1]} : vector<1024x64xf32> to vector<512x64xf32>
      %slice3A_524 = vector.extract_strided_slice %concatenate3A_434 {offsets = [0, 0], sizes = [512, 64], strides = [1, 1]} : vector<512x128xf32> to vector<512x64xf32>
      %mul3A_525 = arith.mulf %slice3A_523, %slice3A_524 : vector<512x64xf32>
      %sub3A_526 = arith.constant 1.000000e+00 : f32
      %sub3A_527 = vector.broadcast %sub3A_526 : f32 to vector<512x64xf32>
      %sub3A_528 = arith.subf %sub3A_527, %slice3A_523 : vector<512x64xf32>
      %slice3A_529 = vector.extract_strided_slice %tanh3A_522 {offsets = [0, 0], sizes = [512, 64], strides = [1, 1]} : vector<1024x64xf32> to vector<512x64xf32>
      %mul3A_530 = arith.mulf %sub3A_528, %slice3A_529 : vector<512x64xf32>
      %add3A_531 = arith.addf %mul3A_525, %mul3A_530 : vector<512x64xf32>
      %slice3A_532 = vector.extract_strided_slice %logistic3A_475 {offsets = [512, 0], sizes = [512, 64], strides = [1, 1]} : vector<1024x64xf32> to vector<512x64xf32>
      %slice3A_533 = vector.extract_strided_slice %concatenate3A_434 {offsets = [0, 64], sizes = [512, 64], strides = [1, 1]} : vector<512x128xf32> to vector<512x64xf32>
      %mul3A_534 = arith.mulf %slice3A_532, %slice3A_533 : vector<512x64xf32>
      %sub3A_535 = arith.constant 1.000000e+00 : f32
      %sub3A_536 = vector.broadcast %sub3A_535 : f32 to vector<512x64xf32>
      %sub3A_537 = arith.subf %sub3A_536, %slice3A_532 : vector<512x64xf32>
      %slice3A_538 = vector.extract_strided_slice %tanh3A_522 {offsets = [512, 0], sizes = [512, 64], strides = [1, 1]} : vector<1024x64xf32> to vector<512x64xf32>
      %mul3A_539 = arith.mulf %sub3A_537, %slice3A_538 : vector<512x64xf32>
      %add3A_540 = arith.addf %mul3A_534, %mul3A_539 : vector<512x64xf32>
      %concatenate3A_541 = tpu.concatenate %add3A_531, %add3A_540 in 1 : vector<512x64xf32>, vector<512x64xf32> -> vector<512x128xf32>
      %slice3A_542 = vector.extract_strided_slice %dot_general3A_321 {offsets = [1024, 0], sizes = [1024, 192], strides = [1, 1]} : vector<8192x192xf32> to vector<1024x192xf32>
      %convert_element_type3A_543 = arith.truncf %concatenate3A_541 : vector<512x128xf32> to vector<512x128xbf16>
      %dot_general3A_544 = arith.constant dense<0.000000e+00> : vector<1024x128xf32>
      %dot_general3A_545 = tpu.matmul %concatenate3A, %convert_element_type3A_543, %dot_general3A_544 {dimension_numbers = #tpu.dot_dimension_numbers<[1], [0], [0], [1], [0, 0, 1, 1], [], []>, transpose_lhs_hint = false} : vector<1024x512xbf16>, vector<512x128xbf16>, vector<1024x128xf32> -> vector<1024x128xf32>
      %slice3A_546 = vector.extract_strided_slice %dot_general3A_545 {offsets = [0, 0], sizes = [512, 128], strides = [1, 1]} : vector<1024x128xf32> to vector<512x128xf32>
      %slice3A_547 = vector.extract_strided_slice %dot_general3A_545 {offsets = [512, 0], sizes = [512, 128], strides = [1, 1]} : vector<1024x128xf32> to vector<512x128xf32>
      %slice3A_548 = vector.extract_strided_slice %concatenate3A_541 {offsets = [0, 0], sizes = [512, 64], strides = [1, 1]} : vector<512x128xf32> to vector<512x64xf32>
      %slice3A_549 = vector.extract_strided_slice %slice3A_546 {offsets = [0, 0], sizes = [512, 64], strides = [1, 1]} : vector<512x128xf32> to vector<512x64xf32>
      %slice3A_550 = vector.extract_strided_slice %slice3A_547 {offsets = [0, 0], sizes = [512, 64], strides = [1, 1]} : vector<512x128xf32> to vector<512x64xf32>
      %concatenate3A_551 = tpu.concatenate %slice3A_548, %slice3A_549, %slice3A_550 in 1 : vector<512x64xf32>, vector<512x64xf32>, vector<512x64xf32> -> vector<512x192xf32>
      %slice3A_552 = vector.extract_strided_slice %concatenate3A_541 {offsets = [0, 64], sizes = [512, 64], strides = [1, 1]} : vector<512x128xf32> to vector<512x64xf32>
      %slice3A_553 = vector.extract_strided_slice %slice3A_546 {offsets = [0, 64], sizes = [512, 64], strides = [1, 1]} : vector<512x128xf32> to vector<512x64xf32>
      %slice3A_554 = vector.extract_strided_slice %slice3A_547 {offsets = [0, 64], sizes = [512, 64], strides = [1, 1]} : vector<512x128xf32> to vector<512x64xf32>
      %concatenate3A_555 = tpu.concatenate %slice3A_552, %slice3A_553, %slice3A_554 in 1 : vector<512x64xf32>, vector<512x64xf32>, vector<512x64xf32> -> vector<512x192xf32>
      %concatenate3A_556 = tpu.concatenate %concatenate3A_551, %concatenate3A_555 in 0 : vector<512x192xf32>, vector<512x192xf32> -> vector<1024x192xf32>
      %convert_element_type3A_557 = arith.truncf %concatenate3A_556 : vector<1024x192xf32> to vector<1024x192xbf16>
      %get3A_558 = arith.constant 0 : index
      %get3A_559 = arith.constant 0 : index
      %get3A_560 = arith.constant 0 : index
      %get3A_561 = vector.load %arg5[%get3A_558, %get3A_559, %get3A_560] : memref<2x192x128xbf16, #tpu.memory_space<vmem>>, vector<1x192x128xbf16>
      %get3A_562 = vector.shape_cast %get3A_561 : vector<1x192x128xbf16> to vector<192x128xbf16>
      %dot_general3A_563 = arith.constant dense<0.000000e+00> : vector<1024x128xf32>
      %dot_general3A_564 = tpu.matmul %convert_element_type3A_557, %get3A_562, %dot_general3A_563 {dimension_numbers = #tpu.dot_dimension_numbers<[1], [0], [0], [1], [0, 0, 1, 1], [], []>, transpose_lhs_hint = false} : vector<1024x192xbf16>, vector<192x128xbf16>, vector<1024x128xf32> -> vector<1024x128xf32>
      %slice3A_565 = vector.extract_strided_slice %get3A_209 {offsets = [0, 0], sizes = [1, 64], strides = [1, 1]} : vector<2x192xf32> to vector<1x64xf32>
      %squeeze3A_566 = vector.shape_cast %slice3A_565 : vector<1x64xf32> to vector<64xf32>
      %slice3A_567 = vector.extract_strided_slice %get3A_209 {offsets = [0, 64], sizes = [1, 64], strides = [1, 1]} : vector<2x192xf32> to vector<1x64xf32>
      %squeeze3A_568 = vector.shape_cast %slice3A_567 : vector<1x64xf32> to vector<64xf32>
      %slice3A_569 = vector.extract_strided_slice %get3A_209 {offsets = [0, 128], sizes = [1, 64], strides = [1, 1]} : vector<2x192xf32> to vector<1x64xf32>
      %squeeze3A_570 = vector.shape_cast %slice3A_569 : vector<1x64xf32> to vector<64xf32>
      %slice3A_571 = vector.extract_strided_slice %slice3A_542 {offsets = [0, 0], sizes = [1024, 64], strides = [1, 1]} : vector<1024x192xf32> to vector<1024x64xf32>
      %slice3A_572 = vector.extract_strided_slice %dot_general3A_564 {offsets = [0, 0], sizes = [1024, 64], strides = [1, 1]} : vector<1024x128xf32> to vector<1024x64xf32>
      %add3A_573 = arith.addf %slice3A_571, %slice3A_572 : vector<1024x64xf32>
      %broadcast_in_dim3A_574 = vector.shape_cast %squeeze3A_566 : vector<64xf32> to vector<1x64xf32>
      %add3A_575 = vector.broadcast %broadcast_in_dim3A_574 : vector<1x64xf32> to vector<1024x64xf32>
      %add3A_576 = arith.addf %add3A_573, %add3A_575 : vector<1024x64xf32>
      %logistic3A_577 = arith.negf %add3A_576 : vector<1024x64xf32>
      %logistic3A_578 = math.exp %logistic3A_577 : vector<1024x64xf32>
      %logistic3A_579 = arith.constant 1.000000e+00 : f32
      %logistic3A_580 = vector.broadcast %logistic3A_579 : f32 to vector<1024x64xf32>
      %logistic3A_581 = arith.addf %logistic3A_580, %logistic3A_578 : vector<1024x64xf32>
      %logistic3A_582 = arith.divf %logistic3A_580, %logistic3A_581 : vector<1024x64xf32>
      %slice3A_583 = vector.extract_strided_slice %slice3A_542 {offsets = [0, 64], sizes = [1024, 64], strides = [1, 1]} : vector<1024x192xf32> to vector<1024x64xf32>
      %slice3A_584 = vector.extract_strided_slice %dot_general3A_564 {offsets = [0, 64], sizes = [1024, 64], strides = [1, 1]} : vector<1024x128xf32> to vector<1024x64xf32>
      %add3A_585 = arith.addf %slice3A_583, %slice3A_584 : vector<1024x64xf32>
      %broadcast_in_dim3A_586 = vector.shape_cast %squeeze3A_568 : vector<64xf32> to vector<1x64xf32>
      %add3A_587 = vector.broadcast %broadcast_in_dim3A_586 : vector<1x64xf32> to vector<1024x64xf32>
      %add3A_588 = arith.addf %add3A_585, %add3A_587 : vector<1024x64xf32>
      %logistic3A_589 = arith.negf %add3A_588 : vector<1024x64xf32>
      %logistic3A_590 = math.exp %logistic3A_589 : vector<1024x64xf32>
      %logistic3A_591 = arith.constant 1.000000e+00 : f32
      %logistic3A_592 = vector.broadcast %logistic3A_591 : f32 to vector<1024x64xf32>
      %logistic3A_593 = arith.addf %logistic3A_592, %logistic3A_590 : vector<1024x64xf32>
      %logistic3A_594 = arith.divf %logistic3A_592, %logistic3A_593 : vector<1024x64xf32>
      %slice3A_595 = vector.extract_strided_slice %logistic3A_594 {offsets = [0, 0], sizes = [512, 64], strides = [1, 1]} : vector<1024x64xf32> to vector<512x64xf32>
      %slice3A_596 = vector.extract_strided_slice %concatenate3A_541 {offsets = [0, 0], sizes = [512, 64], strides = [1, 1]} : vector<512x128xf32> to vector<512x64xf32>
      %mul3A_597 = arith.mulf %slice3A_595, %slice3A_596 : vector<512x64xf32>
      %slice3A_598 = vector.extract_strided_slice %logistic3A_594 {offsets = [512, 0], sizes = [512, 64], strides = [1, 1]} : vector<1024x64xf32> to vector<512x64xf32>
      %slice3A_599 = vector.extract_strided_slice %concatenate3A_541 {offsets = [0, 64], sizes = [512, 64], strides = [1, 1]} : vector<512x128xf32> to vector<512x64xf32>
      %mul3A_600 = arith.mulf %slice3A_598, %slice3A_599 : vector<512x64xf32>
      %concatenate3A_601 = tpu.concatenate %mul3A_597, %mul3A_600 in 1 : vector<512x64xf32>, vector<512x64xf32> -> vector<512x128xf32>
      %convert_element_type3A_602 = arith.truncf %concatenate3A_601 : vector<512x128xf32> to vector<512x128xbf16>
      %dot_general3A_603 = arith.constant dense<0.000000e+00> : vector<1024x128xf32>
      %dot_general3A_604 = tpu.matmul %concatenate3A, %convert_element_type3A_602, %dot_general3A_603 {dimension_numbers = #tpu.dot_dimension_numbers<[1], [0], [0], [1], [0, 0, 1, 1], [], []>, transpose_lhs_hint = false} : vector<1024x512xbf16>, vector<512x128xbf16>, vector<1024x128xf32> -> vector<1024x128xf32>
      %slice3A_605 = vector.extract_strided_slice %dot_general3A_604 {offsets = [0, 0], sizes = [512, 128], strides = [1, 1]} : vector<1024x128xf32> to vector<512x128xf32>
      %slice3A_606 = vector.extract_strided_slice %dot_general3A_604 {offsets = [512, 0], sizes = [512, 128], strides = [1, 1]} : vector<1024x128xf32> to vector<512x128xf32>
      %slice3A_607 = vector.extract_strided_slice %concatenate3A_601 {offsets = [0, 0], sizes = [512, 64], strides = [1, 1]} : vector<512x128xf32> to vector<512x64xf32>
      %slice3A_608 = vector.extract_strided_slice %slice3A_605 {offsets = [0, 0], sizes = [512, 64], strides = [1, 1]} : vector<512x128xf32> to vector<512x64xf32>
      %slice3A_609 = vector.extract_strided_slice %slice3A_606 {offsets = [0, 0], sizes = [512, 64], strides = [1, 1]} : vector<512x128xf32> to vector<512x64xf32>
      %concatenate3A_610 = tpu.concatenate %slice3A_607, %slice3A_608, %slice3A_609 in 1 : vector<512x64xf32>, vector<512x64xf32>, vector<512x64xf32> -> vector<512x192xf32>
      %slice3A_611 = vector.extract_strided_slice %concatenate3A_601 {offsets = [0, 64], sizes = [512, 64], strides = [1, 1]} : vector<512x128xf32> to vector<512x64xf32>
      %slice3A_612 = vector.extract_strided_slice %slice3A_605 {offsets = [0, 64], sizes = [512, 64], strides = [1, 1]} : vector<512x128xf32> to vector<512x64xf32>
      %slice3A_613 = vector.extract_strided_slice %slice3A_606 {offsets = [0, 64], sizes = [512, 64], strides = [1, 1]} : vector<512x128xf32> to vector<512x64xf32>
      %concatenate3A_614 = tpu.concatenate %slice3A_611, %slice3A_612, %slice3A_613 in 1 : vector<512x64xf32>, vector<512x64xf32>, vector<512x64xf32> -> vector<512x192xf32>
      %concatenate3A_615 = tpu.concatenate %concatenate3A_610, %concatenate3A_614 in 0 : vector<512x192xf32>, vector<512x192xf32> -> vector<1024x192xf32>
      %convert_element_type3A_616 = arith.truncf %concatenate3A_615 : vector<1024x192xf32> to vector<1024x192xbf16>
      %get3A_617 = arith.constant 0 : index
      %get3A_618 = arith.constant 0 : index
      %get3A_619 = arith.constant 0 : index
      %get3A_620 = vector.load %arg6[%get3A_617, %get3A_618, %get3A_619] : memref<2x192x64xbf16, #tpu.memory_space<vmem>>, vector<1x192x64xbf16>
      %get3A_621 = vector.shape_cast %get3A_620 : vector<1x192x64xbf16> to vector<192x64xbf16>
      %dot_general3A_622 = arith.constant dense<0.000000e+00> : vector<1024x64xf32>
      %dot_general3A_623 = tpu.matmul %convert_element_type3A_616, %get3A_621, %dot_general3A_622 {dimension_numbers = #tpu.dot_dimension_numbers<[1], [0], [0], [1], [0, 0, 1, 1], [], []>, transpose_lhs_hint = false} : vector<1024x192xbf16>, vector<192x64xbf16>, vector<1024x64xf32> -> vector<1024x64xf32>
      %slice3A_624 = vector.extract_strided_slice %slice3A_542 {offsets = [0, 128], sizes = [1024, 64], strides = [1, 1]} : vector<1024x192xf32> to vector<1024x64xf32>
      %add3A_625 = arith.addf %slice3A_624, %dot_general3A_623 : vector<1024x64xf32>
      %broadcast_in_dim3A_626 = vector.shape_cast %squeeze3A_570 : vector<64xf32> to vector<1x64xf32>
      %add3A_627 = vector.broadcast %broadcast_in_dim3A_626 : vector<1x64xf32> to vector<1024x64xf32>
      %add3A_628 = arith.addf %add3A_625, %add3A_627 : vector<1024x64xf32>
      %tanh3A_629 = math.tanh %add3A_628 : vector<1024x64xf32>
      %slice3A_630 = vector.extract_strided_slice %logistic3A_582 {offsets = [0, 0], sizes = [512, 64], strides = [1, 1]} : vector<1024x64xf32> to vector<512x64xf32>
      %slice3A_631 = vector.extract_strided_slice %concatenate3A_541 {offsets = [0, 0], sizes = [512, 64], strides = [1, 1]} : vector<512x128xf32> to vector<512x64xf32>
      %mul3A_632 = arith.mulf %slice3A_630, %slice3A_631 : vector<512x64xf32>
      %sub3A_633 = arith.constant 1.000000e+00 : f32
      %sub3A_634 = vector.broadcast %sub3A_633 : f32 to vector<512x64xf32>
      %sub3A_635 = arith.subf %sub3A_634, %slice3A_630 : vector<512x64xf32>
      %slice3A_636 = vector.extract_strided_slice %tanh3A_629 {offsets = [0, 0], sizes = [512, 64], strides = [1, 1]} : vector<1024x64xf32> to vector<512x64xf32>
      %mul3A_637 = arith.mulf %sub3A_635, %slice3A_636 : vector<512x64xf32>
      %add3A_638 = arith.addf %mul3A_632, %mul3A_637 : vector<512x64xf32>
      %slice3A_639 = vector.extract_strided_slice %logistic3A_582 {offsets = [512, 0], sizes = [512, 64], strides = [1, 1]} : vector<1024x64xf32> to vector<512x64xf32>
      %slice3A_640 = vector.extract_strided_slice %concatenate3A_541 {offsets = [0, 64], sizes = [512, 64], strides = [1, 1]} : vector<512x128xf32> to vector<512x64xf32>
      %mul3A_641 = arith.mulf %slice3A_639, %slice3A_640 : vector<512x64xf32>
      %sub3A_642 = arith.constant 1.000000e+00 : f32
      %sub3A_643 = vector.broadcast %sub3A_642 : f32 to vector<512x64xf32>
      %sub3A_644 = arith.subf %sub3A_643, %slice3A_639 : vector<512x64xf32>
      %slice3A_645 = vector.extract_strided_slice %tanh3A_629 {offsets = [512, 0], sizes = [512, 64], strides = [1, 1]} : vector<1024x64xf32> to vector<512x64xf32>
      %mul3A_646 = arith.mulf %sub3A_644, %slice3A_645 : vector<512x64xf32>
      %add3A_647 = arith.addf %mul3A_641, %mul3A_646 : vector<512x64xf32>
      %concatenate3A_648 = tpu.concatenate %add3A_638, %add3A_647 in 1 : vector<512x64xf32>, vector<512x64xf32> -> vector<512x128xf32>
      %slice3A_649 = vector.extract_strided_slice %dot_general3A_328 {offsets = [1024, 0], sizes = [1024, 192], strides = [1, 1]} : vector<8192x192xf32> to vector<1024x192xf32>
      %convert_element_type3A_650 = arith.truncf %concatenate3A_648 : vector<512x128xf32> to vector<512x128xbf16>
      %dot_general3A_651 = arith.constant dense<0.000000e+00> : vector<1024x128xf32>
      %dot_general3A_652 = tpu.matmul %concatenate3A, %convert_element_type3A_650, %dot_general3A_651 {dimension_numbers = #tpu.dot_dimension_numbers<[1], [0], [0], [1], [0, 0, 1, 1], [], []>, transpose_lhs_hint = false} : vector<1024x512xbf16>, vector<512x128xbf16>, vector<1024x128xf32> -> vector<1024x128xf32>
      %slice3A_653 = vector.extract_strided_slice %dot_general3A_652 {offsets = [0, 0], sizes = [512, 128], strides = [1, 1]} : vector<1024x128xf32> to vector<512x128xf32>
      %slice3A_654 = vector.extract_strided_slice %dot_general3A_652 {offsets = [512, 0], sizes = [512, 128], strides = [1, 1]} : vector<1024x128xf32> to vector<512x128xf32>
      %slice3A_655 = vector.extract_strided_slice %concatenate3A_648 {offsets = [0, 0], sizes = [512, 64], strides = [1, 1]} : vector<512x128xf32> to vector<512x64xf32>
      %slice3A_656 = vector.extract_strided_slice %slice3A_653 {offsets = [0, 0], sizes = [512, 64], strides = [1, 1]} : vector<512x128xf32> to vector<512x64xf32>
      %slice3A_657 = vector.extract_strided_slice %slice3A_654 {offsets = [0, 0], sizes = [512, 64], strides = [1, 1]} : vector<512x128xf32> to vector<512x64xf32>
      %concatenate3A_658 = tpu.concatenate %slice3A_655, %slice3A_656, %slice3A_657 in 1 : vector<512x64xf32>, vector<512x64xf32>, vector<512x64xf32> -> vector<512x192xf32>
      %slice3A_659 = vector.extract_strided_slice %concatenate3A_648 {offsets = [0, 64], sizes = [512, 64], strides = [1, 1]} : vector<512x128xf32> to vector<512x64xf32>
      %slice3A_660 = vector.extract_strided_slice %slice3A_653 {offsets = [0, 64], sizes = [512, 64], strides = [1, 1]} : vector<512x128xf32> to vector<512x64xf32>
      %slice3A_661 = vector.extract_strided_slice %slice3A_654 {offsets = [0, 64], sizes = [512, 64], strides = [1, 1]} : vector<512x128xf32> to vector<512x64xf32>
      %concatenate3A_662 = tpu.concatenate %slice3A_659, %slice3A_660, %slice3A_661 in 1 : vector<512x64xf32>, vector<512x64xf32>, vector<512x64xf32> -> vector<512x192xf32>
      %concatenate3A_663 = tpu.concatenate %concatenate3A_658, %concatenate3A_662 in 0 : vector<512x192xf32>, vector<512x192xf32> -> vector<1024x192xf32>
      %convert_element_type3A_664 = arith.truncf %concatenate3A_663 : vector<1024x192xf32> to vector<1024x192xbf16>
      %get3A_665 = arith.constant 1 : index
      %get3A_666 = arith.constant 0 : index
      %get3A_667 = arith.constant 0 : index
      %get3A_668 = vector.load %arg5[%get3A_665, %get3A_666, %get3A_667] : memref<2x192x128xbf16, #tpu.memory_space<vmem>>, vector<1x192x128xbf16>
      %get3A_669 = vector.shape_cast %get3A_668 : vector<1x192x128xbf16> to vector<192x128xbf16>
      %dot_general3A_670 = arith.constant dense<0.000000e+00> : vector<1024x128xf32>
      %dot_general3A_671 = tpu.matmul %convert_element_type3A_664, %get3A_669, %dot_general3A_670 {dimension_numbers = #tpu.dot_dimension_numbers<[1], [0], [0], [1], [0, 0, 1, 1], [], []>, transpose_lhs_hint = false} : vector<1024x192xbf16>, vector<192x128xbf16>, vector<1024x128xf32> -> vector<1024x128xf32>
      %slice3A_672 = vector.extract_strided_slice %get3A_209 {offsets = [1, 0], sizes = [1, 64], strides = [1, 1]} : vector<2x192xf32> to vector<1x64xf32>
      %squeeze3A_673 = vector.shape_cast %slice3A_672 : vector<1x64xf32> to vector<64xf32>
      %slice3A_674 = vector.extract_strided_slice %get3A_209 {offsets = [1, 64], sizes = [1, 64], strides = [1, 1]} : vector<2x192xf32> to vector<1x64xf32>
      %squeeze3A_675 = vector.shape_cast %slice3A_674 : vector<1x64xf32> to vector<64xf32>
      %slice3A_676 = vector.extract_strided_slice %get3A_209 {offsets = [1, 128], sizes = [1, 64], strides = [1, 1]} : vector<2x192xf32> to vector<1x64xf32>
      %squeeze3A_677 = vector.shape_cast %slice3A_676 : vector<1x64xf32> to vector<64xf32>
      %slice3A_678 = vector.extract_strided_slice %slice3A_649 {offsets = [0, 0], sizes = [1024, 64], strides = [1, 1]} : vector<1024x192xf32> to vector<1024x64xf32>
      %slice3A_679 = vector.extract_strided_slice %dot_general3A_671 {offsets = [0, 0], sizes = [1024, 64], strides = [1, 1]} : vector<1024x128xf32> to vector<1024x64xf32>
      %add3A_680 = arith.addf %slice3A_678, %slice3A_679 : vector<1024x64xf32>
      %broadcast_in_dim3A_681 = vector.shape_cast %squeeze3A_673 : vector<64xf32> to vector<1x64xf32>
      %add3A_682 = vector.broadcast %broadcast_in_dim3A_681 : vector<1x64xf32> to vector<1024x64xf32>
      %add3A_683 = arith.addf %add3A_680, %add3A_682 : vector<1024x64xf32>
      %logistic3A_684 = arith.negf %add3A_683 : vector<1024x64xf32>
      %logistic3A_685 = math.exp %logistic3A_684 : vector<1024x64xf32>
      %logistic3A_686 = arith.constant 1.000000e+00 : f32
      %logistic3A_687 = vector.broadcast %logistic3A_686 : f32 to vector<1024x64xf32>
      %logistic3A_688 = arith.addf %logistic3A_687, %logistic3A_685 : vector<1024x64xf32>
      %logistic3A_689 = arith.divf %logistic3A_687, %logistic3A_688 : vector<1024x64xf32>
      %slice3A_690 = vector.extract_strided_slice %slice3A_649 {offsets = [0, 64], sizes = [1024, 64], strides = [1, 1]} : vector<1024x192xf32> to vector<1024x64xf32>
      %slice3A_691 = vector.extract_strided_slice %dot_general3A_671 {offsets = [0, 64], sizes = [1024, 64], strides = [1, 1]} : vector<1024x128xf32> to vector<1024x64xf32>
      %add3A_692 = arith.addf %slice3A_690, %slice3A_691 : vector<1024x64xf32>
      %broadcast_in_dim3A_693 = vector.shape_cast %squeeze3A_675 : vector<64xf32> to vector<1x64xf32>
      %add3A_694 = vector.broadcast %broadcast_in_dim3A_693 : vector<1x64xf32> to vector<1024x64xf32>
      %add3A_695 = arith.addf %add3A_692, %add3A_694 : vector<1024x64xf32>
      %logistic3A_696 = arith.negf %add3A_695 : vector<1024x64xf32>
      %logistic3A_697 = math.exp %logistic3A_696 : vector<1024x64xf32>
      %logistic3A_698 = arith.constant 1.000000e+00 : f32
      %logistic3A_699 = vector.broadcast %logistic3A_698 : f32 to vector<1024x64xf32>
      %logistic3A_700 = arith.addf %logistic3A_699, %logistic3A_697 : vector<1024x64xf32>
      %logistic3A_701 = arith.divf %logistic3A_699, %logistic3A_700 : vector<1024x64xf32>
      %slice3A_702 = vector.extract_strided_slice %logistic3A_701 {offsets = [0, 0], sizes = [512, 64], strides = [1, 1]} : vector<1024x64xf32> to vector<512x64xf32>
      %slice3A_703 = vector.extract_strided_slice %concatenate3A_648 {offsets = [0, 0], sizes = [512, 64], strides = [1, 1]} : vector<512x128xf32> to vector<512x64xf32>
      %mul3A_704 = arith.mulf %slice3A_702, %slice3A_703 : vector<512x64xf32>
      %slice3A_705 = vector.extract_strided_slice %logistic3A_701 {offsets = [512, 0], sizes = [512, 64], strides = [1, 1]} : vector<1024x64xf32> to vector<512x64xf32>
      %slice3A_706 = vector.extract_strided_slice %concatenate3A_648 {offsets = [0, 64], sizes = [512, 64], strides = [1, 1]} : vector<512x128xf32> to vector<512x64xf32>
      %mul3A_707 = arith.mulf %slice3A_705, %slice3A_706 : vector<512x64xf32>
      %concatenate3A_708 = tpu.concatenate %mul3A_704, %mul3A_707 in 1 : vector<512x64xf32>, vector<512x64xf32> -> vector<512x128xf32>
      %convert_element_type3A_709 = arith.truncf %concatenate3A_708 : vector<512x128xf32> to vector<512x128xbf16>
      %dot_general3A_710 = arith.constant dense<0.000000e+00> : vector<1024x128xf32>
      %dot_general3A_711 = tpu.matmul %concatenate3A, %convert_element_type3A_709, %dot_general3A_710 {dimension_numbers = #tpu.dot_dimension_numbers<[1], [0], [0], [1], [0, 0, 1, 1], [], []>, transpose_lhs_hint = false} : vector<1024x512xbf16>, vector<512x128xbf16>, vector<1024x128xf32> -> vector<1024x128xf32>
      %slice3A_712 = vector.extract_strided_slice %dot_general3A_711 {offsets = [0, 0], sizes = [512, 128], strides = [1, 1]} : vector<1024x128xf32> to vector<512x128xf32>
      %slice3A_713 = vector.extract_strided_slice %dot_general3A_711 {offsets = [512, 0], sizes = [512, 128], strides = [1, 1]} : vector<1024x128xf32> to vector<512x128xf32>
      %slice3A_714 = vector.extract_strided_slice %concatenate3A_708 {offsets = [0, 0], sizes = [512, 64], strides = [1, 1]} : vector<512x128xf32> to vector<512x64xf32>
      %slice3A_715 = vector.extract_strided_slice %slice3A_712 {offsets = [0, 0], sizes = [512, 64], strides = [1, 1]} : vector<512x128xf32> to vector<512x64xf32>
      %slice3A_716 = vector.extract_strided_slice %slice3A_713 {offsets = [0, 0], sizes = [512, 64], strides = [1, 1]} : vector<512x128xf32> to vector<512x64xf32>
      %concatenate3A_717 = tpu.concatenate %slice3A_714, %slice3A_715, %slice3A_716 in 1 : vector<512x64xf32>, vector<512x64xf32>, vector<512x64xf32> -> vector<512x192xf32>
      %slice3A_718 = vector.extract_strided_slice %concatenate3A_708 {offsets = [0, 64], sizes = [512, 64], strides = [1, 1]} : vector<512x128xf32> to vector<512x64xf32>
      %slice3A_719 = vector.extract_strided_slice %slice3A_712 {offsets = [0, 64], sizes = [512, 64], strides = [1, 1]} : vector<512x128xf32> to vector<512x64xf32>
      %slice3A_720 = vector.extract_strided_slice %slice3A_713 {offsets = [0, 64], sizes = [512, 64], strides = [1, 1]} : vector<512x128xf32> to vector<512x64xf32>
      %concatenate3A_721 = tpu.concatenate %slice3A_718, %slice3A_719, %slice3A_720 in 1 : vector<512x64xf32>, vector<512x64xf32>, vector<512x64xf32> -> vector<512x192xf32>
      %concatenate3A_722 = tpu.concatenate %concatenate3A_717, %concatenate3A_721 in 0 : vector<512x192xf32>, vector<512x192xf32> -> vector<1024x192xf32>
      %convert_element_type3A_723 = arith.truncf %concatenate3A_722 : vector<1024x192xf32> to vector<1024x192xbf16>
      %get3A_724 = arith.constant 1 : index
      %get3A_725 = arith.constant 0 : index
      %get3A_726 = arith.constant 0 : index
      %get3A_727 = vector.load %arg6[%get3A_724, %get3A_725, %get3A_726] : memref<2x192x64xbf16, #tpu.memory_space<vmem>>, vector<1x192x64xbf16>
      %get3A_728 = vector.shape_cast %get3A_727 : vector<1x192x64xbf16> to vector<192x64xbf16>
      %dot_general3A_729 = arith.constant dense<0.000000e+00> : vector<1024x64xf32>
      %dot_general3A_730 = tpu.matmul %convert_element_type3A_723, %get3A_728, %dot_general3A_729 {dimension_numbers = #tpu.dot_dimension_numbers<[1], [0], [0], [1], [0, 0, 1, 1], [], []>, transpose_lhs_hint = false} : vector<1024x192xbf16>, vector<192x64xbf16>, vector<1024x64xf32> -> vector<1024x64xf32>
      %slice3A_731 = vector.extract_strided_slice %slice3A_649 {offsets = [0, 128], sizes = [1024, 64], strides = [1, 1]} : vector<1024x192xf32> to vector<1024x64xf32>
      %add3A_732 = arith.addf %slice3A_731, %dot_general3A_730 : vector<1024x64xf32>
      %broadcast_in_dim3A_733 = vector.shape_cast %squeeze3A_677 : vector<64xf32> to vector<1x64xf32>
      %add3A_734 = vector.broadcast %broadcast_in_dim3A_733 : vector<1x64xf32> to vector<1024x64xf32>
      %add3A_735 = arith.addf %add3A_732, %add3A_734 : vector<1024x64xf32>
      %tanh3A_736 = math.tanh %add3A_735 : vector<1024x64xf32>
      %slice3A_737 = vector.extract_strided_slice %logistic3A_689 {offsets = [0, 0], sizes = [512, 64], strides = [1, 1]} : vector<1024x64xf32> to vector<512x64xf32>
      %slice3A_738 = vector.extract_strided_slice %concatenate3A_648 {offsets = [0, 0], sizes = [512, 64], strides = [1, 1]} : vector<512x128xf32> to vector<512x64xf32>
      %mul3A_739 = arith.mulf %slice3A_737, %slice3A_738 : vector<512x64xf32>
      %sub3A_740 = arith.constant 1.000000e+00 : f32
      %sub3A_741 = vector.broadcast %sub3A_740 : f32 to vector<512x64xf32>
      %sub3A_742 = arith.subf %sub3A_741, %slice3A_737 : vector<512x64xf32>
      %slice3A_743 = vector.extract_strided_slice %tanh3A_736 {offsets = [0, 0], sizes = [512, 64], strides = [1, 1]} : vector<1024x64xf32> to vector<512x64xf32>
      %mul3A_744 = arith.mulf %sub3A_742, %slice3A_743 : vector<512x64xf32>
      %add3A_745 = arith.addf %mul3A_739, %mul3A_744 : vector<512x64xf32>
      %slice3A_746 = vector.extract_strided_slice %logistic3A_689 {offsets = [512, 0], sizes = [512, 64], strides = [1, 1]} : vector<1024x64xf32> to vector<512x64xf32>
      %slice3A_747 = vector.extract_strided_slice %concatenate3A_648 {offsets = [0, 64], sizes = [512, 64], strides = [1, 1]} : vector<512x128xf32> to vector<512x64xf32>
      %mul3A_748 = arith.mulf %slice3A_746, %slice3A_747 : vector<512x64xf32>
      %sub3A_749 = arith.constant 1.000000e+00 : f32
      %sub3A_750 = vector.broadcast %sub3A_749 : f32 to vector<512x64xf32>
      %sub3A_751 = arith.subf %sub3A_750, %slice3A_746 : vector<512x64xf32>
      %slice3A_752 = vector.extract_strided_slice %tanh3A_736 {offsets = [512, 0], sizes = [512, 64], strides = [1, 1]} : vector<1024x64xf32> to vector<512x64xf32>
      %mul3A_753 = arith.mulf %sub3A_751, %slice3A_752 : vector<512x64xf32>
      %add3A_754 = arith.addf %mul3A_748, %mul3A_753 : vector<512x64xf32>
      %concatenate3A_755 = tpu.concatenate %add3A_745, %add3A_754 in 1 : vector<512x64xf32>, vector<512x64xf32> -> vector<512x128xf32>
      %slice3A_756 = vector.extract_strided_slice %dot_general3A_321 {offsets = [2048, 0], sizes = [1024, 192], strides = [1, 1]} : vector<8192x192xf32> to vector<1024x192xf32>
      %convert_element_type3A_757 = arith.truncf %concatenate3A_755 : vector<512x128xf32> to vector<512x128xbf16>
      %dot_general3A_758 = arith.constant dense<0.000000e+00> : vector<1024x128xf32>
      %dot_general3A_759 = tpu.matmul %concatenate3A, %convert_element_type3A_757, %dot_general3A_758 {dimension_numbers = #tpu.dot_dimension_numbers<[1], [0], [0], [1], [0, 0, 1, 1], [], []>, transpose_lhs_hint = false} : vector<1024x512xbf16>, vector<512x128xbf16>, vector<1024x128xf32> -> vector<1024x128xf32>
      %slice3A_760 = vector.extract_strided_slice %dot_general3A_759 {offsets = [0, 0], sizes = [512, 128], strides = [1, 1]} : vector<1024x128xf32> to vector<512x128xf32>
      %slice3A_761 = vector.extract_strided_slice %dot_general3A_759 {offsets = [512, 0], sizes = [512, 128], strides = [1, 1]} : vector<1024x128xf32> to vector<512x128xf32>
      %slice3A_762 = vector.extract_strided_slice %concatenate3A_755 {offsets = [0, 0], sizes = [512, 64], strides = [1, 1]} : vector<512x128xf32> to vector<512x64xf32>
      %slice3A_763 = vector.extract_strided_slice %slice3A_760 {offsets = [0, 0], sizes = [512, 64], strides = [1, 1]} : vector<512x128xf32> to vector<512x64xf32>
      %slice3A_764 = vector.extract_strided_slice %slice3A_761 {offsets = [0, 0], sizes = [512, 64], strides = [1, 1]} : vector<512x128xf32> to vector<512x64xf32>
      %concatenate3A_765 = tpu.concatenate %slice3A_762, %slice3A_763, %slice3A_764 in 1 : vector<512x64xf32>, vector<512x64xf32>, vector<512x64xf32> -> vector<512x192xf32>
      %slice3A_766 = vector.extract_strided_slice %concatenate3A_755 {offsets = [0, 64], sizes = [512, 64], strides = [1, 1]} : vector<512x128xf32> to vector<512x64xf32>
      %slice3A_767 = vector.extract_strided_slice %slice3A_760 {offsets = [0, 64], sizes = [512, 64], strides = [1, 1]} : vector<512x128xf32> to vector<512x64xf32>
      %slice3A_768 = vector.extract_strided_slice %slice3A_761 {offsets = [0, 64], sizes = [512, 64], strides = [1, 1]} : vector<512x128xf32> to vector<512x64xf32>
      %concatenate3A_769 = tpu.concatenate %slice3A_766, %slice3A_767, %slice3A_768 in 1 : vector<512x64xf32>, vector<512x64xf32>, vector<512x64xf32> -> vector<512x192xf32>
      %concatenate3A_770 = tpu.concatenate %concatenate3A_765, %concatenate3A_769 in 0 : vector<512x192xf32>, vector<512x192xf32> -> vector<1024x192xf32>
      %convert_element_type3A_771 = arith.truncf %concatenate3A_770 : vector<1024x192xf32> to vector<1024x192xbf16>
      %get3A_772 = arith.constant 0 : index
      %get3A_773 = arith.constant 0 : index
      %get3A_774 = arith.constant 0 : index
      %get3A_775 = vector.load %arg5[%get3A_772, %get3A_773, %get3A_774] : memref<2x192x128xbf16, #tpu.memory_space<vmem>>, vector<1x192x128xbf16>
      %get3A_776 = vector.shape_cast %get3A_775 : vector<1x192x128xbf16> to vector<192x128xbf16>
      %dot_general3A_777 = arith.constant dense<0.000000e+00> : vector<1024x128xf32>
      %dot_general3A_778 = tpu.matmul %convert_element_type3A_771, %get3A_776, %dot_general3A_777 {dimension_numbers = #tpu.dot_dimension_numbers<[1], [0], [0], [1], [0, 0, 1, 1], [], []>, transpose_lhs_hint = false} : vector<1024x192xbf16>, vector<192x128xbf16>, vector<1024x128xf32> -> vector<1024x128xf32>
      %slice3A_779 = vector.extract_strided_slice %get3A_209 {offsets = [0, 0], sizes = [1, 64], strides = [1, 1]} : vector<2x192xf32> to vector<1x64xf32>
      %squeeze3A_780 = vector.shape_cast %slice3A_779 : vector<1x64xf32> to vector<64xf32>
      %slice3A_781 = vector.extract_strided_slice %get3A_209 {offsets = [0, 64], sizes = [1, 64], strides = [1, 1]} : vector<2x192xf32> to vector<1x64xf32>
      %squeeze3A_782 = vector.shape_cast %slice3A_781 : vector<1x64xf32> to vector<64xf32>
      %slice3A_783 = vector.extract_strided_slice %get3A_209 {offsets = [0, 128], sizes = [1, 64], strides = [1, 1]} : vector<2x192xf32> to vector<1x64xf32>
      %squeeze3A_784 = vector.shape_cast %slice3A_783 : vector<1x64xf32> to vector<64xf32>
      %slice3A_785 = vector.extract_strided_slice %slice3A_756 {offsets = [0, 0], sizes = [1024, 64], strides = [1, 1]} : vector<1024x192xf32> to vector<1024x64xf32>
      %slice3A_786 = vector.extract_strided_slice %dot_general3A_778 {offsets = [0, 0], sizes = [1024, 64], strides = [1, 1]} : vector<1024x128xf32> to vector<1024x64xf32>
      %add3A_787 = arith.addf %slice3A_785, %slice3A_786 : vector<1024x64xf32>
      %broadcast_in_dim3A_788 = vector.shape_cast %squeeze3A_780 : vector<64xf32> to vector<1x64xf32>
      %add3A_789 = vector.broadcast %broadcast_in_dim3A_788 : vector<1x64xf32> to vector<1024x64xf32>
      %add3A_790 = arith.addf %add3A_787, %add3A_789 : vector<1024x64xf32>
      %logistic3A_791 = arith.negf %add3A_790 : vector<1024x64xf32>
      %logistic3A_792 = math.exp %logistic3A_791 : vector<1024x64xf32>
      %logistic3A_793 = arith.constant 1.000000e+00 : f32
      %logistic3A_794 = vector.broadcast %logistic3A_793 : f32 to vector<1024x64xf32>
      %logistic3A_795 = arith.addf %logistic3A_794, %logistic3A_792 : vector<1024x64xf32>
      %logistic3A_796 = arith.divf %logistic3A_794, %logistic3A_795 : vector<1024x64xf32>
      %slice3A_797 = vector.extract_strided_slice %slice3A_756 {offsets = [0, 64], sizes = [1024, 64], strides = [1, 1]} : vector<1024x192xf32> to vector<1024x64xf32>
      %slice3A_798 = vector.extract_strided_slice %dot_general3A_778 {offsets = [0, 64], sizes = [1024, 64], strides = [1, 1]} : vector<1024x128xf32> to vector<1024x64xf32>
      %add3A_799 = arith.addf %slice3A_797, %slice3A_798 : vector<1024x64xf32>
      %broadcast_in_dim3A_800 = vector.shape_cast %squeeze3A_782 : vector<64xf32> to vector<1x64xf32>
      %add3A_801 = vector.broadcast %broadcast_in_dim3A_800 : vector<1x64xf32> to vector<1024x64xf32>
      %add3A_802 = arith.addf %add3A_799, %add3A_801 : vector<1024x64xf32>
      %logistic3A_803 = arith.negf %add3A_802 : vector<1024x64xf32>
      %logistic3A_804 = math.exp %logistic3A_803 : vector<1024x64xf32>
      %logistic3A_805 = arith.constant 1.000000e+00 : f32
      %logistic3A_806 = vector.broadcast %logistic3A_805 : f32 to vector<1024x64xf32>
      %logistic3A_807 = arith.addf %logistic3A_806, %logistic3A_804 : vector<1024x64xf32>
      %logistic3A_808 = arith.divf %logistic3A_806, %logistic3A_807 : vector<1024x64xf32>
      %slice3A_809 = vector.extract_strided_slice %logistic3A_808 {offsets = [0, 0], sizes = [512, 64], strides = [1, 1]} : vector<1024x64xf32> to vector<512x64xf32>
      %slice3A_810 = vector.extract_strided_slice %concatenate3A_755 {offsets = [0, 0], sizes = [512, 64], strides = [1, 1]} : vector<512x128xf32> to vector<512x64xf32>
      %mul3A_811 = arith.mulf %slice3A_809, %slice3A_810 : vector<512x64xf32>
      %slice3A_812 = vector.extract_strided_slice %logistic3A_808 {offsets = [512, 0], sizes = [512, 64], strides = [1, 1]} : vector<1024x64xf32> to vector<512x64xf32>
      %slice3A_813 = vector.extract_strided_slice %concatenate3A_755 {offsets = [0, 64], sizes = [512, 64], strides = [1, 1]} : vector<512x128xf32> to vector<512x64xf32>
      %mul3A_814 = arith.mulf %slice3A_812, %slice3A_813 : vector<512x64xf32>
      %concatenate3A_815 = tpu.concatenate %mul3A_811, %mul3A_814 in 1 : vector<512x64xf32>, vector<512x64xf32> -> vector<512x128xf32>
      %convert_element_type3A_816 = arith.truncf %concatenate3A_815 : vector<512x128xf32> to vector<512x128xbf16>
      %dot_general3A_817 = arith.constant dense<0.000000e+00> : vector<1024x128xf32>
      %dot_general3A_818 = tpu.matmul %concatenate3A, %convert_element_type3A_816, %dot_general3A_817 {dimension_numbers = #tpu.dot_dimension_numbers<[1], [0], [0], [1], [0, 0, 1, 1], [], []>, transpose_lhs_hint = false} : vector<1024x512xbf16>, vector<512x128xbf16>, vector<1024x128xf32> -> vector<1024x128xf32>
      %slice3A_819 = vector.extract_strided_slice %dot_general3A_818 {offsets = [0, 0], sizes = [512, 128], strides = [1, 1]} : vector<1024x128xf32> to vector<512x128xf32>
      %slice3A_820 = vector.extract_strided_slice %dot_general3A_818 {offsets = [512, 0], sizes = [512, 128], strides = [1, 1]} : vector<1024x128xf32> to vector<512x128xf32>
      %slice3A_821 = vector.extract_strided_slice %concatenate3A_815 {offsets = [0, 0], sizes = [512, 64], strides = [1, 1]} : vector<512x128xf32> to vector<512x64xf32>
      %slice3A_822 = vector.extract_strided_slice %slice3A_819 {offsets = [0, 0], sizes = [512, 64], strides = [1, 1]} : vector<512x128xf32> to vector<512x64xf32>
      %slice3A_823 = vector.extract_strided_slice %slice3A_820 {offsets = [0, 0], sizes = [512, 64], strides = [1, 1]} : vector<512x128xf32> to vector<512x64xf32>
      %concatenate3A_824 = tpu.concatenate %slice3A_821, %slice3A_822, %slice3A_823 in 1 : vector<512x64xf32>, vector<512x64xf32>, vector<512x64xf32> -> vector<512x192xf32>
      %slice3A_825 = vector.extract_strided_slice %concatenate3A_815 {offsets = [0, 64], sizes = [512, 64], strides = [1, 1]} : vector<512x128xf32> to vector<512x64xf32>
      %slice3A_826 = vector.extract_strided_slice %slice3A_819 {offsets = [0, 64], sizes = [512, 64], strides = [1, 1]} : vector<512x128xf32> to vector<512x64xf32>
      %slice3A_827 = vector.extract_strided_slice %slice3A_820 {offsets = [0, 64], sizes = [512, 64], strides = [1, 1]} : vector<512x128xf32> to vector<512x64xf32>
      %concatenate3A_828 = tpu.concatenate %slice3A_825, %slice3A_826, %slice3A_827 in 1 : vector<512x64xf32>, vector<512x64xf32>, vector<512x64xf32> -> vector<512x192xf32>
      %concatenate3A_829 = tpu.concatenate %concatenate3A_824, %concatenate3A_828 in 0 : vector<512x192xf32>, vector<512x192xf32> -> vector<1024x192xf32>
      %convert_element_type3A_830 = arith.truncf %concatenate3A_829 : vector<1024x192xf32> to vector<1024x192xbf16>
      %get3A_831 = arith.constant 0 : index
      %get3A_832 = arith.constant 0 : index
      %get3A_833 = arith.constant 0 : index
      %get3A_834 = vector.load %arg6[%get3A_831, %get3A_832, %get3A_833] : memref<2x192x64xbf16, #tpu.memory_space<vmem>>, vector<1x192x64xbf16>
      %get3A_835 = vector.shape_cast %get3A_834 : vector<1x192x64xbf16> to vector<192x64xbf16>
      %dot_general3A_836 = arith.constant dense<0.000000e+00> : vector<1024x64xf32>
      %dot_general3A_837 = tpu.matmul %convert_element_type3A_830, %get3A_835, %dot_general3A_836 {dimension_numbers = #tpu.dot_dimension_numbers<[1], [0], [0], [1], [0, 0, 1, 1], [], []>, transpose_lhs_hint = false} : vector<1024x192xbf16>, vector<192x64xbf16>, vector<1024x64xf32> -> vector<1024x64xf32>
      %slice3A_838 = vector.extract_strided_slice %slice3A_756 {offsets = [0, 128], sizes = [1024, 64], strides = [1, 1]} : vector<1024x192xf32> to vector<1024x64xf32>
      %add3A_839 = arith.addf %slice3A_838, %dot_general3A_837 : vector<1024x64xf32>
      %broadcast_in_dim3A_840 = vector.shape_cast %squeeze3A_784 : vector<64xf32> to vector<1x64xf32>
      %add3A_841 = vector.broadcast %broadcast_in_dim3A_840 : vector<1x64xf32> to vector<1024x64xf32>
      %add3A_842 = arith.addf %add3A_839, %add3A_841 : vector<1024x64xf32>
      %tanh3A_843 = math.tanh %add3A_842 : vector<1024x64xf32>
      %slice3A_844 = vector.extract_strided_slice %logistic3A_796 {offsets = [0, 0], sizes = [512, 64], strides = [1, 1]} : vector<1024x64xf32> to vector<512x64xf32>
      %slice3A_845 = vector.extract_strided_slice %concatenate3A_755 {offsets = [0, 0], sizes = [512, 64], strides = [1, 1]} : vector<512x128xf32> to vector<512x64xf32>
      %mul3A_846 = arith.mulf %slice3A_844, %slice3A_845 : vector<512x64xf32>
      %sub3A_847 = arith.constant 1.000000e+00 : f32
      %sub3A_848 = vector.broadcast %sub3A_847 : f32 to vector<512x64xf32>
      %sub3A_849 = arith.subf %sub3A_848, %slice3A_844 : vector<512x64xf32>
      %slice3A_850 = vector.extract_strided_slice %tanh3A_843 {offsets = [0, 0], sizes = [512, 64], strides = [1, 1]} : vector<1024x64xf32> to vector<512x64xf32>
      %mul3A_851 = arith.mulf %sub3A_849, %slice3A_850 : vector<512x64xf32>
      %add3A_852 = arith.addf %mul3A_846, %mul3A_851 : vector<512x64xf32>
      %slice3A_853 = vector.extract_strided_slice %logistic3A_796 {offsets = [512, 0], sizes = [512, 64], strides = [1, 1]} : vector<1024x64xf32> to vector<512x64xf32>
      %slice3A_854 = vector.extract_strided_slice %concatenate3A_755 {offsets = [0, 64], sizes = [512, 64], strides = [1, 1]} : vector<512x128xf32> to vector<512x64xf32>
      %mul3A_855 = arith.mulf %slice3A_853, %slice3A_854 : vector<512x64xf32>
      %sub3A_856 = arith.constant 1.000000e+00 : f32
      %sub3A_857 = vector.broadcast %sub3A_856 : f32 to vector<512x64xf32>
      %sub3A_858 = arith.subf %sub3A_857, %slice3A_853 : vector<512x64xf32>
      %slice3A_859 = vector.extract_strided_slice %tanh3A_843 {offsets = [512, 0], sizes = [512, 64], strides = [1, 1]} : vector<1024x64xf32> to vector<512x64xf32>
      %mul3A_860 = arith.mulf %sub3A_858, %slice3A_859 : vector<512x64xf32>
      %add3A_861 = arith.addf %mul3A_855, %mul3A_860 : vector<512x64xf32>
      %concatenate3A_862 = tpu.concatenate %add3A_852, %add3A_861 in 1 : vector<512x64xf32>, vector<512x64xf32> -> vector<512x128xf32>
      %slice3A_863 = vector.extract_strided_slice %dot_general3A_328 {offsets = [2048, 0], sizes = [1024, 192], strides = [1, 1]} : vector<8192x192xf32> to vector<1024x192xf32>
      %convert_element_type3A_864 = arith.truncf %concatenate3A_862 : vector<512x128xf32> to vector<512x128xbf16>
      %dot_general3A_865 = arith.constant dense<0.000000e+00> : vector<1024x128xf32>
      %dot_general3A_866 = tpu.matmul %concatenate3A, %convert_element_type3A_864, %dot_general3A_865 {dimension_numbers = #tpu.dot_dimension_numbers<[1], [0], [0], [1], [0, 0, 1, 1], [], []>, transpose_lhs_hint = false} : vector<1024x512xbf16>, vector<512x128xbf16>, vector<1024x128xf32> -> vector<1024x128xf32>
      %slice3A_867 = vector.extract_strided_slice %dot_general3A_866 {offsets = [0, 0], sizes = [512, 128], strides = [1, 1]} : vector<1024x128xf32> to vector<512x128xf32>
      %slice3A_868 = vector.extract_strided_slice %dot_general3A_866 {offsets = [512, 0], sizes = [512, 128], strides = [1, 1]} : vector<1024x128xf32> to vector<512x128xf32>
      %slice3A_869 = vector.extract_strided_slice %concatenate3A_862 {offsets = [0, 0], sizes = [512, 64], strides = [1, 1]} : vector<512x128xf32> to vector<512x64xf32>
      %slice3A_870 = vector.extract_strided_slice %slice3A_867 {offsets = [0, 0], sizes = [512, 64], strides = [1, 1]} : vector<512x128xf32> to vector<512x64xf32>
      %slice3A_871 = vector.extract_strided_slice %slice3A_868 {offsets = [0, 0], sizes = [512, 64], strides = [1, 1]} : vector<512x128xf32> to vector<512x64xf32>
      %concatenate3A_872 = tpu.concatenate %slice3A_869, %slice3A_870, %slice3A_871 in 1 : vector<512x64xf32>, vector<512x64xf32>, vector<512x64xf32> -> vector<512x192xf32>
      %slice3A_873 = vector.extract_strided_slice %concatenate3A_862 {offsets = [0, 64], sizes = [512, 64], strides = [1, 1]} : vector<512x128xf32> to vector<512x64xf32>
      %slice3A_874 = vector.extract_strided_slice %slice3A_867 {offsets = [0, 64], sizes = [512, 64], strides = [1, 1]} : vector<512x128xf32> to vector<512x64xf32>
      %slice3A_875 = vector.extract_strided_slice %slice3A_868 {offsets = [0, 64], sizes = [512, 64], strides = [1, 1]} : vector<512x128xf32> to vector<512x64xf32>
      %concatenate3A_876 = tpu.concatenate %slice3A_873, %slice3A_874, %slice3A_875 in 1 : vector<512x64xf32>, vector<512x64xf32>, vector<512x64xf32> -> vector<512x192xf32>
      %concatenate3A_877 = tpu.concatenate %concatenate3A_872, %concatenate3A_876 in 0 : vector<512x192xf32>, vector<512x192xf32> -> vector<1024x192xf32>
      %convert_element_type3A_878 = arith.truncf %concatenate3A_877 : vector<1024x192xf32> to vector<1024x192xbf16>
      %get3A_879 = arith.constant 1 : index
      %get3A_880 = arith.constant 0 : index
      %get3A_881 = arith.constant 0 : index
      %get3A_882 = vector.load %arg5[%get3A_879, %get3A_880, %get3A_881] : memref<2x192x128xbf16, #tpu.memory_space<vmem>>, vector<1x192x128xbf16>
      %get3A_883 = vector.shape_cast %get3A_882 : vector<1x192x128xbf16> to vector<192x128xbf16>
      %dot_general3A_884 = arith.constant dense<0.000000e+00> : vector<1024x128xf32>
      %dot_general3A_885 = tpu.matmul %convert_element_type3A_878, %get3A_883, %dot_general3A_884 {dimension_numbers = #tpu.dot_dimension_numbers<[1], [0], [0], [1], [0, 0, 1, 1], [], []>, transpose_lhs_hint = false} : vector<1024x192xbf16>, vector<192x128xbf16>, vector<1024x128xf32> -> vector<1024x128xf32>
      %slice3A_886 = vector.extract_strided_slice %get3A_209 {offsets = [1, 0], sizes = [1, 64], strides = [1, 1]} : vector<2x192xf32> to vector<1x64xf32>
      %squeeze3A_887 = vector.shape_cast %slice3A_886 : vector<1x64xf32> to vector<64xf32>
      %slice3A_888 = vector.extract_strided_slice %get3A_209 {offsets = [1, 64], sizes = [1, 64], strides = [1, 1]} : vector<2x192xf32> to vector<1x64xf32>
      %squeeze3A_889 = vector.shape_cast %slice3A_888 : vector<1x64xf32> to vector<64xf32>
      %slice3A_890 = vector.extract_strided_slice %get3A_209 {offsets = [1, 128], sizes = [1, 64], strides = [1, 1]} : vector<2x192xf32> to vector<1x64xf32>
      %squeeze3A_891 = vector.shape_cast %slice3A_890 : vector<1x64xf32> to vector<64xf32>
      %slice3A_892 = vector.extract_strided_slice %slice3A_863 {offsets = [0, 0], sizes = [1024, 64], strides = [1, 1]} : vector<1024x192xf32> to vector<1024x64xf32>
      %slice3A_893 = vector.extract_strided_slice %dot_general3A_885 {offsets = [0, 0], sizes = [1024, 64], strides = [1, 1]} : vector<1024x128xf32> to vector<1024x64xf32>
      %add3A_894 = arith.addf %slice3A_892, %slice3A_893 : vector<1024x64xf32>
      %broadcast_in_dim3A_895 = vector.shape_cast %squeeze3A_887 : vector<64xf32> to vector<1x64xf32>
      %add3A_896 = vector.broadcast %broadcast_in_dim3A_895 : vector<1x64xf32> to vector<1024x64xf32>
      %add3A_897 = arith.addf %add3A_894, %add3A_896 : vector<1024x64xf32>
      %logistic3A_898 = arith.negf %add3A_897 : vector<1024x64xf32>
      %logistic3A_899 = math.exp %logistic3A_898 : vector<1024x64xf32>
      %logistic3A_900 = arith.constant 1.000000e+00 : f32
      %logistic3A_901 = vector.broadcast %logistic3A_900 : f32 to vector<1024x64xf32>
      %logistic3A_902 = arith.addf %logistic3A_901, %logistic3A_899 : vector<1024x64xf32>
      %logistic3A_903 = arith.divf %logistic3A_901, %logistic3A_902 : vector<1024x64xf32>
      %slice3A_904 = vector.extract_strided_slice %slice3A_863 {offsets = [0, 64], sizes = [1024, 64], strides = [1, 1]} : vector<1024x192xf32> to vector<1024x64xf32>
      %slice3A_905 = vector.extract_strided_slice %dot_general3A_885 {offsets = [0, 64], sizes = [1024, 64], strides = [1, 1]} : vector<1024x128xf32> to vector<1024x64xf32>
      %add3A_906 = arith.addf %slice3A_904, %slice3A_905 : vector<1024x64xf32>
      %broadcast_in_dim3A_907 = vector.shape_cast %squeeze3A_889 : vector<64xf32> to vector<1x64xf32>
      %add3A_908 = vector.broadcast %broadcast_in_dim3A_907 : vector<1x64xf32> to vector<1024x64xf32>
      %add3A_909 = arith.addf %add3A_906, %add3A_908 : vector<1024x64xf32>
      %logistic3A_910 = arith.negf %add3A_909 : vector<1024x64xf32>
      %logistic3A_911 = math.exp %logistic3A_910 : vector<1024x64xf32>
      %logistic3A_912 = arith.constant 1.000000e+00 : f32
      %logistic3A_913 = vector.broadcast %logistic3A_912 : f32 to vector<1024x64xf32>
      %logistic3A_914 = arith.addf %logistic3A_913, %logistic3A_911 : vector<1024x64xf32>
      %logistic3A_915 = arith.divf %logistic3A_913, %logistic3A_914 : vector<1024x64xf32>
      %slice3A_916 = vector.extract_strided_slice %logistic3A_915 {offsets = [0, 0], sizes = [512, 64], strides = [1, 1]} : vector<1024x64xf32> to vector<512x64xf32>
      %slice3A_917 = vector.extract_strided_slice %concatenate3A_862 {offsets = [0, 0], sizes = [512, 64], strides = [1, 1]} : vector<512x128xf32> to vector<512x64xf32>
      %mul3A_918 = arith.mulf %slice3A_916, %slice3A_917 : vector<512x64xf32>
      %slice3A_919 = vector.extract_strided_slice %logistic3A_915 {offsets = [512, 0], sizes = [512, 64], strides = [1, 1]} : vector<1024x64xf32> to vector<512x64xf32>
      %slice3A_920 = vector.extract_strided_slice %concatenate3A_862 {offsets = [0, 64], sizes = [512, 64], strides = [1, 1]} : vector<512x128xf32> to vector<512x64xf32>
      %mul3A_921 = arith.mulf %slice3A_919, %slice3A_920 : vector<512x64xf32>
      %concatenate3A_922 = tpu.concatenate %mul3A_918, %mul3A_921 in 1 : vector<512x64xf32>, vector<512x64xf32> -> vector<512x128xf32>
      %convert_element_type3A_923 = arith.truncf %concatenate3A_922 : vector<512x128xf32> to vector<512x128xbf16>
      %dot_general3A_924 = arith.constant dense<0.000000e+00> : vector<1024x128xf32>
      %dot_general3A_925 = tpu.matmul %concatenate3A, %convert_element_type3A_923, %dot_general3A_924 {dimension_numbers = #tpu.dot_dimension_numbers<[1], [0], [0], [1], [0, 0, 1, 1], [], []>, transpose_lhs_hint = false} : vector<1024x512xbf16>, vector<512x128xbf16>, vector<1024x128xf32> -> vector<1024x128xf32>
      %slice3A_926 = vector.extract_strided_slice %dot_general3A_925 {offsets = [0, 0], sizes = [512, 128], strides = [1, 1]} : vector<1024x128xf32> to vector<512x128xf32>
      %slice3A_927 = vector.extract_strided_slice %dot_general3A_925 {offsets = [512, 0], sizes = [512, 128], strides = [1, 1]} : vector<1024x128xf32> to vector<512x128xf32>
      %slice3A_928 = vector.extract_strided_slice %concatenate3A_922 {offsets = [0, 0], sizes = [512, 64], strides = [1, 1]} : vector<512x128xf32> to vector<512x64xf32>
      %slice3A_929 = vector.extract_strided_slice %slice3A_926 {offsets = [0, 0], sizes = [512, 64], strides = [1, 1]} : vector<512x128xf32> to vector<512x64xf32>
      %slice3A_930 = vector.extract_strided_slice %slice3A_927 {offsets = [0, 0], sizes = [512, 64], strides = [1, 1]} : vector<512x128xf32> to vector<512x64xf32>
      %concatenate3A_931 = tpu.concatenate %slice3A_928, %slice3A_929, %slice3A_930 in 1 : vector<512x64xf32>, vector<512x64xf32>, vector<512x64xf32> -> vector<512x192xf32>
      %slice3A_932 = vector.extract_strided_slice %concatenate3A_922 {offsets = [0, 64], sizes = [512, 64], strides = [1, 1]} : vector<512x128xf32> to vector<512x64xf32>
      %slice3A_933 = vector.extract_strided_slice %slice3A_926 {offsets = [0, 64], sizes = [512, 64], strides = [1, 1]} : vector<512x128xf32> to vector<512x64xf32>
      %slice3A_934 = vector.extract_strided_slice %slice3A_927 {offsets = [0, 64], sizes = [512, 64], strides = [1, 1]} : vector<512x128xf32> to vector<512x64xf32>
      %concatenate3A_935 = tpu.concatenate %slice3A_932, %slice3A_933, %slice3A_934 in 1 : vector<512x64xf32>, vector<512x64xf32>, vector<512x64xf32> -> vector<512x192xf32>
      %concatenate3A_936 = tpu.concatenate %concatenate3A_931, %concatenate3A_935 in 0 : vector<512x192xf32>, vector<512x192xf32> -> vector<1024x192xf32>
      %convert_element_type3A_937 = arith.truncf %concatenate3A_936 : vector<1024x192xf32> to vector<1024x192xbf16>
      %get3A_938 = arith.constant 1 : index
      %get3A_939 = arith.constant 0 : index
      %get3A_940 = arith.constant 0 : index
      %get3A_941 = vector.load %arg6[%get3A_938, %get3A_939, %get3A_940] : memref<2x192x64xbf16, #tpu.memory_space<vmem>>, vector<1x192x64xbf16>
      %get3A_942 = vector.shape_cast %get3A_941 : vector<1x192x64xbf16> to vector<192x64xbf16>
      %dot_general3A_943 = arith.constant dense<0.000000e+00> : vector<1024x64xf32>
      %dot_general3A_944 = tpu.matmul %convert_element_type3A_937, %get3A_942, %dot_general3A_943 {dimension_numbers = #tpu.dot_dimension_numbers<[1], [0], [0], [1], [0, 0, 1, 1], [], []>, transpose_lhs_hint = false} : vector<1024x192xbf16>, vector<192x64xbf16>, vector<1024x64xf32> -> vector<1024x64xf32>
      %slice3A_945 = vector.extract_strided_slice %slice3A_863 {offsets = [0, 128], sizes = [1024, 64], strides = [1, 1]} : vector<1024x192xf32> to vector<1024x64xf32>
      %add3A_946 = arith.addf %slice3A_945, %dot_general3A_944 : vector<1024x64xf32>
      %broadcast_in_dim3A_947 = vector.shape_cast %squeeze3A_891 : vector<64xf32> to vector<1x64xf32>
      %add3A_948 = vector.broadcast %broadcast_in_dim3A_947 : vector<1x64xf32> to vector<1024x64xf32>
      %add3A_949 = arith.addf %add3A_946, %add3A_948 : vector<1024x64xf32>
      %tanh3A_950 = math.tanh %add3A_949 : vector<1024x64xf32>
      %slice3A_951 = vector.extract_strided_slice %logistic3A_903 {offsets = [0, 0], sizes = [512, 64], strides = [1, 1]} : vector<1024x64xf32> to vector<512x64xf32>
      %slice3A_952 = vector.extract_strided_slice %concatenate3A_862 {offsets = [0, 0], sizes = [512, 64], strides = [1, 1]} : vector<512x128xf32> to vector<512x64xf32>
      %mul3A_953 = arith.mulf %slice3A_951, %slice3A_952 : vector<512x64xf32>
      %sub3A_954 = arith.constant 1.000000e+00 : f32
      %sub3A_955 = vector.broadcast %sub3A_954 : f32 to vector<512x64xf32>
      %sub3A_956 = arith.subf %sub3A_955, %slice3A_951 : vector<512x64xf32>
      %slice3A_957 = vector.extract_strided_slice %tanh3A_950 {offsets = [0, 0], sizes = [512, 64], strides = [1, 1]} : vector<1024x64xf32> to vector<512x64xf32>
      %mul3A_958 = arith.mulf %sub3A_956, %slice3A_957 : vector<512x64xf32>
      %add3A_959 = arith.addf %mul3A_953, %mul3A_958 : vector<512x64xf32>
      %slice3A_960 = vector.extract_strided_slice %logistic3A_903 {offsets = [512, 0], sizes = [512, 64], strides = [1, 1]} : vector<1024x64xf32> to vector<512x64xf32>
      %slice3A_961 = vector.extract_strided_slice %concatenate3A_862 {offsets = [0, 64], sizes = [512, 64], strides = [1, 1]} : vector<512x128xf32> to vector<512x64xf32>
      %mul3A_962 = arith.mulf %slice3A_960, %slice3A_961 : vector<512x64xf32>
      %sub3A_963 = arith.constant 1.000000e+00 : f32
      %sub3A_964 = vector.broadcast %sub3A_963 : f32 to vector<512x64xf32>
      %sub3A_965 = arith.subf %sub3A_964, %slice3A_960 : vector<512x64xf32>
      %slice3A_966 = vector.extract_strided_slice %tanh3A_950 {offsets = [512, 0], sizes = [512, 64], strides = [1, 1]} : vector<1024x64xf32> to vector<512x64xf32>
      %mul3A_967 = arith.mulf %sub3A_965, %slice3A_966 : vector<512x64xf32>
      %add3A_968 = arith.addf %mul3A_962, %mul3A_967 : vector<512x64xf32>
      %concatenate3A_969 = tpu.concatenate %add3A_959, %add3A_968 in 1 : vector<512x64xf32>, vector<512x64xf32> -> vector<512x128xf32>
      %slice3A_970 = vector.extract_strided_slice %dot_general3A_321 {offsets = [3072, 0], sizes = [1024, 192], strides = [1, 1]} : vector<8192x192xf32> to vector<1024x192xf32>
      %convert_element_type3A_971 = arith.truncf %concatenate3A_969 : vector<512x128xf32> to vector<512x128xbf16>
      %dot_general3A_972 = arith.constant dense<0.000000e+00> : vector<1024x128xf32>
      %dot_general3A_973 = tpu.matmul %concatenate3A, %convert_element_type3A_971, %dot_general3A_972 {dimension_numbers = #tpu.dot_dimension_numbers<[1], [0], [0], [1], [0, 0, 1, 1], [], []>, transpose_lhs_hint = false} : vector<1024x512xbf16>, vector<512x128xbf16>, vector<1024x128xf32> -> vector<1024x128xf32>
      %slice3A_974 = vector.extract_strided_slice %dot_general3A_973 {offsets = [0, 0], sizes = [512, 128], strides = [1, 1]} : vector<1024x128xf32> to vector<512x128xf32>
      %slice3A_975 = vector.extract_strided_slice %dot_general3A_973 {offsets = [512, 0], sizes = [512, 128], strides = [1, 1]} : vector<1024x128xf32> to vector<512x128xf32>
      %slice3A_976 = vector.extract_strided_slice %concatenate3A_969 {offsets = [0, 0], sizes = [512, 64], strides = [1, 1]} : vector<512x128xf32> to vector<512x64xf32>
      %slice3A_977 = vector.extract_strided_slice %slice3A_974 {offsets = [0, 0], sizes = [512, 64], strides = [1, 1]} : vector<512x128xf32> to vector<512x64xf32>
      %slice3A_978 = vector.extract_strided_slice %slice3A_975 {offsets = [0, 0], sizes = [512, 64], strides = [1, 1]} : vector<512x128xf32> to vector<512x64xf32>
      %concatenate3A_979 = tpu.concatenate %slice3A_976, %slice3A_977, %slice3A_978 in 1 : vector<512x64xf32>, vector<512x64xf32>, vector<512x64xf32> -> vector<512x192xf32>
      %slice3A_980 = vector.extract_strided_slice %concatenate3A_969 {offsets = [0, 64], sizes = [512, 64], strides = [1, 1]} : vector<512x128xf32> to vector<512x64xf32>
      %slice3A_981 = vector.extract_strided_slice %slice3A_974 {offsets = [0, 64], sizes = [512, 64], strides = [1, 1]} : vector<512x128xf32> to vector<512x64xf32>
      %slice3A_982 = vector.extract_strided_slice %slice3A_975 {offsets = [0, 64], sizes = [512, 64], strides = [1, 1]} : vector<512x128xf32> to vector<512x64xf32>
      %concatenate3A_983 = tpu.concatenate %slice3A_980, %slice3A_981, %slice3A_982 in 1 : vector<512x64xf32>, vector<512x64xf32>, vector<512x64xf32> -> vector<512x192xf32>
      %concatenate3A_984 = tpu.concatenate %concatenate3A_979, %concatenate3A_983 in 0 : vector<512x192xf32>, vector<512x192xf32> -> vector<1024x192xf32>
      %convert_element_type3A_985 = arith.truncf %concatenate3A_984 : vector<1024x192xf32> to vector<1024x192xbf16>
      %get3A_986 = arith.constant 0 : index
      %get3A_987 = arith.constant 0 : index
      %get3A_988 = arith.constant 0 : index
      %get3A_989 = vector.load %arg5[%get3A_986, %get3A_987, %get3A_988] : memref<2x192x128xbf16, #tpu.memory_space<vmem>>, vector<1x192x128xbf16>
      %get3A_990 = vector.shape_cast %get3A_989 : vector<1x192x128xbf16> to vector<192x128xbf16>
      %dot_general3A_991 = arith.constant dense<0.000000e+00> : vector<1024x128xf32>
      %dot_general3A_992 = tpu.matmul %convert_element_type3A_985, %get3A_990, %dot_general3A_991 {dimension_numbers = #tpu.dot_dimension_numbers<[1], [0], [0], [1], [0, 0, 1, 1], [], []>, transpose_lhs_hint = false} : vector<1024x192xbf16>, vector<192x128xbf16>, vector<1024x128xf32> -> vector<1024x128xf32>
      %slice3A_993 = vector.extract_strided_slice %get3A_209 {offsets = [0, 0], sizes = [1, 64], strides = [1, 1]} : vector<2x192xf32> to vector<1x64xf32>
      %squeeze3A_994 = vector.shape_cast %slice3A_993 : vector<1x64xf32> to vector<64xf32>
      %slice3A_995 = vector.extract_strided_slice %get3A_209 {offsets = [0, 64], sizes = [1, 64], strides = [1, 1]} : vector<2x192xf32> to vector<1x64xf32>
      %squeeze3A_996 = vector.shape_cast %slice3A_995 : vector<1x64xf32> to vector<64xf32>
      %slice3A_997 = vector.extract_strided_slice %get3A_209 {offsets = [0, 128], sizes = [1, 64], strides = [1, 1]} : vector<2x192xf32> to vector<1x64xf32>
      %squeeze3A_998 = vector.shape_cast %slice3A_997 : vector<1x64xf32> to vector<64xf32>
      %slice3A_999 = vector.extract_strided_slice %slice3A_970 {offsets = [0, 0], sizes = [1024, 64], strides = [1, 1]} : vector<1024x192xf32> to vector<1024x64xf32>
      %slice3A_1000 = vector.extract_strided_slice %dot_general3A_992 {offsets = [0, 0], sizes = [1024, 64], strides = [1, 1]} : vector<1024x128xf32> to vector<1024x64xf32>
      %add3A_1001 = arith.addf %slice3A_999, %slice3A_1000 : vector<1024x64xf32>
      %broadcast_in_dim3A_1002 = vector.shape_cast %squeeze3A_994 : vector<64xf32> to vector<1x64xf32>
      %add3A_1003 = vector.broadcast %broadcast_in_dim3A_1002 : vector<1x64xf32> to vector<1024x64xf32>
      %add3A_1004 = arith.addf %add3A_1001, %add3A_1003 : vector<1024x64xf32>
      %logistic3A_1005 = arith.negf %add3A_1004 : vector<1024x64xf32>
      %logistic3A_1006 = math.exp %logistic3A_1005 : vector<1024x64xf32>
      %logistic3A_1007 = arith.constant 1.000000e+00 : f32
      %logistic3A_1008 = vector.broadcast %logistic3A_1007 : f32 to vector<1024x64xf32>
      %logistic3A_1009 = arith.addf %logistic3A_1008, %logistic3A_1006 : vector<1024x64xf32>
      %logistic3A_1010 = arith.divf %logistic3A_1008, %logistic3A_1009 : vector<1024x64xf32>
      %slice3A_1011 = vector.extract_strided_slice %slice3A_970 {offsets = [0, 64], sizes = [1024, 64], strides = [1, 1]} : vector<1024x192xf32> to vector<1024x64xf32>
      %slice3A_1012 = vector.extract_strided_slice %dot_general3A_992 {offsets = [0, 64], sizes = [1024, 64], strides = [1, 1]} : vector<1024x128xf32> to vector<1024x64xf32>
      %add3A_1013 = arith.addf %slice3A_1011, %slice3A_1012 : vector<1024x64xf32>
      %broadcast_in_dim3A_1014 = vector.shape_cast %squeeze3A_996 : vector<64xf32> to vector<1x64xf32>
      %add3A_1015 = vector.broadcast %broadcast_in_dim3A_1014 : vector<1x64xf32> to vector<1024x64xf32>
      %add3A_1016 = arith.addf %add3A_1013, %add3A_1015 : vector<1024x64xf32>
      %logistic3A_1017 = arith.negf %add3A_1016 : vector<1024x64xf32>
      %logistic3A_1018 = math.exp %logistic3A_1017 : vector<1024x64xf32>
      %logistic3A_1019 = arith.constant 1.000000e+00 : f32
      %logistic3A_1020 = vector.broadcast %logistic3A_1019 : f32 to vector<1024x64xf32>
      %logistic3A_1021 = arith.addf %logistic3A_1020, %logistic3A_1018 : vector<1024x64xf32>
      %logistic3A_1022 = arith.divf %logistic3A_1020, %logistic3A_1021 : vector<1024x64xf32>
      %slice3A_1023 = vector.extract_strided_slice %logistic3A_1022 {offsets = [0, 0], sizes = [512, 64], strides = [1, 1]} : vector<1024x64xf32> to vector<512x64xf32>
      %slice3A_1024 = vector.extract_strided_slice %concatenate3A_969 {offsets = [0, 0], sizes = [512, 64], strides = [1, 1]} : vector<512x128xf32> to vector<512x64xf32>
      %mul3A_1025 = arith.mulf %slice3A_1023, %slice3A_1024 : vector<512x64xf32>
      %slice3A_1026 = vector.extract_strided_slice %logistic3A_1022 {offsets = [512, 0], sizes = [512, 64], strides = [1, 1]} : vector<1024x64xf32> to vector<512x64xf32>
      %slice3A_1027 = vector.extract_strided_slice %concatenate3A_969 {offsets = [0, 64], sizes = [512, 64], strides = [1, 1]} : vector<512x128xf32> to vector<512x64xf32>
      %mul3A_1028 = arith.mulf %slice3A_1026, %slice3A_1027 : vector<512x64xf32>
      %concatenate3A_1029 = tpu.concatenate %mul3A_1025, %mul3A_1028 in 1 : vector<512x64xf32>, vector<512x64xf32> -> vector<512x128xf32>
      %convert_element_type3A_1030 = arith.truncf %concatenate3A_1029 : vector<512x128xf32> to vector<512x128xbf16>
      %dot_general3A_1031 = arith.constant dense<0.000000e+00> : vector<1024x128xf32>
      %dot_general3A_1032 = tpu.matmul %concatenate3A, %convert_element_type3A_1030, %dot_general3A_1031 {dimension_numbers = #tpu.dot_dimension_numbers<[1], [0], [0], [1], [0, 0, 1, 1], [], []>, transpose_lhs_hint = false} : vector<1024x512xbf16>, vector<512x128xbf16>, vector<1024x128xf32> -> vector<1024x128xf32>
      %slice3A_1033 = vector.extract_strided_slice %dot_general3A_1032 {offsets = [0, 0], sizes = [512, 128], strides = [1, 1]} : vector<1024x128xf32> to vector<512x128xf32>
      %slice3A_1034 = vector.extract_strided_slice %dot_general3A_1032 {offsets = [512, 0], sizes = [512, 128], strides = [1, 1]} : vector<1024x128xf32> to vector<512x128xf32>
      %slice3A_1035 = vector.extract_strided_slice %concatenate3A_1029 {offsets = [0, 0], sizes = [512, 64], strides = [1, 1]} : vector<512x128xf32> to vector<512x64xf32>
      %slice3A_1036 = vector.extract_strided_slice %slice3A_1033 {offsets = [0, 0], sizes = [512, 64], strides = [1, 1]} : vector<512x128xf32> to vector<512x64xf32>
      %slice3A_1037 = vector.extract_strided_slice %slice3A_1034 {offsets = [0, 0], sizes = [512, 64], strides = [1, 1]} : vector<512x128xf32> to vector<512x64xf32>
      %concatenate3A_1038 = tpu.concatenate %slice3A_1035, %slice3A_1036, %slice3A_1037 in 1 : vector<512x64xf32>, vector<512x64xf32>, vector<512x64xf32> -> vector<512x192xf32>
      %slice3A_1039 = vector.extract_strided_slice %concatenate3A_1029 {offsets = [0, 64], sizes = [512, 64], strides = [1, 1]} : vector<512x128xf32> to vector<512x64xf32>
      %slice3A_1040 = vector.extract_strided_slice %slice3A_1033 {offsets = [0, 64], sizes = [512, 64], strides = [1, 1]} : vector<512x128xf32> to vector<512x64xf32>
      %slice3A_1041 = vector.extract_strided_slice %slice3A_1034 {offsets = [0, 64], sizes = [512, 64], strides = [1, 1]} : vector<512x128xf32> to vector<512x64xf32>
      %concatenate3A_1042 = tpu.concatenate %slice3A_1039, %slice3A_1040, %slice3A_1041 in 1 : vector<512x64xf32>, vector<512x64xf32>, vector<512x64xf32> -> vector<512x192xf32>
      %concatenate3A_1043 = tpu.concatenate %concatenate3A_1038, %concatenate3A_1042 in 0 : vector<512x192xf32>, vector<512x192xf32> -> vector<1024x192xf32>
      %convert_element_type3A_1044 = arith.truncf %concatenate3A_1043 : vector<1024x192xf32> to vector<1024x192xbf16>
      %get3A_1045 = arith.constant 0 : index
      %get3A_1046 = arith.constant 0 : index
      %get3A_1047 = arith.constant 0 : index
      %get3A_1048 = vector.load %arg6[%get3A_1045, %get3A_1046, %get3A_1047] : memref<2x192x64xbf16, #tpu.memory_space<vmem>>, vector<1x192x64xbf16>
      %get3A_1049 = vector.shape_cast %get3A_1048 : vector<1x192x64xbf16> to vector<192x64xbf16>
      %dot_general3A_1050 = arith.constant dense<0.000000e+00> : vector<1024x64xf32>
      %dot_general3A_1051 = tpu.matmul %convert_element_type3A_1044, %get3A_1049, %dot_general3A_1050 {dimension_numbers = #tpu.dot_dimension_numbers<[1], [0], [0], [1], [0, 0, 1, 1], [], []>, transpose_lhs_hint = false} : vector<1024x192xbf16>, vector<192x64xbf16>, vector<1024x64xf32> -> vector<1024x64xf32>
      %slice3A_1052 = vector.extract_strided_slice %slice3A_970 {offsets = [0, 128], sizes = [1024, 64], strides = [1, 1]} : vector<1024x192xf32> to vector<1024x64xf32>
      %add3A_1053 = arith.addf %slice3A_1052, %dot_general3A_1051 : vector<1024x64xf32>
      %broadcast_in_dim3A_1054 = vector.shape_cast %squeeze3A_998 : vector<64xf32> to vector<1x64xf32>
      %add3A_1055 = vector.broadcast %broadcast_in_dim3A_1054 : vector<1x64xf32> to vector<1024x64xf32>
      %add3A_1056 = arith.addf %add3A_1053, %add3A_1055 : vector<1024x64xf32>
      %tanh3A_1057 = math.tanh %add3A_1056 : vector<1024x64xf32>
      %slice3A_1058 = vector.extract_strided_slice %logistic3A_1010 {offsets = [0, 0], sizes = [512, 64], strides = [1, 1]} : vector<1024x64xf32> to vector<512x64xf32>
      %slice3A_1059 = vector.extract_strided_slice %concatenate3A_969 {offsets = [0, 0], sizes = [512, 64], strides = [1, 1]} : vector<512x128xf32> to vector<512x64xf32>
      %mul3A_1060 = arith.mulf %slice3A_1058, %slice3A_1059 : vector<512x64xf32>
      %sub3A_1061 = arith.constant 1.000000e+00 : f32
      %sub3A_1062 = vector.broadcast %sub3A_1061 : f32 to vector<512x64xf32>
      %sub3A_1063 = arith.subf %sub3A_1062, %slice3A_1058 : vector<512x64xf32>
      %slice3A_1064 = vector.extract_strided_slice %tanh3A_1057 {offsets = [0, 0], sizes = [512, 64], strides = [1, 1]} : vector<1024x64xf32> to vector<512x64xf32>
      %mul3A_1065 = arith.mulf %sub3A_1063, %slice3A_1064 : vector<512x64xf32>
      %add3A_1066 = arith.addf %mul3A_1060, %mul3A_1065 : vector<512x64xf32>
      %slice3A_1067 = vector.extract_strided_slice %logistic3A_1010 {offsets = [512, 0], sizes = [512, 64], strides = [1, 1]} : vector<1024x64xf32> to vector<512x64xf32>
      %slice3A_1068 = vector.extract_strided_slice %concatenate3A_969 {offsets = [0, 64], sizes = [512, 64], strides = [1, 1]} : vector<512x128xf32> to vector<512x64xf32>
      %mul3A_1069 = arith.mulf %slice3A_1067, %slice3A_1068 : vector<512x64xf32>
      %sub3A_1070 = arith.constant 1.000000e+00 : f32
      %sub3A_1071 = vector.broadcast %sub3A_1070 : f32 to vector<512x64xf32>
      %sub3A_1072 = arith.subf %sub3A_1071, %slice3A_1067 : vector<512x64xf32>
      %slice3A_1073 = vector.extract_strided_slice %tanh3A_1057 {offsets = [512, 0], sizes = [512, 64], strides = [1, 1]} : vector<1024x64xf32> to vector<512x64xf32>
      %mul3A_1074 = arith.mulf %sub3A_1072, %slice3A_1073 : vector<512x64xf32>
      %add3A_1075 = arith.addf %mul3A_1069, %mul3A_1074 : vector<512x64xf32>
      %concatenate3A_1076 = tpu.concatenate %add3A_1066, %add3A_1075 in 1 : vector<512x64xf32>, vector<512x64xf32> -> vector<512x128xf32>
      %slice3A_1077 = vector.extract_strided_slice %dot_general3A_328 {offsets = [3072, 0], sizes = [1024, 192], strides = [1, 1]} : vector<8192x192xf32> to vector<1024x192xf32>
      %convert_element_type3A_1078 = arith.truncf %concatenate3A_1076 : vector<512x128xf32> to vector<512x128xbf16>
      %dot_general3A_1079 = arith.constant dense<0.000000e+00> : vector<1024x128xf32>
      %dot_general3A_1080 = tpu.matmul %concatenate3A, %convert_element_type3A_1078, %dot_general3A_1079 {dimension_numbers = #tpu.dot_dimension_numbers<[1], [0], [0], [1], [0, 0, 1, 1], [], []>, transpose_lhs_hint = false} : vector<1024x512xbf16>, vector<512x128xbf16>, vector<1024x128xf32> -> vector<1024x128xf32>
      %slice3A_1081 = vector.extract_strided_slice %dot_general3A_1080 {offsets = [0, 0], sizes = [512, 128], strides = [1, 1]} : vector<1024x128xf32> to vector<512x128xf32>
      %slice3A_1082 = vector.extract_strided_slice %dot_general3A_1080 {offsets = [512, 0], sizes = [512, 128], strides = [1, 1]} : vector<1024x128xf32> to vector<512x128xf32>
      %slice3A_1083 = vector.extract_strided_slice %concatenate3A_1076 {offsets = [0, 0], sizes = [512, 64], strides = [1, 1]} : vector<512x128xf32> to vector<512x64xf32>
      %slice3A_1084 = vector.extract_strided_slice %slice3A_1081 {offsets = [0, 0], sizes = [512, 64], strides = [1, 1]} : vector<512x128xf32> to vector<512x64xf32>
      %slice3A_1085 = vector.extract_strided_slice %slice3A_1082 {offsets = [0, 0], sizes = [512, 64], strides = [1, 1]} : vector<512x128xf32> to vector<512x64xf32>
      %concatenate3A_1086 = tpu.concatenate %slice3A_1083, %slice3A_1084, %slice3A_1085 in 1 : vector<512x64xf32>, vector<512x64xf32>, vector<512x64xf32> -> vector<512x192xf32>
      %slice3A_1087 = vector.extract_strided_slice %concatenate3A_1076 {offsets = [0, 64], sizes = [512, 64], strides = [1, 1]} : vector<512x128xf32> to vector<512x64xf32>
      %slice3A_1088 = vector.extract_strided_slice %slice3A_1081 {offsets = [0, 64], sizes = [512, 64], strides = [1, 1]} : vector<512x128xf32> to vector<512x64xf32>
      %slice3A_1089 = vector.extract_strided_slice %slice3A_1082 {offsets = [0, 64], sizes = [512, 64], strides = [1, 1]} : vector<512x128xf32> to vector<512x64xf32>
      %concatenate3A_1090 = tpu.concatenate %slice3A_1087, %slice3A_1088, %slice3A_1089 in 1 : vector<512x64xf32>, vector<512x64xf32>, vector<512x64xf32> -> vector<512x192xf32>
      %concatenate3A_1091 = tpu.concatenate %concatenate3A_1086, %concatenate3A_1090 in 0 : vector<512x192xf32>, vector<512x192xf32> -> vector<1024x192xf32>
      %convert_element_type3A_1092 = arith.truncf %concatenate3A_1091 : vector<1024x192xf32> to vector<1024x192xbf16>
      %get3A_1093 = arith.constant 1 : index
      %get3A_1094 = arith.constant 0 : index
      %get3A_1095 = arith.constant 0 : index
      %get3A_1096 = vector.load %arg5[%get3A_1093, %get3A_1094, %get3A_1095] : memref<2x192x128xbf16, #tpu.memory_space<vmem>>, vector<1x192x128xbf16>
      %get3A_1097 = vector.shape_cast %get3A_1096 : vector<1x192x128xbf16> to vector<192x128xbf16>
      %dot_general3A_1098 = arith.constant dense<0.000000e+00> : vector<1024x128xf32>
      %dot_general3A_1099 = tpu.matmul %convert_element_type3A_1092, %get3A_1097, %dot_general3A_1098 {dimension_numbers = #tpu.dot_dimension_numbers<[1], [0], [0], [1], [0, 0, 1, 1], [], []>, transpose_lhs_hint = false} : vector<1024x192xbf16>, vector<192x128xbf16>, vector<1024x128xf32> -> vector<1024x128xf32>
      %slice3A_1100 = vector.extract_strided_slice %get3A_209 {offsets = [1, 0], sizes = [1, 64], strides = [1, 1]} : vector<2x192xf32> to vector<1x64xf32>
      %squeeze3A_1101 = vector.shape_cast %slice3A_1100 : vector<1x64xf32> to vector<64xf32>
      %slice3A_1102 = vector.extract_strided_slice %get3A_209 {offsets = [1, 64], sizes = [1, 64], strides = [1, 1]} : vector<2x192xf32> to vector<1x64xf32>
      %squeeze3A_1103 = vector.shape_cast %slice3A_1102 : vector<1x64xf32> to vector<64xf32>
      %slice3A_1104 = vector.extract_strided_slice %get3A_209 {offsets = [1, 128], sizes = [1, 64], strides = [1, 1]} : vector<2x192xf32> to vector<1x64xf32>
      %squeeze3A_1105 = vector.shape_cast %slice3A_1104 : vector<1x64xf32> to vector<64xf32>
      %slice3A_1106 = vector.extract_strided_slice %slice3A_1077 {offsets = [0, 0], sizes = [1024, 64], strides = [1, 1]} : vector<1024x192xf32> to vector<1024x64xf32>
      %slice3A_1107 = vector.extract_strided_slice %dot_general3A_1099 {offsets = [0, 0], sizes = [1024, 64], strides = [1, 1]} : vector<1024x128xf32> to vector<1024x64xf32>
      %add3A_1108 = arith.addf %slice3A_1106, %slice3A_1107 : vector<1024x64xf32>
      %broadcast_in_dim3A_1109 = vector.shape_cast %squeeze3A_1101 : vector<64xf32> to vector<1x64xf32>
      %add3A_1110 = vector.broadcast %broadcast_in_dim3A_1109 : vector<1x64xf32> to vector<1024x64xf32>
      %add3A_1111 = arith.addf %add3A_1108, %add3A_1110 : vector<1024x64xf32>
      %logistic3A_1112 = arith.negf %add3A_1111 : vector<1024x64xf32>
      %logistic3A_1113 = math.exp %logistic3A_1112 : vector<1024x64xf32>
      %logistic3A_1114 = arith.constant 1.000000e+00 : f32
      %logistic3A_1115 = vector.broadcast %logistic3A_1114 : f32 to vector<1024x64xf32>
      %logistic3A_1116 = arith.addf %logistic3A_1115, %logistic3A_1113 : vector<1024x64xf32>
      %logistic3A_1117 = arith.divf %logistic3A_1115, %logistic3A_1116 : vector<1024x64xf32>
      %slice3A_1118 = vector.extract_strided_slice %slice3A_1077 {offsets = [0, 64], sizes = [1024, 64], strides = [1, 1]} : vector<1024x192xf32> to vector<1024x64xf32>
      %slice3A_1119 = vector.extract_strided_slice %dot_general3A_1099 {offsets = [0, 64], sizes = [1024, 64], strides = [1, 1]} : vector<1024x128xf32> to vector<1024x64xf32>
      %add3A_1120 = arith.addf %slice3A_1118, %slice3A_1119 : vector<1024x64xf32>
      %broadcast_in_dim3A_1121 = vector.shape_cast %squeeze3A_1103 : vector<64xf32> to vector<1x64xf32>
      %add3A_1122 = vector.broadcast %broadcast_in_dim3A_1121 : vector<1x64xf32> to vector<1024x64xf32>
      %add3A_1123 = arith.addf %add3A_1120, %add3A_1122 : vector<1024x64xf32>
      %logistic3A_1124 = arith.negf %add3A_1123 : vector<1024x64xf32>
      %logistic3A_1125 = math.exp %logistic3A_1124 : vector<1024x64xf32>
      %logistic3A_1126 = arith.constant 1.000000e+00 : f32
      %logistic3A_1127 = vector.broadcast %logistic3A_1126 : f32 to vector<1024x64xf32>
      %logistic3A_1128 = arith.addf %logistic3A_1127, %logistic3A_1125 : vector<1024x64xf32>
      %logistic3A_1129 = arith.divf %logistic3A_1127, %logistic3A_1128 : vector<1024x64xf32>
      %slice3A_1130 = vector.extract_strided_slice %logistic3A_1129 {offsets = [0, 0], sizes = [512, 64], strides = [1, 1]} : vector<1024x64xf32> to vector<512x64xf32>
      %slice3A_1131 = vector.extract_strided_slice %concatenate3A_1076 {offsets = [0, 0], sizes = [512, 64], strides = [1, 1]} : vector<512x128xf32> to vector<512x64xf32>
      %mul3A_1132 = arith.mulf %slice3A_1130, %slice3A_1131 : vector<512x64xf32>
      %slice3A_1133 = vector.extract_strided_slice %logistic3A_1129 {offsets = [512, 0], sizes = [512, 64], strides = [1, 1]} : vector<1024x64xf32> to vector<512x64xf32>
      %slice3A_1134 = vector.extract_strided_slice %concatenate3A_1076 {offsets = [0, 64], sizes = [512, 64], strides = [1, 1]} : vector<512x128xf32> to vector<512x64xf32>
      %mul3A_1135 = arith.mulf %slice3A_1133, %slice3A_1134 : vector<512x64xf32>
      %concatenate3A_1136 = tpu.concatenate %mul3A_1132, %mul3A_1135 in 1 : vector<512x64xf32>, vector<512x64xf32> -> vector<512x128xf32>
      %convert_element_type3A_1137 = arith.truncf %concatenate3A_1136 : vector<512x128xf32> to vector<512x128xbf16>
      %dot_general3A_1138 = arith.constant dense<0.000000e+00> : vector<1024x128xf32>
      %dot_general3A_1139 = tpu.matmul %concatenate3A, %convert_element_type3A_1137, %dot_general3A_1138 {dimension_numbers = #tpu.dot_dimension_numbers<[1], [0], [0], [1], [0, 0, 1, 1], [], []>, transpose_lhs_hint = false} : vector<1024x512xbf16>, vector<512x128xbf16>, vector<1024x128xf32> -> vector<1024x128xf32>
      %slice3A_1140 = vector.extract_strided_slice %dot_general3A_1139 {offsets = [0, 0], sizes = [512, 128], strides = [1, 1]} : vector<1024x128xf32> to vector<512x128xf32>
      %slice3A_1141 = vector.extract_strided_slice %dot_general3A_1139 {offsets = [512, 0], sizes = [512, 128], strides = [1, 1]} : vector<1024x128xf32> to vector<512x128xf32>
      %slice3A_1142 = vector.extract_strided_slice %concatenate3A_1136 {offsets = [0, 0], sizes = [512, 64], strides = [1, 1]} : vector<512x128xf32> to vector<512x64xf32>
      %slice3A_1143 = vector.extract_strided_slice %slice3A_1140 {offsets = [0, 0], sizes = [512, 64], strides = [1, 1]} : vector<512x128xf32> to vector<512x64xf32>
      %slice3A_1144 = vector.extract_strided_slice %slice3A_1141 {offsets = [0, 0], sizes = [512, 64], strides = [1, 1]} : vector<512x128xf32> to vector<512x64xf32>
      %concatenate3A_1145 = tpu.concatenate %slice3A_1142, %slice3A_1143, %slice3A_1144 in 1 : vector<512x64xf32>, vector<512x64xf32>, vector<512x64xf32> -> vector<512x192xf32>
      %slice3A_1146 = vector.extract_strided_slice %concatenate3A_1136 {offsets = [0, 64], sizes = [512, 64], strides = [1, 1]} : vector<512x128xf32> to vector<512x64xf32>
      %slice3A_1147 = vector.extract_strided_slice %slice3A_1140 {offsets = [0, 64], sizes = [512, 64], strides = [1, 1]} : vector<512x128xf32> to vector<512x64xf32>
      %slice3A_1148 = vector.extract_strided_slice %slice3A_1141 {offsets = [0, 64], sizes = [512, 64], strides = [1, 1]} : vector<512x128xf32> to vector<512x64xf32>
      %concatenate3A_1149 = tpu.concatenate %slice3A_1146, %slice3A_1147, %slice3A_1148 in 1 : vector<512x64xf32>, vector<512x64xf32>, vector<512x64xf32> -> vector<512x192xf32>
      %concatenate3A_1150 = tpu.concatenate %concatenate3A_1145, %concatenate3A_1149 in 0 : vector<512x192xf32>, vector<512x192xf32> -> vector<1024x192xf32>
      %convert_element_type3A_1151 = arith.truncf %concatenate3A_1150 : vector<1024x192xf32> to vector<1024x192xbf16>
      %get3A_1152 = arith.constant 1 : index
      %get3A_1153 = arith.constant 0 : index
      %get3A_1154 = arith.constant 0 : index
      %get3A_1155 = vector.load %arg6[%get3A_1152, %get3A_1153, %get3A_1154] : memref<2x192x64xbf16, #tpu.memory_space<vmem>>, vector<1x192x64xbf16>
      %get3A_1156 = vector.shape_cast %get3A_1155 : vector<1x192x64xbf16> to vector<192x64xbf16>
      %dot_general3A_1157 = arith.constant dense<0.000000e+00> : vector<1024x64xf32>
      %dot_general3A_1158 = tpu.matmul %convert_element_type3A_1151, %get3A_1156, %dot_general3A_1157 {dimension_numbers = #tpu.dot_dimension_numbers<[1], [0], [0], [1], [0, 0, 1, 1], [], []>, transpose_lhs_hint = false} : vector<1024x192xbf16>, vector<192x64xbf16>, vector<1024x64xf32> -> vector<1024x64xf32>
      %slice3A_1159 = vector.extract_strided_slice %slice3A_1077 {offsets = [0, 128], sizes = [1024, 64], strides = [1, 1]} : vector<1024x192xf32> to vector<1024x64xf32>
      %add3A_1160 = arith.addf %slice3A_1159, %dot_general3A_1158 : vector<1024x64xf32>
      %broadcast_in_dim3A_1161 = vector.shape_cast %squeeze3A_1105 : vector<64xf32> to vector<1x64xf32>
      %add3A_1162 = vector.broadcast %broadcast_in_dim3A_1161 : vector<1x64xf32> to vector<1024x64xf32>
      %add3A_1163 = arith.addf %add3A_1160, %add3A_1162 : vector<1024x64xf32>
      %tanh3A_1164 = math.tanh %add3A_1163 : vector<1024x64xf32>
      %slice3A_1165 = vector.extract_strided_slice %logistic3A_1117 {offsets = [0, 0], sizes = [512, 64], strides = [1, 1]} : vector<1024x64xf32> to vector<512x64xf32>
      %slice3A_1166 = vector.extract_strided_slice %concatenate3A_1076 {offsets = [0, 0], sizes = [512, 64], strides = [1, 1]} : vector<512x128xf32> to vector<512x64xf32>
      %mul3A_1167 = arith.mulf %slice3A_1165, %slice3A_1166 : vector<512x64xf32>
      %sub3A_1168 = arith.constant 1.000000e+00 : f32
      %sub3A_1169 = vector.broadcast %sub3A_1168 : f32 to vector<512x64xf32>
      %sub3A_1170 = arith.subf %sub3A_1169, %slice3A_1165 : vector<512x64xf32>
      %slice3A_1171 = vector.extract_strided_slice %tanh3A_1164 {offsets = [0, 0], sizes = [512, 64], strides = [1, 1]} : vector<1024x64xf32> to vector<512x64xf32>
      %mul3A_1172 = arith.mulf %sub3A_1170, %slice3A_1171 : vector<512x64xf32>
      %add3A_1173 = arith.addf %mul3A_1167, %mul3A_1172 : vector<512x64xf32>
      %slice3A_1174 = vector.extract_strided_slice %logistic3A_1117 {offsets = [512, 0], sizes = [512, 64], strides = [1, 1]} : vector<1024x64xf32> to vector<512x64xf32>
      %slice3A_1175 = vector.extract_strided_slice %concatenate3A_1076 {offsets = [0, 64], sizes = [512, 64], strides = [1, 1]} : vector<512x128xf32> to vector<512x64xf32>
      %mul3A_1176 = arith.mulf %slice3A_1174, %slice3A_1175 : vector<512x64xf32>
      %sub3A_1177 = arith.constant 1.000000e+00 : f32
      %sub3A_1178 = vector.broadcast %sub3A_1177 : f32 to vector<512x64xf32>
      %sub3A_1179 = arith.subf %sub3A_1178, %slice3A_1174 : vector<512x64xf32>
      %slice3A_1180 = vector.extract_strided_slice %tanh3A_1164 {offsets = [512, 0], sizes = [512, 64], strides = [1, 1]} : vector<1024x64xf32> to vector<512x64xf32>
      %mul3A_1181 = arith.mulf %sub3A_1179, %slice3A_1180 : vector<512x64xf32>
      %add3A_1182 = arith.addf %mul3A_1176, %mul3A_1181 : vector<512x64xf32>
      %concatenate3A_1183 = tpu.concatenate %add3A_1173, %add3A_1182 in 1 : vector<512x64xf32>, vector<512x64xf32> -> vector<512x128xf32>
      %slice3A_1184 = vector.extract_strided_slice %dot_general3A_321 {offsets = [4096, 0], sizes = [1024, 192], strides = [1, 1]} : vector<8192x192xf32> to vector<1024x192xf32>
      %convert_element_type3A_1185 = arith.truncf %concatenate3A_1183 : vector<512x128xf32> to vector<512x128xbf16>
      %dot_general3A_1186 = arith.constant dense<0.000000e+00> : vector<1024x128xf32>
      %dot_general3A_1187 = tpu.matmul %concatenate3A, %convert_element_type3A_1185, %dot_general3A_1186 {dimension_numbers = #tpu.dot_dimension_numbers<[1], [0], [0], [1], [0, 0, 1, 1], [], []>, transpose_lhs_hint = false} : vector<1024x512xbf16>, vector<512x128xbf16>, vector<1024x128xf32> -> vector<1024x128xf32>
      %slice3A_1188 = vector.extract_strided_slice %dot_general3A_1187 {offsets = [0, 0], sizes = [512, 128], strides = [1, 1]} : vector<1024x128xf32> to vector<512x128xf32>
      %slice3A_1189 = vector.extract_strided_slice %dot_general3A_1187 {offsets = [512, 0], sizes = [512, 128], strides = [1, 1]} : vector<1024x128xf32> to vector<512x128xf32>
      %slice3A_1190 = vector.extract_strided_slice %concatenate3A_1183 {offsets = [0, 0], sizes = [512, 64], strides = [1, 1]} : vector<512x128xf32> to vector<512x64xf32>
      %slice3A_1191 = vector.extract_strided_slice %slice3A_1188 {offsets = [0, 0], sizes = [512, 64], strides = [1, 1]} : vector<512x128xf32> to vector<512x64xf32>
      %slice3A_1192 = vector.extract_strided_slice %slice3A_1189 {offsets = [0, 0], sizes = [512, 64], strides = [1, 1]} : vector<512x128xf32> to vector<512x64xf32>
      %concatenate3A_1193 = tpu.concatenate %slice3A_1190, %slice3A_1191, %slice3A_1192 in 1 : vector<512x64xf32>, vector<512x64xf32>, vector<512x64xf32> -> vector<512x192xf32>
      %slice3A_1194 = vector.extract_strided_slice %concatenate3A_1183 {offsets = [0, 64], sizes = [512, 64], strides = [1, 1]} : vector<512x128xf32> to vector<512x64xf32>
      %slice3A_1195 = vector.extract_strided_slice %slice3A_1188 {offsets = [0, 64], sizes = [512, 64], strides = [1, 1]} : vector<512x128xf32> to vector<512x64xf32>
      %slice3A_1196 = vector.extract_strided_slice %slice3A_1189 {offsets = [0, 64], sizes = [512, 64], strides = [1, 1]} : vector<512x128xf32> to vector<512x64xf32>
      %concatenate3A_1197 = tpu.concatenate %slice3A_1194, %slice3A_1195, %slice3A_1196 in 1 : vector<512x64xf32>, vector<512x64xf32>, vector<512x64xf32> -> vector<512x192xf32>
      %concatenate3A_1198 = tpu.concatenate %concatenate3A_1193, %concatenate3A_1197 in 0 : vector<512x192xf32>, vector<512x192xf32> -> vector<1024x192xf32>
      %convert_element_type3A_1199 = arith.truncf %concatenate3A_1198 : vector<1024x192xf32> to vector<1024x192xbf16>
      %get3A_1200 = arith.constant 0 : index
      %get3A_1201 = arith.constant 0 : index
      %get3A_1202 = arith.constant 0 : index
      %get3A_1203 = vector.load %arg5[%get3A_1200, %get3A_1201, %get3A_1202] : memref<2x192x128xbf16, #tpu.memory_space<vmem>>, vector<1x192x128xbf16>
      %get3A_1204 = vector.shape_cast %get3A_1203 : vector<1x192x128xbf16> to vector<192x128xbf16>
      %dot_general3A_1205 = arith.constant dense<0.000000e+00> : vector<1024x128xf32>
      %dot_general3A_1206 = tpu.matmul %convert_element_type3A_1199, %get3A_1204, %dot_general3A_1205 {dimension_numbers = #tpu.dot_dimension_numbers<[1], [0], [0], [1], [0, 0, 1, 1], [], []>, transpose_lhs_hint = false} : vector<1024x192xbf16>, vector<192x128xbf16>, vector<1024x128xf32> -> vector<1024x128xf32>
      %slice3A_1207 = vector.extract_strided_slice %get3A_209 {offsets = [0, 0], sizes = [1, 64], strides = [1, 1]} : vector<2x192xf32> to vector<1x64xf32>
      %squeeze3A_1208 = vector.shape_cast %slice3A_1207 : vector<1x64xf32> to vector<64xf32>
      %slice3A_1209 = vector.extract_strided_slice %get3A_209 {offsets = [0, 64], sizes = [1, 64], strides = [1, 1]} : vector<2x192xf32> to vector<1x64xf32>
      %squeeze3A_1210 = vector.shape_cast %slice3A_1209 : vector<1x64xf32> to vector<64xf32>
      %slice3A_1211 = vector.extract_strided_slice %get3A_209 {offsets = [0, 128], sizes = [1, 64], strides = [1, 1]} : vector<2x192xf32> to vector<1x64xf32>
      %squeeze3A_1212 = vector.shape_cast %slice3A_1211 : vector<1x64xf32> to vector<64xf32>
      %slice3A_1213 = vector.extract_strided_slice %slice3A_1184 {offsets = [0, 0], sizes = [1024, 64], strides = [1, 1]} : vector<1024x192xf32> to vector<1024x64xf32>
      %slice3A_1214 = vector.extract_strided_slice %dot_general3A_1206 {offsets = [0, 0], sizes = [1024, 64], strides = [1, 1]} : vector<1024x128xf32> to vector<1024x64xf32>
      %add3A_1215 = arith.addf %slice3A_1213, %slice3A_1214 : vector<1024x64xf32>
      %broadcast_in_dim3A_1216 = vector.shape_cast %squeeze3A_1208 : vector<64xf32> to vector<1x64xf32>
      %add3A_1217 = vector.broadcast %broadcast_in_dim3A_1216 : vector<1x64xf32> to vector<1024x64xf32>
      %add3A_1218 = arith.addf %add3A_1215, %add3A_1217 : vector<1024x64xf32>
      %logistic3A_1219 = arith.negf %add3A_1218 : vector<1024x64xf32>
      %logistic3A_1220 = math.exp %logistic3A_1219 : vector<1024x64xf32>
      %logistic3A_1221 = arith.constant 1.000000e+00 : f32
      %logistic3A_1222 = vector.broadcast %logistic3A_1221 : f32 to vector<1024x64xf32>
      %logistic3A_1223 = arith.addf %logistic3A_1222, %logistic3A_1220 : vector<1024x64xf32>
      %logistic3A_1224 = arith.divf %logistic3A_1222, %logistic3A_1223 : vector<1024x64xf32>
      %slice3A_1225 = vector.extract_strided_slice %slice3A_1184 {offsets = [0, 64], sizes = [1024, 64], strides = [1, 1]} : vector<1024x192xf32> to vector<1024x64xf32>
      %slice3A_1226 = vector.extract_strided_slice %dot_general3A_1206 {offsets = [0, 64], sizes = [1024, 64], strides = [1, 1]} : vector<1024x128xf32> to vector<1024x64xf32>
      %add3A_1227 = arith.addf %slice3A_1225, %slice3A_1226 : vector<1024x64xf32>
      %broadcast_in_dim3A_1228 = vector.shape_cast %squeeze3A_1210 : vector<64xf32> to vector<1x64xf32>
      %add3A_1229 = vector.broadcast %broadcast_in_dim3A_1228 : vector<1x64xf32> to vector<1024x64xf32>
      %add3A_1230 = arith.addf %add3A_1227, %add3A_1229 : vector<1024x64xf32>
      %logistic3A_1231 = arith.negf %add3A_1230 : vector<1024x64xf32>
      %logistic3A_1232 = math.exp %logistic3A_1231 : vector<1024x64xf32>
      %logistic3A_1233 = arith.constant 1.000000e+00 : f32
      %logistic3A_1234 = vector.broadcast %logistic3A_1233 : f32 to vector<1024x64xf32>
      %logistic3A_1235 = arith.addf %logistic3A_1234, %logistic3A_1232 : vector<1024x64xf32>
      %logistic3A_1236 = arith.divf %logistic3A_1234, %logistic3A_1235 : vector<1024x64xf32>
      %slice3A_1237 = vector.extract_strided_slice %logistic3A_1236 {offsets = [0, 0], sizes = [512, 64], strides = [1, 1]} : vector<1024x64xf32> to vector<512x64xf32>
      %slice3A_1238 = vector.extract_strided_slice %concatenate3A_1183 {offsets = [0, 0], sizes = [512, 64], strides = [1, 1]} : vector<512x128xf32> to vector<512x64xf32>
      %mul3A_1239 = arith.mulf %slice3A_1237, %slice3A_1238 : vector<512x64xf32>
      %slice3A_1240 = vector.extract_strided_slice %logistic3A_1236 {offsets = [512, 0], sizes = [512, 64], strides = [1, 1]} : vector<1024x64xf32> to vector<512x64xf32>
      %slice3A_1241 = vector.extract_strided_slice %concatenate3A_1183 {offsets = [0, 64], sizes = [512, 64], strides = [1, 1]} : vector<512x128xf32> to vector<512x64xf32>
      %mul3A_1242 = arith.mulf %slice3A_1240, %slice3A_1241 : vector<512x64xf32>
      %concatenate3A_1243 = tpu.concatenate %mul3A_1239, %mul3A_1242 in 1 : vector<512x64xf32>, vector<512x64xf32> -> vector<512x128xf32>
      %convert_element_type3A_1244 = arith.truncf %concatenate3A_1243 : vector<512x128xf32> to vector<512x128xbf16>
      %dot_general3A_1245 = arith.constant dense<0.000000e+00> : vector<1024x128xf32>
      %dot_general3A_1246 = tpu.matmul %concatenate3A, %convert_element_type3A_1244, %dot_general3A_1245 {dimension_numbers = #tpu.dot_dimension_numbers<[1], [0], [0], [1], [0, 0, 1, 1], [], []>, transpose_lhs_hint = false} : vector<1024x512xbf16>, vector<512x128xbf16>, vector<1024x128xf32> -> vector<1024x128xf32>
      %slice3A_1247 = vector.extract_strided_slice %dot_general3A_1246 {offsets = [0, 0], sizes = [512, 128], strides = [1, 1]} : vector<1024x128xf32> to vector<512x128xf32>
      %slice3A_1248 = vector.extract_strided_slice %dot_general3A_1246 {offsets = [512, 0], sizes = [512, 128], strides = [1, 1]} : vector<1024x128xf32> to vector<512x128xf32>
      %slice3A_1249 = vector.extract_strided_slice %concatenate3A_1243 {offsets = [0, 0], sizes = [512, 64], strides = [1, 1]} : vector<512x128xf32> to vector<512x64xf32>
      %slice3A_1250 = vector.extract_strided_slice %slice3A_1247 {offsets = [0, 0], sizes = [512, 64], strides = [1, 1]} : vector<512x128xf32> to vector<512x64xf32>
      %slice3A_1251 = vector.extract_strided_slice %slice3A_1248 {offsets = [0, 0], sizes = [512, 64], strides = [1, 1]} : vector<512x128xf32> to vector<512x64xf32>
      %concatenate3A_1252 = tpu.concatenate %slice3A_1249, %slice3A_1250, %slice3A_1251 in 1 : vector<512x64xf32>, vector<512x64xf32>, vector<512x64xf32> -> vector<512x192xf32>
      %slice3A_1253 = vector.extract_strided_slice %concatenate3A_1243 {offsets = [0, 64], sizes = [512, 64], strides = [1, 1]} : vector<512x128xf32> to vector<512x64xf32>
      %slice3A_1254 = vector.extract_strided_slice %slice3A_1247 {offsets = [0, 64], sizes = [512, 64], strides = [1, 1]} : vector<512x128xf32> to vector<512x64xf32>
      %slice3A_1255 = vector.extract_strided_slice %slice3A_1248 {offsets = [0, 64], sizes = [512, 64], strides = [1, 1]} : vector<512x128xf32> to vector<512x64xf32>
      %concatenate3A_1256 = tpu.concatenate %slice3A_1253, %slice3A_1254, %slice3A_1255 in 1 : vector<512x64xf32>, vector<512x64xf32>, vector<512x64xf32> -> vector<512x192xf32>
      %concatenate3A_1257 = tpu.concatenate %concatenate3A_1252, %concatenate3A_1256 in 0 : vector<512x192xf32>, vector<512x192xf32> -> vector<1024x192xf32>
      %convert_element_type3A_1258 = arith.truncf %concatenate3A_1257 : vector<1024x192xf32> to vector<1024x192xbf16>
      %get3A_1259 = arith.constant 0 : index
      %get3A_1260 = arith.constant 0 : index
      %get3A_1261 = arith.constant 0 : index
      %get3A_1262 = vector.load %arg6[%get3A_1259, %get3A_1260, %get3A_1261] : memref<2x192x64xbf16, #tpu.memory_space<vmem>>, vector<1x192x64xbf16>
      %get3A_1263 = vector.shape_cast %get3A_1262 : vector<1x192x64xbf16> to vector<192x64xbf16>
      %dot_general3A_1264 = arith.constant dense<0.000000e+00> : vector<1024x64xf32>
      %dot_general3A_1265 = tpu.matmul %convert_element_type3A_1258, %get3A_1263, %dot_general3A_1264 {dimension_numbers = #tpu.dot_dimension_numbers<[1], [0], [0], [1], [0, 0, 1, 1], [], []>, transpose_lhs_hint = false} : vector<1024x192xbf16>, vector<192x64xbf16>, vector<1024x64xf32> -> vector<1024x64xf32>
      %slice3A_1266 = vector.extract_strided_slice %slice3A_1184 {offsets = [0, 128], sizes = [1024, 64], strides = [1, 1]} : vector<1024x192xf32> to vector<1024x64xf32>
      %add3A_1267 = arith.addf %slice3A_1266, %dot_general3A_1265 : vector<1024x64xf32>
      %broadcast_in_dim3A_1268 = vector.shape_cast %squeeze3A_1212 : vector<64xf32> to vector<1x64xf32>
      %add3A_1269 = vector.broadcast %broadcast_in_dim3A_1268 : vector<1x64xf32> to vector<1024x64xf32>
      %add3A_1270 = arith.addf %add3A_1267, %add3A_1269 : vector<1024x64xf32>
      %tanh3A_1271 = math.tanh %add3A_1270 : vector<1024x64xf32>
      %slice3A_1272 = vector.extract_strided_slice %logistic3A_1224 {offsets = [0, 0], sizes = [512, 64], strides = [1, 1]} : vector<1024x64xf32> to vector<512x64xf32>
      %slice3A_1273 = vector.extract_strided_slice %concatenate3A_1183 {offsets = [0, 0], sizes = [512, 64], strides = [1, 1]} : vector<512x128xf32> to vector<512x64xf32>
      %mul3A_1274 = arith.mulf %slice3A_1272, %slice3A_1273 : vector<512x64xf32>
      %sub3A_1275 = arith.constant 1.000000e+00 : f32
      %sub3A_1276 = vector.broadcast %sub3A_1275 : f32 to vector<512x64xf32>
      %sub3A_1277 = arith.subf %sub3A_1276, %slice3A_1272 : vector<512x64xf32>
      %slice3A_1278 = vector.extract_strided_slice %tanh3A_1271 {offsets = [0, 0], sizes = [512, 64], strides = [1, 1]} : vector<1024x64xf32> to vector<512x64xf32>
      %mul3A_1279 = arith.mulf %sub3A_1277, %slice3A_1278 : vector<512x64xf32>
      %add3A_1280 = arith.addf %mul3A_1274, %mul3A_1279 : vector<512x64xf32>
      %slice3A_1281 = vector.extract_strided_slice %logistic3A_1224 {offsets = [512, 0], sizes = [512, 64], strides = [1, 1]} : vector<1024x64xf32> to vector<512x64xf32>
      %slice3A_1282 = vector.extract_strided_slice %concatenate3A_1183 {offsets = [0, 64], sizes = [512, 64], strides = [1, 1]} : vector<512x128xf32> to vector<512x64xf32>
      %mul3A_1283 = arith.mulf %slice3A_1281, %slice3A_1282 : vector<512x64xf32>
      %sub3A_1284 = arith.constant 1.000000e+00 : f32
      %sub3A_1285 = vector.broadcast %sub3A_1284 : f32 to vector<512x64xf32>
      %sub3A_1286 = arith.subf %sub3A_1285, %slice3A_1281 : vector<512x64xf32>
      %slice3A_1287 = vector.extract_strided_slice %tanh3A_1271 {offsets = [512, 0], sizes = [512, 64], strides = [1, 1]} : vector<1024x64xf32> to vector<512x64xf32>
      %mul3A_1288 = arith.mulf %sub3A_1286, %slice3A_1287 : vector<512x64xf32>
      %add3A_1289 = arith.addf %mul3A_1283, %mul3A_1288 : vector<512x64xf32>
      %concatenate3A_1290 = tpu.concatenate %add3A_1280, %add3A_1289 in 1 : vector<512x64xf32>, vector<512x64xf32> -> vector<512x128xf32>
      %slice3A_1291 = vector.extract_strided_slice %dot_general3A_328 {offsets = [4096, 0], sizes = [1024, 192], strides = [1, 1]} : vector<8192x192xf32> to vector<1024x192xf32>
      %convert_element_type3A_1292 = arith.truncf %concatenate3A_1290 : vector<512x128xf32> to vector<512x128xbf16>
      %dot_general3A_1293 = arith.constant dense<0.000000e+00> : vector<1024x128xf32>
      %dot_general3A_1294 = tpu.matmul %concatenate3A, %convert_element_type3A_1292, %dot_general3A_1293 {dimension_numbers = #tpu.dot_dimension_numbers<[1], [0], [0], [1], [0, 0, 1, 1], [], []>, transpose_lhs_hint = false} : vector<1024x512xbf16>, vector<512x128xbf16>, vector<1024x128xf32> -> vector<1024x128xf32>
      %slice3A_1295 = vector.extract_strided_slice %dot_general3A_1294 {offsets = [0, 0], sizes = [512, 128], strides = [1, 1]} : vector<1024x128xf32> to vector<512x128xf32>
      %slice3A_1296 = vector.extract_strided_slice %dot_general3A_1294 {offsets = [512, 0], sizes = [512, 128], strides = [1, 1]} : vector<1024x128xf32> to vector<512x128xf32>
      %slice3A_1297 = vector.extract_strided_slice %concatenate3A_1290 {offsets = [0, 0], sizes = [512, 64], strides = [1, 1]} : vector<512x128xf32> to vector<512x64xf32>
      %slice3A_1298 = vector.extract_strided_slice %slice3A_1295 {offsets = [0, 0], sizes = [512, 64], strides = [1, 1]} : vector<512x128xf32> to vector<512x64xf32>
      %slice3A_1299 = vector.extract_strided_slice %slice3A_1296 {offsets = [0, 0], sizes = [512, 64], strides = [1, 1]} : vector<512x128xf32> to vector<512x64xf32>
      %concatenate3A_1300 = tpu.concatenate %slice3A_1297, %slice3A_1298, %slice3A_1299 in 1 : vector<512x64xf32>, vector<512x64xf32>, vector<512x64xf32> -> vector<512x192xf32>
      %slice3A_1301 = vector.extract_strided_slice %concatenate3A_1290 {offsets = [0, 64], sizes = [512, 64], strides = [1, 1]} : vector<512x128xf32> to vector<512x64xf32>
      %slice3A_1302 = vector.extract_strided_slice %slice3A_1295 {offsets = [0, 64], sizes = [512, 64], strides = [1, 1]} : vector<512x128xf32> to vector<512x64xf32>
      %slice3A_1303 = vector.extract_strided_slice %slice3A_1296 {offsets = [0, 64], sizes = [512, 64], strides = [1, 1]} : vector<512x128xf32> to vector<512x64xf32>
      %concatenate3A_1304 = tpu.concatenate %slice3A_1301, %slice3A_1302, %slice3A_1303 in 1 : vector<512x64xf32>, vector<512x64xf32>, vector<512x64xf32> -> vector<512x192xf32>
      %concatenate3A_1305 = tpu.concatenate %concatenate3A_1300, %concatenate3A_1304 in 0 : vector<512x192xf32>, vector<512x192xf32> -> vector<1024x192xf32>
      %convert_element_type3A_1306 = arith.truncf %concatenate3A_1305 : vector<1024x192xf32> to vector<1024x192xbf16>
      %get3A_1307 = arith.constant 1 : index
      %get3A_1308 = arith.constant 0 : index
      %get3A_1309 = arith.constant 0 : index
      %get3A_1310 = vector.load %arg5[%get3A_1307, %get3A_1308, %get3A_1309] : memref<2x192x128xbf16, #tpu.memory_space<vmem>>, vector<1x192x128xbf16>
      %get3A_1311 = vector.shape_cast %get3A_1310 : vector<1x192x128xbf16> to vector<192x128xbf16>
      %dot_general3A_1312 = arith.constant dense<0.000000e+00> : vector<1024x128xf32>
      %dot_general3A_1313 = tpu.matmul %convert_element_type3A_1306, %get3A_1311, %dot_general3A_1312 {dimension_numbers = #tpu.dot_dimension_numbers<[1], [0], [0], [1], [0, 0, 1, 1], [], []>, transpose_lhs_hint = false} : vector<1024x192xbf16>, vector<192x128xbf16>, vector<1024x128xf32> -> vector<1024x128xf32>
      %slice3A_1314 = vector.extract_strided_slice %get3A_209 {offsets = [1, 0], sizes = [1, 64], strides = [1, 1]} : vector<2x192xf32> to vector<1x64xf32>
      %squeeze3A_1315 = vector.shape_cast %slice3A_1314 : vector<1x64xf32> to vector<64xf32>
      %slice3A_1316 = vector.extract_strided_slice %get3A_209 {offsets = [1, 64], sizes = [1, 64], strides = [1, 1]} : vector<2x192xf32> to vector<1x64xf32>
      %squeeze3A_1317 = vector.shape_cast %slice3A_1316 : vector<1x64xf32> to vector<64xf32>
      %slice3A_1318 = vector.extract_strided_slice %get3A_209 {offsets = [1, 128], sizes = [1, 64], strides = [1, 1]} : vector<2x192xf32> to vector<1x64xf32>
      %squeeze3A_1319 = vector.shape_cast %slice3A_1318 : vector<1x64xf32> to vector<64xf32>
      %slice3A_1320 = vector.extract_strided_slice %slice3A_1291 {offsets = [0, 0], sizes = [1024, 64], strides = [1, 1]} : vector<1024x192xf32> to vector<1024x64xf32>
      %slice3A_1321 = vector.extract_strided_slice %dot_general3A_1313 {offsets = [0, 0], sizes = [1024, 64], strides = [1, 1]} : vector<1024x128xf32> to vector<1024x64xf32>
      %add3A_1322 = arith.addf %slice3A_1320, %slice3A_1321 : vector<1024x64xf32>
      %broadcast_in_dim3A_1323 = vector.shape_cast %squeeze3A_1315 : vector<64xf32> to vector<1x64xf32>
      %add3A_1324 = vector.broadcast %broadcast_in_dim3A_1323 : vector<1x64xf32> to vector<1024x64xf32>
      %add3A_1325 = arith.addf %add3A_1322, %add3A_1324 : vector<1024x64xf32>
      %logistic3A_1326 = arith.negf %add3A_1325 : vector<1024x64xf32>
      %logistic3A_1327 = math.exp %logistic3A_1326 : vector<1024x64xf32>
      %logistic3A_1328 = arith.constant 1.000000e+00 : f32
      %logistic3A_1329 = vector.broadcast %logistic3A_1328 : f32 to vector<1024x64xf32>
      %logistic3A_1330 = arith.addf %logistic3A_1329, %logistic3A_1327 : vector<1024x64xf32>
      %logistic3A_1331 = arith.divf %logistic3A_1329, %logistic3A_1330 : vector<1024x64xf32>
      %slice3A_1332 = vector.extract_strided_slice %slice3A_1291 {offsets = [0, 64], sizes = [1024, 64], strides = [1, 1]} : vector<1024x192xf32> to vector<1024x64xf32>
      %slice3A_1333 = vector.extract_strided_slice %dot_general3A_1313 {offsets = [0, 64], sizes = [1024, 64], strides = [1, 1]} : vector<1024x128xf32> to vector<1024x64xf32>
      %add3A_1334 = arith.addf %slice3A_1332, %slice3A_1333 : vector<1024x64xf32>
      %broadcast_in_dim3A_1335 = vector.shape_cast %squeeze3A_1317 : vector<64xf32> to vector<1x64xf32>
      %add3A_1336 = vector.broadcast %broadcast_in_dim3A_1335 : vector<1x64xf32> to vector<1024x64xf32>
      %add3A_1337 = arith.addf %add3A_1334, %add3A_1336 : vector<1024x64xf32>
      %logistic3A_1338 = arith.negf %add3A_1337 : vector<1024x64xf32>
      %logistic3A_1339 = math.exp %logistic3A_1338 : vector<1024x64xf32>
      %logistic3A_1340 = arith.constant 1.000000e+00 : f32
      %logistic3A_1341 = vector.broadcast %logistic3A_1340 : f32 to vector<1024x64xf32>
      %logistic3A_1342 = arith.addf %logistic3A_1341, %logistic3A_1339 : vector<1024x64xf32>
      %logistic3A_1343 = arith.divf %logistic3A_1341, %logistic3A_1342 : vector<1024x64xf32>
      %slice3A_1344 = vector.extract_strided_slice %logistic3A_1343 {offsets = [0, 0], sizes = [512, 64], strides = [1, 1]} : vector<1024x64xf32> to vector<512x64xf32>
      %slice3A_1345 = vector.extract_strided_slice %concatenate3A_1290 {offsets = [0, 0], sizes = [512, 64], strides = [1, 1]} : vector<512x128xf32> to vector<512x64xf32>
      %mul3A_1346 = arith.mulf %slice3A_1344, %slice3A_1345 : vector<512x64xf32>
      %slice3A_1347 = vector.extract_strided_slice %logistic3A_1343 {offsets = [512, 0], sizes = [512, 64], strides = [1, 1]} : vector<1024x64xf32> to vector<512x64xf32>
      %slice3A_1348 = vector.extract_strided_slice %concatenate3A_1290 {offsets = [0, 64], sizes = [512, 64], strides = [1, 1]} : vector<512x128xf32> to vector<512x64xf32>
      %mul3A_1349 = arith.mulf %slice3A_1347, %slice3A_1348 : vector<512x64xf32>
      %concatenate3A_1350 = tpu.concatenate %mul3A_1346, %mul3A_1349 in 1 : vector<512x64xf32>, vector<512x64xf32> -> vector<512x128xf32>
      %convert_element_type3A_1351 = arith.truncf %concatenate3A_1350 : vector<512x128xf32> to vector<512x128xbf16>
      %dot_general3A_1352 = arith.constant dense<0.000000e+00> : vector<1024x128xf32>
      %dot_general3A_1353 = tpu.matmul %concatenate3A, %convert_element_type3A_1351, %dot_general3A_1352 {dimension_numbers = #tpu.dot_dimension_numbers<[1], [0], [0], [1], [0, 0, 1, 1], [], []>, transpose_lhs_hint = false} : vector<1024x512xbf16>, vector<512x128xbf16>, vector<1024x128xf32> -> vector<1024x128xf32>
      %slice3A_1354 = vector.extract_strided_slice %dot_general3A_1353 {offsets = [0, 0], sizes = [512, 128], strides = [1, 1]} : vector<1024x128xf32> to vector<512x128xf32>
      %slice3A_1355 = vector.extract_strided_slice %dot_general3A_1353 {offsets = [512, 0], sizes = [512, 128], strides = [1, 1]} : vector<1024x128xf32> to vector<512x128xf32>
      %slice3A_1356 = vector.extract_strided_slice %concatenate3A_1350 {offsets = [0, 0], sizes = [512, 64], strides = [1, 1]} : vector<512x128xf32> to vector<512x64xf32>
      %slice3A_1357 = vector.extract_strided_slice %slice3A_1354 {offsets = [0, 0], sizes = [512, 64], strides = [1, 1]} : vector<512x128xf32> to vector<512x64xf32>
      %slice3A_1358 = vector.extract_strided_slice %slice3A_1355 {offsets = [0, 0], sizes = [512, 64], strides = [1, 1]} : vector<512x128xf32> to vector<512x64xf32>
      %concatenate3A_1359 = tpu.concatenate %slice3A_1356, %slice3A_1357, %slice3A_1358 in 1 : vector<512x64xf32>, vector<512x64xf32>, vector<512x64xf32> -> vector<512x192xf32>
      %slice3A_1360 = vector.extract_strided_slice %concatenate3A_1350 {offsets = [0, 64], sizes = [512, 64], strides = [1, 1]} : vector<512x128xf32> to vector<512x64xf32>
      %slice3A_1361 = vector.extract_strided_slice %slice3A_1354 {offsets = [0, 64], sizes = [512, 64], strides = [1, 1]} : vector<512x128xf32> to vector<512x64xf32>
      %slice3A_1362 = vector.extract_strided_slice %slice3A_1355 {offsets = [0, 64], sizes = [512, 64], strides = [1, 1]} : vector<512x128xf32> to vector<512x64xf32>
      %concatenate3A_1363 = tpu.concatenate %slice3A_1360, %slice3A_1361, %slice3A_1362 in 1 : vector<512x64xf32>, vector<512x64xf32>, vector<512x64xf32> -> vector<512x192xf32>
      %concatenate3A_1364 = tpu.concatenate %concatenate3A_1359, %concatenate3A_1363 in 0 : vector<512x192xf32>, vector<512x192xf32> -> vector<1024x192xf32>
      %convert_element_type3A_1365 = arith.truncf %concatenate3A_1364 : vector<1024x192xf32> to vector<1024x192xbf16>
      %get3A_1366 = arith.constant 1 : index
      %get3A_1367 = arith.constant 0 : index
      %get3A_1368 = arith.constant 0 : index
      %get3A_1369 = vector.load %arg6[%get3A_1366, %get3A_1367, %get3A_1368] : memref<2x192x64xbf16, #tpu.memory_space<vmem>>, vector<1x192x64xbf16>
      %get3A_1370 = vector.shape_cast %get3A_1369 : vector<1x192x64xbf16> to vector<192x64xbf16>
      %dot_general3A_1371 = arith.constant dense<0.000000e+00> : vector<1024x64xf32>
      %dot_general3A_1372 = tpu.matmul %convert_element_type3A_1365, %get3A_1370, %dot_general3A_1371 {dimension_numbers = #tpu.dot_dimension_numbers<[1], [0], [0], [1], [0, 0, 1, 1], [], []>, transpose_lhs_hint = false} : vector<1024x192xbf16>, vector<192x64xbf16>, vector<1024x64xf32> -> vector<1024x64xf32>
      %slice3A_1373 = vector.extract_strided_slice %slice3A_1291 {offsets = [0, 128], sizes = [1024, 64], strides = [1, 1]} : vector<1024x192xf32> to vector<1024x64xf32>
      %add3A_1374 = arith.addf %slice3A_1373, %dot_general3A_1372 : vector<1024x64xf32>
      %broadcast_in_dim3A_1375 = vector.shape_cast %squeeze3A_1319 : vector<64xf32> to vector<1x64xf32>
      %add3A_1376 = vector.broadcast %broadcast_in_dim3A_1375 : vector<1x64xf32> to vector<1024x64xf32>
      %add3A_1377 = arith.addf %add3A_1374, %add3A_1376 : vector<1024x64xf32>
      %tanh3A_1378 = math.tanh %add3A_1377 : vector<1024x64xf32>
      %slice3A_1379 = vector.extract_strided_slice %logistic3A_1331 {offsets = [0, 0], sizes = [512, 64], strides = [1, 1]} : vector<1024x64xf32> to vector<512x64xf32>
      %slice3A_1380 = vector.extract_strided_slice %concatenate3A_1290 {offsets = [0, 0], sizes = [512, 64], strides = [1, 1]} : vector<512x128xf32> to vector<512x64xf32>
      %mul3A_1381 = arith.mulf %slice3A_1379, %slice3A_1380 : vector<512x64xf32>
      %sub3A_1382 = arith.constant 1.000000e+00 : f32
      %sub3A_1383 = vector.broadcast %sub3A_1382 : f32 to vector<512x64xf32>
      %sub3A_1384 = arith.subf %sub3A_1383, %slice3A_1379 : vector<512x64xf32>
      %slice3A_1385 = vector.extract_strided_slice %tanh3A_1378 {offsets = [0, 0], sizes = [512, 64], strides = [1, 1]} : vector<1024x64xf32> to vector<512x64xf32>
      %mul3A_1386 = arith.mulf %sub3A_1384, %slice3A_1385 : vector<512x64xf32>
      %add3A_1387 = arith.addf %mul3A_1381, %mul3A_1386 : vector<512x64xf32>
      %slice3A_1388 = vector.extract_strided_slice %logistic3A_1331 {offsets = [512, 0], sizes = [512, 64], strides = [1, 1]} : vector<1024x64xf32> to vector<512x64xf32>
      %slice3A_1389 = vector.extract_strided_slice %concatenate3A_1290 {offsets = [0, 64], sizes = [512, 64], strides = [1, 1]} : vector<512x128xf32> to vector<512x64xf32>
      %mul3A_1390 = arith.mulf %slice3A_1388, %slice3A_1389 : vector<512x64xf32>
      %sub3A_1391 = arith.constant 1.000000e+00 : f32
      %sub3A_1392 = vector.broadcast %sub3A_1391 : f32 to vector<512x64xf32>
      %sub3A_1393 = arith.subf %sub3A_1392, %slice3A_1388 : vector<512x64xf32>
      %slice3A_1394 = vector.extract_strided_slice %tanh3A_1378 {offsets = [512, 0], sizes = [512, 64], strides = [1, 1]} : vector<1024x64xf32> to vector<512x64xf32>
      %mul3A_1395 = arith.mulf %sub3A_1393, %slice3A_1394 : vector<512x64xf32>
      %add3A_1396 = arith.addf %mul3A_1390, %mul3A_1395 : vector<512x64xf32>
      %concatenate3A_1397 = tpu.concatenate %add3A_1387, %add3A_1396 in 1 : vector<512x64xf32>, vector<512x64xf32> -> vector<512x128xf32>
      %slice3A_1398 = vector.extract_strided_slice %dot_general3A_321 {offsets = [5120, 0], sizes = [1024, 192], strides = [1, 1]} : vector<8192x192xf32> to vector<1024x192xf32>
      %convert_element_type3A_1399 = arith.truncf %concatenate3A_1397 : vector<512x128xf32> to vector<512x128xbf16>
      %dot_general3A_1400 = arith.constant dense<0.000000e+00> : vector<1024x128xf32>
      %dot_general3A_1401 = tpu.matmul %concatenate3A, %convert_element_type3A_1399, %dot_general3A_1400 {dimension_numbers = #tpu.dot_dimension_numbers<[1], [0], [0], [1], [0, 0, 1, 1], [], []>, transpose_lhs_hint = false} : vector<1024x512xbf16>, vector<512x128xbf16>, vector<1024x128xf32> -> vector<1024x128xf32>
      %slice3A_1402 = vector.extract_strided_slice %dot_general3A_1401 {offsets = [0, 0], sizes = [512, 128], strides = [1, 1]} : vector<1024x128xf32> to vector<512x128xf32>
      %slice3A_1403 = vector.extract_strided_slice %dot_general3A_1401 {offsets = [512, 0], sizes = [512, 128], strides = [1, 1]} : vector<1024x128xf32> to vector<512x128xf32>
      %slice3A_1404 = vector.extract_strided_slice %concatenate3A_1397 {offsets = [0, 0], sizes = [512, 64], strides = [1, 1]} : vector<512x128xf32> to vector<512x64xf32>
      %slice3A_1405 = vector.extract_strided_slice %slice3A_1402 {offsets = [0, 0], sizes = [512, 64], strides = [1, 1]} : vector<512x128xf32> to vector<512x64xf32>
      %slice3A_1406 = vector.extract_strided_slice %slice3A_1403 {offsets = [0, 0], sizes = [512, 64], strides = [1, 1]} : vector<512x128xf32> to vector<512x64xf32>
      %concatenate3A_1407 = tpu.concatenate %slice3A_1404, %slice3A_1405, %slice3A_1406 in 1 : vector<512x64xf32>, vector<512x64xf32>, vector<512x64xf32> -> vector<512x192xf32>
      %slice3A_1408 = vector.extract_strided_slice %concatenate3A_1397 {offsets = [0, 64], sizes = [512, 64], strides = [1, 1]} : vector<512x128xf32> to vector<512x64xf32>
      %slice3A_1409 = vector.extract_strided_slice %slice3A_1402 {offsets = [0, 64], sizes = [512, 64], strides = [1, 1]} : vector<512x128xf32> to vector<512x64xf32>
      %slice3A_1410 = vector.extract_strided_slice %slice3A_1403 {offsets = [0, 64], sizes = [512, 64], strides = [1, 1]} : vector<512x128xf32> to vector<512x64xf32>
      %concatenate3A_1411 = tpu.concatenate %slice3A_1408, %slice3A_1409, %slice3A_1410 in 1 : vector<512x64xf32>, vector<512x64xf32>, vector<512x64xf32> -> vector<512x192xf32>
      %concatenate3A_1412 = tpu.concatenate %concatenate3A_1407, %concatenate3A_1411 in 0 : vector<512x192xf32>, vector<512x192xf32> -> vector<1024x192xf32>
      %convert_element_type3A_1413 = arith.truncf %concatenate3A_1412 : vector<1024x192xf32> to vector<1024x192xbf16>
      %get3A_1414 = arith.constant 0 : index
      %get3A_1415 = arith.constant 0 : index
      %get3A_1416 = arith.constant 0 : index
      %get3A_1417 = vector.load %arg5[%get3A_1414, %get3A_1415, %get3A_1416] : memref<2x192x128xbf16, #tpu.memory_space<vmem>>, vector<1x192x128xbf16>
      %get3A_1418 = vector.shape_cast %get3A_1417 : vector<1x192x128xbf16> to vector<192x128xbf16>
      %dot_general3A_1419 = arith.constant dense<0.000000e+00> : vector<1024x128xf32>
      %dot_general3A_1420 = tpu.matmul %convert_element_type3A_1413, %get3A_1418, %dot_general3A_1419 {dimension_numbers = #tpu.dot_dimension_numbers<[1], [0], [0], [1], [0, 0, 1, 1], [], []>, transpose_lhs_hint = false} : vector<1024x192xbf16>, vector<192x128xbf16>, vector<1024x128xf32> -> vector<1024x128xf32>
      %slice3A_1421 = vector.extract_strided_slice %get3A_209 {offsets = [0, 0], sizes = [1, 64], strides = [1, 1]} : vector<2x192xf32> to vector<1x64xf32>
      %squeeze3A_1422 = vector.shape_cast %slice3A_1421 : vector<1x64xf32> to vector<64xf32>
      %slice3A_1423 = vector.extract_strided_slice %get3A_209 {offsets = [0, 64], sizes = [1, 64], strides = [1, 1]} : vector<2x192xf32> to vector<1x64xf32>
      %squeeze3A_1424 = vector.shape_cast %slice3A_1423 : vector<1x64xf32> to vector<64xf32>
      %slice3A_1425 = vector.extract_strided_slice %get3A_209 {offsets = [0, 128], sizes = [1, 64], strides = [1, 1]} : vector<2x192xf32> to vector<1x64xf32>
      %squeeze3A_1426 = vector.shape_cast %slice3A_1425 : vector<1x64xf32> to vector<64xf32>
      %slice3A_1427 = vector.extract_strided_slice %slice3A_1398 {offsets = [0, 0], sizes = [1024, 64], strides = [1, 1]} : vector<1024x192xf32> to vector<1024x64xf32>
      %slice3A_1428 = vector.extract_strided_slice %dot_general3A_1420 {offsets = [0, 0], sizes = [1024, 64], strides = [1, 1]} : vector<1024x128xf32> to vector<1024x64xf32>
      %add3A_1429 = arith.addf %slice3A_1427, %slice3A_1428 : vector<1024x64xf32>
      %broadcast_in_dim3A_1430 = vector.shape_cast %squeeze3A_1422 : vector<64xf32> to vector<1x64xf32>
      %add3A_1431 = vector.broadcast %broadcast_in_dim3A_1430 : vector<1x64xf32> to vector<1024x64xf32>
      %add3A_1432 = arith.addf %add3A_1429, %add3A_1431 : vector<1024x64xf32>
      %logistic3A_1433 = arith.negf %add3A_1432 : vector<1024x64xf32>
      %logistic3A_1434 = math.exp %logistic3A_1433 : vector<1024x64xf32>
      %logistic3A_1435 = arith.constant 1.000000e+00 : f32
      %logistic3A_1436 = vector.broadcast %logistic3A_1435 : f32 to vector<1024x64xf32>
      %logistic3A_1437 = arith.addf %logistic3A_1436, %logistic3A_1434 : vector<1024x64xf32>
      %logistic3A_1438 = arith.divf %logistic3A_1436, %logistic3A_1437 : vector<1024x64xf32>
      %slice3A_1439 = vector.extract_strided_slice %slice3A_1398 {offsets = [0, 64], sizes = [1024, 64], strides = [1, 1]} : vector<1024x192xf32> to vector<1024x64xf32>
      %slice3A_1440 = vector.extract_strided_slice %dot_general3A_1420 {offsets = [0, 64], sizes = [1024, 64], strides = [1, 1]} : vector<1024x128xf32> to vector<1024x64xf32>
      %add3A_1441 = arith.addf %slice3A_1439, %slice3A_1440 : vector<1024x64xf32>
      %broadcast_in_dim3A_1442 = vector.shape_cast %squeeze3A_1424 : vector<64xf32> to vector<1x64xf32>
      %add3A_1443 = vector.broadcast %broadcast_in_dim3A_1442 : vector<1x64xf32> to vector<1024x64xf32>
      %add3A_1444 = arith.addf %add3A_1441, %add3A_1443 : vector<1024x64xf32>
      %logistic3A_1445 = arith.negf %add3A_1444 : vector<1024x64xf32>
      %logistic3A_1446 = math.exp %logistic3A_1445 : vector<1024x64xf32>
      %logistic3A_1447 = arith.constant 1.000000e+00 : f32
      %logistic3A_1448 = vector.broadcast %logistic3A_1447 : f32 to vector<1024x64xf32>
      %logistic3A_1449 = arith.addf %logistic3A_1448, %logistic3A_1446 : vector<1024x64xf32>
      %logistic3A_1450 = arith.divf %logistic3A_1448, %logistic3A_1449 : vector<1024x64xf32>
      %slice3A_1451 = vector.extract_strided_slice %logistic3A_1450 {offsets = [0, 0], sizes = [512, 64], strides = [1, 1]} : vector<1024x64xf32> to vector<512x64xf32>
      %slice3A_1452 = vector.extract_strided_slice %concatenate3A_1397 {offsets = [0, 0], sizes = [512, 64], strides = [1, 1]} : vector<512x128xf32> to vector<512x64xf32>
      %mul3A_1453 = arith.mulf %slice3A_1451, %slice3A_1452 : vector<512x64xf32>
      %slice3A_1454 = vector.extract_strided_slice %logistic3A_1450 {offsets = [512, 0], sizes = [512, 64], strides = [1, 1]} : vector<1024x64xf32> to vector<512x64xf32>
      %slice3A_1455 = vector.extract_strided_slice %concatenate3A_1397 {offsets = [0, 64], sizes = [512, 64], strides = [1, 1]} : vector<512x128xf32> to vector<512x64xf32>
      %mul3A_1456 = arith.mulf %slice3A_1454, %slice3A_1455 : vector<512x64xf32>
      %concatenate3A_1457 = tpu.concatenate %mul3A_1453, %mul3A_1456 in 1 : vector<512x64xf32>, vector<512x64xf32> -> vector<512x128xf32>
      %convert_element_type3A_1458 = arith.truncf %concatenate3A_1457 : vector<512x128xf32> to vector<512x128xbf16>
      %dot_general3A_1459 = arith.constant dense<0.000000e+00> : vector<1024x128xf32>
      %dot_general3A_1460 = tpu.matmul %concatenate3A, %convert_element_type3A_1458, %dot_general3A_1459 {dimension_numbers = #tpu.dot_dimension_numbers<[1], [0], [0], [1], [0, 0, 1, 1], [], []>, transpose_lhs_hint = false} : vector<1024x512xbf16>, vector<512x128xbf16>, vector<1024x128xf32> -> vector<1024x128xf32>
      %slice3A_1461 = vector.extract_strided_slice %dot_general3A_1460 {offsets = [0, 0], sizes = [512, 128], strides = [1, 1]} : vector<1024x128xf32> to vector<512x128xf32>
      %slice3A_1462 = vector.extract_strided_slice %dot_general3A_1460 {offsets = [512, 0], sizes = [512, 128], strides = [1, 1]} : vector<1024x128xf32> to vector<512x128xf32>
      %slice3A_1463 = vector.extract_strided_slice %concatenate3A_1457 {offsets = [0, 0], sizes = [512, 64], strides = [1, 1]} : vector<512x128xf32> to vector<512x64xf32>
      %slice3A_1464 = vector.extract_strided_slice %slice3A_1461 {offsets = [0, 0], sizes = [512, 64], strides = [1, 1]} : vector<512x128xf32> to vector<512x64xf32>
      %slice3A_1465 = vector.extract_strided_slice %slice3A_1462 {offsets = [0, 0], sizes = [512, 64], strides = [1, 1]} : vector<512x128xf32> to vector<512x64xf32>
      %concatenate3A_1466 = tpu.concatenate %slice3A_1463, %slice3A_1464, %slice3A_1465 in 1 : vector<512x64xf32>, vector<512x64xf32>, vector<512x64xf32> -> vector<512x192xf32>
      %slice3A_1467 = vector.extract_strided_slice %concatenate3A_1457 {offsets = [0, 64], sizes = [512, 64], strides = [1, 1]} : vector<512x128xf32> to vector<512x64xf32>
      %slice3A_1468 = vector.extract_strided_slice %slice3A_1461 {offsets = [0, 64], sizes = [512, 64], strides = [1, 1]} : vector<512x128xf32> to vector<512x64xf32>
      %slice3A_1469 = vector.extract_strided_slice %slice3A_1462 {offsets = [0, 64], sizes = [512, 64], strides = [1, 1]} : vector<512x128xf32> to vector<512x64xf32>
      %concatenate3A_1470 = tpu.concatenate %slice3A_1467, %slice3A_1468, %slice3A_1469 in 1 : vector<512x64xf32>, vector<512x64xf32>, vector<512x64xf32> -> vector<512x192xf32>
      %concatenate3A_1471 = tpu.concatenate %concatenate3A_1466, %concatenate3A_1470 in 0 : vector<512x192xf32>, vector<512x192xf32> -> vector<1024x192xf32>
      %convert_element_type3A_1472 = arith.truncf %concatenate3A_1471 : vector<1024x192xf32> to vector<1024x192xbf16>
      %get3A_1473 = arith.constant 0 : index
      %get3A_1474 = arith.constant 0 : index
      %get3A_1475 = arith.constant 0 : index
      %get3A_1476 = vector.load %arg6[%get3A_1473, %get3A_1474, %get3A_1475] : memref<2x192x64xbf16, #tpu.memory_space<vmem>>, vector<1x192x64xbf16>
      %get3A_1477 = vector.shape_cast %get3A_1476 : vector<1x192x64xbf16> to vector<192x64xbf16>
      %dot_general3A_1478 = arith.constant dense<0.000000e+00> : vector<1024x64xf32>
      %dot_general3A_1479 = tpu.matmul %convert_element_type3A_1472, %get3A_1477, %dot_general3A_1478 {dimension_numbers = #tpu.dot_dimension_numbers<[1], [0], [0], [1], [0, 0, 1, 1], [], []>, transpose_lhs_hint = false} : vector<1024x192xbf16>, vector<192x64xbf16>, vector<1024x64xf32> -> vector<1024x64xf32>
      %slice3A_1480 = vector.extract_strided_slice %slice3A_1398 {offsets = [0, 128], sizes = [1024, 64], strides = [1, 1]} : vector<1024x192xf32> to vector<1024x64xf32>
      %add3A_1481 = arith.addf %slice3A_1480, %dot_general3A_1479 : vector<1024x64xf32>
      %broadcast_in_dim3A_1482 = vector.shape_cast %squeeze3A_1426 : vector<64xf32> to vector<1x64xf32>
      %add3A_1483 = vector.broadcast %broadcast_in_dim3A_1482 : vector<1x64xf32> to vector<1024x64xf32>
      %add3A_1484 = arith.addf %add3A_1481, %add3A_1483 : vector<1024x64xf32>
      %tanh3A_1485 = math.tanh %add3A_1484 : vector<1024x64xf32>
      %slice3A_1486 = vector.extract_strided_slice %logistic3A_1438 {offsets = [0, 0], sizes = [512, 64], strides = [1, 1]} : vector<1024x64xf32> to vector<512x64xf32>
      %slice3A_1487 = vector.extract_strided_slice %concatenate3A_1397 {offsets = [0, 0], sizes = [512, 64], strides = [1, 1]} : vector<512x128xf32> to vector<512x64xf32>
      %mul3A_1488 = arith.mulf %slice3A_1486, %slice3A_1487 : vector<512x64xf32>
      %sub3A_1489 = arith.constant 1.000000e+00 : f32
      %sub3A_1490 = vector.broadcast %sub3A_1489 : f32 to vector<512x64xf32>
      %sub3A_1491 = arith.subf %sub3A_1490, %slice3A_1486 : vector<512x64xf32>
      %slice3A_1492 = vector.extract_strided_slice %tanh3A_1485 {offsets = [0, 0], sizes = [512, 64], strides = [1, 1]} : vector<1024x64xf32> to vector<512x64xf32>
      %mul3A_1493 = arith.mulf %sub3A_1491, %slice3A_1492 : vector<512x64xf32>
      %add3A_1494 = arith.addf %mul3A_1488, %mul3A_1493 : vector<512x64xf32>
      %slice3A_1495 = vector.extract_strided_slice %logistic3A_1438 {offsets = [512, 0], sizes = [512, 64], strides = [1, 1]} : vector<1024x64xf32> to vector<512x64xf32>
      %slice3A_1496 = vector.extract_strided_slice %concatenate3A_1397 {offsets = [0, 64], sizes = [512, 64], strides = [1, 1]} : vector<512x128xf32> to vector<512x64xf32>
      %mul3A_1497 = arith.mulf %slice3A_1495, %slice3A_1496 : vector<512x64xf32>
      %sub3A_1498 = arith.constant 1.000000e+00 : f32
      %sub3A_1499 = vector.broadcast %sub3A_1498 : f32 to vector<512x64xf32>
      %sub3A_1500 = arith.subf %sub3A_1499, %slice3A_1495 : vector<512x64xf32>
      %slice3A_1501 = vector.extract_strided_slice %tanh3A_1485 {offsets = [512, 0], sizes = [512, 64], strides = [1, 1]} : vector<1024x64xf32> to vector<512x64xf32>
      %mul3A_1502 = arith.mulf %sub3A_1500, %slice3A_1501 : vector<512x64xf32>
      %add3A_1503 = arith.addf %mul3A_1497, %mul3A_1502 : vector<512x64xf32>
      %concatenate3A_1504 = tpu.concatenate %add3A_1494, %add3A_1503 in 1 : vector<512x64xf32>, vector<512x64xf32> -> vector<512x128xf32>
      %slice3A_1505 = vector.extract_strided_slice %dot_general3A_328 {offsets = [5120, 0], sizes = [1024, 192], strides = [1, 1]} : vector<8192x192xf32> to vector<1024x192xf32>
      %convert_element_type3A_1506 = arith.truncf %concatenate3A_1504 : vector<512x128xf32> to vector<512x128xbf16>
      %dot_general3A_1507 = arith.constant dense<0.000000e+00> : vector<1024x128xf32>
      %dot_general3A_1508 = tpu.matmul %concatenate3A, %convert_element_type3A_1506, %dot_general3A_1507 {dimension_numbers = #tpu.dot_dimension_numbers<[1], [0], [0], [1], [0, 0, 1, 1], [], []>, transpose_lhs_hint = false} : vector<1024x512xbf16>, vector<512x128xbf16>, vector<1024x128xf32> -> vector<1024x128xf32>
      %slice3A_1509 = vector.extract_strided_slice %dot_general3A_1508 {offsets = [0, 0], sizes = [512, 128], strides = [1, 1]} : vector<1024x128xf32> to vector<512x128xf32>
      %slice3A_1510 = vector.extract_strided_slice %dot_general3A_1508 {offsets = [512, 0], sizes = [512, 128], strides = [1, 1]} : vector<1024x128xf32> to vector<512x128xf32>
      %slice3A_1511 = vector.extract_strided_slice %concatenate3A_1504 {offsets = [0, 0], sizes = [512, 64], strides = [1, 1]} : vector<512x128xf32> to vector<512x64xf32>
      %slice3A_1512 = vector.extract_strided_slice %slice3A_1509 {offsets = [0, 0], sizes = [512, 64], strides = [1, 1]} : vector<512x128xf32> to vector<512x64xf32>
      %slice3A_1513 = vector.extract_strided_slice %slice3A_1510 {offsets = [0, 0], sizes = [512, 64], strides = [1, 1]} : vector<512x128xf32> to vector<512x64xf32>
      %concatenate3A_1514 = tpu.concatenate %slice3A_1511, %slice3A_1512, %slice3A_1513 in 1 : vector<512x64xf32>, vector<512x64xf32>, vector<512x64xf32> -> vector<512x192xf32>
      %slice3A_1515 = vector.extract_strided_slice %concatenate3A_1504 {offsets = [0, 64], sizes = [512, 64], strides = [1, 1]} : vector<512x128xf32> to vector<512x64xf32>
      %slice3A_1516 = vector.extract_strided_slice %slice3A_1509 {offsets = [0, 64], sizes = [512, 64], strides = [1, 1]} : vector<512x128xf32> to vector<512x64xf32>
      %slice3A_1517 = vector.extract_strided_slice %slice3A_1510 {offsets = [0, 64], sizes = [512, 64], strides = [1, 1]} : vector<512x128xf32> to vector<512x64xf32>
      %concatenate3A_1518 = tpu.concatenate %slice3A_1515, %slice3A_1516, %slice3A_1517 in 1 : vector<512x64xf32>, vector<512x64xf32>, vector<512x64xf32> -> vector<512x192xf32>
      %concatenate3A_1519 = tpu.concatenate %concatenate3A_1514, %concatenate3A_1518 in 0 : vector<512x192xf32>, vector<512x192xf32> -> vector<1024x192xf32>
      %convert_element_type3A_1520 = arith.truncf %concatenate3A_1519 : vector<1024x192xf32> to vector<1024x192xbf16>
      %get3A_1521 = arith.constant 1 : index
      %get3A_1522 = arith.constant 0 : index
      %get3A_1523 = arith.constant 0 : index
      %get3A_1524 = vector.load %arg5[%get3A_1521, %get3A_1522, %get3A_1523] : memref<2x192x128xbf16, #tpu.memory_space<vmem>>, vector<1x192x128xbf16>
      %get3A_1525 = vector.shape_cast %get3A_1524 : vector<1x192x128xbf16> to vector<192x128xbf16>
      %dot_general3A_1526 = arith.constant dense<0.000000e+00> : vector<1024x128xf32>
      %dot_general3A_1527 = tpu.matmul %convert_element_type3A_1520, %get3A_1525, %dot_general3A_1526 {dimension_numbers = #tpu.dot_dimension_numbers<[1], [0], [0], [1], [0, 0, 1, 1], [], []>, transpose_lhs_hint = false} : vector<1024x192xbf16>, vector<192x128xbf16>, vector<1024x128xf32> -> vector<1024x128xf32>
      %slice3A_1528 = vector.extract_strided_slice %get3A_209 {offsets = [1, 0], sizes = [1, 64], strides = [1, 1]} : vector<2x192xf32> to vector<1x64xf32>
      %squeeze3A_1529 = vector.shape_cast %slice3A_1528 : vector<1x64xf32> to vector<64xf32>
      %slice3A_1530 = vector.extract_strided_slice %get3A_209 {offsets = [1, 64], sizes = [1, 64], strides = [1, 1]} : vector<2x192xf32> to vector<1x64xf32>
      %squeeze3A_1531 = vector.shape_cast %slice3A_1530 : vector<1x64xf32> to vector<64xf32>
      %slice3A_1532 = vector.extract_strided_slice %get3A_209 {offsets = [1, 128], sizes = [1, 64], strides = [1, 1]} : vector<2x192xf32> to vector<1x64xf32>
      %squeeze3A_1533 = vector.shape_cast %slice3A_1532 : vector<1x64xf32> to vector<64xf32>
      %slice3A_1534 = vector.extract_strided_slice %slice3A_1505 {offsets = [0, 0], sizes = [1024, 64], strides = [1, 1]} : vector<1024x192xf32> to vector<1024x64xf32>
      %slice3A_1535 = vector.extract_strided_slice %dot_general3A_1527 {offsets = [0, 0], sizes = [1024, 64], strides = [1, 1]} : vector<1024x128xf32> to vector<1024x64xf32>
      %add3A_1536 = arith.addf %slice3A_1534, %slice3A_1535 : vector<1024x64xf32>
      %broadcast_in_dim3A_1537 = vector.shape_cast %squeeze3A_1529 : vector<64xf32> to vector<1x64xf32>
      %add3A_1538 = vector.broadcast %broadcast_in_dim3A_1537 : vector<1x64xf32> to vector<1024x64xf32>
      %add3A_1539 = arith.addf %add3A_1536, %add3A_1538 : vector<1024x64xf32>
      %logistic3A_1540 = arith.negf %add3A_1539 : vector<1024x64xf32>
      %logistic3A_1541 = math.exp %logistic3A_1540 : vector<1024x64xf32>
      %logistic3A_1542 = arith.constant 1.000000e+00 : f32
      %logistic3A_1543 = vector.broadcast %logistic3A_1542 : f32 to vector<1024x64xf32>
      %logistic3A_1544 = arith.addf %logistic3A_1543, %logistic3A_1541 : vector<1024x64xf32>
      %logistic3A_1545 = arith.divf %logistic3A_1543, %logistic3A_1544 : vector<1024x64xf32>
      %slice3A_1546 = vector.extract_strided_slice %slice3A_1505 {offsets = [0, 64], sizes = [1024, 64], strides = [1, 1]} : vector<1024x192xf32> to vector<1024x64xf32>
      %slice3A_1547 = vector.extract_strided_slice %dot_general3A_1527 {offsets = [0, 64], sizes = [1024, 64], strides = [1, 1]} : vector<1024x128xf32> to vector<1024x64xf32>
      %add3A_1548 = arith.addf %slice3A_1546, %slice3A_1547 : vector<1024x64xf32>
      %broadcast_in_dim3A_1549 = vector.shape_cast %squeeze3A_1531 : vector<64xf32> to vector<1x64xf32>
      %add3A_1550 = vector.broadcast %broadcast_in_dim3A_1549 : vector<1x64xf32> to vector<1024x64xf32>
      %add3A_1551 = arith.addf %add3A_1548, %add3A_1550 : vector<1024x64xf32>
      %logistic3A_1552 = arith.negf %add3A_1551 : vector<1024x64xf32>
      %logistic3A_1553 = math.exp %logistic3A_1552 : vector<1024x64xf32>
      %logistic3A_1554 = arith.constant 1.000000e+00 : f32
      %logistic3A_1555 = vector.broadcast %logistic3A_1554 : f32 to vector<1024x64xf32>
      %logistic3A_1556 = arith.addf %logistic3A_1555, %logistic3A_1553 : vector<1024x64xf32>
      %logistic3A_1557 = arith.divf %logistic3A_1555, %logistic3A_1556 : vector<1024x64xf32>
      %slice3A_1558 = vector.extract_strided_slice %logistic3A_1557 {offsets = [0, 0], sizes = [512, 64], strides = [1, 1]} : vector<1024x64xf32> to vector<512x64xf32>
      %slice3A_1559 = vector.extract_strided_slice %concatenate3A_1504 {offsets = [0, 0], sizes = [512, 64], strides = [1, 1]} : vector<512x128xf32> to vector<512x64xf32>
      %mul3A_1560 = arith.mulf %slice3A_1558, %slice3A_1559 : vector<512x64xf32>
      %slice3A_1561 = vector.extract_strided_slice %logistic3A_1557 {offsets = [512, 0], sizes = [512, 64], strides = [1, 1]} : vector<1024x64xf32> to vector<512x64xf32>
      %slice3A_1562 = vector.extract_strided_slice %concatenate3A_1504 {offsets = [0, 64], sizes = [512, 64], strides = [1, 1]} : vector<512x128xf32> to vector<512x64xf32>
      %mul3A_1563 = arith.mulf %slice3A_1561, %slice3A_1562 : vector<512x64xf32>
      %concatenate3A_1564 = tpu.concatenate %mul3A_1560, %mul3A_1563 in 1 : vector<512x64xf32>, vector<512x64xf32> -> vector<512x128xf32>
      %convert_element_type3A_1565 = arith.truncf %concatenate3A_1564 : vector<512x128xf32> to vector<512x128xbf16>
      %dot_general3A_1566 = arith.constant dense<0.000000e+00> : vector<1024x128xf32>
      %dot_general3A_1567 = tpu.matmul %concatenate3A, %convert_element_type3A_1565, %dot_general3A_1566 {dimension_numbers = #tpu.dot_dimension_numbers<[1], [0], [0], [1], [0, 0, 1, 1], [], []>, transpose_lhs_hint = false} : vector<1024x512xbf16>, vector<512x128xbf16>, vector<1024x128xf32> -> vector<1024x128xf32>
      %slice3A_1568 = vector.extract_strided_slice %dot_general3A_1567 {offsets = [0, 0], sizes = [512, 128], strides = [1, 1]} : vector<1024x128xf32> to vector<512x128xf32>
      %slice3A_1569 = vector.extract_strided_slice %dot_general3A_1567 {offsets = [512, 0], sizes = [512, 128], strides = [1, 1]} : vector<1024x128xf32> to vector<512x128xf32>
      %slice3A_1570 = vector.extract_strided_slice %concatenate3A_1564 {offsets = [0, 0], sizes = [512, 64], strides = [1, 1]} : vector<512x128xf32> to vector<512x64xf32>
      %slice3A_1571 = vector.extract_strided_slice %slice3A_1568 {offsets = [0, 0], sizes = [512, 64], strides = [1, 1]} : vector<512x128xf32> to vector<512x64xf32>
      %slice3A_1572 = vector.extract_strided_slice %slice3A_1569 {offsets = [0, 0], sizes = [512, 64], strides = [1, 1]} : vector<512x128xf32> to vector<512x64xf32>
      %concatenate3A_1573 = tpu.concatenate %slice3A_1570, %slice3A_1571, %slice3A_1572 in 1 : vector<512x64xf32>, vector<512x64xf32>, vector<512x64xf32> -> vector<512x192xf32>
      %slice3A_1574 = vector.extract_strided_slice %concatenate3A_1564 {offsets = [0, 64], sizes = [512, 64], strides = [1, 1]} : vector<512x128xf32> to vector<512x64xf32>
      %slice3A_1575 = vector.extract_strided_slice %slice3A_1568 {offsets = [0, 64], sizes = [512, 64], strides = [1, 1]} : vector<512x128xf32> to vector<512x64xf32>
      %slice3A_1576 = vector.extract_strided_slice %slice3A_1569 {offsets = [0, 64], sizes = [512, 64], strides = [1, 1]} : vector<512x128xf32> to vector<512x64xf32>
      %concatenate3A_1577 = tpu.concatenate %slice3A_1574, %slice3A_1575, %slice3A_1576 in 1 : vector<512x64xf32>, vector<512x64xf32>, vector<512x64xf32> -> vector<512x192xf32>
      %concatenate3A_1578 = tpu.concatenate %concatenate3A_1573, %concatenate3A_1577 in 0 : vector<512x192xf32>, vector<512x192xf32> -> vector<1024x192xf32>
      %convert_element_type3A_1579 = arith.truncf %concatenate3A_1578 : vector<1024x192xf32> to vector<1024x192xbf16>
      %get3A_1580 = arith.constant 1 : index
      %get3A_1581 = arith.constant 0 : index
      %get3A_1582 = arith.constant 0 : index
      %get3A_1583 = vector.load %arg6[%get3A_1580, %get3A_1581, %get3A_1582] : memref<2x192x64xbf16, #tpu.memory_space<vmem>>, vector<1x192x64xbf16>
      %get3A_1584 = vector.shape_cast %get3A_1583 : vector<1x192x64xbf16> to vector<192x64xbf16>
      %dot_general3A_1585 = arith.constant dense<0.000000e+00> : vector<1024x64xf32>
      %dot_general3A_1586 = tpu.matmul %convert_element_type3A_1579, %get3A_1584, %dot_general3A_1585 {dimension_numbers = #tpu.dot_dimension_numbers<[1], [0], [0], [1], [0, 0, 1, 1], [], []>, transpose_lhs_hint = false} : vector<1024x192xbf16>, vector<192x64xbf16>, vector<1024x64xf32> -> vector<1024x64xf32>
      %slice3A_1587 = vector.extract_strided_slice %slice3A_1505 {offsets = [0, 128], sizes = [1024, 64], strides = [1, 1]} : vector<1024x192xf32> to vector<1024x64xf32>
      %add3A_1588 = arith.addf %slice3A_1587, %dot_general3A_1586 : vector<1024x64xf32>
      %broadcast_in_dim3A_1589 = vector.shape_cast %squeeze3A_1533 : vector<64xf32> to vector<1x64xf32>
      %add3A_1590 = vector.broadcast %broadcast_in_dim3A_1589 : vector<1x64xf32> to vector<1024x64xf32>
      %add3A_1591 = arith.addf %add3A_1588, %add3A_1590 : vector<1024x64xf32>
      %tanh3A_1592 = math.tanh %add3A_1591 : vector<1024x64xf32>
      %slice3A_1593 = vector.extract_strided_slice %logistic3A_1545 {offsets = [0, 0], sizes = [512, 64], strides = [1, 1]} : vector<1024x64xf32> to vector<512x64xf32>
      %slice3A_1594 = vector.extract_strided_slice %concatenate3A_1504 {offsets = [0, 0], sizes = [512, 64], strides = [1, 1]} : vector<512x128xf32> to vector<512x64xf32>
      %mul3A_1595 = arith.mulf %slice3A_1593, %slice3A_1594 : vector<512x64xf32>
      %sub3A_1596 = arith.constant 1.000000e+00 : f32
      %sub3A_1597 = vector.broadcast %sub3A_1596 : f32 to vector<512x64xf32>
      %sub3A_1598 = arith.subf %sub3A_1597, %slice3A_1593 : vector<512x64xf32>
      %slice3A_1599 = vector.extract_strided_slice %tanh3A_1592 {offsets = [0, 0], sizes = [512, 64], strides = [1, 1]} : vector<1024x64xf32> to vector<512x64xf32>
      %mul3A_1600 = arith.mulf %sub3A_1598, %slice3A_1599 : vector<512x64xf32>
      %add3A_1601 = arith.addf %mul3A_1595, %mul3A_1600 : vector<512x64xf32>
      %slice3A_1602 = vector.extract_strided_slice %logistic3A_1545 {offsets = [512, 0], sizes = [512, 64], strides = [1, 1]} : vector<1024x64xf32> to vector<512x64xf32>
      %slice3A_1603 = vector.extract_strided_slice %concatenate3A_1504 {offsets = [0, 64], sizes = [512, 64], strides = [1, 1]} : vector<512x128xf32> to vector<512x64xf32>
      %mul3A_1604 = arith.mulf %slice3A_1602, %slice3A_1603 : vector<512x64xf32>
      %sub3A_1605 = arith.constant 1.000000e+00 : f32
      %sub3A_1606 = vector.broadcast %sub3A_1605 : f32 to vector<512x64xf32>
      %sub3A_1607 = arith.subf %sub3A_1606, %slice3A_1602 : vector<512x64xf32>
      %slice3A_1608 = vector.extract_strided_slice %tanh3A_1592 {offsets = [512, 0], sizes = [512, 64], strides = [1, 1]} : vector<1024x64xf32> to vector<512x64xf32>
      %mul3A_1609 = arith.mulf %sub3A_1607, %slice3A_1608 : vector<512x64xf32>
      %add3A_1610 = arith.addf %mul3A_1604, %mul3A_1609 : vector<512x64xf32>
      %concatenate3A_1611 = tpu.concatenate %add3A_1601, %add3A_1610 in 1 : vector<512x64xf32>, vector<512x64xf32> -> vector<512x128xf32>
      %slice3A_1612 = vector.extract_strided_slice %dot_general3A_321 {offsets = [6144, 0], sizes = [1024, 192], strides = [1, 1]} : vector<8192x192xf32> to vector<1024x192xf32>
      %convert_element_type3A_1613 = arith.truncf %concatenate3A_1611 : vector<512x128xf32> to vector<512x128xbf16>
      %dot_general3A_1614 = arith.constant dense<0.000000e+00> : vector<1024x128xf32>
      %dot_general3A_1615 = tpu.matmul %concatenate3A, %convert_element_type3A_1613, %dot_general3A_1614 {dimension_numbers = #tpu.dot_dimension_numbers<[1], [0], [0], [1], [0, 0, 1, 1], [], []>, transpose_lhs_hint = false} : vector<1024x512xbf16>, vector<512x128xbf16>, vector<1024x128xf32> -> vector<1024x128xf32>
      %slice3A_1616 = vector.extract_strided_slice %dot_general3A_1615 {offsets = [0, 0], sizes = [512, 128], strides = [1, 1]} : vector<1024x128xf32> to vector<512x128xf32>
      %slice3A_1617 = vector.extract_strided_slice %dot_general3A_1615 {offsets = [512, 0], sizes = [512, 128], strides = [1, 1]} : vector<1024x128xf32> to vector<512x128xf32>
      %slice3A_1618 = vector.extract_strided_slice %concatenate3A_1611 {offsets = [0, 0], sizes = [512, 64], strides = [1, 1]} : vector<512x128xf32> to vector<512x64xf32>
      %slice3A_1619 = vector.extract_strided_slice %slice3A_1616 {offsets = [0, 0], sizes = [512, 64], strides = [1, 1]} : vector<512x128xf32> to vector<512x64xf32>
      %slice3A_1620 = vector.extract_strided_slice %slice3A_1617 {offsets = [0, 0], sizes = [512, 64], strides = [1, 1]} : vector<512x128xf32> to vector<512x64xf32>
      %concatenate3A_1621 = tpu.concatenate %slice3A_1618, %slice3A_1619, %slice3A_1620 in 1 : vector<512x64xf32>, vector<512x64xf32>, vector<512x64xf32> -> vector<512x192xf32>
      %slice3A_1622 = vector.extract_strided_slice %concatenate3A_1611 {offsets = [0, 64], sizes = [512, 64], strides = [1, 1]} : vector<512x128xf32> to vector<512x64xf32>
      %slice3A_1623 = vector.extract_strided_slice %slice3A_1616 {offsets = [0, 64], sizes = [512, 64], strides = [1, 1]} : vector<512x128xf32> to vector<512x64xf32>
      %slice3A_1624 = vector.extract_strided_slice %slice3A_1617 {offsets = [0, 64], sizes = [512, 64], strides = [1, 1]} : vector<512x128xf32> to vector<512x64xf32>
      %concatenate3A_1625 = tpu.concatenate %slice3A_1622, %slice3A_1623, %slice3A_1624 in 1 : vector<512x64xf32>, vector<512x64xf32>, vector<512x64xf32> -> vector<512x192xf32>
      %concatenate3A_1626 = tpu.concatenate %concatenate3A_1621, %concatenate3A_1625 in 0 : vector<512x192xf32>, vector<512x192xf32> -> vector<1024x192xf32>
      %convert_element_type3A_1627 = arith.truncf %concatenate3A_1626 : vector<1024x192xf32> to vector<1024x192xbf16>
      %get3A_1628 = arith.constant 0 : index
      %get3A_1629 = arith.constant 0 : index
      %get3A_1630 = arith.constant 0 : index
      %get3A_1631 = vector.load %arg5[%get3A_1628, %get3A_1629, %get3A_1630] : memref<2x192x128xbf16, #tpu.memory_space<vmem>>, vector<1x192x128xbf16>
      %get3A_1632 = vector.shape_cast %get3A_1631 : vector<1x192x128xbf16> to vector<192x128xbf16>
      %dot_general3A_1633 = arith.constant dense<0.000000e+00> : vector<1024x128xf32>
      %dot_general3A_1634 = tpu.matmul %convert_element_type3A_1627, %get3A_1632, %dot_general3A_1633 {dimension_numbers = #tpu.dot_dimension_numbers<[1], [0], [0], [1], [0, 0, 1, 1], [], []>, transpose_lhs_hint = false} : vector<1024x192xbf16>, vector<192x128xbf16>, vector<1024x128xf32> -> vector<1024x128xf32>
      %slice3A_1635 = vector.extract_strided_slice %get3A_209 {offsets = [0, 0], sizes = [1, 64], strides = [1, 1]} : vector<2x192xf32> to vector<1x64xf32>
      %squeeze3A_1636 = vector.shape_cast %slice3A_1635 : vector<1x64xf32> to vector<64xf32>
      %slice3A_1637 = vector.extract_strided_slice %get3A_209 {offsets = [0, 64], sizes = [1, 64], strides = [1, 1]} : vector<2x192xf32> to vector<1x64xf32>
      %squeeze3A_1638 = vector.shape_cast %slice3A_1637 : vector<1x64xf32> to vector<64xf32>
      %slice3A_1639 = vector.extract_strided_slice %get3A_209 {offsets = [0, 128], sizes = [1, 64], strides = [1, 1]} : vector<2x192xf32> to vector<1x64xf32>
      %squeeze3A_1640 = vector.shape_cast %slice3A_1639 : vector<1x64xf32> to vector<64xf32>
      %slice3A_1641 = vector.extract_strided_slice %slice3A_1612 {offsets = [0, 0], sizes = [1024, 64], strides = [1, 1]} : vector<1024x192xf32> to vector<1024x64xf32>
      %slice3A_1642 = vector.extract_strided_slice %dot_general3A_1634 {offsets = [0, 0], sizes = [1024, 64], strides = [1, 1]} : vector<1024x128xf32> to vector<1024x64xf32>
      %add3A_1643 = arith.addf %slice3A_1641, %slice3A_1642 : vector<1024x64xf32>
      %broadcast_in_dim3A_1644 = vector.shape_cast %squeeze3A_1636 : vector<64xf32> to vector<1x64xf32>
      %add3A_1645 = vector.broadcast %broadcast_in_dim3A_1644 : vector<1x64xf32> to vector<1024x64xf32>
      %add3A_1646 = arith.addf %add3A_1643, %add3A_1645 : vector<1024x64xf32>
      %logistic3A_1647 = arith.negf %add3A_1646 : vector<1024x64xf32>
      %logistic3A_1648 = math.exp %logistic3A_1647 : vector<1024x64xf32>
      %logistic3A_1649 = arith.constant 1.000000e+00 : f32
      %logistic3A_1650 = vector.broadcast %logistic3A_1649 : f32 to vector<1024x64xf32>
      %logistic3A_1651 = arith.addf %logistic3A_1650, %logistic3A_1648 : vector<1024x64xf32>
      %logistic3A_1652 = arith.divf %logistic3A_1650, %logistic3A_1651 : vector<1024x64xf32>
      %slice3A_1653 = vector.extract_strided_slice %slice3A_1612 {offsets = [0, 64], sizes = [1024, 64], strides = [1, 1]} : vector<1024x192xf32> to vector<1024x64xf32>
      %slice3A_1654 = vector.extract_strided_slice %dot_general3A_1634 {offsets = [0, 64], sizes = [1024, 64], strides = [1, 1]} : vector<1024x128xf32> to vector<1024x64xf32>
      %add3A_1655 = arith.addf %slice3A_1653, %slice3A_1654 : vector<1024x64xf32>
      %broadcast_in_dim3A_1656 = vector.shape_cast %squeeze3A_1638 : vector<64xf32> to vector<1x64xf32>
      %add3A_1657 = vector.broadcast %broadcast_in_dim3A_1656 : vector<1x64xf32> to vector<1024x64xf32>
      %add3A_1658 = arith.addf %add3A_1655, %add3A_1657 : vector<1024x64xf32>
      %logistic3A_1659 = arith.negf %add3A_1658 : vector<1024x64xf32>
      %logistic3A_1660 = math.exp %logistic3A_1659 : vector<1024x64xf32>
      %logistic3A_1661 = arith.constant 1.000000e+00 : f32
      %logistic3A_1662 = vector.broadcast %logistic3A_1661 : f32 to vector<1024x64xf32>
      %logistic3A_1663 = arith.addf %logistic3A_1662, %logistic3A_1660 : vector<1024x64xf32>
      %logistic3A_1664 = arith.divf %logistic3A_1662, %logistic3A_1663 : vector<1024x64xf32>
      %slice3A_1665 = vector.extract_strided_slice %logistic3A_1664 {offsets = [0, 0], sizes = [512, 64], strides = [1, 1]} : vector<1024x64xf32> to vector<512x64xf32>
      %slice3A_1666 = vector.extract_strided_slice %concatenate3A_1611 {offsets = [0, 0], sizes = [512, 64], strides = [1, 1]} : vector<512x128xf32> to vector<512x64xf32>
      %mul3A_1667 = arith.mulf %slice3A_1665, %slice3A_1666 : vector<512x64xf32>
      %slice3A_1668 = vector.extract_strided_slice %logistic3A_1664 {offsets = [512, 0], sizes = [512, 64], strides = [1, 1]} : vector<1024x64xf32> to vector<512x64xf32>
      %slice3A_1669 = vector.extract_strided_slice %concatenate3A_1611 {offsets = [0, 64], sizes = [512, 64], strides = [1, 1]} : vector<512x128xf32> to vector<512x64xf32>
      %mul3A_1670 = arith.mulf %slice3A_1668, %slice3A_1669 : vector<512x64xf32>
      %concatenate3A_1671 = tpu.concatenate %mul3A_1667, %mul3A_1670 in 1 : vector<512x64xf32>, vector<512x64xf32> -> vector<512x128xf32>
      %convert_element_type3A_1672 = arith.truncf %concatenate3A_1671 : vector<512x128xf32> to vector<512x128xbf16>
      %dot_general3A_1673 = arith.constant dense<0.000000e+00> : vector<1024x128xf32>
      %dot_general3A_1674 = tpu.matmul %concatenate3A, %convert_element_type3A_1672, %dot_general3A_1673 {dimension_numbers = #tpu.dot_dimension_numbers<[1], [0], [0], [1], [0, 0, 1, 1], [], []>, transpose_lhs_hint = false} : vector<1024x512xbf16>, vector<512x128xbf16>, vector<1024x128xf32> -> vector<1024x128xf32>
      %slice3A_1675 = vector.extract_strided_slice %dot_general3A_1674 {offsets = [0, 0], sizes = [512, 128], strides = [1, 1]} : vector<1024x128xf32> to vector<512x128xf32>
      %slice3A_1676 = vector.extract_strided_slice %dot_general3A_1674 {offsets = [512, 0], sizes = [512, 128], strides = [1, 1]} : vector<1024x128xf32> to vector<512x128xf32>
      %slice3A_1677 = vector.extract_strided_slice %concatenate3A_1671 {offsets = [0, 0], sizes = [512, 64], strides = [1, 1]} : vector<512x128xf32> to vector<512x64xf32>
      %slice3A_1678 = vector.extract_strided_slice %slice3A_1675 {offsets = [0, 0], sizes = [512, 64], strides = [1, 1]} : vector<512x128xf32> to vector<512x64xf32>
      %slice3A_1679 = vector.extract_strided_slice %slice3A_1676 {offsets = [0, 0], sizes = [512, 64], strides = [1, 1]} : vector<512x128xf32> to vector<512x64xf32>
      %concatenate3A_1680 = tpu.concatenate %slice3A_1677, %slice3A_1678, %slice3A_1679 in 1 : vector<512x64xf32>, vector<512x64xf32>, vector<512x64xf32> -> vector<512x192xf32>
      %slice3A_1681 = vector.extract_strided_slice %concatenate3A_1671 {offsets = [0, 64], sizes = [512, 64], strides = [1, 1]} : vector<512x128xf32> to vector<512x64xf32>
      %slice3A_1682 = vector.extract_strided_slice %slice3A_1675 {offsets = [0, 64], sizes = [512, 64], strides = [1, 1]} : vector<512x128xf32> to vector<512x64xf32>
      %slice3A_1683 = vector.extract_strided_slice %slice3A_1676 {offsets = [0, 64], sizes = [512, 64], strides = [1, 1]} : vector<512x128xf32> to vector<512x64xf32>
      %concatenate3A_1684 = tpu.concatenate %slice3A_1681, %slice3A_1682, %slice3A_1683 in 1 : vector<512x64xf32>, vector<512x64xf32>, vector<512x64xf32> -> vector<512x192xf32>
      %concatenate3A_1685 = tpu.concatenate %concatenate3A_1680, %concatenate3A_1684 in 0 : vector<512x192xf32>, vector<512x192xf32> -> vector<1024x192xf32>
      %convert_element_type3A_1686 = arith.truncf %concatenate3A_1685 : vector<1024x192xf32> to vector<1024x192xbf16>
      %get3A_1687 = arith.constant 0 : index
      %get3A_1688 = arith.constant 0 : index
      %get3A_1689 = arith.constant 0 : index
      %get3A_1690 = vector.load %arg6[%get3A_1687, %get3A_1688, %get3A_1689] : memref<2x192x64xbf16, #tpu.memory_space<vmem>>, vector<1x192x64xbf16>
      %get3A_1691 = vector.shape_cast %get3A_1690 : vector<1x192x64xbf16> to vector<192x64xbf16>
      %dot_general3A_1692 = arith.constant dense<0.000000e+00> : vector<1024x64xf32>
      %dot_general3A_1693 = tpu.matmul %convert_element_type3A_1686, %get3A_1691, %dot_general3A_1692 {dimension_numbers = #tpu.dot_dimension_numbers<[1], [0], [0], [1], [0, 0, 1, 1], [], []>, transpose_lhs_hint = false} : vector<1024x192xbf16>, vector<192x64xbf16>, vector<1024x64xf32> -> vector<1024x64xf32>
      %slice3A_1694 = vector.extract_strided_slice %slice3A_1612 {offsets = [0, 128], sizes = [1024, 64], strides = [1, 1]} : vector<1024x192xf32> to vector<1024x64xf32>
      %add3A_1695 = arith.addf %slice3A_1694, %dot_general3A_1693 : vector<1024x64xf32>
      %broadcast_in_dim3A_1696 = vector.shape_cast %squeeze3A_1640 : vector<64xf32> to vector<1x64xf32>
      %add3A_1697 = vector.broadcast %broadcast_in_dim3A_1696 : vector<1x64xf32> to vector<1024x64xf32>
      %add3A_1698 = arith.addf %add3A_1695, %add3A_1697 : vector<1024x64xf32>
      %tanh3A_1699 = math.tanh %add3A_1698 : vector<1024x64xf32>
      %slice3A_1700 = vector.extract_strided_slice %logistic3A_1652 {offsets = [0, 0], sizes = [512, 64], strides = [1, 1]} : vector<1024x64xf32> to vector<512x64xf32>
      %slice3A_1701 = vector.extract_strided_slice %concatenate3A_1611 {offsets = [0, 0], sizes = [512, 64], strides = [1, 1]} : vector<512x128xf32> to vector<512x64xf32>
      %mul3A_1702 = arith.mulf %slice3A_1700, %slice3A_1701 : vector<512x64xf32>
      %sub3A_1703 = arith.constant 1.000000e+00 : f32
      %sub3A_1704 = vector.broadcast %sub3A_1703 : f32 to vector<512x64xf32>
      %sub3A_1705 = arith.subf %sub3A_1704, %slice3A_1700 : vector<512x64xf32>
      %slice3A_1706 = vector.extract_strided_slice %tanh3A_1699 {offsets = [0, 0], sizes = [512, 64], strides = [1, 1]} : vector<1024x64xf32> to vector<512x64xf32>
      %mul3A_1707 = arith.mulf %sub3A_1705, %slice3A_1706 : vector<512x64xf32>
      %add3A_1708 = arith.addf %mul3A_1702, %mul3A_1707 : vector<512x64xf32>
      %slice3A_1709 = vector.extract_strided_slice %logistic3A_1652 {offsets = [512, 0], sizes = [512, 64], strides = [1, 1]} : vector<1024x64xf32> to vector<512x64xf32>
      %slice3A_1710 = vector.extract_strided_slice %concatenate3A_1611 {offsets = [0, 64], sizes = [512, 64], strides = [1, 1]} : vector<512x128xf32> to vector<512x64xf32>
      %mul3A_1711 = arith.mulf %slice3A_1709, %slice3A_1710 : vector<512x64xf32>
      %sub3A_1712 = arith.constant 1.000000e+00 : f32
      %sub3A_1713 = vector.broadcast %sub3A_1712 : f32 to vector<512x64xf32>
      %sub3A_1714 = arith.subf %sub3A_1713, %slice3A_1709 : vector<512x64xf32>
      %slice3A_1715 = vector.extract_strided_slice %tanh3A_1699 {offsets = [512, 0], sizes = [512, 64], strides = [1, 1]} : vector<1024x64xf32> to vector<512x64xf32>
      %mul3A_1716 = arith.mulf %sub3A_1714, %slice3A_1715 : vector<512x64xf32>
      %add3A_1717 = arith.addf %mul3A_1711, %mul3A_1716 : vector<512x64xf32>
      %concatenate3A_1718 = tpu.concatenate %add3A_1708, %add3A_1717 in 1 : vector<512x64xf32>, vector<512x64xf32> -> vector<512x128xf32>
      %slice3A_1719 = vector.extract_strided_slice %dot_general3A_328 {offsets = [6144, 0], sizes = [1024, 192], strides = [1, 1]} : vector<8192x192xf32> to vector<1024x192xf32>
      %convert_element_type3A_1720 = arith.truncf %concatenate3A_1718 : vector<512x128xf32> to vector<512x128xbf16>
      %dot_general3A_1721 = arith.constant dense<0.000000e+00> : vector<1024x128xf32>
      %dot_general3A_1722 = tpu.matmul %concatenate3A, %convert_element_type3A_1720, %dot_general3A_1721 {dimension_numbers = #tpu.dot_dimension_numbers<[1], [0], [0], [1], [0, 0, 1, 1], [], []>, transpose_lhs_hint = false} : vector<1024x512xbf16>, vector<512x128xbf16>, vector<1024x128xf32> -> vector<1024x128xf32>
      %slice3A_1723 = vector.extract_strided_slice %dot_general3A_1722 {offsets = [0, 0], sizes = [512, 128], strides = [1, 1]} : vector<1024x128xf32> to vector<512x128xf32>
      %slice3A_1724 = vector.extract_strided_slice %dot_general3A_1722 {offsets = [512, 0], sizes = [512, 128], strides = [1, 1]} : vector<1024x128xf32> to vector<512x128xf32>
      %slice3A_1725 = vector.extract_strided_slice %concatenate3A_1718 {offsets = [0, 0], sizes = [512, 64], strides = [1, 1]} : vector<512x128xf32> to vector<512x64xf32>
      %slice3A_1726 = vector.extract_strided_slice %slice3A_1723 {offsets = [0, 0], sizes = [512, 64], strides = [1, 1]} : vector<512x128xf32> to vector<512x64xf32>
      %slice3A_1727 = vector.extract_strided_slice %slice3A_1724 {offsets = [0, 0], sizes = [512, 64], strides = [1, 1]} : vector<512x128xf32> to vector<512x64xf32>
      %concatenate3A_1728 = tpu.concatenate %slice3A_1725, %slice3A_1726, %slice3A_1727 in 1 : vector<512x64xf32>, vector<512x64xf32>, vector<512x64xf32> -> vector<512x192xf32>
      %slice3A_1729 = vector.extract_strided_slice %concatenate3A_1718 {offsets = [0, 64], sizes = [512, 64], strides = [1, 1]} : vector<512x128xf32> to vector<512x64xf32>
      %slice3A_1730 = vector.extract_strided_slice %slice3A_1723 {offsets = [0, 64], sizes = [512, 64], strides = [1, 1]} : vector<512x128xf32> to vector<512x64xf32>
      %slice3A_1731 = vector.extract_strided_slice %slice3A_1724 {offsets = [0, 64], sizes = [512, 64], strides = [1, 1]} : vector<512x128xf32> to vector<512x64xf32>
      %concatenate3A_1732 = tpu.concatenate %slice3A_1729, %slice3A_1730, %slice3A_1731 in 1 : vector<512x64xf32>, vector<512x64xf32>, vector<512x64xf32> -> vector<512x192xf32>
      %concatenate3A_1733 = tpu.concatenate %concatenate3A_1728, %concatenate3A_1732 in 0 : vector<512x192xf32>, vector<512x192xf32> -> vector<1024x192xf32>
      %convert_element_type3A_1734 = arith.truncf %concatenate3A_1733 : vector<1024x192xf32> to vector<1024x192xbf16>
      %get3A_1735 = arith.constant 1 : index
      %get3A_1736 = arith.constant 0 : index
      %get3A_1737 = arith.constant 0 : index
      %get3A_1738 = vector.load %arg5[%get3A_1735, %get3A_1736, %get3A_1737] : memref<2x192x128xbf16, #tpu.memory_space<vmem>>, vector<1x192x128xbf16>
      %get3A_1739 = vector.shape_cast %get3A_1738 : vector<1x192x128xbf16> to vector<192x128xbf16>
      %dot_general3A_1740 = arith.constant dense<0.000000e+00> : vector<1024x128xf32>
      %dot_general3A_1741 = tpu.matmul %convert_element_type3A_1734, %get3A_1739, %dot_general3A_1740 {dimension_numbers = #tpu.dot_dimension_numbers<[1], [0], [0], [1], [0, 0, 1, 1], [], []>, transpose_lhs_hint = false} : vector<1024x192xbf16>, vector<192x128xbf16>, vector<1024x128xf32> -> vector<1024x128xf32>
      %slice3A_1742 = vector.extract_strided_slice %get3A_209 {offsets = [1, 0], sizes = [1, 64], strides = [1, 1]} : vector<2x192xf32> to vector<1x64xf32>
      %squeeze3A_1743 = vector.shape_cast %slice3A_1742 : vector<1x64xf32> to vector<64xf32>
      %slice3A_1744 = vector.extract_strided_slice %get3A_209 {offsets = [1, 64], sizes = [1, 64], strides = [1, 1]} : vector<2x192xf32> to vector<1x64xf32>
      %squeeze3A_1745 = vector.shape_cast %slice3A_1744 : vector<1x64xf32> to vector<64xf32>
      %slice3A_1746 = vector.extract_strided_slice %get3A_209 {offsets = [1, 128], sizes = [1, 64], strides = [1, 1]} : vector<2x192xf32> to vector<1x64xf32>
      %squeeze3A_1747 = vector.shape_cast %slice3A_1746 : vector<1x64xf32> to vector<64xf32>
      %slice3A_1748 = vector.extract_strided_slice %slice3A_1719 {offsets = [0, 0], sizes = [1024, 64], strides = [1, 1]} : vector<1024x192xf32> to vector<1024x64xf32>
      %slice3A_1749 = vector.extract_strided_slice %dot_general3A_1741 {offsets = [0, 0], sizes = [1024, 64], strides = [1, 1]} : vector<1024x128xf32> to vector<1024x64xf32>
      %add3A_1750 = arith.addf %slice3A_1748, %slice3A_1749 : vector<1024x64xf32>
      %broadcast_in_dim3A_1751 = vector.shape_cast %squeeze3A_1743 : vector<64xf32> to vector<1x64xf32>
      %add3A_1752 = vector.broadcast %broadcast_in_dim3A_1751 : vector<1x64xf32> to vector<1024x64xf32>
      %add3A_1753 = arith.addf %add3A_1750, %add3A_1752 : vector<1024x64xf32>
      %logistic3A_1754 = arith.negf %add3A_1753 : vector<1024x64xf32>
      %logistic3A_1755 = math.exp %logistic3A_1754 : vector<1024x64xf32>
      %logistic3A_1756 = arith.constant 1.000000e+00 : f32
      %logistic3A_1757 = vector.broadcast %logistic3A_1756 : f32 to vector<1024x64xf32>
      %logistic3A_1758 = arith.addf %logistic3A_1757, %logistic3A_1755 : vector<1024x64xf32>
      %logistic3A_1759 = arith.divf %logistic3A_1757, %logistic3A_1758 : vector<1024x64xf32>
      %slice3A_1760 = vector.extract_strided_slice %slice3A_1719 {offsets = [0, 64], sizes = [1024, 64], strides = [1, 1]} : vector<1024x192xf32> to vector<1024x64xf32>
      %slice3A_1761 = vector.extract_strided_slice %dot_general3A_1741 {offsets = [0, 64], sizes = [1024, 64], strides = [1, 1]} : vector<1024x128xf32> to vector<1024x64xf32>
      %add3A_1762 = arith.addf %slice3A_1760, %slice3A_1761 : vector<1024x64xf32>
      %broadcast_in_dim3A_1763 = vector.shape_cast %squeeze3A_1745 : vector<64xf32> to vector<1x64xf32>
      %add3A_1764 = vector.broadcast %broadcast_in_dim3A_1763 : vector<1x64xf32> to vector<1024x64xf32>
      %add3A_1765 = arith.addf %add3A_1762, %add3A_1764 : vector<1024x64xf32>
      %logistic3A_1766 = arith.negf %add3A_1765 : vector<1024x64xf32>
      %logistic3A_1767 = math.exp %logistic3A_1766 : vector<1024x64xf32>
      %logistic3A_1768 = arith.constant 1.000000e+00 : f32
      %logistic3A_1769 = vector.broadcast %logistic3A_1768 : f32 to vector<1024x64xf32>
      %logistic3A_1770 = arith.addf %logistic3A_1769, %logistic3A_1767 : vector<1024x64xf32>
      %logistic3A_1771 = arith.divf %logistic3A_1769, %logistic3A_1770 : vector<1024x64xf32>
      %slice3A_1772 = vector.extract_strided_slice %logistic3A_1771 {offsets = [0, 0], sizes = [512, 64], strides = [1, 1]} : vector<1024x64xf32> to vector<512x64xf32>
      %slice3A_1773 = vector.extract_strided_slice %concatenate3A_1718 {offsets = [0, 0], sizes = [512, 64], strides = [1, 1]} : vector<512x128xf32> to vector<512x64xf32>
      %mul3A_1774 = arith.mulf %slice3A_1772, %slice3A_1773 : vector<512x64xf32>
      %slice3A_1775 = vector.extract_strided_slice %logistic3A_1771 {offsets = [512, 0], sizes = [512, 64], strides = [1, 1]} : vector<1024x64xf32> to vector<512x64xf32>
      %slice3A_1776 = vector.extract_strided_slice %concatenate3A_1718 {offsets = [0, 64], sizes = [512, 64], strides = [1, 1]} : vector<512x128xf32> to vector<512x64xf32>
      %mul3A_1777 = arith.mulf %slice3A_1775, %slice3A_1776 : vector<512x64xf32>
      %concatenate3A_1778 = tpu.concatenate %mul3A_1774, %mul3A_1777 in 1 : vector<512x64xf32>, vector<512x64xf32> -> vector<512x128xf32>
      %convert_element_type3A_1779 = arith.truncf %concatenate3A_1778 : vector<512x128xf32> to vector<512x128xbf16>
      %dot_general3A_1780 = arith.constant dense<0.000000e+00> : vector<1024x128xf32>
      %dot_general3A_1781 = tpu.matmul %concatenate3A, %convert_element_type3A_1779, %dot_general3A_1780 {dimension_numbers = #tpu.dot_dimension_numbers<[1], [0], [0], [1], [0, 0, 1, 1], [], []>, transpose_lhs_hint = false} : vector<1024x512xbf16>, vector<512x128xbf16>, vector<1024x128xf32> -> vector<1024x128xf32>
      %slice3A_1782 = vector.extract_strided_slice %dot_general3A_1781 {offsets = [0, 0], sizes = [512, 128], strides = [1, 1]} : vector<1024x128xf32> to vector<512x128xf32>
      %slice3A_1783 = vector.extract_strided_slice %dot_general3A_1781 {offsets = [512, 0], sizes = [512, 128], strides = [1, 1]} : vector<1024x128xf32> to vector<512x128xf32>
      %slice3A_1784 = vector.extract_strided_slice %concatenate3A_1778 {offsets = [0, 0], sizes = [512, 64], strides = [1, 1]} : vector<512x128xf32> to vector<512x64xf32>
      %slice3A_1785 = vector.extract_strided_slice %slice3A_1782 {offsets = [0, 0], sizes = [512, 64], strides = [1, 1]} : vector<512x128xf32> to vector<512x64xf32>
      %slice3A_1786 = vector.extract_strided_slice %slice3A_1783 {offsets = [0, 0], sizes = [512, 64], strides = [1, 1]} : vector<512x128xf32> to vector<512x64xf32>
      %concatenate3A_1787 = tpu.concatenate %slice3A_1784, %slice3A_1785, %slice3A_1786 in 1 : vector<512x64xf32>, vector<512x64xf32>, vector<512x64xf32> -> vector<512x192xf32>
      %slice3A_1788 = vector.extract_strided_slice %concatenate3A_1778 {offsets = [0, 64], sizes = [512, 64], strides = [1, 1]} : vector<512x128xf32> to vector<512x64xf32>
      %slice3A_1789 = vector.extract_strided_slice %slice3A_1782 {offsets = [0, 64], sizes = [512, 64], strides = [1, 1]} : vector<512x128xf32> to vector<512x64xf32>
      %slice3A_1790 = vector.extract_strided_slice %slice3A_1783 {offsets = [0, 64], sizes = [512, 64], strides = [1, 1]} : vector<512x128xf32> to vector<512x64xf32>
      %concatenate3A_1791 = tpu.concatenate %slice3A_1788, %slice3A_1789, %slice3A_1790 in 1 : vector<512x64xf32>, vector<512x64xf32>, vector<512x64xf32> -> vector<512x192xf32>
      %concatenate3A_1792 = tpu.concatenate %concatenate3A_1787, %concatenate3A_1791 in 0 : vector<512x192xf32>, vector<512x192xf32> -> vector<1024x192xf32>
      %convert_element_type3A_1793 = arith.truncf %concatenate3A_1792 : vector<1024x192xf32> to vector<1024x192xbf16>
      %get3A_1794 = arith.constant 1 : index
      %get3A_1795 = arith.constant 0 : index
      %get3A_1796 = arith.constant 0 : index
      %get3A_1797 = vector.load %arg6[%get3A_1794, %get3A_1795, %get3A_1796] : memref<2x192x64xbf16, #tpu.memory_space<vmem>>, vector<1x192x64xbf16>
      %get3A_1798 = vector.shape_cast %get3A_1797 : vector<1x192x64xbf16> to vector<192x64xbf16>
      %dot_general3A_1799 = arith.constant dense<0.000000e+00> : vector<1024x64xf32>
      %dot_general3A_1800 = tpu.matmul %convert_element_type3A_1793, %get3A_1798, %dot_general3A_1799 {dimension_numbers = #tpu.dot_dimension_numbers<[1], [0], [0], [1], [0, 0, 1, 1], [], []>, transpose_lhs_hint = false} : vector<1024x192xbf16>, vector<192x64xbf16>, vector<1024x64xf32> -> vector<1024x64xf32>
      %slice3A_1801 = vector.extract_strided_slice %slice3A_1719 {offsets = [0, 128], sizes = [1024, 64], strides = [1, 1]} : vector<1024x192xf32> to vector<1024x64xf32>
      %add3A_1802 = arith.addf %slice3A_1801, %dot_general3A_1800 : vector<1024x64xf32>
      %broadcast_in_dim3A_1803 = vector.shape_cast %squeeze3A_1747 : vector<64xf32> to vector<1x64xf32>
      %add3A_1804 = vector.broadcast %broadcast_in_dim3A_1803 : vector<1x64xf32> to vector<1024x64xf32>
      %add3A_1805 = arith.addf %add3A_1802, %add3A_1804 : vector<1024x64xf32>
      %tanh3A_1806 = math.tanh %add3A_1805 : vector<1024x64xf32>
      %slice3A_1807 = vector.extract_strided_slice %logistic3A_1759 {offsets = [0, 0], sizes = [512, 64], strides = [1, 1]} : vector<1024x64xf32> to vector<512x64xf32>
      %slice3A_1808 = vector.extract_strided_slice %concatenate3A_1718 {offsets = [0, 0], sizes = [512, 64], strides = [1, 1]} : vector<512x128xf32> to vector<512x64xf32>
      %mul3A_1809 = arith.mulf %slice3A_1807, %slice3A_1808 : vector<512x64xf32>
      %sub3A_1810 = arith.constant 1.000000e+00 : f32
      %sub3A_1811 = vector.broadcast %sub3A_1810 : f32 to vector<512x64xf32>
      %sub3A_1812 = arith.subf %sub3A_1811, %slice3A_1807 : vector<512x64xf32>
      %slice3A_1813 = vector.extract_strided_slice %tanh3A_1806 {offsets = [0, 0], sizes = [512, 64], strides = [1, 1]} : vector<1024x64xf32> to vector<512x64xf32>
      %mul3A_1814 = arith.mulf %sub3A_1812, %slice3A_1813 : vector<512x64xf32>
      %add3A_1815 = arith.addf %mul3A_1809, %mul3A_1814 : vector<512x64xf32>
      %slice3A_1816 = vector.extract_strided_slice %logistic3A_1759 {offsets = [512, 0], sizes = [512, 64], strides = [1, 1]} : vector<1024x64xf32> to vector<512x64xf32>
      %slice3A_1817 = vector.extract_strided_slice %concatenate3A_1718 {offsets = [0, 64], sizes = [512, 64], strides = [1, 1]} : vector<512x128xf32> to vector<512x64xf32>
      %mul3A_1818 = arith.mulf %slice3A_1816, %slice3A_1817 : vector<512x64xf32>
      %sub3A_1819 = arith.constant 1.000000e+00 : f32
      %sub3A_1820 = vector.broadcast %sub3A_1819 : f32 to vector<512x64xf32>
      %sub3A_1821 = arith.subf %sub3A_1820, %slice3A_1816 : vector<512x64xf32>
      %slice3A_1822 = vector.extract_strided_slice %tanh3A_1806 {offsets = [512, 0], sizes = [512, 64], strides = [1, 1]} : vector<1024x64xf32> to vector<512x64xf32>
      %mul3A_1823 = arith.mulf %sub3A_1821, %slice3A_1822 : vector<512x64xf32>
      %add3A_1824 = arith.addf %mul3A_1818, %mul3A_1823 : vector<512x64xf32>
      %concatenate3A_1825 = tpu.concatenate %add3A_1815, %add3A_1824 in 1 : vector<512x64xf32>, vector<512x64xf32> -> vector<512x128xf32>
      %slice3A_1826 = vector.extract_strided_slice %dot_general3A_321 {offsets = [7168, 0], sizes = [1024, 192], strides = [1, 1]} : vector<8192x192xf32> to vector<1024x192xf32>
      %convert_element_type3A_1827 = arith.truncf %concatenate3A_1825 : vector<512x128xf32> to vector<512x128xbf16>
      %dot_general3A_1828 = arith.constant dense<0.000000e+00> : vector<1024x128xf32>
      %dot_general3A_1829 = tpu.matmul %concatenate3A, %convert_element_type3A_1827, %dot_general3A_1828 {dimension_numbers = #tpu.dot_dimension_numbers<[1], [0], [0], [1], [0, 0, 1, 1], [], []>, transpose_lhs_hint = false} : vector<1024x512xbf16>, vector<512x128xbf16>, vector<1024x128xf32> -> vector<1024x128xf32>
      %slice3A_1830 = vector.extract_strided_slice %dot_general3A_1829 {offsets = [0, 0], sizes = [512, 128], strides = [1, 1]} : vector<1024x128xf32> to vector<512x128xf32>
      %slice3A_1831 = vector.extract_strided_slice %dot_general3A_1829 {offsets = [512, 0], sizes = [512, 128], strides = [1, 1]} : vector<1024x128xf32> to vector<512x128xf32>
      %slice3A_1832 = vector.extract_strided_slice %concatenate3A_1825 {offsets = [0, 0], sizes = [512, 64], strides = [1, 1]} : vector<512x128xf32> to vector<512x64xf32>
      %slice3A_1833 = vector.extract_strided_slice %slice3A_1830 {offsets = [0, 0], sizes = [512, 64], strides = [1, 1]} : vector<512x128xf32> to vector<512x64xf32>
      %slice3A_1834 = vector.extract_strided_slice %slice3A_1831 {offsets = [0, 0], sizes = [512, 64], strides = [1, 1]} : vector<512x128xf32> to vector<512x64xf32>
      %concatenate3A_1835 = tpu.concatenate %slice3A_1832, %slice3A_1833, %slice3A_1834 in 1 : vector<512x64xf32>, vector<512x64xf32>, vector<512x64xf32> -> vector<512x192xf32>
      %slice3A_1836 = vector.extract_strided_slice %concatenate3A_1825 {offsets = [0, 64], sizes = [512, 64], strides = [1, 1]} : vector<512x128xf32> to vector<512x64xf32>
      %slice3A_1837 = vector.extract_strided_slice %slice3A_1830 {offsets = [0, 64], sizes = [512, 64], strides = [1, 1]} : vector<512x128xf32> to vector<512x64xf32>
      %slice3A_1838 = vector.extract_strided_slice %slice3A_1831 {offsets = [0, 64], sizes = [512, 64], strides = [1, 1]} : vector<512x128xf32> to vector<512x64xf32>
      %concatenate3A_1839 = tpu.concatenate %slice3A_1836, %slice3A_1837, %slice3A_1838 in 1 : vector<512x64xf32>, vector<512x64xf32>, vector<512x64xf32> -> vector<512x192xf32>
      %concatenate3A_1840 = tpu.concatenate %concatenate3A_1835, %concatenate3A_1839 in 0 : vector<512x192xf32>, vector<512x192xf32> -> vector<1024x192xf32>
      %convert_element_type3A_1841 = arith.truncf %concatenate3A_1840 : vector<1024x192xf32> to vector<1024x192xbf16>
      %get3A_1842 = arith.constant 0 : index
      %get3A_1843 = arith.constant 0 : index
      %get3A_1844 = arith.constant 0 : index
      %get3A_1845 = vector.load %arg5[%get3A_1842, %get3A_1843, %get3A_1844] : memref<2x192x128xbf16, #tpu.memory_space<vmem>>, vector<1x192x128xbf16>
      %get3A_1846 = vector.shape_cast %get3A_1845 : vector<1x192x128xbf16> to vector<192x128xbf16>
      %dot_general3A_1847 = arith.constant dense<0.000000e+00> : vector<1024x128xf32>
      %dot_general3A_1848 = tpu.matmul %convert_element_type3A_1841, %get3A_1846, %dot_general3A_1847 {dimension_numbers = #tpu.dot_dimension_numbers<[1], [0], [0], [1], [0, 0, 1, 1], [], []>, transpose_lhs_hint = false} : vector<1024x192xbf16>, vector<192x128xbf16>, vector<1024x128xf32> -> vector<1024x128xf32>
      %slice3A_1849 = vector.extract_strided_slice %get3A_209 {offsets = [0, 0], sizes = [1, 64], strides = [1, 1]} : vector<2x192xf32> to vector<1x64xf32>
      %squeeze3A_1850 = vector.shape_cast %slice3A_1849 : vector<1x64xf32> to vector<64xf32>
      %slice3A_1851 = vector.extract_strided_slice %get3A_209 {offsets = [0, 64], sizes = [1, 64], strides = [1, 1]} : vector<2x192xf32> to vector<1x64xf32>
      %squeeze3A_1852 = vector.shape_cast %slice3A_1851 : vector<1x64xf32> to vector<64xf32>
      %slice3A_1853 = vector.extract_strided_slice %get3A_209 {offsets = [0, 128], sizes = [1, 64], strides = [1, 1]} : vector<2x192xf32> to vector<1x64xf32>
      %squeeze3A_1854 = vector.shape_cast %slice3A_1853 : vector<1x64xf32> to vector<64xf32>
      %slice3A_1855 = vector.extract_strided_slice %slice3A_1826 {offsets = [0, 0], sizes = [1024, 64], strides = [1, 1]} : vector<1024x192xf32> to vector<1024x64xf32>
      %slice3A_1856 = vector.extract_strided_slice %dot_general3A_1848 {offsets = [0, 0], sizes = [1024, 64], strides = [1, 1]} : vector<1024x128xf32> to vector<1024x64xf32>
      %add3A_1857 = arith.addf %slice3A_1855, %slice3A_1856 : vector<1024x64xf32>
      %broadcast_in_dim3A_1858 = vector.shape_cast %squeeze3A_1850 : vector<64xf32> to vector<1x64xf32>
      %add3A_1859 = vector.broadcast %broadcast_in_dim3A_1858 : vector<1x64xf32> to vector<1024x64xf32>
      %add3A_1860 = arith.addf %add3A_1857, %add3A_1859 : vector<1024x64xf32>
      %logistic3A_1861 = arith.negf %add3A_1860 : vector<1024x64xf32>
      %logistic3A_1862 = math.exp %logistic3A_1861 : vector<1024x64xf32>
      %logistic3A_1863 = arith.constant 1.000000e+00 : f32
      %logistic3A_1864 = vector.broadcast %logistic3A_1863 : f32 to vector<1024x64xf32>
      %logistic3A_1865 = arith.addf %logistic3A_1864, %logistic3A_1862 : vector<1024x64xf32>
      %logistic3A_1866 = arith.divf %logistic3A_1864, %logistic3A_1865 : vector<1024x64xf32>
      %slice3A_1867 = vector.extract_strided_slice %slice3A_1826 {offsets = [0, 64], sizes = [1024, 64], strides = [1, 1]} : vector<1024x192xf32> to vector<1024x64xf32>
      %slice3A_1868 = vector.extract_strided_slice %dot_general3A_1848 {offsets = [0, 64], sizes = [1024, 64], strides = [1, 1]} : vector<1024x128xf32> to vector<1024x64xf32>
      %add3A_1869 = arith.addf %slice3A_1867, %slice3A_1868 : vector<1024x64xf32>
      %broadcast_in_dim3A_1870 = vector.shape_cast %squeeze3A_1852 : vector<64xf32> to vector<1x64xf32>
      %add3A_1871 = vector.broadcast %broadcast_in_dim3A_1870 : vector<1x64xf32> to vector<1024x64xf32>
      %add3A_1872 = arith.addf %add3A_1869, %add3A_1871 : vector<1024x64xf32>
      %logistic3A_1873 = arith.negf %add3A_1872 : vector<1024x64xf32>
      %logistic3A_1874 = math.exp %logistic3A_1873 : vector<1024x64xf32>
      %logistic3A_1875 = arith.constant 1.000000e+00 : f32
      %logistic3A_1876 = vector.broadcast %logistic3A_1875 : f32 to vector<1024x64xf32>
      %logistic3A_1877 = arith.addf %logistic3A_1876, %logistic3A_1874 : vector<1024x64xf32>
      %logistic3A_1878 = arith.divf %logistic3A_1876, %logistic3A_1877 : vector<1024x64xf32>
      %slice3A_1879 = vector.extract_strided_slice %logistic3A_1878 {offsets = [0, 0], sizes = [512, 64], strides = [1, 1]} : vector<1024x64xf32> to vector<512x64xf32>
      %slice3A_1880 = vector.extract_strided_slice %concatenate3A_1825 {offsets = [0, 0], sizes = [512, 64], strides = [1, 1]} : vector<512x128xf32> to vector<512x64xf32>
      %mul3A_1881 = arith.mulf %slice3A_1879, %slice3A_1880 : vector<512x64xf32>
      %slice3A_1882 = vector.extract_strided_slice %logistic3A_1878 {offsets = [512, 0], sizes = [512, 64], strides = [1, 1]} : vector<1024x64xf32> to vector<512x64xf32>
      %slice3A_1883 = vector.extract_strided_slice %concatenate3A_1825 {offsets = [0, 64], sizes = [512, 64], strides = [1, 1]} : vector<512x128xf32> to vector<512x64xf32>
      %mul3A_1884 = arith.mulf %slice3A_1882, %slice3A_1883 : vector<512x64xf32>
      %concatenate3A_1885 = tpu.concatenate %mul3A_1881, %mul3A_1884 in 1 : vector<512x64xf32>, vector<512x64xf32> -> vector<512x128xf32>
      %convert_element_type3A_1886 = arith.truncf %concatenate3A_1885 : vector<512x128xf32> to vector<512x128xbf16>
      %dot_general3A_1887 = arith.constant dense<0.000000e+00> : vector<1024x128xf32>
      %dot_general3A_1888 = tpu.matmul %concatenate3A, %convert_element_type3A_1886, %dot_general3A_1887 {dimension_numbers = #tpu.dot_dimension_numbers<[1], [0], [0], [1], [0, 0, 1, 1], [], []>, transpose_lhs_hint = false} : vector<1024x512xbf16>, vector<512x128xbf16>, vector<1024x128xf32> -> vector<1024x128xf32>
      %slice3A_1889 = vector.extract_strided_slice %dot_general3A_1888 {offsets = [0, 0], sizes = [512, 128], strides = [1, 1]} : vector<1024x128xf32> to vector<512x128xf32>
      %slice3A_1890 = vector.extract_strided_slice %dot_general3A_1888 {offsets = [512, 0], sizes = [512, 128], strides = [1, 1]} : vector<1024x128xf32> to vector<512x128xf32>
      %slice3A_1891 = vector.extract_strided_slice %concatenate3A_1885 {offsets = [0, 0], sizes = [512, 64], strides = [1, 1]} : vector<512x128xf32> to vector<512x64xf32>
      %slice3A_1892 = vector.extract_strided_slice %slice3A_1889 {offsets = [0, 0], sizes = [512, 64], strides = [1, 1]} : vector<512x128xf32> to vector<512x64xf32>
      %slice3A_1893 = vector.extract_strided_slice %slice3A_1890 {offsets = [0, 0], sizes = [512, 64], strides = [1, 1]} : vector<512x128xf32> to vector<512x64xf32>
      %concatenate3A_1894 = tpu.concatenate %slice3A_1891, %slice3A_1892, %slice3A_1893 in 1 : vector<512x64xf32>, vector<512x64xf32>, vector<512x64xf32> -> vector<512x192xf32>
      %slice3A_1895 = vector.extract_strided_slice %concatenate3A_1885 {offsets = [0, 64], sizes = [512, 64], strides = [1, 1]} : vector<512x128xf32> to vector<512x64xf32>
      %slice3A_1896 = vector.extract_strided_slice %slice3A_1889 {offsets = [0, 64], sizes = [512, 64], strides = [1, 1]} : vector<512x128xf32> to vector<512x64xf32>
      %slice3A_1897 = vector.extract_strided_slice %slice3A_1890 {offsets = [0, 64], sizes = [512, 64], strides = [1, 1]} : vector<512x128xf32> to vector<512x64xf32>
      %concatenate3A_1898 = tpu.concatenate %slice3A_1895, %slice3A_1896, %slice3A_1897 in 1 : vector<512x64xf32>, vector<512x64xf32>, vector<512x64xf32> -> vector<512x192xf32>
      %concatenate3A_1899 = tpu.concatenate %concatenate3A_1894, %concatenate3A_1898 in 0 : vector<512x192xf32>, vector<512x192xf32> -> vector<1024x192xf32>
      %convert_element_type3A_1900 = arith.truncf %concatenate3A_1899 : vector<1024x192xf32> to vector<1024x192xbf16>
      %get3A_1901 = arith.constant 0 : index
      %get3A_1902 = arith.constant 0 : index
      %get3A_1903 = arith.constant 0 : index
      %get3A_1904 = vector.load %arg6[%get3A_1901, %get3A_1902, %get3A_1903] : memref<2x192x64xbf16, #tpu.memory_space<vmem>>, vector<1x192x64xbf16>
      %get3A_1905 = vector.shape_cast %get3A_1904 : vector<1x192x64xbf16> to vector<192x64xbf16>
      %dot_general3A_1906 = arith.constant dense<0.000000e+00> : vector<1024x64xf32>
      %dot_general3A_1907 = tpu.matmul %convert_element_type3A_1900, %get3A_1905, %dot_general3A_1906 {dimension_numbers = #tpu.dot_dimension_numbers<[1], [0], [0], [1], [0, 0, 1, 1], [], []>, transpose_lhs_hint = false} : vector<1024x192xbf16>, vector<192x64xbf16>, vector<1024x64xf32> -> vector<1024x64xf32>
      %slice3A_1908 = vector.extract_strided_slice %slice3A_1826 {offsets = [0, 128], sizes = [1024, 64], strides = [1, 1]} : vector<1024x192xf32> to vector<1024x64xf32>
      %add3A_1909 = arith.addf %slice3A_1908, %dot_general3A_1907 : vector<1024x64xf32>
      %broadcast_in_dim3A_1910 = vector.shape_cast %squeeze3A_1854 : vector<64xf32> to vector<1x64xf32>
      %add3A_1911 = vector.broadcast %broadcast_in_dim3A_1910 : vector<1x64xf32> to vector<1024x64xf32>
      %add3A_1912 = arith.addf %add3A_1909, %add3A_1911 : vector<1024x64xf32>
      %tanh3A_1913 = math.tanh %add3A_1912 : vector<1024x64xf32>
      %slice3A_1914 = vector.extract_strided_slice %logistic3A_1866 {offsets = [0, 0], sizes = [512, 64], strides = [1, 1]} : vector<1024x64xf32> to vector<512x64xf32>
      %slice3A_1915 = vector.extract_strided_slice %concatenate3A_1825 {offsets = [0, 0], sizes = [512, 64], strides = [1, 1]} : vector<512x128xf32> to vector<512x64xf32>
      %mul3A_1916 = arith.mulf %slice3A_1914, %slice3A_1915 : vector<512x64xf32>
      %sub3A_1917 = arith.constant 1.000000e+00 : f32
      %sub3A_1918 = vector.broadcast %sub3A_1917 : f32 to vector<512x64xf32>
      %sub3A_1919 = arith.subf %sub3A_1918, %slice3A_1914 : vector<512x64xf32>
      %slice3A_1920 = vector.extract_strided_slice %tanh3A_1913 {offsets = [0, 0], sizes = [512, 64], strides = [1, 1]} : vector<1024x64xf32> to vector<512x64xf32>
      %mul3A_1921 = arith.mulf %sub3A_1919, %slice3A_1920 : vector<512x64xf32>
      %add3A_1922 = arith.addf %mul3A_1916, %mul3A_1921 : vector<512x64xf32>
      %slice3A_1923 = vector.extract_strided_slice %logistic3A_1866 {offsets = [512, 0], sizes = [512, 64], strides = [1, 1]} : vector<1024x64xf32> to vector<512x64xf32>
      %slice3A_1924 = vector.extract_strided_slice %concatenate3A_1825 {offsets = [0, 64], sizes = [512, 64], strides = [1, 1]} : vector<512x128xf32> to vector<512x64xf32>
      %mul3A_1925 = arith.mulf %slice3A_1923, %slice3A_1924 : vector<512x64xf32>
      %sub3A_1926 = arith.constant 1.000000e+00 : f32
      %sub3A_1927 = vector.broadcast %sub3A_1926 : f32 to vector<512x64xf32>
      %sub3A_1928 = arith.subf %sub3A_1927, %slice3A_1923 : vector<512x64xf32>
      %slice3A_1929 = vector.extract_strided_slice %tanh3A_1913 {offsets = [512, 0], sizes = [512, 64], strides = [1, 1]} : vector<1024x64xf32> to vector<512x64xf32>
      %mul3A_1930 = arith.mulf %sub3A_1928, %slice3A_1929 : vector<512x64xf32>
      %add3A_1931 = arith.addf %mul3A_1925, %mul3A_1930 : vector<512x64xf32>
      %concatenate3A_1932 = tpu.concatenate %add3A_1922, %add3A_1931 in 1 : vector<512x64xf32>, vector<512x64xf32> -> vector<512x128xf32>
      %slice3A_1933 = vector.extract_strided_slice %dot_general3A_328 {offsets = [7168, 0], sizes = [1024, 192], strides = [1, 1]} : vector<8192x192xf32> to vector<1024x192xf32>
      %convert_element_type3A_1934 = arith.truncf %concatenate3A_1932 : vector<512x128xf32> to vector<512x128xbf16>
      %dot_general3A_1935 = arith.constant dense<0.000000e+00> : vector<1024x128xf32>
      %dot_general3A_1936 = tpu.matmul %concatenate3A, %convert_element_type3A_1934, %dot_general3A_1935 {dimension_numbers = #tpu.dot_dimension_numbers<[1], [0], [0], [1], [0, 0, 1, 1], [], []>, transpose_lhs_hint = false} : vector<1024x512xbf16>, vector<512x128xbf16>, vector<1024x128xf32> -> vector<1024x128xf32>
      %slice3A_1937 = vector.extract_strided_slice %dot_general3A_1936 {offsets = [0, 0], sizes = [512, 128], strides = [1, 1]} : vector<1024x128xf32> to vector<512x128xf32>
      %slice3A_1938 = vector.extract_strided_slice %dot_general3A_1936 {offsets = [512, 0], sizes = [512, 128], strides = [1, 1]} : vector<1024x128xf32> to vector<512x128xf32>
      %slice3A_1939 = vector.extract_strided_slice %concatenate3A_1932 {offsets = [0, 0], sizes = [512, 64], strides = [1, 1]} : vector<512x128xf32> to vector<512x64xf32>
      %slice3A_1940 = vector.extract_strided_slice %slice3A_1937 {offsets = [0, 0], sizes = [512, 64], strides = [1, 1]} : vector<512x128xf32> to vector<512x64xf32>
      %slice3A_1941 = vector.extract_strided_slice %slice3A_1938 {offsets = [0, 0], sizes = [512, 64], strides = [1, 1]} : vector<512x128xf32> to vector<512x64xf32>
      %concatenate3A_1942 = tpu.concatenate %slice3A_1939, %slice3A_1940, %slice3A_1941 in 1 : vector<512x64xf32>, vector<512x64xf32>, vector<512x64xf32> -> vector<512x192xf32>
      %slice3A_1943 = vector.extract_strided_slice %concatenate3A_1932 {offsets = [0, 64], sizes = [512, 64], strides = [1, 1]} : vector<512x128xf32> to vector<512x64xf32>
      %slice3A_1944 = vector.extract_strided_slice %slice3A_1937 {offsets = [0, 64], sizes = [512, 64], strides = [1, 1]} : vector<512x128xf32> to vector<512x64xf32>
      %slice3A_1945 = vector.extract_strided_slice %slice3A_1938 {offsets = [0, 64], sizes = [512, 64], strides = [1, 1]} : vector<512x128xf32> to vector<512x64xf32>
      %concatenate3A_1946 = tpu.concatenate %slice3A_1943, %slice3A_1944, %slice3A_1945 in 1 : vector<512x64xf32>, vector<512x64xf32>, vector<512x64xf32> -> vector<512x192xf32>
      %concatenate3A_1947 = tpu.concatenate %concatenate3A_1942, %concatenate3A_1946 in 0 : vector<512x192xf32>, vector<512x192xf32> -> vector<1024x192xf32>
      %convert_element_type3A_1948 = arith.truncf %concatenate3A_1947 : vector<1024x192xf32> to vector<1024x192xbf16>
      %get3A_1949 = arith.constant 1 : index
      %get3A_1950 = arith.constant 0 : index
      %get3A_1951 = arith.constant 0 : index
      %get3A_1952 = vector.load %arg5[%get3A_1949, %get3A_1950, %get3A_1951] : memref<2x192x128xbf16, #tpu.memory_space<vmem>>, vector<1x192x128xbf16>
      %get3A_1953 = vector.shape_cast %get3A_1952 : vector<1x192x128xbf16> to vector<192x128xbf16>
      %dot_general3A_1954 = arith.constant dense<0.000000e+00> : vector<1024x128xf32>
      %dot_general3A_1955 = tpu.matmul %convert_element_type3A_1948, %get3A_1953, %dot_general3A_1954 {dimension_numbers = #tpu.dot_dimension_numbers<[1], [0], [0], [1], [0, 0, 1, 1], [], []>, transpose_lhs_hint = false} : vector<1024x192xbf16>, vector<192x128xbf16>, vector<1024x128xf32> -> vector<1024x128xf32>
      %slice3A_1956 = vector.extract_strided_slice %get3A_209 {offsets = [1, 0], sizes = [1, 64], strides = [1, 1]} : vector<2x192xf32> to vector<1x64xf32>
      %squeeze3A_1957 = vector.shape_cast %slice3A_1956 : vector<1x64xf32> to vector<64xf32>
      %slice3A_1958 = vector.extract_strided_slice %get3A_209 {offsets = [1, 64], sizes = [1, 64], strides = [1, 1]} : vector<2x192xf32> to vector<1x64xf32>
      %squeeze3A_1959 = vector.shape_cast %slice3A_1958 : vector<1x64xf32> to vector<64xf32>
      %slice3A_1960 = vector.extract_strided_slice %get3A_209 {offsets = [1, 128], sizes = [1, 64], strides = [1, 1]} : vector<2x192xf32> to vector<1x64xf32>
      %squeeze3A_1961 = vector.shape_cast %slice3A_1960 : vector<1x64xf32> to vector<64xf32>
      %slice3A_1962 = vector.extract_strided_slice %slice3A_1933 {offsets = [0, 0], sizes = [1024, 64], strides = [1, 1]} : vector<1024x192xf32> to vector<1024x64xf32>
      %slice3A_1963 = vector.extract_strided_slice %dot_general3A_1955 {offsets = [0, 0], sizes = [1024, 64], strides = [1, 1]} : vector<1024x128xf32> to vector<1024x64xf32>
      %add3A_1964 = arith.addf %slice3A_1962, %slice3A_1963 : vector<1024x64xf32>
      %broadcast_in_dim3A_1965 = vector.shape_cast %squeeze3A_1957 : vector<64xf32> to vector<1x64xf32>
      %add3A_1966 = vector.broadcast %broadcast_in_dim3A_1965 : vector<1x64xf32> to vector<1024x64xf32>
      %add3A_1967 = arith.addf %add3A_1964, %add3A_1966 : vector<1024x64xf32>
      %logistic3A_1968 = arith.negf %add3A_1967 : vector<1024x64xf32>
      %logistic3A_1969 = math.exp %logistic3A_1968 : vector<1024x64xf32>
      %logistic3A_1970 = arith.constant 1.000000e+00 : f32
      %logistic3A_1971 = vector.broadcast %logistic3A_1970 : f32 to vector<1024x64xf32>
      %logistic3A_1972 = arith.addf %logistic3A_1971, %logistic3A_1969 : vector<1024x64xf32>
      %logistic3A_1973 = arith.divf %logistic3A_1971, %logistic3A_1972 : vector<1024x64xf32>
      %slice3A_1974 = vector.extract_strided_slice %slice3A_1933 {offsets = [0, 64], sizes = [1024, 64], strides = [1, 1]} : vector<1024x192xf32> to vector<1024x64xf32>
      %slice3A_1975 = vector.extract_strided_slice %dot_general3A_1955 {offsets = [0, 64], sizes = [1024, 64], strides = [1, 1]} : vector<1024x128xf32> to vector<1024x64xf32>
      %add3A_1976 = arith.addf %slice3A_1974, %slice3A_1975 : vector<1024x64xf32>
      %broadcast_in_dim3A_1977 = vector.shape_cast %squeeze3A_1959 : vector<64xf32> to vector<1x64xf32>
      %add3A_1978 = vector.broadcast %broadcast_in_dim3A_1977 : vector<1x64xf32> to vector<1024x64xf32>
      %add3A_1979 = arith.addf %add3A_1976, %add3A_1978 : vector<1024x64xf32>
      %logistic3A_1980 = arith.negf %add3A_1979 : vector<1024x64xf32>
      %logistic3A_1981 = math.exp %logistic3A_1980 : vector<1024x64xf32>
      %logistic3A_1982 = arith.constant 1.000000e+00 : f32
      %logistic3A_1983 = vector.broadcast %logistic3A_1982 : f32 to vector<1024x64xf32>
      %logistic3A_1984 = arith.addf %logistic3A_1983, %logistic3A_1981 : vector<1024x64xf32>
      %logistic3A_1985 = arith.divf %logistic3A_1983, %logistic3A_1984 : vector<1024x64xf32>
      %slice3A_1986 = vector.extract_strided_slice %logistic3A_1985 {offsets = [0, 0], sizes = [512, 64], strides = [1, 1]} : vector<1024x64xf32> to vector<512x64xf32>
      %slice3A_1987 = vector.extract_strided_slice %concatenate3A_1932 {offsets = [0, 0], sizes = [512, 64], strides = [1, 1]} : vector<512x128xf32> to vector<512x64xf32>
      %mul3A_1988 = arith.mulf %slice3A_1986, %slice3A_1987 : vector<512x64xf32>
      %slice3A_1989 = vector.extract_strided_slice %logistic3A_1985 {offsets = [512, 0], sizes = [512, 64], strides = [1, 1]} : vector<1024x64xf32> to vector<512x64xf32>
      %slice3A_1990 = vector.extract_strided_slice %concatenate3A_1932 {offsets = [0, 64], sizes = [512, 64], strides = [1, 1]} : vector<512x128xf32> to vector<512x64xf32>
      %mul3A_1991 = arith.mulf %slice3A_1989, %slice3A_1990 : vector<512x64xf32>
      %concatenate3A_1992 = tpu.concatenate %mul3A_1988, %mul3A_1991 in 1 : vector<512x64xf32>, vector<512x64xf32> -> vector<512x128xf32>
      %convert_element_type3A_1993 = arith.truncf %concatenate3A_1992 : vector<512x128xf32> to vector<512x128xbf16>
      %dot_general3A_1994 = arith.constant dense<0.000000e+00> : vector<1024x128xf32>
      %dot_general3A_1995 = tpu.matmul %concatenate3A, %convert_element_type3A_1993, %dot_general3A_1994 {dimension_numbers = #tpu.dot_dimension_numbers<[1], [0], [0], [1], [0, 0, 1, 1], [], []>, transpose_lhs_hint = false} : vector<1024x512xbf16>, vector<512x128xbf16>, vector<1024x128xf32> -> vector<1024x128xf32>
      %slice3A_1996 = vector.extract_strided_slice %dot_general3A_1995 {offsets = [0, 0], sizes = [512, 128], strides = [1, 1]} : vector<1024x128xf32> to vector<512x128xf32>
      %slice3A_1997 = vector.extract_strided_slice %dot_general3A_1995 {offsets = [512, 0], sizes = [512, 128], strides = [1, 1]} : vector<1024x128xf32> to vector<512x128xf32>
      %slice3A_1998 = vector.extract_strided_slice %concatenate3A_1992 {offsets = [0, 0], sizes = [512, 64], strides = [1, 1]} : vector<512x128xf32> to vector<512x64xf32>
      %slice3A_1999 = vector.extract_strided_slice %slice3A_1996 {offsets = [0, 0], sizes = [512, 64], strides = [1, 1]} : vector<512x128xf32> to vector<512x64xf32>
      %slice3A_2000 = vector.extract_strided_slice %slice3A_1997 {offsets = [0, 0], sizes = [512, 64], strides = [1, 1]} : vector<512x128xf32> to vector<512x64xf32>
      %concatenate3A_2001 = tpu.concatenate %slice3A_1998, %slice3A_1999, %slice3A_2000 in 1 : vector<512x64xf32>, vector<512x64xf32>, vector<512x64xf32> -> vector<512x192xf32>
      %slice3A_2002 = vector.extract_strided_slice %concatenate3A_1992 {offsets = [0, 64], sizes = [512, 64], strides = [1, 1]} : vector<512x128xf32> to vector<512x64xf32>
      %slice3A_2003 = vector.extract_strided_slice %slice3A_1996 {offsets = [0, 64], sizes = [512, 64], strides = [1, 1]} : vector<512x128xf32> to vector<512x64xf32>
      %slice3A_2004 = vector.extract_strided_slice %slice3A_1997 {offsets = [0, 64], sizes = [512, 64], strides = [1, 1]} : vector<512x128xf32> to vector<512x64xf32>
      %concatenate3A_2005 = tpu.concatenate %slice3A_2002, %slice3A_2003, %slice3A_2004 in 1 : vector<512x64xf32>, vector<512x64xf32>, vector<512x64xf32> -> vector<512x192xf32>
      %concatenate3A_2006 = tpu.concatenate %concatenate3A_2001, %concatenate3A_2005 in 0 : vector<512x192xf32>, vector<512x192xf32> -> vector<1024x192xf32>
      %convert_element_type3A_2007 = arith.truncf %concatenate3A_2006 : vector<1024x192xf32> to vector<1024x192xbf16>
      %get3A_2008 = arith.constant 1 : index
      %get3A_2009 = arith.constant 0 : index
      %get3A_2010 = arith.constant 0 : index
      %get3A_2011 = vector.load %arg6[%get3A_2008, %get3A_2009, %get3A_2010] : memref<2x192x64xbf16, #tpu.memory_space<vmem>>, vector<1x192x64xbf16>
      %get3A_2012 = vector.shape_cast %get3A_2011 : vector<1x192x64xbf16> to vector<192x64xbf16>
      %dot_general3A_2013 = arith.constant dense<0.000000e+00> : vector<1024x64xf32>
      %dot_general3A_2014 = tpu.matmul %convert_element_type3A_2007, %get3A_2012, %dot_general3A_2013 {dimension_numbers = #tpu.dot_dimension_numbers<[1], [0], [0], [1], [0, 0, 1, 1], [], []>, transpose_lhs_hint = false} : vector<1024x192xbf16>, vector<192x64xbf16>, vector<1024x64xf32> -> vector<1024x64xf32>
      %slice3A_2015 = vector.extract_strided_slice %slice3A_1933 {offsets = [0, 128], sizes = [1024, 64], strides = [1, 1]} : vector<1024x192xf32> to vector<1024x64xf32>
      %add3A_2016 = arith.addf %slice3A_2015, %dot_general3A_2014 : vector<1024x64xf32>
      %broadcast_in_dim3A_2017 = vector.shape_cast %squeeze3A_1961 : vector<64xf32> to vector<1x64xf32>
      %add3A_2018 = vector.broadcast %broadcast_in_dim3A_2017 : vector<1x64xf32> to vector<1024x64xf32>
      %add3A_2019 = arith.addf %add3A_2016, %add3A_2018 : vector<1024x64xf32>
      %tanh3A_2020 = math.tanh %add3A_2019 : vector<1024x64xf32>
      %slice3A_2021 = vector.extract_strided_slice %logistic3A_1973 {offsets = [0, 0], sizes = [512, 64], strides = [1, 1]} : vector<1024x64xf32> to vector<512x64xf32>
      %slice3A_2022 = vector.extract_strided_slice %concatenate3A_1932 {offsets = [0, 0], sizes = [512, 64], strides = [1, 1]} : vector<512x128xf32> to vector<512x64xf32>
      %mul3A_2023 = arith.mulf %slice3A_2021, %slice3A_2022 : vector<512x64xf32>
      %sub3A_2024 = arith.constant 1.000000e+00 : f32
      %sub3A_2025 = vector.broadcast %sub3A_2024 : f32 to vector<512x64xf32>
      %sub3A_2026 = arith.subf %sub3A_2025, %slice3A_2021 : vector<512x64xf32>
      %slice3A_2027 = vector.extract_strided_slice %tanh3A_2020 {offsets = [0, 0], sizes = [512, 64], strides = [1, 1]} : vector<1024x64xf32> to vector<512x64xf32>
      %mul3A_2028 = arith.mulf %sub3A_2026, %slice3A_2027 : vector<512x64xf32>
      %add3A_2029 = arith.addf %mul3A_2023, %mul3A_2028 : vector<512x64xf32>
      %slice3A_2030 = vector.extract_strided_slice %logistic3A_1973 {offsets = [512, 0], sizes = [512, 64], strides = [1, 1]} : vector<1024x64xf32> to vector<512x64xf32>
      %slice3A_2031 = vector.extract_strided_slice %concatenate3A_1932 {offsets = [0, 64], sizes = [512, 64], strides = [1, 1]} : vector<512x128xf32> to vector<512x64xf32>
      %mul3A_2032 = arith.mulf %slice3A_2030, %slice3A_2031 : vector<512x64xf32>
      %sub3A_2033 = arith.constant 1.000000e+00 : f32
      %sub3A_2034 = vector.broadcast %sub3A_2033 : f32 to vector<512x64xf32>
      %sub3A_2035 = arith.subf %sub3A_2034, %slice3A_2030 : vector<512x64xf32>
      %slice3A_2036 = vector.extract_strided_slice %tanh3A_2020 {offsets = [512, 0], sizes = [512, 64], strides = [1, 1]} : vector<1024x64xf32> to vector<512x64xf32>
      %mul3A_2037 = arith.mulf %sub3A_2035, %slice3A_2036 : vector<512x64xf32>
      %add3A_2038 = arith.addf %mul3A_2032, %mul3A_2037 : vector<512x64xf32>
      %concatenate3A_2039 = tpu.concatenate %add3A_2029, %add3A_2038 in 1 : vector<512x64xf32>, vector<512x64xf32> -> vector<512x128xf32>
      %slice3A_2040 = vector.extract_strided_slice %concatenate3A_2039 {offsets = [0, 0], sizes = [512, 64], strides = [1, 1]} : vector<512x128xf32> to vector<512x64xf32>
      %swap3A_2041 = arith.constant 0 : index
      %swap3A_2042 = arith.constant 0 : index
      %swap3A_2043 = arith.constant 0 : index
      %swap3A_2044 = vector.load %arg13[%swap3A_2041, %swap3A_2042, %swap3A_2043] : memref<2x512x64xf32, #tpu.memory_space<vmem>>, vector<1x512x64xf32>
      %swap3A_2045 = vector.shape_cast %swap3A_2044 : vector<1x512x64xf32> to vector<512x64xf32>
      %swap3A_2046 = vector.shape_cast %slice3A_2040 : vector<512x64xf32> to vector<1x512x64xf32>
      tpu.vector_store %arg13[%swap3A_2041, %swap3A_2042, %swap3A_2043], %swap3A_2046 {strides = array<i32>} : memref<2x512x64xf32, #tpu.memory_space<vmem>>, vector<1x512x64xf32>,
      %slice3A_2047 = vector.extract_strided_slice %concatenate3A_2039 {offsets = [0, 64], sizes = [512, 64], strides = [1, 1]} : vector<512x128xf32> to vector<512x64xf32>
      %swap3A_2048 = arith.constant 1 : index
      %swap3A_2049 = arith.constant 0 : index
      %swap3A_2050 = arith.constant 0 : index
      %swap3A_2051 = vector.load %arg13[%swap3A_2048, %swap3A_2049, %swap3A_2050] : memref<2x512x64xf32, #tpu.memory_space<vmem>>, vector<1x512x64xf32>
      %swap3A_2052 = vector.shape_cast %swap3A_2051 : vector<1x512x64xf32> to vector<512x64xf32>
      %swap3A_2053 = vector.shape_cast %slice3A_2047 : vector<512x64xf32> to vector<1x512x64xf32>
      tpu.vector_store %arg13[%swap3A_2048, %swap3A_2049, %swap3A_2050], %swap3A_2053 {strides = array<i32>} : memref<2x512x64xf32, #tpu.memory_space<vmem>>, vector<1x512x64xf32>,
    } else {
    }
    %mul3A = arith.constant 256 : i32
    %mul3A_4 = arith.muli %arg1, %mul3A : i32
    %get3A = arith.index_cast %arg0 : i32 to index
    %get3A_5 = arith.index_cast %mul3A_4 : i32 to index
    %get3A_6 = arith.constant 0 : index
    %get3A_7 = vector.load %arg13[%get3A, %get3A_5, %get3A_6] : memref<2x512x64xf32, #tpu.memory_space<vmem>>, vector<1x256x64xf32>
    %get3A_8 = vector.shape_cast %get3A_7 : vector<1x256x64xf32> to vector<256x64xf32>
    %get3A_9 = arith.index_cast %arg0 : i32 to index
    %get3A_10 = arith.constant 0 : index
    %get3A_11 = arith.constant 0 : index
    %get3A_12 = vector.load %arg13[%get3A_9, %get3A_10, %get3A_11] : memref<2x512x64xf32, #tpu.memory_space<vmem>>, vector<1x512x64xf32>
    %get3A_13 = vector.shape_cast %get3A_12 : vector<1x512x64xf32> to vector<512x64xf32>
    %get3A_14 = arith.constant 0 : index
    %get3A_15 = arith.constant 0 : index
    %get3A_16 = vector.load %arg8[%get3A_14, %get3A_15] : memref<64x128xf32, #tpu.memory_space<vmem>>, vector<64x128xf32>
    %convert_element_type3A_17 = arith.truncf %get3A_16 : vector<64x128xf32> to vector<64x128xbf16>
    %slice3A = vector.extract_strided_slice %convert_element_type3A_17 {offsets = [0, 0], sizes = [64, 64], strides = [1, 1]} : vector<64x128xbf16> to vector<64x64xbf16>
    %convert_element_type3A_18 = arith.truncf %get3A_8 : vector<256x64xf32> to vector<256x64xbf16>
    %dot_general3A = arith.constant dense<0.000000e+00> : vector<64x256xf32>
    %dot_general3A_19 = tpu.matmul %slice3A, %convert_element_type3A_18, %dot_general3A {dimension_numbers = #tpu.dot_dimension_numbers<[1], [1], [0], [0], [0, 0, 1, 0], [], []>, transpose_lhs_hint = false} : vector<64x64xbf16>, vector<256x64xbf16>, vector<64x256xf32> -> vector<64x256xf32>
    %slice3A_20 = vector.extract_strided_slice %convert_element_type3A_17 {offsets = [0, 64], sizes = [64, 64], strides = [1, 1]} : vector<64x128xbf16> to vector<64x64xbf16>
    %convert_element_type3A_21 = arith.truncf %get3A_13 : vector<512x64xf32> to vector<512x64xbf16>
    %dot_general3A_22 = arith.constant dense<0.000000e+00> : vector<64x512xf32>
    %dot_general3A_23 = tpu.matmul %slice3A_20, %convert_element_type3A_21, %dot_general3A_22 {dimension_numbers = #tpu.dot_dimension_numbers<[1], [1], [0], [0], [0, 0, 1, 0], [], []>, transpose_lhs_hint = false} : vector<64x64xbf16>, vector<512x64xbf16>, vector<64x512xf32> -> vector<64x512xf32>
    %get3A_24 = arith.constant 0 : index
    %get3A_25 = arith.constant 0 : index
    %get3A_26 = vector.load %arg9[%get3A_24, %get3A_25] : memref<64x1xf32, #tpu.memory_space<vmem>>, vector<64x1xf32>
    %add3A = vector.broadcast %get3A_26 : vector<64x1xf32> to vector<64x512xf32>
    %add3A_27 = arith.addf %dot_general3A_23, %add3A : vector<64x512xf32>
    %convert_element_type3A_28 = arith.truncf %dot_general3A_19 : vector<64x256xf32> to vector<64x256xbf16>
    %broadcast_in_dim3A = vector.shape_cast %convert_element_type3A_28 : vector<64x256xbf16> to vector<64x256x1xbf16>
    %convert_element_type3A_29 = arith.truncf %add3A_27 : vector<64x512xf32> to vector<64x512xbf16>
    %broadcast_in_dim3A_30 = vector.shape_cast %convert_element_type3A_29 : vector<64x512xbf16> to vector<64x1x512xbf16>
    %add3A_31 = vector.broadcast %broadcast_in_dim3A : vector<64x256x1xbf16> to vector<64x256x512xbf16>
    %add3A_32 = vector.broadcast %broadcast_in_dim3A_30 : vector<64x1x512xbf16> to vector<64x256x512xbf16>
    %add3A_33 = arith.addf %add3A_31, %add3A_32 : vector<64x256x512xbf16>
    %max3A = arith.constant 0.000000e+00 : bf16
    %max3A_34 = vector.broadcast %max3A : bf16 to vector<64x256x512xbf16>
    %max3A_35 = arith.maximumf %add3A_33, %max3A_34 : vector<64x256x512xbf16>
    %get3A_36 = arith.constant 0 : index
    %get3A_37 = arith.constant 0 : index
    %get3A_38 = vector.load %arg10[%get3A_36, %get3A_37] : memref<64x1xf32, #tpu.memory_space<vmem>>, vector<64x1xf32>
    %convert_element_type3A_39 = arith.truncf %get3A_38 : vector<64x1xf32> to vector<64x1xbf16>
    %broadcast_in_dim3A_40 = vector.shape_cast %convert_element_type3A_39 : vector<64x1xbf16> to vector<64x1x1xbf16>
    %mul3A_41 = vector.broadcast %broadcast_in_dim3A_40 : vector<64x1x1xbf16> to vector<64x256x512xbf16>
    %mul3A_42 = arith.mulf %max3A_35, %mul3A_41 : vector<64x256x512xbf16>
    %convert_element_type3A_43 = arith.extf %mul3A_42 : vector<64x256x512xbf16> to vector<64x256x512xf32>
    %reduce_sum3A = arith.constant dense<0.000000e+00> : vector<256x512xf32>
    %reduce_sum3A_44 = vector.multi_reduction <add>, %convert_element_type3A_43, %reduce_sum3A [0] : vector<64x256x512xf32> to vector<256x512xf32>
    %get3A_45 = arith.constant 0 : index
    %get3A_46 = arith.constant 0 : index
    %get3A_47 = vector.load %arg11[%get3A_45, %get3A_46] : memref<1x1xf32, #tpu.memory_space<vmem>>, vector<1x1xf32>
    %get3A_48 = vector.extract %get3A_47[0, 0] : f32 from vector<1x1xf32>
    %add3A_49 = vector.broadcast %get3A_48 : f32 to vector<256x512xf32>
    %add3A_50 = arith.addf %reduce_sum3A_44, %add3A_49 : vector<256x512xf32>
    %swap3A = arith.constant 0 : index
    %swap3A_51 = arith.constant 0 : index
    %swap3A_52 = arith.constant 0 : index
    %swap3A_53 = vector.load %arg12[%swap3A, %swap3A_51, %swap3A_52] : memref<1x256x512xf32, #tpu.memory_space<vmem>>, vector<1x256x512xf32>
    %swap3A_54 = vector.shape_cast %swap3A_53 : vector<1x256x512xf32> to vector<256x512xf32>
    %swap3A_55 = vector.shape_cast %add3A_50 : vector<256x512xf32> to vector<1x256x512xf32>
    tpu.vector_store %arg12[%swap3A, %swap3A_51, %swap3A_52], %swap3A_55 {strides = array<i32>} : memref<1x256x512xf32, #tpu.memory_space<vmem>>, vector<1x256x512xf32>,
    return
  }
  func.func @transform_0(%arg0: i32, %arg1: i32) -> (i32, i32, i32) {
    %c0_i32 = arith.constant 0 : i32
    %c0_i32_0 = arith.constant 0 : i32
    %c0_i32_1 = arith.constant 0 : i32
    %c0_i32_2 = arith.constant 0 : i32
    return %c0_i32, %c0_i32_0, %c0_i32_1 : i32, i32, i32
  }
  func.func @transform_1(%arg0: i32, %arg1: i32) -> (i32, i32, i32, i32) {
    %c0_i32 = arith.constant 0 : i32
    %c0_i32_0 = arith.constant 0 : i32
    %c0_i32_1 = arith.constant 0 : i32
    %c0_i32_2 = arith.constant 0 : i32
    %c0_i32_3 = arith.constant 0 : i32
    return %c0_i32, %c0_i32_0, %c0_i32_1, %c0_i32_2 : i32, i32, i32, i32
  }
  func.func @transform_2(%arg0: i32, %arg1: i32) -> (i32, i32, i32) {
    %c0_i32 = arith.constant 0 : i32
    %c0_i32_0 = arith.constant 0 : i32
    %c0_i32_1 = arith.constant 0 : i32
    %c0_i32_2 = arith.constant 0 : i32
    return %c0_i32, %c0_i32_0, %c0_i32_1 : i32, i32, i32
  }
  func.func @transform_3(%arg0: i32, %arg1: i32) -> (i32, i32, i32) {
    %c0_i32 = arith.constant 0 : i32
    %c0_i32_0 = arith.constant 0 : i32
    %c0_i32_1 = arith.constant 0 : i32
    %c0_i32_2 = arith.constant 0 : i32
    return %c0_i32, %c0_i32_0, %c0_i32_1 : i32, i32, i32
  }
  func.func @transform_4(%arg0: i32, %arg1: i32) -> (i32, i32, i32) {
    %c0_i32 = arith.constant 0 : i32
    %c0_i32_0 = arith.constant 0 : i32
    %c0_i32_1 = arith.constant 0 : i32
    %c0_i32_2 = arith.constant 0 : i32
    return %c0_i32, %c0_i32_0, %c0_i32_1 : i32, i32, i32
  }
  func.func @transform_5(%arg0: i32, %arg1: i32) -> (i32, i32) {
    %c0_i32 = arith.constant 0 : i32
    %c0_i32_0 = arith.constant 0 : i32
    %c0_i32_1 = arith.constant 0 : i32
    return %c0_i32, %c0_i32_0 : i32, i32
  }
  func.func @transform_6(%arg0: i32, %arg1: i32) -> (i32, i32) {
    %c0_i32 = arith.constant 0 : i32
    %c0_i32_0 = arith.constant 0 : i32
    %c0_i32_1 = arith.constant 0 : i32
    return %c0_i32, %c0_i32_0 : i32, i32
  }
  func.func @transform_7(%arg0: i32, %arg1: i32) -> (i32, i32) {
    %c0_i32 = arith.constant 0 : i32
    %c0_i32_0 = arith.constant 0 : i32
    %c0_i32_1 = arith.constant 0 : i32
    return %c0_i32, %c0_i32_0 : i32, i32
  }
  func.func @transform_8(%arg0: i32, %arg1: i32) -> (i32, i32) {
    %c0_i32 = arith.constant 0 : i32
    %c0_i32_0 = arith.constant 0 : i32
    %c0_i32_1 = arith.constant 0 : i32
    return %c0_i32, %c0_i32_0 : i32, i32
  }
  func.func @transform_9(%arg0: i32, %arg1: i32) -> (i32, i32) {
    %c0_i32 = arith.constant 0 : i32
    %c0_i32_0 = arith.constant 0 : i32
    %c0_i32_1 = arith.constant 0 : i32
    return %c0_i32, %c0_i32_0 : i32, i32
  }
  func.func @transform_10(%arg0: i32, %arg1: i32) -> (i32, i32, i32) {
    %c0_i32 = arith.constant 0 : i32
    %c0_i32_0 = arith.constant 0 : i32
    return %arg0, %arg1, %c0_i32 : i32, i32, i32
  }
}

</mosaic_0001>

<sc_bundles>
// kernel: kernel.4.cloned.1.call-start
scs
__scs_entry_jumppad:
0x0: {  	(pc) =	sbr.rel $0x88, $3  }
0x1: {  	(tag) =	ssettag $0x0;
	lr =	simm.s32 $0x1  }
0x2: {  	[smem:$0x3F82] =	sst lr;
	_ =	strace $0xD0000000  }
0x3: {  	_ = 	snop  }
0x4: {  	_ = 	snop  }
0x5: {  	_ = 	snop  }
0x6: {  	_ = 	snop  }
0x7: {  	_ = 	snop  }
__scs_overlays_trampoline_lowered:
0x8: {  	[smem:$0x3F91] =	sst s0  }
0x9: {  	[smem:$0x3F92] =	sst s1  }
0xa: {  	[smem:$0x3F93] =	sst s2  }
0xb: {  	[smem:$0x3F94] =	sst s3  }
0xc: {  	[smem:$0x3F95] =	sst s4  }
0xd: {  	[smem:$0x3F96] =	sst s5  }
0xe: {  	[smem:$0x3F97] =	sst s6  }
0xf: {  	[smem:$0x3F98] =	sst s7  }
0x10: {  	[smem:$0x3F99] =	sst s8  }
0x11: {  	[smem:$0x3F9A] =	sst s9;
	s0 =	simm.s32 @!p0 $0x0  }
0x12: {  	s1 =	sld [smem:$0x3F80];
	s0 =	simm.s32 @p0 $0x1  }
0x13: {  	[smem:$0x3F9B] =	sst s0;
	s0 =	simm.s32 @!p1 $0x0  }
0x14: {  	s2 =	sld [smem:$0x3F7F];
	s0 =	simm.s32 @p1 $0x1  }
0x15: {  	[smem:$0x3F9C] =	sst s0;
	s0 =	simm.s32 @!p2 $0x0  }
0x16: {  	s3 =	sld [smem:$0x3FDB];
	s0 =	simm.s32 @p2 $0x1  }
0x17: {  	s4 =	simm.s32 $0x1BF5;
	[smem:$0x3F9E] =	sst s0  }
0x18: {  	s0 =	sld [smem:$0x3F81];
	_ =	swait.ge [sflag:s4], $0x0  }
0x19: {  	s7 =	sld [smem:$0x3F82]  }
0x1a: {  	s8 =	sadd.s32 $0xFFFFE003, lr  }
0x1b: {  	s9 =	sadd.s32 $0xFFFFFEF7, lr;
	s5 =	simm.s32 $0xFFFFFFFF;
	p2 =	slt.u32 s8, $0xFFFFF086  }
0x1c: {  	p1 =	slt.u32 s9, $0xF7A;
	s5 =	simm.s32 @!p2 $0x0  }
0x1d: {  	s5 =	simm.s32 @p1 $0x1;
	p0 =	seq.s32 s7, s2  }
0x1e: {  	s7 =	smul.u32 @!p0 $0xF7A, s2;
	p2 =	seq.s32 @!p0 s5, $0x0  }
0x1f: {  	s9 =	smul.u32 $0xF7A, s1;
	s8 =	simm.s32 @!p0 $0x1BF5;
	p2 =	por !p2, p0  }
0x20: {  	[sflag:s8] =	ssyncset.s32 @!p0 $0xFFFFF086;
	s6 =	sadd.s32 @!p0 s3, s7;
	s7 =	simm.s32 @!p0 $0x108  }
0x21: {  	s3 =	sadd.s32 s3, s9;
	s6 =	sadd.s32 @!p0 $0x88, s6;
	s7 =	simm.s32 @p2 $0x1082  }
0x22: {  	[simem:s7], [sflag:s8] =	dma.local @!p0 [hbm:s6], $0xF7A  }
0x23: {  	s9 =	sor.u32 $0xD0000000, s2;
	s6 =	simm.s32 $0x108;
	_ =	swait.ge @!p0 [sflag:s8], $0x0  }
0x24: {  	s3 =	sadd.s32 $0x88, s3;
	s6 =	simm.s32 @!p1 $0x1082;
	[sflag:s4] =	ssyncset.s32 $0xFFFFF086  }
0x25: {  	[simem:s6], [sflag:s4] =	dma.local [hbm:s3], $0xF7A  }
0x26: {  	[smem:$0x3F82] =	sst s1;
	(tag) =	ssettag s2;
	_ =	strace s9  }
0x27: {  	s1 =	sld [smem:$0x3F92]  }
0x28: {  	s2 =	sld [smem:$0x3F93]  }
0x29: {  	s4 =	sld [smem:$0x3F95]  }
0x2a: {  	p0 =	seq.s32 s5, $0x0;
	s5 =	sld [smem:$0x3F96]  }
0x2b: {  	s6 =	sld [smem:$0x3F97]  }
0x2c: {  	s7 =	sld [smem:$0x3F98]  }
0x2d: {  	s3 =	simm.s32 $0x108;
	s8 =	sld [smem:$0x3F99]  }
0x2e: {  	s3 =	simm.s32 @!p0 $0x1082;
	s9 =	sld [smem:$0x3F9A]  }
0x2f: {  	lr =	sadd.s32 s0, s3;
	s0 =	sld [smem:$0x3F91]  }
0x30: {  	s3 =	sld [smem:$0x3F94]  }
0x31: {  	[smem:$0x3F9D] =	sst s10  }
0x32: {  	s10 =	sld [smem:$0x3F9B];
	_ =	sdelay $0x3  }
0x33: {  	p0 =	seq.s32 s10, $0x1;
	s10 =	sld [smem:$0x3F9D];
	_ =	sdelay $0x3  }
0x34: {  	[smem:$0x3F9D] =	sst s10  }
0x35: {  	s10 =	sld [smem:$0x3F9C];
	_ =	sdelay $0x3  }
0x36: {  	p1 =	seq.s32 s10, $0x1;
	s10 =	sld [smem:$0x3F9D];
	_ =	sdelay $0x3  }
0x37: {  	[smem:$0x3F9D] =	sst s10  }
0x38: {  	s10 =	sld [smem:$0x3F9E]  }
0x39: {  	_ = 	snop;
	(pc) =	sbr.ind lr, $3  }
0x3a: {  	_ = 	snop  }
0x3b: {  	_ = 	snop  }
0x3c: {  	p2 =	seq.s32 s10, $0x1;
	s10 =	sld [smem:$0x3F9D]  }
0x3d: {  	_ =	shalt  }
0x3e: {  	_ =	shalt  }
0x3f: {  	_ =	shalt  }
0x40: {  	_ =	shalt  }
0x41: {  	_ =	shalt  }
0x42: {  	_ =	shalt  }
0x43: {  	_ =	shalt  }
0x44: {  	_ =	shalt  }
0x45: {  	_ =	shalt  }
0x46: {  	_ =	shalt  }
0x47: {  	_ =	shalt  }
0x48: {  	_ =	shalt  }
0x49: {  	_ =	shalt  }
0x4a: {  	_ =	shalt  }
0x4b: {  	_ =	shalt  }
0x4c: {  	_ =	shalt  }
0x4d: {  	_ =	shalt  }
0x4e: {  	_ =	shalt  }
0x4f: {  	_ =	shalt  }
0x50: {  	_ =	shalt  }
0x51: {  	_ =	shalt  }
0x52: {  	_ =	shalt  }
0x53: {  	_ =	shalt  }
0x54: {  	_ =	shalt  }
0x55: {  	_ =	shalt  }
0x56: {  	_ =	shalt  }
0x57: {  	_ =	shalt  }
0x58: {  	_ =	shalt  }
0x59: {  	_ =	shalt  }
0x5a: {  	_ =	shalt  }
0x5b: {  	_ =	shalt  }
0x5c: {  	_ =	shalt  }
0x5d: {  	_ =	shalt  }
0x5e: {  	_ =	shalt  }
0x5f: {  	_ =	shalt  }
0x60: {  	_ =	shalt  }
0x61: {  	_ =	shalt  }
0x62: {  	_ =	shalt  }
0x63: {  	_ =	shalt  }
0x64: {  	_ =	shalt  }
0x65: {  	_ =	shalt  }
0x66: {  	_ =	shalt  }
0x67: {  	_ =	shalt  }
0x68: {  	_ =	shalt  }
0x69: {  	_ =	shalt  }
0x6a: {  	_ =	shalt  }
0x6b: {  	_ =	shalt  }
0x6c: {  	_ =	shalt  }
0x6d: {  	_ =	shalt  }
0x6e: {  	_ =	shalt  }
0x6f: {  	_ =	shalt  }
0x70: {  	_ =	shalt  }
0x71: {  	_ =	shalt  }
0x72: {  	_ =	shalt  }
0x73: {  	_ =	shalt  }
0x74: {  	_ =	shalt  }
0x75: {  	_ =	shalt  }
0x76: {  	_ =	shalt  }
0x77: {  	_ =	shalt  }
0x78: {  	_ =	shalt  }
0x79: {  	_ =	shalt  }
0x7a: {  	_ =	shalt  }
0x7b: {  	_ =	shalt  }
0x7c: {  	_ =	shalt  }
0x7d: {  	_ =	shalt  }
0x7e: {  	_ =	shalt  }
0x7f: {  	_ =	shalt  }
0x80: {  	_ =	shalt  }
0x81: {  	_ =	shalt  }
0x82: {  	_ =	shalt  }
0x83: {  	_ =	shalt  }
0x84: {  	_ =	shalt  }
0x85: {  	_ =	shalt  }
0x86: {  	_ =	shalt  }
0x87: {  	_ =	shalt  }
.Lfunc_end0:
.L_simem_size_0:
called_computation_lowered:
.L_overlay_start_0:
0x88: {  	s2 =	sld [smem:$0x3FD9]  }
0x89: {  	s3 =	sld [smem:$0x3FFE];
	_ =	sdelay $0x1  }
0x8a: {  	s1 =	srdreg.scid  }
0x8b: {  	s0 =	sand.u32 $0x1, s1  }
0x8c: {  	s17 =	sshll.u32 s0, $0xA;
	s2 =	sadd.s32 s3, s2  }
0x8d: {  	s2 =	sadd.s32 s2, s17  }
0x8e: {  	[smem:$0x3FA9] =	sst s2  }
0x8f: {  	_ = 	snop  }
0x90: {  	s2 =	sld [smem:$0x3FC7]  }
0x91: {  	s18 =	sld [smem:$0x3FD0];
	(tm) =	ssettm $0x1  }
0x92: {  	s4 =	sld [smem:$0x3FFB];
	_ =	sdelay $0x3  }
0x93: {  	_ =	strace s4  }
0x94: {  	s4 =	sld [smem:$0x3FFC];
	_ =	sdelay $0x3  }
0x95: {  	_ =	strace s4  }
0x96: {  	s4 =	sld [smem:$0x3FFD];
	_ =	sdelay $0x3  }
0x97: {  	_ =	strace s4  }
0x98: {  	_ =	strace $0x8FFFFFFF  }
0x99: {  	s19 =	sld [smem:$0x3FDB];
	_ =	sdelay $0x1  }
0x9a: {  	s5 =	simm.s32 $_scs_section_size  }
0x9b: {  	s6 =	simm.s32 $_size__tile_overlayer_lowered;
	s7 =	simm.s32 $_tile_overlayer_lowered  }
0x9c: {  	s22 =	simm.s32 $0x1BFF;
	s21 =	sshll.u32 s7, $0x1;
	s4 =	sadd.s32 s5, s19  }
0x9d: {  	s8 =	simm.s32 $0x0;
	s20 =	sshll.u32 s6, $0x1;
	s6 =	sadd.s32 s21, s4  }
0x9e: {  	[timem:s8], [sflag:s22] =	dma.local [hbm:s6], s20  }
0x9f: {  	_ =	swait.ge [sflag:s22], s20  }
0xa0: {  	s5 =	ssub.s32 $0x0, s20;
	[sflag:s22] =	ssyncset.done $0x0  }
0xa1: {  	[sflag:s22] =	ssyncadd.s32 s5;
	_ =	sdelay $0x1  }
0xa2: {  	s23 =	simm.s32 $0x1B8B  }
0xa3: {  	_ =	swait.ge [sflag:s23], $0x1  }
0xa4: {  	[sflag:s23] =	ssyncset.done $0x0  }
0xa5: {  	s25 =	simm.s32 $0x1B8E;
	s24 =	sld [smem:$0x3FFE];
	[sflag:s23] =	ssyncadd.s32 $0xFFFFFFFF  }
0xa6: {  	s26 =	simm.s32 $execute0_lowered;
	[smem:$0x3FD2] =	sst s25  }
0xa7: {  	s6 =	sshll.u32 s26, $0x1;
	_ =	strace $0x80000046;
	[dreg:$0x1] =	wrdreg $0xFFFFFFFF  }
0xa8: {  	s28 =	simm.s32 $_size_execute0_lowered;
	s4 =	sadd.s32 s4, s6;
	[dreg:$0x0] =	wrdreg $0x0  }
0xa9: {  	s6 =	sshll.u32 s28, $0x1;
	[dreg:$0x2] =	wrdreg s4  }
0xaa: {  	[dreg:$0x3] =	wrdreg s6  }
0xab: {  	[dreg:$0x4] =	wrdreg $0xC0  }
0xac: {  	_ =	task [dreg:s8], $0x5FFFF  }
0xad: {  	[dreg:$0x1] =	wrdreg $0xFFFFFFFF  }
0xae: {  	[dreg:$0x0] =	wrdreg $0x60  }
0xaf: {  	[dreg:$0x2] =	wrdreg s24  }
0xb0: {  	[dreg:$0x3] =	wrdreg s2  }
0xb1: {  	[dreg:$0x4] =	wrdreg s18  }
0xb2: {  	[dreg:$0x5] =	wrdreg $0x8000  }
0xb3: {  	[dreg:$0x6] =	wrdreg $0x9  }
0xb4: {  	_ =	task.clear_ibuf [dreg:s8], $0x7FFFF;
	_ =	strace $0x90000046  }
0xb5: {  	s29 =	simm.s32 $0x9;
	_ =	strace $0x80000048  }
0xb6: {  	_ =	swait.ge [sflag:s29], $0x1  }
0xb7: {  	[sflag:s29] =	ssyncadd.s32 $0xFFFFFFFF  }
0xb8: {  	_ =	strace $0x90000048  }
0xb9: {  	_ =	sfence  }
0xba: {  	s30 =	sld [smem:$0x0];
	_ =	sdelay $0x2  }
0xbb: {  	s31 =	sshll.u32 s1, $0xD;
	s1 =	sshrl.u32 s1, $0x2  }
0xbc: {  	s3 =	sand.u32 $0x4000, s31;
	s1 =	sadd.s32 s1, s30  }
0xbd: {  	s0 =	sor.u32 s3, s0;
	s1 =	sshll.u32 s1, $0x11  }
0xbe: {  	s0 =	sor.u32 s1, s0  }
0xbf: {  	s0 =	sadd.s32 $0x8F2B, s0  }
0xc0: {  	[sflag:s0] =	ssyncadd.remote.s32 $0x1  }
0xc1: {  	_ =	sfence.sel $0xFFFF  }
0xc2: {  	[dreg:$0x0] =	wrdreg $0xFFFFFFFF;
	(pc) =	sbr.abs _section_cstart, $3  }
0xc3: {  	[dreg:$0x1] =	wrdreg $0xFFFFFFFF  }
0xc4: {  	_ =	task.clear_ibuf [dreg:s8], $0x2FFFF;
	_ =	strace $0x9FFFFFFF  }
0xc5: {  	(tm) =	ssettm $0x7FFFFFFF  }
tec
execute0_lowered:
.L_overlay_start_1:
0x0: {  	(tag) =	ssettag $0x1  }
0x1: {  	s4 =	rddreg [dreg:$0x0]  }
0x2: {  	s8 =	rddreg [dreg:$0x1]  }
0x3: {  	s9 =	rddreg [dreg:$0x2]  }
0x4: {  	s2 =	rddreg [dreg:$0x3]  }
0x5: {  	s0 =	rddreg [dreg:$0x4]  }
0x6: {  	s5 =	srdreg.scid;
	s3 =	simm.s32 $0x0;
	s1 =	stileid.u32  }
0x7: {  	s15 =	simm.s32 $0x80;
	s16 =	simm.s32 $0x600;
	s17 =	simm.s32 $0x680  }
0x8: {  	s18 =	simm.s32 $0x480;
	s19 =	simm.s32 $0x700;
	s20 =	simm.s32 $0x500  }
0x9: {  	s21 =	simm.s32 $0x780;
	s22 =	simm.s32 $0x580;
	s5 =	sand.u32 $0x1, s5  }
0xa: {  	[smem:$0x7FF] =	sst s3;
	s7 =	sshll.u32 s1, $0x6;
	s28 =	sshll.u32 s1, $0xB  }
0xb: {  	s13 =	sshll.u32 s1, $0xE;
	s6 =	sshll.u32 s5, $0xA;
	_ =	strace $0x80000047  }
0xc: {  	s12 =	ssub.s32 $0x2, s5;
	s14 =	sadd.s32 s13, s2;
	s30 =	sshll.u32 s5, $0x12  }
0xd: {  	s5 =	sor.u32 $0x1C01, s7;
	s10 =	sor.u32 s7, s6;
	s29 =	sshrl.u32 s12, $0x1  }
0xe: {  	s13 =	sor.u32 s13, s30;
	s11 =	sadd.s32 s10, s4;
	s4 =	sadd.s32 s28, s4  }
0xf: {  	s12 =	ssub.s32 s12, s29;
	s31 =	sshrl.u32 s13, $0x3;
	s8 =	sadd.s32 s8, s10  }
0x10: {  	s13 =	simm.s32 $0x200;
	s4 =	sadd.s32 $0x4E00, s4;
	s6 =	sadd.s32 $0x4600, s11  }
0x11: {  	s7 =	sadd.s32 $0x3E00, s11;
	s9 =	sadd.s32 s9, s31;
	s10 =	smax.u32 s12, $0x1  }
0x12: {  	s11 =	sshrl.u32 s14, $0x3;
	s12 =	simm.s32 $0x1;
	s14 =	simm.s32 $0x400  }
.LBB2_1:
0x13: {  	[spmem:s11], [sflag:s5] =	dma.local [hbm:s4], $0x800  }
0x14: {  	_ =	swait.ge [sflag:s12], $0x800  }
0x15: {  	[sflag:s12] =	ssyncset.done $0x0  }
0x16: {  	[sflag:s12] =	ssyncadd.s32 $0xFFFFF800  }
0x17: {  	[tilespmem:s3], [sflag:$0x1] =	stream.linear.gather [hbm4b:s6+s3], $0x200, $0x38;
	[tilespmem:$0x4800] =	vst v63  }
0x18: {  	_ =	swait.ge [sflag:s12], $0x200  }
0x19: {  	[sflag:s12] =	ssyncset.done $0x0  }
0x1a: {  	[sflag:s12] =	ssyncadd.s32 $0xFFFFFE00  }
0x1b: {  	[tilespmem:s13], [sflag:$0x1] =	stream.linear.gather [hbm4b:s7+s3], $0x200, $0x38;
	[tilespmem:$0x4800] =	vst v63  }
0x1c: {  	_ =	swait.ge [sflag:s12], $0x200  }
0x1d: {  	[sflag:s12] =	ssyncset.done $0x0  }
0x1e: {  	[sflag:s12] =	ssyncadd.s32 $0xFFFFFE00  }
0x1f: {  	[tilespmem:s14], [sflag:$0x1] =	stream.linear.gather [hbm4b:s8+s3], $0x200, $0x38;
	[tilespmem:$0x4800] =	vst v63  }
0x20: {  	_ =	swait.ge [sflag:s12], $0x200  }
0x21: {  	[sflag:s12] =	ssyncset.done $0x0  }
0x22: {  	[sflag:s12] =	ssyncadd.s32 $0xFFFFFE00  }
0x23: {  	v0 =	vld [tilespmem:$0x200]  }
0x24: {  	v1 =	vld [tilespmem:$0x0]  }
0x25: {  	v2 =	vld [tilespmem:$0x210]  }
0x26: {  	v3 =	vld [tilespmem:$0x10]  }
0x27: {  	v4 =	vld [tilespmem:$0x220]  }
0x28: {  	v5 =	vld [tilespmem:$0x20]  }
0x29: {  	v6 =	vld [tilespmem:$0x230]  }
0x2a: {  	v7 =	vld [tilespmem:$0x30]  }
0x2b: {  	v8 =	vld [tilespmem:$0x240]  }
0x2c: {  	v9 =	vld [tilespmem:$0x40]  }
0x2d: {  	v10 =	vld [tilespmem:$0x250]  }
0x2e: {  	v11 =	vld [tilespmem:$0x50]  }
0x2f: {  	v12 =	vld [tilespmem:$0x260]  }
0x30: {  	v13 =	vld [tilespmem:$0x60]  }
0x31: {  	v14 =	vld [tilespmem:$0x270]  }
0x32: {  	v15 =	vld [tilespmem:$0x70]  }
0x33: {  	v16 =	vld [tilespmem:$0x280]  }
0x34: {  	v17 =	vld [tilespmem:$0x80]  }
0x35: {  	v18 =	vld [tilespmem:$0x290]  }
0x36: {  	v19 =	vld [tilespmem:$0x90]  }
0x37: {  	v20 =	vld [tilespmem:$0x2A0]  }
0x38: {  	v21 =	vld [tilespmem:$0xA0]  }
0x39: {  	v22 =	vld [tilespmem:$0x2B0]  }
0x3a: {  	v23 =	vld [tilespmem:$0xB0]  }
0x3b: {  	v24 =	vld [tilespmem:$0x2C0]  }
0x3c: {  	v25 =	vld [tilespmem:$0xC0]  }
0x3d: {  	v26 =	vld [tilespmem:$0x2D0]  }
0x3e: {  	v27 =	vld [tilespmem:$0xD0]  }
0x3f: {  	v28 =	vld [tilespmem:$0x2E0]  }
0x40: {  	v29 =	vld [tilespmem:$0xE0]  }
0x41: {  	v30 =	vld [tilespmem:$0x2F0]  }
0x42: {  	v31 =	vld [tilespmem:$0xF0]  }
0x43: {  	v32 =	vld [tilespmem:$0x300]  }
0x44: {  	v33 =	vld [tilespmem:$0x100]  }
0x45: {  	v34 =	vld [tilespmem:$0x310]  }
0x46: {  	v35 =	vld [tilespmem:$0x110]  }
0x47: {  	v36 =	vld [tilespmem:$0x320];
	v0 =	vshll.u32 v0, $0x9  }
0x48: {  	v38 =	vld [tilespmem:$0x150];
	v58 =	vshll.u32 v2, $0x9;
	v0 =	vadd.s32 v1, v0  }
0x49: {  	v41 =	vld [tilespmem:$0x360];
	v60 =	vshll.u32 v4, $0x9;
	v59 =	vadd.s32 v3, v58;
	[tilespmem:$0x600] =	vst v0  }
0x4a: {  	v44 =	vld [tilespmem:$0x160];
	v62 =	vshll.u32 v6, $0x9;
	v61 =	vadd.s32 v5, v60;
	[tilespmem:$0x610] =	vst v59  }
0x4b: {  	v47 =	vld [tilespmem:$0x370];
	v8 =	vshll.u32 v8, $0x9;
	v63 =	vadd.s32 v7, v62;
	[tilespmem:$0x620] =	vst v61  }
0x4c: {  	v50 =	vld [tilespmem:$0x170];
	v10 =	vshll.u32 v10, $0x9;
	v9 =	vadd.s32 v9, v8;
	[tilespmem:$0x630] =	vst v63  }
0x4d: {  	v53 =	vld [tilespmem:$0x380];
	v12 =	vshll.u32 v12, $0x9;
	v11 =	vadd.s32 v11, v10;
	[tilespmem:$0x640] =	vst v9  }
0x4e: {  	v56 =	vld [tilespmem:$0x180];
	v37 =	vshll.u32 v14, $0x9;
	v13 =	vadd.s32 v13, v12;
	[tilespmem:$0x650] =	vst v11  }
0x4f: {  	v2 =	vld [tilespmem:$0x120];
	v40 =	vshll.u32 v16, $0x9;
	v39 =	vadd.s32 v15, v37;
	[tilespmem:$0x660] =	vst v13  }
0x50: {  	v4 =	vld [tilespmem:$0x130];
	v43 =	vshll.u32 v18, $0x9;
	v42 =	vadd.s32 v17, v40;
	[tilespmem:$0x670] =	vst v39  }
0x51: {  	v6 =	vld [tilespmem:$0x140];
	v46 =	vshll.u32 v20, $0x9;
	v45 =	vadd.s32 v19, v43;
	[tilespmem:$0x680] =	vst v42  }
0x52: {  	v49 =	vshll.u32 v22, $0x9;
	v52 =	vshll.u32 v24, $0x9;
	v24 =	vld [tilespmem:$0x1A0];
	v48 =	vadd.s32 v21, v46;
	[tilespmem:$0x690] =	vst v45  }
0x53: {  	v3 =	vld [tilespmem:$0x330];
	v51 =	vadd.s32 v23, v49;
	[tilespmem:$0x6A0] =	vst v48  }
0x54: {  	v55 =	vshll.u32 v26, $0x9;
	v5 =	vld [tilespmem:$0x340];
	v54 =	vadd.s32 v25, v52;
	[tilespmem:$0x6B0] =	vst v51  }
0x55: {  	v20 =	vshll.u32 v32, $0x9;
	v7 =	vld [tilespmem:$0x350];
	v57 =	vadd.s32 v27, v55;
	[tilespmem:$0x6C0] =	vst v54  }
0x56: {  	v58 =	vshll.u32 v28, $0x9;
	v62 =	vld [tilespmem:$0x190];
	v22 =	vadd.s32 v33, v20;
	[tilespmem:$0x6D0] =	vst v57  }
0x57: {  	v21 =	vld [tilespmem:$0x3A0];
	v23 =	vshll.u32 v34, $0x9;
	v60 =	vadd.s32 v29, v58;
	[tilespmem:$0x700] =	vst v22  }
0x58: {  	v27 =	vld [tilespmem:$0x3B0];
	v61 =	vshll.u32 v30, $0x9;
	v25 =	vadd.s32 v35, v23;
	[tilespmem:$0x6E0] =	vst v60  }
0x59: {  	v26 =	vshll.u32 v36, $0x9;
	v59 =	vld [tilespmem:$0x390];
	v63 =	vadd.s32 v31, v61;
	[tilespmem:$0x710] =	vst v25  }
0x5a: {  	v39 =	vld [tilespmem:$0x3D0];
	[tilespmem:$0x6F0] =	vst v63;
	v28 =	vadd.s32 v2, v26;
	v29 =	vshll.u32 v3, $0x9  }
0x5b: {  	v42 =	vld [tilespmem:$0x1D0];
	[tilespmem:$0x720] =	vst v28;
	v32 =	vshll.u32 v5, $0x9;
	v31 =	vadd.s32 v4, v29  }
0x5c: {  	v45 =	vld [tilespmem:$0x3E0];
	v35 =	vshll.u32 v7, $0x9;
	v34 =	vadd.s32 v6, v32;
	[tilespmem:$0x730] =	vst v31  }
0x5d: {  	v48 =	vld [tilespmem:$0x1E0];
	v37 =	vadd.s32 v38, v35;
	v38 =	vshll.u32 v41, $0x9;
	[tilespmem:$0x740] =	vst v34  }
0x5e: {  	v33 =	vld [tilespmem:$0x3C0];
	v41 =	vshll.u32 v47, $0x9;
	[tilespmem:$0x750] =	vst v37;
	v40 =	vadd.s32 v44, v38  }
0x5f: {  	v30 =	vld [tilespmem:$0x1B0];
	v47 =	vshll.u32 v59, $0x9;
	v43 =	vadd.s32 v50, v41;
	[tilespmem:$0x760] =	vst v40  }
0x60: {  	v51 =	vld [tilespmem:$0x3F0];
	v58 =	vshll.u32 v39, $0x9;
	v49 =	vadd.s32 v62, v47;
	[tilespmem:$0x770] =	vst v43  }
0x61: {  	v54 =	vld [tilespmem:$0x1F0];
	v60 =	vshll.u32 v45, $0x9;
	v59 =	vadd.s32 v42, v58;
	[tilespmem:$0x790] =	vst v49  }
0x62: {  	v36 =	vld [tilespmem:$0x1C0];
	v44 =	vshll.u32 v53, $0x9;
	v61 =	vadd.s32 v48, v60;
	[tilespmem:$0x7D0] =	vst v59  }
0x63: {  	v50 =	vshll.u32 v21, $0x9;
	v46 =	vadd.s32 v56, v44;
	[tilespmem:$0x7E0] =	vst v61  }
0x64: {  	v53 =	vshll.u32 v27, $0x9;
	v52 =	vadd.s32 v24, v50;
	[tilespmem:$0x780] =	vst v46  }
0x65: {  	v62 =	vshll.u32 v51, $0x9;
	v55 =	vadd.s32 v30, v53;
	[tilespmem:$0x7A0] =	vst v52  }
0x66: {  	v56 =	vshll.u32 v33, $0x9;
	v63 =	vadd.s32 v54, v62;
	[tilespmem:$0x7B0] =	vst v55  }
0x67: {  	v57 =	vadd.s32 v36, v56;
	[tilespmem:$0x7F0] =	vst v63  }
0x68: {  	[tilespmem:$0x7C0] =	vst v57  }
0x69: {  	[bflag:$0x0] =	sbarrier.arrive $0xFFFF  }
0x6a: {  	[spmem:s2] =	stream.indirect.scatter.add.f32 [tilespmem:s14], [sflag:$0x1], $0x1, s16, s15, $0xb8;
	[tilespmem:$0x4800] =	vst v63  }
0x6b: {  	_ =	swait.ge [sflag:s12], $0x80  }
0x6c: {  	[sflag:s12] =	ssyncset.done $0x0  }
0x6d: {  	[sflag:s12] =	ssyncadd.s32 $0xFFFFFF80  }
0x6e: {  	[spmem:s2] =	stream.indirect.scatter.add.f32 [tilespmem:s18], [sflag:$0x1], $0x1, s17, s15, $0xb8;
	[tilespmem:$0x4800] =	vst v63  }
0x6f: {  	_ =	swait.ge [sflag:s12], $0x80  }
0x70: {  	[sflag:s12] =	ssyncset.done $0x0  }
0x71: {  	[sflag:s12] =	ssyncadd.s32 $0xFFFFFF80  }
0x72: {  	[spmem:s2] =	stream.indirect.scatter.add.f32 [tilespmem:s20], [sflag:$0x1], $0x1, s19, s15, $0xb8;
	[tilespmem:$0x4800] =	vst v63  }
0x73: {  	_ =	swait.ge [sflag:s12], $0x80  }
0x74: {  	[sflag:s12] =	ssyncset.done $0x0  }
0x75: {  	[sflag:s12] =	ssyncadd.s32 $0xFFFFFF80  }
0x76: {  	[spmem:s2] =	stream.indirect.scatter.add.f32 [tilespmem:s22], [sflag:$0x1], $0x1, s21, s15, $0xb8;
	[tilespmem:$0x4800] =	vst v63  }
0x77: {  	_ =	swait.ge [sflag:s12], $0x80  }
0x78: {  	[sflag:s12] =	ssyncset.done $0x0  }
0x79: {  	p0 =	sne.s32 s10, $0x1;
	[sflag:s12] =	ssyncadd.s32 $0xFFFFFF80  }
.Ltmp0:
0x7a: {  	[bflag:$0x0] =	sbarrier.arrive $0xFFFF;
	(pc) =	sbr.rel @p0 .LBB2_1-.Ltmp0, $4  }
0x7b: {  	[hbm:s9], [sflag:s5] =	dma.local [spmem:s11], $0x800  }
0x7c: {  	_ =	swait.ge [sflag:s12], $0x800  }
0x7d: {  	[sflag:s12] =	ssyncset.done $0x0  }
0x7e: {  	s10 =	sadd.s32 $0xFFFFFFFF, s10;
	[sflag:s12] =	ssyncadd.s32 $0xFFFFF800  }
0x7f: {  	_ =	sfence.sel $0x180000  }
0x80: {  	[bflag:$0x0] =	sbarrier.arrive $0xFFFF  }
0x81: {  	p0 =	sne.s32 s1, $0x0;
	_ =	strace $0x90000047  }
0x82: {  	s0 =	sadd.s32 @!p0 $0x100000, s0;
	[bflag:$0x2] =	sbarrier.arrive $0xFFFF  }
0x83: {  	[sflag:s0] =	ssyncadd.tile.s32 @!p0 $0x1;
	_ =	shalt  }
.Lfunc_end2:
_tile_overlayer_lowered:
.L_overlay_start_2:
0x84: {  	(tag) =	ssettag $0x2  }
0x85: {  	s0 =	rddreg [dreg:$0x0];
	s2 =	stileid.u32  }
0x86: {  	s1 =	rddreg [dreg:$0x1];
	p0 =	sne.s32 s2, $0x0  }
0x87: {  	s3 =	rddreg [dreg:$0x2];
	[bflag:$0x3] =	sbarrier.arrive $0xFFFF;
	s2 =	simm.s32 @!p0 $0x1C01  }
0x88: {  	[timem:s3], [sflag:s2] =	dma.local @!p0 [hbm:s0], s1  }
0x89: {  	s0 =	simm.s32 @!p0 $0x1  }
0x8a: {  	_ =	swait.ge @!p0 [sflag:s0], s1  }
0x8b: {  	s1 =	ssub.s32 @!p0 $0x0, s1;
	[sflag:s0] =	ssyncset.done @!p0 $0x0  }
0x8c: {  	[sflag:s0] =	ssyncadd.s32 @!p0 s1  }
0x8d: {  	[bflag:$0x3] =	sbarrier.arrive $0xFFFF  }
0x8e: {  	_ =	shalt  }

</sc_bundles>
